<compile_context>
chip_gen: v7x
topology: tpu7x:2x2x1
jax: 0.10.2.dev20260603
libtpu: 0.0.44.dev20260713+nightly
codegen_flags: <defaults>
</compile_context>

<pallas_src>
import functools

import jax
import jax.numpy as jnp
from jax import lax
from jax.experimental import pallas as pl
from jax.experimental.pallas import tpu as pltpu
from jax.experimental.pallas import tpu_sc as plsc

D_MODEL = 768
NUM_EXPERTS = 8
TOP_K = 2
MASK_W = TOP_K * NUM_EXPERTS


_TB = 1024
_NBUF = 8


def _logits_body(x_hbm, w_ref, out_ref, *scratch):
    n = x_hbm.shape[0]
    nblk = n // _TB
    bufs = scratch[:_NBUF]
    sems = scratch[_NBUF]

    def start(i):
        pltpu.make_async_copy(
            x_hbm.at[pl.ds(i * _TB, _TB), :],
            bufs[i % _NBUF], sems.at[i % _NBUF]).start()

    for i in range(_NBUF):
        start(i)
    w = w_ref[...]
    for i in range(nblk):
        b = i % _NBUF
        pltpu.make_async_copy(
            x_hbm.at[pl.ds(i * _TB, _TB), :], bufs[b], sems.at[b]).wait()
        r = lax.dot_general(
            w, bufs[b][...],
            dimension_numbers=(((1,), (1,)), ((), ())),
            preferred_element_type=jnp.float32)
        for j in range(NUM_EXPERTS):
            out_ref[pl.ds(i * NUM_EXPERTS * _TB + j * _TB, _TB)] = r[j]
        if i + _NBUF < nblk:
            start(i + _NBUF)


def _compute_logits_t(x, W):
    n = x.shape[0]
    return pl.pallas_call(
        _logits_body,
        in_specs=[pl.BlockSpec(memory_space=pltpu.HBM),
                  pl.BlockSpec((NUM_EXPERTS, D_MODEL), lambda: (0, 0))],
        out_specs=pl.BlockSpec((NUM_EXPERTS * n,), lambda: (0,)),
        out_shape=jax.ShapeDtypeStruct((NUM_EXPERTS * n,), jnp.float32),
        scratch_shapes=(
            [pltpu.VMEM((_TB, D_MODEL), jnp.float32) for _ in range(_NBUF)]
            + [pltpu.SemaphoreType.DMA((_NBUF,))]
        ),
    )(x, W)


@functools.lru_cache(maxsize=None)
def _make_router(n):
    info = plsc.get_sparse_core_info()
    nc, ns, lanes = info.num_cores, info.num_subcores, info.num_lanes
    nw = nc * ns
    tpw = n // nw
    mesh = plsc.VectorSubcoreMesh(core_axis_name="c", subcore_axis_name="s")

    @functools.partial(
        pl.kernel, mesh=mesh,
        compiler_params=pltpu.CompilerParams(
            needs_layout_passes=False, use_tc_tiling_on_sc=False),
        out_type=[
            jax.ShapeDtypeStruct((TOP_K * n,), jnp.float32),
            jax.ShapeDtypeStruct((TOP_K * n,), jnp.int32),
            jax.ShapeDtypeStruct((MASK_W * n,), jnp.float32),
        ],
        scratch_types=(
            [pltpu.VMEM((NUM_EXPERTS * tpw,), jnp.float32)]
            + [pltpu.VMEM((TOP_K * tpw,), jnp.float32)]
            + [pltpu.VMEM((TOP_K * tpw,), jnp.int32)]
            + [pltpu.VMEM((NUM_EXPERTS * tpw,), jnp.float32) for _ in range(TOP_K)]
            + [pltpu.SemaphoreType.DMA]
        ),
    )
    def router(logits_hbm, probs_hbm, idx_hbm, mask_hbm, *scratch):
        e_v = scratch[0]
        p_v = scratch[1]
        ix_v = scratch[2]
        m_v = scratch[3:3 + TOP_K]
        sem = scratch[-1]
        wid = lax.axis_index("s") * nc + lax.axis_index("c")
        base = wid * tpw
        pltpu.async_copy(
            logits_hbm.at[pl.ds(NUM_EXPERTS * base, NUM_EXPERTS * tpw)],
            e_v, sem).wait()

        @plsc.parallel_loop(0, tpw // lanes, unroll=2)
        def chunk(i):
            e = [e_v[pl.ds(j * tpw + i * lanes, lanes)]
                 for j in range(NUM_EXPERTS)]
            m1 = e[0]
            i1 = jnp.zeros((lanes,), jnp.int32)
            for j in range(1, NUM_EXPERTS):
                gt = e[j] > m1
                m1 = jnp.where(gt, e[j], m1)
                i1 = jnp.where(gt, j, i1)
            m2 = jnp.full((lanes,), -3e38, jnp.float32)
            i2 = jnp.zeros((lanes,), jnp.int32)
            for j in range(NUM_EXPERTS):
                gt = (e[j] > m2) & (i1 != j)
                m2 = jnp.where(gt, e[j], m2)
                i2 = jnp.where(gt, j, i2)
            d = jnp.exp(m2 - m1)
            p1 = 1.0 / (1.0 + d)
            p2 = d * p1
            lb = (i // 8) * 256
            lo = (i % 8) * lanes
            p_v[pl.ds(lb + lo, lanes)] = p1
            p_v[pl.ds(lb + 128 + lo, lanes)] = p2
            ix_v[pl.ds(lb + lo, lanes)] = i1
            ix_v[pl.ds(lb + 128 + lo, lanes)] = i2
            mb = (i // 8) * 1024
            for k in range(NUM_EXPERTS):
                m_v[0][pl.ds(mb + k * 128 + lo, lanes)] = jnp.where(i1 == k, 1.0, 0.0)
                m_v[1][pl.ds(mb + k * 128 + lo, lanes)] = jnp.where(i2 == k, 1.0, 0.0)

        out = [
            pltpu.async_copy(
                p_v, probs_hbm.at[pl.ds(TOP_K * base, TOP_K * tpw)], sem),
            pltpu.async_copy(
                ix_v, idx_hbm.at[pl.ds(TOP_K * base, TOP_K * tpw)], sem),
        ]
        for r in range(TOP_K):
            out.append(pltpu.async_copy(
                m_v[r],
                mask_hbm.at[pl.ds(r * NUM_EXPERTS * n + NUM_EXPERTS * base,
                                  NUM_EXPERTS * tpw)], sem))
        for c in out:
            c.wait()

    return router


def kernel(x, W):
    n = x.shape[0]
    nb = n // 128
    logits_t = _compute_logits_t(x, W)
    probs_t, idx_t, mask_t = _make_router(n)(logits_t)
    probs = probs_t.reshape(nb, TOP_K, 128).transpose(0, 2, 1).reshape(n, TOP_K)
    idx = idx_t.reshape(nb, TOP_K, 128).transpose(0, 2, 1).reshape(n, TOP_K)
    mask = mask_t.reshape(TOP_K, nb, NUM_EXPERTS, 128).transpose(
        1, 3, 0, 2).reshape(n, TOP_K, NUM_EXPERTS)
    return probs, idx, mask

# --- scband reference (transcript-rebuilt; emitter-appended) ---
"""Pipeline reference for scband-router-50422916055537 (READ-ONLY COPY).

The authoritative reference and input builder live on the scoring server;
editing this copy changes nothing except your own understanding.
"""

import jax, jax.numpy as jnp
import numpy as np

D_MODEL = 768
NUM_EXPERTS = 8
TOP_K = 2
N_TOKENS = 32768


def setup_inputs(seed: int = 0) -> dict:
    key = jax.random.key(seed)
    k1, k2 = jax.random.split(key)
    x = jax.random.normal(k1, (N_TOKENS, D_MODEL), dtype=jnp.float32)
    # gate: nn.Linear(d_model, num_experts, bias=False) -> weight [num_experts, d_model]
    W = jax.random.normal(k2, (NUM_EXPERTS, D_MODEL), dtype=jnp.float32) * (1.0 / np.sqrt(D_MODEL))
    return {"x": x, "W": W}


def reference(x, W):
    # eval mode: no gaussian noise added to logits
    logits = x @ W.T  # [N, num_experts]
    top_k_logits, top_k_indices = jax.lax.top_k(logits, TOP_K)  # [N, top_k]
    top_k_mask = jax.nn.one_hot(top_k_indices, NUM_EXPERTS, dtype=jnp.float32)  # [N, top_k, E]
    router_probs = jax.nn.softmax(top_k_logits, axis=-1)  # [N, top_k]
    return (router_probs, top_k_indices, top_k_mask)

if __name__ == "__main__":
    import jax
    _d = setup_inputs()
    print(jax.jit(kernel)(*tuple(_d.values())))

</pallas_src>

<mosaic_0001>
#map = affine_map<(d0, d1) -> (0)>
module attributes {stable_mosaic.version = 14 : i64} {
  func.func @router(%arg0: i32, %arg1: i32, %arg2: memref<262144xf32, #tpu.memory_space<hbm>>, %arg3: memref<65536xf32, #tpu.memory_space<hbm>>, %arg4: memref<65536xi32, #tpu.memory_space<hbm>>, %arg5: memref<524288xf32, #tpu.memory_space<hbm>>, %arg6: memref<8192xf32, #tpu.memory_space<vmem>>, %arg7: memref<2048xf32, #tpu.memory_space<vmem>>, %arg8: memref<2048xi32, #tpu.memory_space<vmem>>, %arg9: memref<8192xf32, #tpu.memory_space<vmem>>, %arg10: memref<8192xf32, #tpu.memory_space<vmem>>, %arg11: memref<!tpu.dma_semaphore, #tpu.memory_space<semaphore_mem>>) attributes {dimension_semantics = [#tpu.dimension_semantics<core_parallel>, #tpu.dimension_semantics<subcore_parallel>], iteration_bounds = array<i64: 2, 16>, scalar_prefetch = 0 : i64, scratch_operands = 6 : i64, tpu.core_type = #tpu.core_type<sc_vector_subcore>, window_params = [{transform_indices = #map}, {transform_indices = #map}, {transform_indices = #map}, {transform_indices = #map}]} {
    %mul3A = arith.constant 2 : i32
    %mul3A_0 = arith.muli %arg1, %mul3A : i32
    %add3A = arith.addi %mul3A_0, %arg0 : i32
    %mul3A_1 = arith.constant 1024 : i32
    %mul3A_2 = arith.muli %add3A, %mul3A_1 : i32
    %mul3A_3 = arith.constant 8 : i32
    %mul3A_4 = arith.muli %mul3A_3, %mul3A_2 : i32
    %dma_start3A = tpu.memref_slice %arg2[%mul3A_4] : memref<262144xf32, #tpu.memory_space<hbm>> -> memref<8192xf32, #tpu.memory_space<hbm>>
    %dma_start3A_5 = tpu.memref_slice %arg2[%mul3A_4] : memref<262144xf32, #tpu.memory_space<hbm>> -> memref<8192xf32, #tpu.memory_space<hbm>>
    tpu.enqueue_dma source(%dma_start3A_5 : memref<8192xf32, #tpu.memory_space<hbm>>) target(%arg6 : memref<8192xf32, #tpu.memory_space<vmem>>) target_semaphore(%arg11 : memref<!tpu.dma_semaphore, #tpu.memory_space<semaphore_mem>>)
    %dma_wait3A = tpu.memref_slice %arg2[%mul3A_4] : memref<262144xf32, #tpu.memory_space<hbm>> -> memref<8192xf32, #tpu.memory_space<hbm>>
    %dma_wait3A_6 = tpu.memref_slice %arg2[%mul3A_4] : memref<262144xf32, #tpu.memory_space<hbm>> -> memref<8192xf32, #tpu.memory_space<hbm>>
    tpu.wait_dma2 semaphore(%arg11 : memref<!tpu.dma_semaphore, #tpu.memory_space<semaphore_mem>>) src(%dma_wait3A_6 : memref<8192xf32, #tpu.memory_space<hbm>>) dst(%arg6 : memref<8192xf32, #tpu.memory_space<vmem>>)
    %parallel_loop3A = arith.constant 0 : i32
    %parallel_loop3A_7 = arith.constant 64 : i32
    %parallel_loop3A_8 = arith.constant 1 : i32
    scf.for %parallel_loop3A_37 = %parallel_loop3A to %parallel_loop3A_7 step %parallel_loop3A_8  : i32 {
      %parallel_loop3A_38 = arith.constant 16 : i32
      %parallel_loop3A_39 = arith.muli %parallel_loop3A_37, %parallel_loop3A_38 : i32
      %parallel_loop3A_40 = arith.constant 0 : i32
      %parallel_loop3A_41 = arith.addi %parallel_loop3A_40, %parallel_loop3A_39 : i32
      %parallel_loop3A_42 = arith.index_cast %parallel_loop3A_41 : i32 to index
      %parallel_loop3A_43 = tpu.vector_load %arg6[%parallel_loop3A_42] {strides = array<i32>} : memref<8192xf32, #tpu.memory_space<vmem>>, vector<16xf32>,
      %parallel_loop3A_44 = arith.constant 16 : i32
      %parallel_loop3A_45 = arith.muli %parallel_loop3A_37, %parallel_loop3A_44 : i32
      %parallel_loop3A_46 = arith.constant 1024 : i32
      %parallel_loop3A_47 = arith.addi %parallel_loop3A_46, %parallel_loop3A_45 : i32
      %parallel_loop3A_48 = arith.index_cast %parallel_loop3A_47 : i32 to index
      %parallel_loop3A_49 = tpu.vector_load %arg6[%parallel_loop3A_48] {strides = array<i32>} : memref<8192xf32, #tpu.memory_space<vmem>>, vector<16xf32>,
      %parallel_loop3A_50 = arith.constant 16 : i32
      %parallel_loop3A_51 = arith.muli %parallel_loop3A_37, %parallel_loop3A_50 : i32
      %parallel_loop3A_52 = arith.constant 2048 : i32
      %parallel_loop3A_53 = arith.addi %parallel_loop3A_52, %parallel_loop3A_51 : i32
      %parallel_loop3A_54 = arith.index_cast %parallel_loop3A_53 : i32 to index
      %parallel_loop3A_55 = tpu.vector_load %arg6[%parallel_loop3A_54] {strides = array<i32>} : memref<8192xf32, #tpu.memory_space<vmem>>, vector<16xf32>,
      %parallel_loop3A_56 = arith.constant 16 : i32
      %parallel_loop3A_57 = arith.muli %parallel_loop3A_37, %parallel_loop3A_56 : i32
      %parallel_loop3A_58 = arith.constant 3072 : i32
      %parallel_loop3A_59 = arith.addi %parallel_loop3A_58, %parallel_loop3A_57 : i32
      %parallel_loop3A_60 = arith.index_cast %parallel_loop3A_59 : i32 to index
      %parallel_loop3A_61 = tpu.vector_load %arg6[%parallel_loop3A_60] {strides = array<i32>} : memref<8192xf32, #tpu.memory_space<vmem>>, vector<16xf32>,
      %parallel_loop3A_62 = arith.constant 16 : i32
      %parallel_loop3A_63 = arith.muli %parallel_loop3A_37, %parallel_loop3A_62 : i32
      %parallel_loop3A_64 = arith.constant 4096 : i32
      %parallel_loop3A_65 = arith.addi %parallel_loop3A_64, %parallel_loop3A_63 : i32
      %parallel_loop3A_66 = arith.index_cast %parallel_loop3A_65 : i32 to index
      %parallel_loop3A_67 = tpu.vector_load %arg6[%parallel_loop3A_66] {strides = array<i32>} : memref<8192xf32, #tpu.memory_space<vmem>>, vector<16xf32>,
      %parallel_loop3A_68 = arith.constant 16 : i32
      %parallel_loop3A_69 = arith.muli %parallel_loop3A_37, %parallel_loop3A_68 : i32
      %parallel_loop3A_70 = arith.constant 5120 : i32
      %parallel_loop3A_71 = arith.addi %parallel_loop3A_70, %parallel_loop3A_69 : i32
      %parallel_loop3A_72 = arith.index_cast %parallel_loop3A_71 : i32 to index
      %parallel_loop3A_73 = tpu.vector_load %arg6[%parallel_loop3A_72] {strides = array<i32>} : memref<8192xf32, #tpu.memory_space<vmem>>, vector<16xf32>,
      %parallel_loop3A_74 = arith.constant 16 : i32
      %parallel_loop3A_75 = arith.muli %parallel_loop3A_37, %parallel_loop3A_74 : i32
      %parallel_loop3A_76 = arith.constant 6144 : i32
      %parallel_loop3A_77 = arith.addi %parallel_loop3A_76, %parallel_loop3A_75 : i32
      %parallel_loop3A_78 = arith.index_cast %parallel_loop3A_77 : i32 to index
      %parallel_loop3A_79 = tpu.vector_load %arg6[%parallel_loop3A_78] {strides = array<i32>} : memref<8192xf32, #tpu.memory_space<vmem>>, vector<16xf32>,
      %parallel_loop3A_80 = arith.constant 16 : i32
      %parallel_loop3A_81 = arith.muli %parallel_loop3A_37, %parallel_loop3A_80 : i32
      %parallel_loop3A_82 = arith.constant 7168 : i32
      %parallel_loop3A_83 = arith.addi %parallel_loop3A_82, %parallel_loop3A_81 : i32
      %parallel_loop3A_84 = arith.index_cast %parallel_loop3A_83 : i32 to index
      %parallel_loop3A_85 = tpu.vector_load %arg6[%parallel_loop3A_84] {strides = array<i32>} : memref<8192xf32, #tpu.memory_space<vmem>>, vector<16xf32>,
      %parallel_loop3A_86 = arith.constant 0 : i32
      %parallel_loop3A_87 = vector.broadcast %parallel_loop3A_86 : i32 to vector<16xi32>
      %parallel_loop3A_88 = arith.cmpf ogt, %parallel_loop3A_49, %parallel_loop3A_43 : vector<16xf32>
      %parallel_loop3A_89 = arith.select %parallel_loop3A_88, %parallel_loop3A_49, %parallel_loop3A_43 : vector<16xi1>, vector<16xf32>
      %parallel_loop3A_90 = arith.constant 1 : i32
      %parallel_loop3A_91 = vector.broadcast %parallel_loop3A_90 : i32 to vector<16xi32>
      %parallel_loop3A_92 = arith.select %parallel_loop3A_88, %parallel_loop3A_91, %parallel_loop3A_87 : vector<16xi1>, vector<16xi32>
      %parallel_loop3A_93 = arith.cmpf ogt, %parallel_loop3A_55, %parallel_loop3A_89 : vector<16xf32>
      %parallel_loop3A_94 = arith.select %parallel_loop3A_93, %parallel_loop3A_55, %parallel_loop3A_89 : vector<16xi1>, vector<16xf32>
      %parallel_loop3A_95 = arith.constant 2 : i32
      %parallel_loop3A_96 = vector.broadcast %parallel_loop3A_95 : i32 to vector<16xi32>
      %parallel_loop3A_97 = arith.select %parallel_loop3A_93, %parallel_loop3A_96, %parallel_loop3A_92 : vector<16xi1>, vector<16xi32>
      %parallel_loop3A_98 = arith.cmpf ogt, %parallel_loop3A_61, %parallel_loop3A_94 : vector<16xf32>
      %parallel_loop3A_99 = arith.select %parallel_loop3A_98, %parallel_loop3A_61, %parallel_loop3A_94 : vector<16xi1>, vector<16xf32>
      %parallel_loop3A_100 = arith.constant 3 : i32
      %parallel_loop3A_101 = vector.broadcast %parallel_loop3A_100 : i32 to vector<16xi32>
      %parallel_loop3A_102 = arith.select %parallel_loop3A_98, %parallel_loop3A_101, %parallel_loop3A_97 : vector<16xi1>, vector<16xi32>
      %parallel_loop3A_103 = arith.cmpf ogt, %parallel_loop3A_67, %parallel_loop3A_99 : vector<16xf32>
      %parallel_loop3A_104 = arith.select %parallel_loop3A_103, %parallel_loop3A_67, %parallel_loop3A_99 : vector<16xi1>, vector<16xf32>
      %parallel_loop3A_105 = arith.constant 4 : i32
      %parallel_loop3A_106 = vector.broadcast %parallel_loop3A_105 : i32 to vector<16xi32>
      %parallel_loop3A_107 = arith.select %parallel_loop3A_103, %parallel_loop3A_106, %parallel_loop3A_102 : vector<16xi1>, vector<16xi32>
      %parallel_loop3A_108 = arith.cmpf ogt, %parallel_loop3A_73, %parallel_loop3A_104 : vector<16xf32>
      %parallel_loop3A_109 = arith.select %parallel_loop3A_108, %parallel_loop3A_73, %parallel_loop3A_104 : vector<16xi1>, vector<16xf32>
      %parallel_loop3A_110 = arith.constant 5 : i32
      %parallel_loop3A_111 = vector.broadcast %parallel_loop3A_110 : i32 to vector<16xi32>
      %parallel_loop3A_112 = arith.select %parallel_loop3A_108, %parallel_loop3A_111, %parallel_loop3A_107 : vector<16xi1>, vector<16xi32>
      %parallel_loop3A_113 = arith.cmpf ogt, %parallel_loop3A_79, %parallel_loop3A_109 : vector<16xf32>
      %parallel_loop3A_114 = arith.select %parallel_loop3A_113, %parallel_loop3A_79, %parallel_loop3A_109 : vector<16xi1>, vector<16xf32>
      %parallel_loop3A_115 = arith.constant 6 : i32
      %parallel_loop3A_116 = vector.broadcast %parallel_loop3A_115 : i32 to vector<16xi32>
      %parallel_loop3A_117 = arith.select %parallel_loop3A_113, %parallel_loop3A_116, %parallel_loop3A_112 : vector<16xi1>, vector<16xi32>
      %parallel_loop3A_118 = arith.cmpf ogt, %parallel_loop3A_85, %parallel_loop3A_114 : vector<16xf32>
      %parallel_loop3A_119 = arith.select %parallel_loop3A_118, %parallel_loop3A_85, %parallel_loop3A_114 : vector<16xi1>, vector<16xf32>
      %parallel_loop3A_120 = arith.constant 7 : i32
      %parallel_loop3A_121 = vector.broadcast %parallel_loop3A_120 : i32 to vector<16xi32>
      %parallel_loop3A_122 = arith.select %parallel_loop3A_118, %parallel_loop3A_121, %parallel_loop3A_117 : vector<16xi1>, vector<16xi32>
      %parallel_loop3A_123 = arith.constant -3.000000e+38 : f32
      %parallel_loop3A_124 = vector.broadcast %parallel_loop3A_123 : f32 to vector<16xf32>
      %parallel_loop3A_125 = arith.constant 0 : i32
      %parallel_loop3A_126 = vector.broadcast %parallel_loop3A_125 : i32 to vector<16xi32>
      %parallel_loop3A_127 = arith.cmpf ogt, %parallel_loop3A_43, %parallel_loop3A_124 : vector<16xf32>
      %parallel_loop3A_128 = arith.constant 0 : i32
      %parallel_loop3A_129 = vector.broadcast %parallel_loop3A_128 : i32 to vector<16xi32>
      %parallel_loop3A_130 = arith.cmpi ne, %parallel_loop3A_122, %parallel_loop3A_129 : vector<16xi32>
      %parallel_loop3A_131 = arith.andi %parallel_loop3A_127, %parallel_loop3A_130 : vector<16xi1>
      %parallel_loop3A_132 = arith.select %parallel_loop3A_131, %parallel_loop3A_43, %parallel_loop3A_124 : vector<16xi1>, vector<16xf32>
      %parallel_loop3A_133 = arith.constant 0 : i32
      %parallel_loop3A_134 = vector.broadcast %parallel_loop3A_133 : i32 to vector<16xi32>
      %parallel_loop3A_135 = arith.select %parallel_loop3A_131, %parallel_loop3A_134, %parallel_loop3A_126 : vector<16xi1>, vector<16xi32>
      %parallel_loop3A_136 = arith.cmpf ogt, %parallel_loop3A_49, %parallel_loop3A_132 : vector<16xf32>
      %parallel_loop3A_137 = arith.constant 1 : i32
      %parallel_loop3A_138 = vector.broadcast %parallel_loop3A_137 : i32 to vector<16xi32>
      %parallel_loop3A_139 = arith.cmpi ne, %parallel_loop3A_122, %parallel_loop3A_138 : vector<16xi32>
      %parallel_loop3A_140 = arith.andi %parallel_loop3A_136, %parallel_loop3A_139 : vector<16xi1>
      %parallel_loop3A_141 = arith.select %parallel_loop3A_140, %parallel_loop3A_49, %parallel_loop3A_132 : vector<16xi1>, vector<16xf32>
      %parallel_loop3A_142 = arith.constant 1 : i32
      %parallel_loop3A_143 = vector.broadcast %parallel_loop3A_142 : i32 to vector<16xi32>
      %parallel_loop3A_144 = arith.select %parallel_loop3A_140, %parallel_loop3A_143, %parallel_loop3A_135 : vector<16xi1>, vector<16xi32>
      %parallel_loop3A_145 = arith.cmpf ogt, %parallel_loop3A_55, %parallel_loop3A_141 : vector<16xf32>
      %parallel_loop3A_146 = arith.constant 2 : i32
      %parallel_loop3A_147 = vector.broadcast %parallel_loop3A_146 : i32 to vector<16xi32>
      %parallel_loop3A_148 = arith.cmpi ne, %parallel_loop3A_122, %parallel_loop3A_147 : vector<16xi32>
      %parallel_loop3A_149 = arith.andi %parallel_loop3A_145, %parallel_loop3A_148 : vector<16xi1>
      %parallel_loop3A_150 = arith.select %parallel_loop3A_149, %parallel_loop3A_55, %parallel_loop3A_141 : vector<16xi1>, vector<16xf32>
      %parallel_loop3A_151 = arith.constant 2 : i32
      %parallel_loop3A_152 = vector.broadcast %parallel_loop3A_151 : i32 to vector<16xi32>
      %parallel_loop3A_153 = arith.select %parallel_loop3A_149, %parallel_loop3A_152, %parallel_loop3A_144 : vector<16xi1>, vector<16xi32>
      %parallel_loop3A_154 = arith.cmpf ogt, %parallel_loop3A_61, %parallel_loop3A_150 : vector<16xf32>
      %parallel_loop3A_155 = arith.constant 3 : i32
      %parallel_loop3A_156 = vector.broadcast %parallel_loop3A_155 : i32 to vector<16xi32>
      %parallel_loop3A_157 = arith.cmpi ne, %parallel_loop3A_122, %parallel_loop3A_156 : vector<16xi32>
      %parallel_loop3A_158 = arith.andi %parallel_loop3A_154, %parallel_loop3A_157 : vector<16xi1>
      %parallel_loop3A_159 = arith.select %parallel_loop3A_158, %parallel_loop3A_61, %parallel_loop3A_150 : vector<16xi1>, vector<16xf32>
      %parallel_loop3A_160 = arith.constant 3 : i32
      %parallel_loop3A_161 = vector.broadcast %parallel_loop3A_160 : i32 to vector<16xi32>
      %parallel_loop3A_162 = arith.select %parallel_loop3A_158, %parallel_loop3A_161, %parallel_loop3A_153 : vector<16xi1>, vector<16xi32>
      %parallel_loop3A_163 = arith.cmpf ogt, %parallel_loop3A_67, %parallel_loop3A_159 : vector<16xf32>
      %parallel_loop3A_164 = arith.constant 4 : i32
      %parallel_loop3A_165 = vector.broadcast %parallel_loop3A_164 : i32 to vector<16xi32>
      %parallel_loop3A_166 = arith.cmpi ne, %parallel_loop3A_122, %parallel_loop3A_165 : vector<16xi32>
      %parallel_loop3A_167 = arith.andi %parallel_loop3A_163, %parallel_loop3A_166 : vector<16xi1>
      %parallel_loop3A_168 = arith.select %parallel_loop3A_167, %parallel_loop3A_67, %parallel_loop3A_159 : vector<16xi1>, vector<16xf32>
      %parallel_loop3A_169 = arith.constant 4 : i32
      %parallel_loop3A_170 = vector.broadcast %parallel_loop3A_169 : i32 to vector<16xi32>
      %parallel_loop3A_171 = arith.select %parallel_loop3A_167, %parallel_loop3A_170, %parallel_loop3A_162 : vector<16xi1>, vector<16xi32>
      %parallel_loop3A_172 = arith.cmpf ogt, %parallel_loop3A_73, %parallel_loop3A_168 : vector<16xf32>
      %parallel_loop3A_173 = arith.constant 5 : i32
      %parallel_loop3A_174 = vector.broadcast %parallel_loop3A_173 : i32 to vector<16xi32>
      %parallel_loop3A_175 = arith.cmpi ne, %parallel_loop3A_122, %parallel_loop3A_174 : vector<16xi32>
      %parallel_loop3A_176 = arith.andi %parallel_loop3A_172, %parallel_loop3A_175 : vector<16xi1>
      %parallel_loop3A_177 = arith.select %parallel_loop3A_176, %parallel_loop3A_73, %parallel_loop3A_168 : vector<16xi1>, vector<16xf32>
      %parallel_loop3A_178 = arith.constant 5 : i32
      %parallel_loop3A_179 = vector.broadcast %parallel_loop3A_178 : i32 to vector<16xi32>
      %parallel_loop3A_180 = arith.select %parallel_loop3A_176, %parallel_loop3A_179, %parallel_loop3A_171 : vector<16xi1>, vector<16xi32>
      %parallel_loop3A_181 = arith.cmpf ogt, %parallel_loop3A_79, %parallel_loop3A_177 : vector<16xf32>
      %parallel_loop3A_182 = arith.constant 6 : i32
      %parallel_loop3A_183 = vector.broadcast %parallel_loop3A_182 : i32 to vector<16xi32>
      %parallel_loop3A_184 = arith.cmpi ne, %parallel_loop3A_122, %parallel_loop3A_183 : vector<16xi32>
      %parallel_loop3A_185 = arith.andi %parallel_loop3A_181, %parallel_loop3A_184 : vector<16xi1>
      %parallel_loop3A_186 = arith.select %parallel_loop3A_185, %parallel_loop3A_79, %parallel_loop3A_177 : vector<16xi1>, vector<16xf32>
      %parallel_loop3A_187 = arith.constant 6 : i32
      %parallel_loop3A_188 = vector.broadcast %parallel_loop3A_187 : i32 to vector<16xi32>
      %parallel_loop3A_189 = arith.select %parallel_loop3A_185, %parallel_loop3A_188, %parallel_loop3A_180 : vector<16xi1>, vector<16xi32>
      %parallel_loop3A_190 = arith.cmpf ogt, %parallel_loop3A_85, %parallel_loop3A_186 : vector<16xf32>
      %parallel_loop3A_191 = arith.constant 7 : i32
      %parallel_loop3A_192 = vector.broadcast %parallel_loop3A_191 : i32 to vector<16xi32>
      %parallel_loop3A_193 = arith.cmpi ne, %parallel_loop3A_122, %parallel_loop3A_192 : vector<16xi32>
      %parallel_loop3A_194 = arith.andi %parallel_loop3A_190, %parallel_loop3A_193 : vector<16xi1>
      %parallel_loop3A_195 = arith.select %parallel_loop3A_194, %parallel_loop3A_85, %parallel_loop3A_186 : vector<16xi1>, vector<16xf32>
      %parallel_loop3A_196 = arith.constant 7 : i32
      %parallel_loop3A_197 = vector.broadcast %parallel_loop3A_196 : i32 to vector<16xi32>
      %parallel_loop3A_198 = arith.select %parallel_loop3A_194, %parallel_loop3A_197, %parallel_loop3A_189 : vector<16xi1>, vector<16xi32>
      %parallel_loop3A_199 = arith.subf %parallel_loop3A_195, %parallel_loop3A_119 : vector<16xf32>
      %parallel_loop3A_200 = math.exp %parallel_loop3A_199 : vector<16xf32>
      %parallel_loop3A_201 = arith.constant 1.000000e+00 : f32
      %parallel_loop3A_202 = vector.broadcast %parallel_loop3A_201 : f32 to vector<16xf32>
      %parallel_loop3A_203 = arith.addf %parallel_loop3A_202, %parallel_loop3A_200 : vector<16xf32>
      %parallel_loop3A_204 = arith.constant 1.000000e+00 : f32
      %parallel_loop3A_205 = vector.broadcast %parallel_loop3A_204 : f32 to vector<16xf32>
      %parallel_loop3A_206 = arith.divf %parallel_loop3A_205, %parallel_loop3A_203 : vector<16xf32>
      %parallel_loop3A_207 = arith.mulf %parallel_loop3A_200, %parallel_loop3A_206 : vector<16xf32>
      %parallel_loop3A_208 = arith.constant 8 : i32
      %parallel_loop3A_209 = arith.divsi %parallel_loop3A_37, %parallel_loop3A_208 : i32
      %parallel_loop3A_210 = arith.constant 0 : i32
      %parallel_loop3A_211 = arith.cmpi sgt, %parallel_loop3A_37, %parallel_loop3A_210 : i32
      %parallel_loop3A_212 = arith.extui %parallel_loop3A_211 : i1 to i32
      %parallel_loop3A_213 = arith.constant 0 : i32
      %parallel_loop3A_214 = arith.cmpi slt, %parallel_loop3A_37, %parallel_loop3A_213 : i32
      %parallel_loop3A_215 = arith.extui %parallel_loop3A_214 : i1 to i32
      %parallel_loop3A_216 = arith.subi %parallel_loop3A_212, %parallel_loop3A_215 : i32
      %parallel_loop3A_217 = arith.constant 0 : i32
      %parallel_loop3A_218 = arith.cmpi sgt, %parallel_loop3A_208, %parallel_loop3A_217 : i32
      %parallel_loop3A_219 = arith.extui %parallel_loop3A_218 : i1 to i32
      %parallel_loop3A_220 = arith.constant 0 : i32
      %parallel_loop3A_221 = arith.cmpi slt, %parallel_loop3A_208, %parallel_loop3A_220 : i32
      %parallel_loop3A_222 = arith.extui %parallel_loop3A_221 : i1 to i32
      %parallel_loop3A_223 = arith.subi %parallel_loop3A_219, %parallel_loop3A_222 : i32
      %parallel_loop3A_224 = arith.cmpi ne, %parallel_loop3A_216, %parallel_loop3A_223 : i32
      %parallel_loop3A_225 = arith.remsi %parallel_loop3A_37, %parallel_loop3A_208 : i32
      %parallel_loop3A_226 = arith.constant 0 : i32
      %parallel_loop3A_227 = arith.cmpi ne, %parallel_loop3A_225, %parallel_loop3A_226 : i32
      %parallel_loop3A_228 = arith.andi %parallel_loop3A_224, %parallel_loop3A_227 : i1
      %parallel_loop3A_229 = arith.constant 1 : i32
      %parallel_loop3A_230 = arith.subi %parallel_loop3A_209, %parallel_loop3A_229 : i32
      %parallel_loop3A_231 = arith.select %parallel_loop3A_228, %parallel_loop3A_230, %parallel_loop3A_209 : i32
      %parallel_loop3A_232 = arith.constant 256 : i32
      %parallel_loop3A_233 = arith.muli %parallel_loop3A_231, %parallel_loop3A_232 : i32
      %parallel_loop3A_234 = arith.constant 8 : i32
      %parallel_loop3A_235 = arith.constant 0 : i32
      %parallel_loop3A_236 = arith.cmpi eq, %parallel_loop3A_234, %parallel_loop3A_235 : i32
      %parallel_loop3A_237 = arith.constant 1 : i32
      %parallel_loop3A_238 = arith.select %parallel_loop3A_236, %parallel_loop3A_237, %parallel_loop3A_234 : i32
      %parallel_loop3A_239 = arith.remsi %parallel_loop3A_37, %parallel_loop3A_238 : i32
      %parallel_loop3A_240 = arith.constant 0 : i32
      %parallel_loop3A_241 = arith.cmpi ne, %parallel_loop3A_239, %parallel_loop3A_240 : i32
      %parallel_loop3A_242 = arith.constant 0 : i32
      %parallel_loop3A_243 = arith.cmpi slt, %parallel_loop3A_239, %parallel_loop3A_242 : i32
      %parallel_loop3A_244 = arith.constant 0 : i32
      %parallel_loop3A_245 = arith.cmpi slt, %parallel_loop3A_238, %parallel_loop3A_244 : i32
      %parallel_loop3A_246 = arith.xori %parallel_loop3A_243, %parallel_loop3A_245 : i1
      %parallel_loop3A_247 = arith.andi %parallel_loop3A_246, %parallel_loop3A_241 : i1
      %parallel_loop3A_248 = arith.addi %parallel_loop3A_239, %parallel_loop3A_238 : i32
      %parallel_loop3A_249 = arith.select %parallel_loop3A_247, %parallel_loop3A_248, %parallel_loop3A_239 : i32
      %parallel_loop3A_250 = arith.constant 16 : i32
      %parallel_loop3A_251 = arith.muli %parallel_loop3A_249, %parallel_loop3A_250 : i32
      %parallel_loop3A_252 = arith.addi %parallel_loop3A_233, %parallel_loop3A_251 : i32
      %parallel_loop3A_253 = arith.index_cast %parallel_loop3A_252 : i32 to index
      %parallel_loop3A_254 = tpu.vector_load %arg7[%parallel_loop3A_253] {strides = array<i32>} : memref<2048xf32, #tpu.memory_space<vmem>>, vector<16xf32>,
      tpu.vector_store %arg7[%parallel_loop3A_253], %parallel_loop3A_206 {strides = array<i32>} : memref<2048xf32, #tpu.memory_space<vmem>>, vector<16xf32>,
      %parallel_loop3A_255 = arith.constant 128 : i32
      %parallel_loop3A_256 = arith.addi %parallel_loop3A_233, %parallel_loop3A_255 : i32
      %parallel_loop3A_257 = arith.addi %parallel_loop3A_256, %parallel_loop3A_251 : i32
      %parallel_loop3A_258 = arith.index_cast %parallel_loop3A_257 : i32 to index
      %parallel_loop3A_259 = tpu.vector_load %arg7[%parallel_loop3A_258] {strides = array<i32>} : memref<2048xf32, #tpu.memory_space<vmem>>, vector<16xf32>,
      tpu.vector_store %arg7[%parallel_loop3A_258], %parallel_loop3A_207 {strides = array<i32>} : memref<2048xf32, #tpu.memory_space<vmem>>, vector<16xf32>,
      %parallel_loop3A_260 = arith.addi %parallel_loop3A_233, %parallel_loop3A_251 : i32
      %parallel_loop3A_261 = arith.index_cast %parallel_loop3A_260 : i32 to index
      %parallel_loop3A_262 = tpu.vector_load %arg8[%parallel_loop3A_261] {strides = array<i32>} : memref<2048xi32, #tpu.memory_space<vmem>>, vector<16xi32>,
      tpu.vector_store %arg8[%parallel_loop3A_261], %parallel_loop3A_122 {strides = array<i32>} : memref<2048xi32, #tpu.memory_space<vmem>>, vector<16xi32>,
      %parallel_loop3A_263 = arith.constant 128 : i32
      %parallel_loop3A_264 = arith.addi %parallel_loop3A_233, %parallel_loop3A_263 : i32
      %parallel_loop3A_265 = arith.addi %parallel_loop3A_264, %parallel_loop3A_251 : i32
      %parallel_loop3A_266 = arith.index_cast %parallel_loop3A_265 : i32 to index
      %parallel_loop3A_267 = tpu.vector_load %arg8[%parallel_loop3A_266] {strides = array<i32>} : memref<2048xi32, #tpu.memory_space<vmem>>, vector<16xi32>,
      tpu.vector_store %arg8[%parallel_loop3A_266], %parallel_loop3A_198 {strides = array<i32>} : memref<2048xi32, #tpu.memory_space<vmem>>, vector<16xi32>,
      %parallel_loop3A_268 = arith.constant 8 : i32
      %parallel_loop3A_269 = arith.divsi %parallel_loop3A_37, %parallel_loop3A_268 : i32
      %parallel_loop3A_270 = arith.constant 0 : i32
      %parallel_loop3A_271 = arith.cmpi sgt, %parallel_loop3A_37, %parallel_loop3A_270 : i32
      %parallel_loop3A_272 = arith.extui %parallel_loop3A_271 : i1 to i32
      %parallel_loop3A_273 = arith.constant 0 : i32
      %parallel_loop3A_274 = arith.cmpi slt, %parallel_loop3A_37, %parallel_loop3A_273 : i32
      %parallel_loop3A_275 = arith.extui %parallel_loop3A_274 : i1 to i32
      %parallel_loop3A_276 = arith.subi %parallel_loop3A_272, %parallel_loop3A_275 : i32
      %parallel_loop3A_277 = arith.constant 0 : i32
      %parallel_loop3A_278 = arith.cmpi sgt, %parallel_loop3A_268, %parallel_loop3A_277 : i32
      %parallel_loop3A_279 = arith.extui %parallel_loop3A_278 : i1 to i32
      %parallel_loop3A_280 = arith.constant 0 : i32
      %parallel_loop3A_281 = arith.cmpi slt, %parallel_loop3A_268, %parallel_loop3A_280 : i32
      %parallel_loop3A_282 = arith.extui %parallel_loop3A_281 : i1 to i32
      %parallel_loop3A_283 = arith.subi %parallel_loop3A_279, %parallel_loop3A_282 : i32
      %parallel_loop3A_284 = arith.cmpi ne, %parallel_loop3A_276, %parallel_loop3A_283 : i32
      %parallel_loop3A_285 = arith.remsi %parallel_loop3A_37, %parallel_loop3A_268 : i32
      %parallel_loop3A_286 = arith.constant 0 : i32
      %parallel_loop3A_287 = arith.cmpi ne, %parallel_loop3A_285, %parallel_loop3A_286 : i32
      %parallel_loop3A_288 = arith.andi %parallel_loop3A_284, %parallel_loop3A_287 : i1
      %parallel_loop3A_289 = arith.constant 1 : i32
      %parallel_loop3A_290 = arith.subi %parallel_loop3A_269, %parallel_loop3A_289 : i32
      %parallel_loop3A_291 = arith.select %parallel_loop3A_288, %parallel_loop3A_290, %parallel_loop3A_269 : i32
      %parallel_loop3A_292 = arith.constant 1024 : i32
      %parallel_loop3A_293 = arith.muli %parallel_loop3A_291, %parallel_loop3A_292 : i32
      %parallel_loop3A_294 = arith.constant 0 : i32
      %parallel_loop3A_295 = vector.broadcast %parallel_loop3A_294 : i32 to vector<16xi32>
      %parallel_loop3A_296 = arith.cmpi eq, %parallel_loop3A_122, %parallel_loop3A_295 : vector<16xi32>
      %parallel_loop3A_297 = arith.constant 1.000000e+00 : f32
      %parallel_loop3A_298 = arith.constant 0.000000e+00 : f32
      %parallel_loop3A_299 = vector.broadcast %parallel_loop3A_297 : f32 to vector<16xf32>
      %parallel_loop3A_300 = vector.broadcast %parallel_loop3A_298 : f32 to vector<16xf32>
      %parallel_loop3A_301 = arith.select %parallel_loop3A_296, %parallel_loop3A_299, %parallel_loop3A_300 : vector<16xi1>, vector<16xf32>
      %parallel_loop3A_302 = arith.constant 0 : i32
      %parallel_loop3A_303 = arith.addi %parallel_loop3A_293, %parallel_loop3A_302 : i32
      %parallel_loop3A_304 = arith.addi %parallel_loop3A_303, %parallel_loop3A_251 : i32
      %parallel_loop3A_305 = arith.index_cast %parallel_loop3A_304 : i32 to index
      %parallel_loop3A_306 = tpu.vector_load %arg9[%parallel_loop3A_305] {strides = array<i32>} : memref<8192xf32, #tpu.memory_space<vmem>>, vector<16xf32>,
      tpu.vector_store %arg9[%parallel_loop3A_305], %parallel_loop3A_301 {strides = array<i32>} : memref<8192xf32, #tpu.memory_space<vmem>>, vector<16xf32>,
      %parallel_loop3A_307 = arith.constant 0 : i32
      %parallel_loop3A_308 = vector.broadcast %parallel_loop3A_307 : i32 to vector<16xi32>
      %parallel_loop3A_309 = arith.cmpi eq, %parallel_loop3A_198, %parallel_loop3A_308 : vector<16xi32>
      %parallel_loop3A_310 = arith.constant 1.000000e+00 : f32
      %parallel_loop3A_311 = arith.constant 0.000000e+00 : f32
      %parallel_loop3A_312 = vector.broadcast %parallel_loop3A_310 : f32 to vector<16xf32>
      %parallel_loop3A_313 = vector.broadcast %parallel_loop3A_311 : f32 to vector<16xf32>
      %parallel_loop3A_314 = arith.select %parallel_loop3A_309, %parallel_loop3A_312, %parallel_loop3A_313 : vector<16xi1>, vector<16xf32>
      %parallel_loop3A_315 = arith.constant 0 : i32
      %parallel_loop3A_316 = arith.addi %parallel_loop3A_293, %parallel_loop3A_315 : i32
      %parallel_loop3A_317 = arith.addi %parallel_loop3A_316, %parallel_loop3A_251 : i32
      %parallel_loop3A_318 = arith.index_cast %parallel_loop3A_317 : i32 to index
      %parallel_loop3A_319 = tpu.vector_load %arg10[%parallel_loop3A_318] {strides = array<i32>} : memref<8192xf32, #tpu.memory_space<vmem>>, vector<16xf32>,
      tpu.vector_store %arg10[%parallel_loop3A_318], %parallel_loop3A_314 {strides = array<i32>} : memref<8192xf32, #tpu.memory_space<vmem>>, vector<16xf32>,
      %parallel_loop3A_320 = arith.constant 1 : i32
      %parallel_loop3A_321 = vector.broadcast %parallel_loop3A_320 : i32 to vector<16xi32>
      %parallel_loop3A_322 = arith.cmpi eq, %parallel_loop3A_122, %parallel_loop3A_321 : vector<16xi32>
      %parallel_loop3A_323 = arith.constant 1.000000e+00 : f32
      %parallel_loop3A_324 = arith.constant 0.000000e+00 : f32
      %parallel_loop3A_325 = vector.broadcast %parallel_loop3A_323 : f32 to vector<16xf32>
      %parallel_loop3A_326 = vector.broadcast %parallel_loop3A_324 : f32 to vector<16xf32>
      %parallel_loop3A_327 = arith.select %parallel_loop3A_322, %parallel_loop3A_325, %parallel_loop3A_326 : vector<16xi1>, vector<16xf32>
      %parallel_loop3A_328 = arith.constant 128 : i32
      %parallel_loop3A_329 = arith.addi %parallel_loop3A_293, %parallel_loop3A_328 : i32
      %parallel_loop3A_330 = arith.addi %parallel_loop3A_329, %parallel_loop3A_251 : i32
      %parallel_loop3A_331 = arith.index_cast %parallel_loop3A_330 : i32 to index
      %parallel_loop3A_332 = tpu.vector_load %arg9[%parallel_loop3A_331] {strides = array<i32>} : memref<8192xf32, #tpu.memory_space<vmem>>, vector<16xf32>,
      tpu.vector_store %arg9[%parallel_loop3A_331], %parallel_loop3A_327 {strides = array<i32>} : memref<8192xf32, #tpu.memory_space<vmem>>, vector<16xf32>,
      %parallel_loop3A_333 = arith.constant 1 : i32
      %parallel_loop3A_334 = vector.broadcast %parallel_loop3A_333 : i32 to vector<16xi32>
      %parallel_loop3A_335 = arith.cmpi eq, %parallel_loop3A_198, %parallel_loop3A_334 : vector<16xi32>
      %parallel_loop3A_336 = arith.constant 1.000000e+00 : f32
      %parallel_loop3A_337 = arith.constant 0.000000e+00 : f32
      %parallel_loop3A_338 = vector.broadcast %parallel_loop3A_336 : f32 to vector<16xf32>
      %parallel_loop3A_339 = vector.broadcast %parallel_loop3A_337 : f32 to vector<16xf32>
      %parallel_loop3A_340 = arith.select %parallel_loop3A_335, %parallel_loop3A_338, %parallel_loop3A_339 : vector<16xi1>, vector<16xf32>
      %parallel_loop3A_341 = arith.constant 128 : i32
      %parallel_loop3A_342 = arith.addi %parallel_loop3A_293, %parallel_loop3A_341 : i32
      %parallel_loop3A_343 = arith.addi %parallel_loop3A_342, %parallel_loop3A_251 : i32
      %parallel_loop3A_344 = arith.index_cast %parallel_loop3A_343 : i32 to index
      %parallel_loop3A_345 = tpu.vector_load %arg10[%parallel_loop3A_344] {strides = array<i32>} : memref<8192xf32, #tpu.memory_space<vmem>>, vector<16xf32>,
      tpu.vector_store %arg10[%parallel_loop3A_344], %parallel_loop3A_340 {strides = array<i32>} : memref<8192xf32, #tpu.memory_space<vmem>>, vector<16xf32>,
      %parallel_loop3A_346 = arith.constant 2 : i32
      %parallel_loop3A_347 = vector.broadcast %parallel_loop3A_346 : i32 to vector<16xi32>
      %parallel_loop3A_348 = arith.cmpi eq, %parallel_loop3A_122, %parallel_loop3A_347 : vector<16xi32>
      %parallel_loop3A_349 = arith.constant 1.000000e+00 : f32
      %parallel_loop3A_350 = arith.constant 0.000000e+00 : f32
      %parallel_loop3A_351 = vector.broadcast %parallel_loop3A_349 : f32 to vector<16xf32>
      %parallel_loop3A_352 = vector.broadcast %parallel_loop3A_350 : f32 to vector<16xf32>
      %parallel_loop3A_353 = arith.select %parallel_loop3A_348, %parallel_loop3A_351, %parallel_loop3A_352 : vector<16xi1>, vector<16xf32>
      %parallel_loop3A_354 = arith.constant 256 : i32
      %parallel_loop3A_355 = arith.addi %parallel_loop3A_293, %parallel_loop3A_354 : i32
      %parallel_loop3A_356 = arith.addi %parallel_loop3A_355, %parallel_loop3A_251 : i32
      %parallel_loop3A_357 = arith.index_cast %parallel_loop3A_356 : i32 to index
      %parallel_loop3A_358 = tpu.vector_load %arg9[%parallel_loop3A_357] {strides = array<i32>} : memref<8192xf32, #tpu.memory_space<vmem>>, vector<16xf32>,
      tpu.vector_store %arg9[%parallel_loop3A_357], %parallel_loop3A_353 {strides = array<i32>} : memref<8192xf32, #tpu.memory_space<vmem>>, vector<16xf32>,
      %parallel_loop3A_359 = arith.constant 2 : i32
      %parallel_loop3A_360 = vector.broadcast %parallel_loop3A_359 : i32 to vector<16xi32>
      %parallel_loop3A_361 = arith.cmpi eq, %parallel_loop3A_198, %parallel_loop3A_360 : vector<16xi32>
      %parallel_loop3A_362 = arith.constant 1.000000e+00 : f32
      %parallel_loop3A_363 = arith.constant 0.000000e+00 : f32
      %parallel_loop3A_364 = vector.broadcast %parallel_loop3A_362 : f32 to vector<16xf32>
      %parallel_loop3A_365 = vector.broadcast %parallel_loop3A_363 : f32 to vector<16xf32>
      %parallel_loop3A_366 = arith.select %parallel_loop3A_361, %parallel_loop3A_364, %parallel_loop3A_365 : vector<16xi1>, vector<16xf32>
      %parallel_loop3A_367 = arith.constant 256 : i32
      %parallel_loop3A_368 = arith.addi %parallel_loop3A_293, %parallel_loop3A_367 : i32
      %parallel_loop3A_369 = arith.addi %parallel_loop3A_368, %parallel_loop3A_251 : i32
      %parallel_loop3A_370 = arith.index_cast %parallel_loop3A_369 : i32 to index
      %parallel_loop3A_371 = tpu.vector_load %arg10[%parallel_loop3A_370] {strides = array<i32>} : memref<8192xf32, #tpu.memory_space<vmem>>, vector<16xf32>,
      tpu.vector_store %arg10[%parallel_loop3A_370], %parallel_loop3A_366 {strides = array<i32>} : memref<8192xf32, #tpu.memory_space<vmem>>, vector<16xf32>,
      %parallel_loop3A_372 = arith.constant 3 : i32
      %parallel_loop3A_373 = vector.broadcast %parallel_loop3A_372 : i32 to vector<16xi32>
      %parallel_loop3A_374 = arith.cmpi eq, %parallel_loop3A_122, %parallel_loop3A_373 : vector<16xi32>
      %parallel_loop3A_375 = arith.constant 1.000000e+00 : f32
      %parallel_loop3A_376 = arith.constant 0.000000e+00 : f32
      %parallel_loop3A_377 = vector.broadcast %parallel_loop3A_375 : f32 to vector<16xf32>
      %parallel_loop3A_378 = vector.broadcast %parallel_loop3A_376 : f32 to vector<16xf32>
      %parallel_loop3A_379 = arith.select %parallel_loop3A_374, %parallel_loop3A_377, %parallel_loop3A_378 : vector<16xi1>, vector<16xf32>
      %parallel_loop3A_380 = arith.constant 384 : i32
      %parallel_loop3A_381 = arith.addi %parallel_loop3A_293, %parallel_loop3A_380 : i32
      %parallel_loop3A_382 = arith.addi %parallel_loop3A_381, %parallel_loop3A_251 : i32
      %parallel_loop3A_383 = arith.index_cast %parallel_loop3A_382 : i32 to index
      %parallel_loop3A_384 = tpu.vector_load %arg9[%parallel_loop3A_383] {strides = array<i32>} : memref<8192xf32, #tpu.memory_space<vmem>>, vector<16xf32>,
      tpu.vector_store %arg9[%parallel_loop3A_383], %parallel_loop3A_379 {strides = array<i32>} : memref<8192xf32, #tpu.memory_space<vmem>>, vector<16xf32>,
      %parallel_loop3A_385 = arith.constant 3 : i32
      %parallel_loop3A_386 = vector.broadcast %parallel_loop3A_385 : i32 to vector<16xi32>
      %parallel_loop3A_387 = arith.cmpi eq, %parallel_loop3A_198, %parallel_loop3A_386 : vector<16xi32>
      %parallel_loop3A_388 = arith.constant 1.000000e+00 : f32
      %parallel_loop3A_389 = arith.constant 0.000000e+00 : f32
      %parallel_loop3A_390 = vector.broadcast %parallel_loop3A_388 : f32 to vector<16xf32>
      %parallel_loop3A_391 = vector.broadcast %parallel_loop3A_389 : f32 to vector<16xf32>
      %parallel_loop3A_392 = arith.select %parallel_loop3A_387, %parallel_loop3A_390, %parallel_loop3A_391 : vector<16xi1>, vector<16xf32>
      %parallel_loop3A_393 = arith.constant 384 : i32
      %parallel_loop3A_394 = arith.addi %parallel_loop3A_293, %parallel_loop3A_393 : i32
      %parallel_loop3A_395 = arith.addi %parallel_loop3A_394, %parallel_loop3A_251 : i32
      %parallel_loop3A_396 = arith.index_cast %parallel_loop3A_395 : i32 to index
      %parallel_loop3A_397 = tpu.vector_load %arg10[%parallel_loop3A_396] {strides = array<i32>} : memref<8192xf32, #tpu.memory_space<vmem>>, vector<16xf32>,
      tpu.vector_store %arg10[%parallel_loop3A_396], %parallel_loop3A_392 {strides = array<i32>} : memref<8192xf32, #tpu.memory_space<vmem>>, vector<16xf32>,
      %parallel_loop3A_398 = arith.constant 4 : i32
      %parallel_loop3A_399 = vector.broadcast %parallel_loop3A_398 : i32 to vector<16xi32>
      %parallel_loop3A_400 = arith.cmpi eq, %parallel_loop3A_122, %parallel_loop3A_399 : vector<16xi32>
      %parallel_loop3A_401 = arith.constant 1.000000e+00 : f32
      %parallel_loop3A_402 = arith.constant 0.000000e+00 : f32
      %parallel_loop3A_403 = vector.broadcast %parallel_loop3A_401 : f32 to vector<16xf32>
      %parallel_loop3A_404 = vector.broadcast %parallel_loop3A_402 : f32 to vector<16xf32>
      %parallel_loop3A_405 = arith.select %parallel_loop3A_400, %parallel_loop3A_403, %parallel_loop3A_404 : vector<16xi1>, vector<16xf32>
      %parallel_loop3A_406 = arith.constant 512 : i32
      %parallel_loop3A_407 = arith.addi %parallel_loop3A_293, %parallel_loop3A_406 : i32
      %parallel_loop3A_408 = arith.addi %parallel_loop3A_407, %parallel_loop3A_251 : i32
      %parallel_loop3A_409 = arith.index_cast %parallel_loop3A_408 : i32 to index
      %parallel_loop3A_410 = tpu.vector_load %arg9[%parallel_loop3A_409] {strides = array<i32>} : memref<8192xf32, #tpu.memory_space<vmem>>, vector<16xf32>,
      tpu.vector_store %arg9[%parallel_loop3A_409], %parallel_loop3A_405 {strides = array<i32>} : memref<8192xf32, #tpu.memory_space<vmem>>, vector<16xf32>,
      %parallel_loop3A_411 = arith.constant 4 : i32
      %parallel_loop3A_412 = vector.broadcast %parallel_loop3A_411 : i32 to vector<16xi32>
      %parallel_loop3A_413 = arith.cmpi eq, %parallel_loop3A_198, %parallel_loop3A_412 : vector<16xi32>
      %parallel_loop3A_414 = arith.constant 1.000000e+00 : f32
      %parallel_loop3A_415 = arith.constant 0.000000e+00 : f32
      %parallel_loop3A_416 = vector.broadcast %parallel_loop3A_414 : f32 to vector<16xf32>
      %parallel_loop3A_417 = vector.broadcast %parallel_loop3A_415 : f32 to vector<16xf32>
      %parallel_loop3A_418 = arith.select %parallel_loop3A_413, %parallel_loop3A_416, %parallel_loop3A_417 : vector<16xi1>, vector<16xf32>
      %parallel_loop3A_419 = arith.constant 512 : i32
      %parallel_loop3A_420 = arith.addi %parallel_loop3A_293, %parallel_loop3A_419 : i32
      %parallel_loop3A_421 = arith.addi %parallel_loop3A_420, %parallel_loop3A_251 : i32
      %parallel_loop3A_422 = arith.index_cast %parallel_loop3A_421 : i32 to index
      %parallel_loop3A_423 = tpu.vector_load %arg10[%parallel_loop3A_422] {strides = array<i32>} : memref<8192xf32, #tpu.memory_space<vmem>>, vector<16xf32>,
      tpu.vector_store %arg10[%parallel_loop3A_422], %parallel_loop3A_418 {strides = array<i32>} : memref<8192xf32, #tpu.memory_space<vmem>>, vector<16xf32>,
      %parallel_loop3A_424 = arith.constant 5 : i32
      %parallel_loop3A_425 = vector.broadcast %parallel_loop3A_424 : i32 to vector<16xi32>
      %parallel_loop3A_426 = arith.cmpi eq, %parallel_loop3A_122, %parallel_loop3A_425 : vector<16xi32>
      %parallel_loop3A_427 = arith.constant 1.000000e+00 : f32
      %parallel_loop3A_428 = arith.constant 0.000000e+00 : f32
      %parallel_loop3A_429 = vector.broadcast %parallel_loop3A_427 : f32 to vector<16xf32>
      %parallel_loop3A_430 = vector.broadcast %parallel_loop3A_428 : f32 to vector<16xf32>
      %parallel_loop3A_431 = arith.select %parallel_loop3A_426, %parallel_loop3A_429, %parallel_loop3A_430 : vector<16xi1>, vector<16xf32>
      %parallel_loop3A_432 = arith.constant 640 : i32
      %parallel_loop3A_433 = arith.addi %parallel_loop3A_293, %parallel_loop3A_432 : i32
      %parallel_loop3A_434 = arith.addi %parallel_loop3A_433, %parallel_loop3A_251 : i32
      %parallel_loop3A_435 = arith.index_cast %parallel_loop3A_434 : i32 to index
      %parallel_loop3A_436 = tpu.vector_load %arg9[%parallel_loop3A_435] {strides = array<i32>} : memref<8192xf32, #tpu.memory_space<vmem>>, vector<16xf32>,
      tpu.vector_store %arg9[%parallel_loop3A_435], %parallel_loop3A_431 {strides = array<i32>} : memref<8192xf32, #tpu.memory_space<vmem>>, vector<16xf32>,
      %parallel_loop3A_437 = arith.constant 5 : i32
      %parallel_loop3A_438 = vector.broadcast %parallel_loop3A_437 : i32 to vector<16xi32>
      %parallel_loop3A_439 = arith.cmpi eq, %parallel_loop3A_198, %parallel_loop3A_438 : vector<16xi32>
      %parallel_loop3A_440 = arith.constant 1.000000e+00 : f32
      %parallel_loop3A_441 = arith.constant 0.000000e+00 : f32
      %parallel_loop3A_442 = vector.broadcast %parallel_loop3A_440 : f32 to vector<16xf32>
      %parallel_loop3A_443 = vector.broadcast %parallel_loop3A_441 : f32 to vector<16xf32>
      %parallel_loop3A_444 = arith.select %parallel_loop3A_439, %parallel_loop3A_442, %parallel_loop3A_443 : vector<16xi1>, vector<16xf32>
      %parallel_loop3A_445 = arith.constant 640 : i32
      %parallel_loop3A_446 = arith.addi %parallel_loop3A_293, %parallel_loop3A_445 : i32
      %parallel_loop3A_447 = arith.addi %parallel_loop3A_446, %parallel_loop3A_251 : i32
      %parallel_loop3A_448 = arith.index_cast %parallel_loop3A_447 : i32 to index
      %parallel_loop3A_449 = tpu.vector_load %arg10[%parallel_loop3A_448] {strides = array<i32>} : memref<8192xf32, #tpu.memory_space<vmem>>, vector<16xf32>,
      tpu.vector_store %arg10[%parallel_loop3A_448], %parallel_loop3A_444 {strides = array<i32>} : memref<8192xf32, #tpu.memory_space<vmem>>, vector<16xf32>,
      %parallel_loop3A_450 = arith.constant 6 : i32
      %parallel_loop3A_451 = vector.broadcast %parallel_loop3A_450 : i32 to vector<16xi32>
      %parallel_loop3A_452 = arith.cmpi eq, %parallel_loop3A_122, %parallel_loop3A_451 : vector<16xi32>
      %parallel_loop3A_453 = arith.constant 1.000000e+00 : f32
      %parallel_loop3A_454 = arith.constant 0.000000e+00 : f32
      %parallel_loop3A_455 = vector.broadcast %parallel_loop3A_453 : f32 to vector<16xf32>
      %parallel_loop3A_456 = vector.broadcast %parallel_loop3A_454 : f32 to vector<16xf32>
      %parallel_loop3A_457 = arith.select %parallel_loop3A_452, %parallel_loop3A_455, %parallel_loop3A_456 : vector<16xi1>, vector<16xf32>
      %parallel_loop3A_458 = arith.constant 768 : i32
      %parallel_loop3A_459 = arith.addi %parallel_loop3A_293, %parallel_loop3A_458 : i32
      %parallel_loop3A_460 = arith.addi %parallel_loop3A_459, %parallel_loop3A_251 : i32
      %parallel_loop3A_461 = arith.index_cast %parallel_loop3A_460 : i32 to index
      %parallel_loop3A_462 = tpu.vector_load %arg9[%parallel_loop3A_461] {strides = array<i32>} : memref<8192xf32, #tpu.memory_space<vmem>>, vector<16xf32>,
      tpu.vector_store %arg9[%parallel_loop3A_461], %parallel_loop3A_457 {strides = array<i32>} : memref<8192xf32, #tpu.memory_space<vmem>>, vector<16xf32>,
      %parallel_loop3A_463 = arith.constant 6 : i32
      %parallel_loop3A_464 = vector.broadcast %parallel_loop3A_463 : i32 to vector<16xi32>
      %parallel_loop3A_465 = arith.cmpi eq, %parallel_loop3A_198, %parallel_loop3A_464 : vector<16xi32>
      %parallel_loop3A_466 = arith.constant 1.000000e+00 : f32
      %parallel_loop3A_467 = arith.constant 0.000000e+00 : f32
      %parallel_loop3A_468 = vector.broadcast %parallel_loop3A_466 : f32 to vector<16xf32>
      %parallel_loop3A_469 = vector.broadcast %parallel_loop3A_467 : f32 to vector<16xf32>
      %parallel_loop3A_470 = arith.select %parallel_loop3A_465, %parallel_loop3A_468, %parallel_loop3A_469 : vector<16xi1>, vector<16xf32>
      %parallel_loop3A_471 = arith.constant 768 : i32
      %parallel_loop3A_472 = arith.addi %parallel_loop3A_293, %parallel_loop3A_471 : i32
      %parallel_loop3A_473 = arith.addi %parallel_loop3A_472, %parallel_loop3A_251 : i32
      %parallel_loop3A_474 = arith.index_cast %parallel_loop3A_473 : i32 to index
      %parallel_loop3A_475 = tpu.vector_load %arg10[%parallel_loop3A_474] {strides = array<i32>} : memref<8192xf32, #tpu.memory_space<vmem>>, vector<16xf32>,
      tpu.vector_store %arg10[%parallel_loop3A_474], %parallel_loop3A_470 {strides = array<i32>} : memref<8192xf32, #tpu.memory_space<vmem>>, vector<16xf32>,
      %parallel_loop3A_476 = arith.constant 7 : i32
      %parallel_loop3A_477 = vector.broadcast %parallel_loop3A_476 : i32 to vector<16xi32>
      %parallel_loop3A_478 = arith.cmpi eq, %parallel_loop3A_122, %parallel_loop3A_477 : vector<16xi32>
      %parallel_loop3A_479 = arith.constant 1.000000e+00 : f32
      %parallel_loop3A_480 = arith.constant 0.000000e+00 : f32
      %parallel_loop3A_481 = vector.broadcast %parallel_loop3A_479 : f32 to vector<16xf32>
      %parallel_loop3A_482 = vector.broadcast %parallel_loop3A_480 : f32 to vector<16xf32>
      %parallel_loop3A_483 = arith.select %parallel_loop3A_478, %parallel_loop3A_481, %parallel_loop3A_482 : vector<16xi1>, vector<16xf32>
      %parallel_loop3A_484 = arith.constant 896 : i32
      %parallel_loop3A_485 = arith.addi %parallel_loop3A_293, %parallel_loop3A_484 : i32
      %parallel_loop3A_486 = arith.addi %parallel_loop3A_485, %parallel_loop3A_251 : i32
      %parallel_loop3A_487 = arith.index_cast %parallel_loop3A_486 : i32 to index
      %parallel_loop3A_488 = tpu.vector_load %arg9[%parallel_loop3A_487] {strides = array<i32>} : memref<8192xf32, #tpu.memory_space<vmem>>, vector<16xf32>,
      tpu.vector_store %arg9[%parallel_loop3A_487], %parallel_loop3A_483 {strides = array<i32>} : memref<8192xf32, #tpu.memory_space<vmem>>, vector<16xf32>,
      %parallel_loop3A_489 = arith.constant 7 : i32
      %parallel_loop3A_490 = vector.broadcast %parallel_loop3A_489 : i32 to vector<16xi32>
      %parallel_loop3A_491 = arith.cmpi eq, %parallel_loop3A_198, %parallel_loop3A_490 : vector<16xi32>
      %parallel_loop3A_492 = arith.constant 1.000000e+00 : f32
      %parallel_loop3A_493 = arith.constant 0.000000e+00 : f32
      %parallel_loop3A_494 = vector.broadcast %parallel_loop3A_492 : f32 to vector<16xf32>
      %parallel_loop3A_495 = vector.broadcast %parallel_loop3A_493 : f32 to vector<16xf32>
      %parallel_loop3A_496 = arith.select %parallel_loop3A_491, %parallel_loop3A_494, %parallel_loop3A_495 : vector<16xi1>, vector<16xf32>
      %parallel_loop3A_497 = arith.constant 896 : i32
      %parallel_loop3A_498 = arith.addi %parallel_loop3A_293, %parallel_loop3A_497 : i32
      %parallel_loop3A_499 = arith.addi %parallel_loop3A_498, %parallel_loop3A_251 : i32
      %parallel_loop3A_500 = arith.index_cast %parallel_loop3A_499 : i32 to index
      %parallel_loop3A_501 = tpu.vector_load %arg10[%parallel_loop3A_500] {strides = array<i32>} : memref<8192xf32, #tpu.memory_space<vmem>>, vector<16xf32>,
      tpu.vector_store %arg10[%parallel_loop3A_500], %parallel_loop3A_496 {strides = array<i32>} : memref<8192xf32, #tpu.memory_space<vmem>>, vector<16xf32>,
    } {sc.loop_unroll_factor = 2 : i64, sc.parallel_access}
    %mul3A_9 = arith.constant 2 : i32
    %mul3A_10 = arith.muli %mul3A_9, %mul3A_2 : i32
    %dma_start3A_11 = tpu.memref_slice %arg3[%mul3A_10] : memref<65536xf32, #tpu.memory_space<hbm>> -> memref<2048xf32, #tpu.memory_space<hbm>>
    %dma_start3A_12 = tpu.memref_slice %arg3[%mul3A_10] : memref<65536xf32, #tpu.memory_space<hbm>> -> memref<2048xf32, #tpu.memory_space<hbm>>
    tpu.enqueue_dma source(%arg7 : memref<2048xf32, #tpu.memory_space<vmem>>) target(%dma_start3A_12 : memref<2048xf32, #tpu.memory_space<hbm>>) target_semaphore(%arg11 : memref<!tpu.dma_semaphore, #tpu.memory_space<semaphore_mem>>)
    %mul3A_13 = arith.constant 2 : i32
    %mul3A_14 = arith.muli %mul3A_13, %mul3A_2 : i32
    %dma_start3A_15 = tpu.memref_slice %arg4[%mul3A_14] : memref<65536xi32, #tpu.memory_space<hbm>> -> memref<2048xi32, #tpu.memory_space<hbm>>
    %dma_start3A_16 = tpu.memref_slice %arg4[%mul3A_14] : memref<65536xi32, #tpu.memory_space<hbm>> -> memref<2048xi32, #tpu.memory_space<hbm>>
    tpu.enqueue_dma source(%arg8 : memref<2048xi32, #tpu.memory_space<vmem>>) target(%dma_start3A_16 : memref<2048xi32, #tpu.memory_space<hbm>>) target_semaphore(%arg11 : memref<!tpu.dma_semaphore, #tpu.memory_space<semaphore_mem>>)
    %mul3A_17 = arith.constant 8 : i32
    %mul3A_18 = arith.muli %mul3A_17, %mul3A_2 : i32
    %add3A_19 = arith.constant 0 : i32
    %add3A_20 = arith.addi %add3A_19, %mul3A_18 : i32
    %dma_start3A_21 = tpu.memref_slice %arg5[%add3A_20] : memref<524288xf32, #tpu.memory_space<hbm>> -> memref<8192xf32, #tpu.memory_space<hbm>>
    %dma_start3A_22 = tpu.memref_slice %arg5[%add3A_20] : memref<524288xf32, #tpu.memory_space<hbm>> -> memref<8192xf32, #tpu.memory_space<hbm>>
    tpu.enqueue_dma source(%arg9 : memref<8192xf32, #tpu.memory_space<vmem>>) target(%dma_start3A_22 : memref<8192xf32, #tpu.memory_space<hbm>>) target_semaphore(%arg11 : memref<!tpu.dma_semaphore, #tpu.memory_space<semaphore_mem>>)
    %mul3A_23 = arith.constant 8 : i32
    %mul3A_24 = arith.muli %mul3A_23, %mul3A_2 : i32
    %add3A_25 = arith.constant 262144 : i32
    %add3A_26 = arith.addi %add3A_25, %mul3A_24 : i32
    %dma_start3A_27 = tpu.memref_slice %arg5[%add3A_26] : memref<524288xf32, #tpu.memory_space<hbm>> -> memref<8192xf32, #tpu.memory_space<hbm>>
    %dma_start3A_28 = tpu.memref_slice %arg5[%add3A_26] : memref<524288xf32, #tpu.memory_space<hbm>> -> memref<8192xf32, #tpu.memory_space<hbm>>
    tpu.enqueue_dma source(%arg10 : memref<8192xf32, #tpu.memory_space<vmem>>) target(%dma_start3A_28 : memref<8192xf32, #tpu.memory_space<hbm>>) target_semaphore(%arg11 : memref<!tpu.dma_semaphore, #tpu.memory_space<semaphore_mem>>)
    %dma_wait3A_29 = tpu.memref_slice %arg3[%mul3A_10] : memref<65536xf32, #tpu.memory_space<hbm>> -> memref<2048xf32, #tpu.memory_space<hbm>>
    %dma_wait3A_30 = tpu.memref_slice %arg3[%mul3A_10] : memref<65536xf32, #tpu.memory_space<hbm>> -> memref<2048xf32, #tpu.memory_space<hbm>>
    tpu.wait_dma2 semaphore(%arg11 : memref<!tpu.dma_semaphore, #tpu.memory_space<semaphore_mem>>) src(%arg7 : memref<2048xf32, #tpu.memory_space<vmem>>) dst(%dma_wait3A_30 : memref<2048xf32, #tpu.memory_space<hbm>>)
    %dma_wait3A_31 = tpu.memref_slice %arg4[%mul3A_14] : memref<65536xi32, #tpu.memory_space<hbm>> -> memref<2048xi32, #tpu.memory_space<hbm>>
    %dma_wait3A_32 = tpu.memref_slice %arg4[%mul3A_14] : memref<65536xi32, #tpu.memory_space<hbm>> -> memref<2048xi32, #tpu.memory_space<hbm>>
    tpu.wait_dma2 semaphore(%arg11 : memref<!tpu.dma_semaphore, #tpu.memory_space<semaphore_mem>>) src(%arg8 : memref<2048xi32, #tpu.memory_space<vmem>>) dst(%dma_wait3A_32 : memref<2048xi32, #tpu.memory_space<hbm>>)
    %dma_wait3A_33 = tpu.memref_slice %arg5[%add3A_20] : memref<524288xf32, #tpu.memory_space<hbm>> -> memref<8192xf32, #tpu.memory_space<hbm>>
    %dma_wait3A_34 = tpu.memref_slice %arg5[%add3A_20] : memref<524288xf32, #tpu.memory_space<hbm>> -> memref<8192xf32, #tpu.memory_space<hbm>>
    tpu.wait_dma2 semaphore(%arg11 : memref<!tpu.dma_semaphore, #tpu.memory_space<semaphore_mem>>) src(%arg9 : memref<8192xf32, #tpu.memory_space<vmem>>) dst(%dma_wait3A_34 : memref<8192xf32, #tpu.memory_space<hbm>>)
    %dma_wait3A_35 = tpu.memref_slice %arg5[%add3A_26] : memref<524288xf32, #tpu.memory_space<hbm>> -> memref<8192xf32, #tpu.memory_space<hbm>>
    %dma_wait3A_36 = tpu.memref_slice %arg5[%add3A_26] : memref<524288xf32, #tpu.memory_space<hbm>> -> memref<8192xf32, #tpu.memory_space<hbm>>
    tpu.wait_dma2 semaphore(%arg11 : memref<!tpu.dma_semaphore, #tpu.memory_space<semaphore_mem>>) src(%arg10 : memref<8192xf32, #tpu.memory_space<vmem>>) dst(%dma_wait3A_36 : memref<8192xf32, #tpu.memory_space<hbm>>)
    return
  }
}

module attributes {stable_mosaic.version = 14 : i64} {
  func.func @_logits_body(%arg0: memref<32768x768xf32, #tpu.memory_space<hbm>>, %arg1: memref<8x768xf32, #tpu.memory_space<vmem>>, %arg2: memref<262144xf32, #tpu.memory_space<vmem>>, %arg3: memref<1024x768xf32, #tpu.memory_space<vmem>>, %arg4: memref<1024x768xf32, #tpu.memory_space<vmem>>, %arg5: memref<1024x768xf32, #tpu.memory_space<vmem>>, %arg6: memref<1024x768xf32, #tpu.memory_space<vmem>>, %arg7: memref<1024x768xf32, #tpu.memory_space<vmem>>, %arg8: memref<1024x768xf32, #tpu.memory_space<vmem>>, %arg9: memref<1024x768xf32, #tpu.memory_space<vmem>>, %arg10: memref<1024x768xf32, #tpu.memory_space<vmem>>, %arg11: memref<8x!tpu.dma_semaphore, #tpu.memory_space<semaphore_mem>>) attributes {dimension_semantics = [], scalar_prefetch = 0 : i64, scratch_operands = 9 : i64, tpu.core_type = #tpu.core_type<tc>} {
    %dma_start3A = arith.constant 0 : i32
    %dma_start3A_0 = tpu.memref_slice %arg11[%dma_start3A] : memref<8x!tpu.dma_semaphore, #tpu.memory_space<semaphore_mem>> -> memref<1x!tpu.dma_semaphore, #tpu.memory_space<semaphore_mem>>
    %dma_start3A_1 = tpu.memref_squeeze %dma_start3A_0 : memref<1x!tpu.dma_semaphore, #tpu.memory_space<semaphore_mem>> -> memref<!tpu.dma_semaphore, #tpu.memory_space<semaphore_mem>>
    %dma_start3A_2 = arith.constant 0 : i32
    %dma_start3A_3 = arith.constant 0 : i32
    %dma_start3A_4 = tpu.memref_slice %arg0[%dma_start3A_2, %dma_start3A_3] : memref<32768x768xf32, #tpu.memory_space<hbm>> -> memref<1024x768xf32, #tpu.memory_space<hbm>>
    tpu.enqueue_dma source(%dma_start3A_4 : memref<1024x768xf32, #tpu.memory_space<hbm>>) target(%arg3 : memref<1024x768xf32, #tpu.memory_space<vmem>>) target_semaphore(%dma_start3A_1 : memref<!tpu.dma_semaphore, #tpu.memory_space<semaphore_mem>>)
    %dma_start3A_5 = arith.constant 1 : i32
    %dma_start3A_6 = tpu.memref_slice %arg11[%dma_start3A_5] : memref<8x!tpu.dma_semaphore, #tpu.memory_space<semaphore_mem>> -> memref<1x!tpu.dma_semaphore, #tpu.memory_space<semaphore_mem>>
    %dma_start3A_7 = tpu.memref_squeeze %dma_start3A_6 : memref<1x!tpu.dma_semaphore, #tpu.memory_space<semaphore_mem>> -> memref<!tpu.dma_semaphore, #tpu.memory_space<semaphore_mem>>
    %dma_start3A_8 = arith.constant 1024 : i32
    %dma_start3A_9 = arith.constant 0 : i32
    %dma_start3A_10 = tpu.memref_slice %arg0[%dma_start3A_8, %dma_start3A_9] : memref<32768x768xf32, #tpu.memory_space<hbm>> -> memref<1024x768xf32, #tpu.memory_space<hbm>>
    tpu.enqueue_dma source(%dma_start3A_10 : memref<1024x768xf32, #tpu.memory_space<hbm>>) target(%arg4 : memref<1024x768xf32, #tpu.memory_space<vmem>>) target_semaphore(%dma_start3A_7 : memref<!tpu.dma_semaphore, #tpu.memory_space<semaphore_mem>>)
    %dma_start3A_11 = arith.constant 2 : i32
    %dma_start3A_12 = tpu.memref_slice %arg11[%dma_start3A_11] : memref<8x!tpu.dma_semaphore, #tpu.memory_space<semaphore_mem>> -> memref<1x!tpu.dma_semaphore, #tpu.memory_space<semaphore_mem>>
    %dma_start3A_13 = tpu.memref_squeeze %dma_start3A_12 : memref<1x!tpu.dma_semaphore, #tpu.memory_space<semaphore_mem>> -> memref<!tpu.dma_semaphore, #tpu.memory_space<semaphore_mem>>
    %dma_start3A_14 = arith.constant 2048 : i32
    %dma_start3A_15 = arith.constant 0 : i32
    %dma_start3A_16 = tpu.memref_slice %arg0[%dma_start3A_14, %dma_start3A_15] : memref<32768x768xf32, #tpu.memory_space<hbm>> -> memref<1024x768xf32, #tpu.memory_space<hbm>>
    tpu.enqueue_dma source(%dma_start3A_16 : memref<1024x768xf32, #tpu.memory_space<hbm>>) target(%arg5 : memref<1024x768xf32, #tpu.memory_space<vmem>>) target_semaphore(%dma_start3A_13 : memref<!tpu.dma_semaphore, #tpu.memory_space<semaphore_mem>>)
    %dma_start3A_17 = arith.constant 3 : i32
    %dma_start3A_18 = tpu.memref_slice %arg11[%dma_start3A_17] : memref<8x!tpu.dma_semaphore, #tpu.memory_space<semaphore_mem>> -> memref<1x!tpu.dma_semaphore, #tpu.memory_space<semaphore_mem>>
    %dma_start3A_19 = tpu.memref_squeeze %dma_start3A_18 : memref<1x!tpu.dma_semaphore, #tpu.memory_space<semaphore_mem>> -> memref<!tpu.dma_semaphore, #tpu.memory_space<semaphore_mem>>
    %dma_start3A_20 = arith.constant 3072 : i32
    %dma_start3A_21 = arith.constant 0 : i32
    %dma_start3A_22 = tpu.memref_slice %arg0[%dma_start3A_20, %dma_start3A_21] : memref<32768x768xf32, #tpu.memory_space<hbm>> -> memref<1024x768xf32, #tpu.memory_space<hbm>>
    tpu.enqueue_dma source(%dma_start3A_22 : memref<1024x768xf32, #tpu.memory_space<hbm>>) target(%arg6 : memref<1024x768xf32, #tpu.memory_space<vmem>>) target_semaphore(%dma_start3A_19 : memref<!tpu.dma_semaphore, #tpu.memory_space<semaphore_mem>>)
    %dma_start3A_23 = arith.constant 4 : i32
    %dma_start3A_24 = tpu.memref_slice %arg11[%dma_start3A_23] : memref<8x!tpu.dma_semaphore, #tpu.memory_space<semaphore_mem>> -> memref<1x!tpu.dma_semaphore, #tpu.memory_space<semaphore_mem>>
    %dma_start3A_25 = tpu.memref_squeeze %dma_start3A_24 : memref<1x!tpu.dma_semaphore, #tpu.memory_space<semaphore_mem>> -> memref<!tpu.dma_semaphore, #tpu.memory_space<semaphore_mem>>
    %dma_start3A_26 = arith.constant 4096 : i32
    %dma_start3A_27 = arith.constant 0 : i32
    %dma_start3A_28 = tpu.memref_slice %arg0[%dma_start3A_26, %dma_start3A_27] : memref<32768x768xf32, #tpu.memory_space<hbm>> -> memref<1024x768xf32, #tpu.memory_space<hbm>>
    tpu.enqueue_dma source(%dma_start3A_28 : memref<1024x768xf32, #tpu.memory_space<hbm>>) target(%arg7 : memref<1024x768xf32, #tpu.memory_space<vmem>>) target_semaphore(%dma_start3A_25 : memref<!tpu.dma_semaphore, #tpu.memory_space<semaphore_mem>>)
    %dma_start3A_29 = arith.constant 5 : i32
    %dma_start3A_30 = tpu.memref_slice %arg11[%dma_start3A_29] : memref<8x!tpu.dma_semaphore, #tpu.memory_space<semaphore_mem>> -> memref<1x!tpu.dma_semaphore, #tpu.memory_space<semaphore_mem>>
    %dma_start3A_31 = tpu.memref_squeeze %dma_start3A_30 : memref<1x!tpu.dma_semaphore, #tpu.memory_space<semaphore_mem>> -> memref<!tpu.dma_semaphore, #tpu.memory_space<semaphore_mem>>
    %dma_start3A_32 = arith.constant 5120 : i32
    %dma_start3A_33 = arith.constant 0 : i32
    %dma_start3A_34 = tpu.memref_slice %arg0[%dma_start3A_32, %dma_start3A_33] : memref<32768x768xf32, #tpu.memory_space<hbm>> -> memref<1024x768xf32, #tpu.memory_space<hbm>>
    tpu.enqueue_dma source(%dma_start3A_34 : memref<1024x768xf32, #tpu.memory_space<hbm>>) target(%arg8 : memref<1024x768xf32, #tpu.memory_space<vmem>>) target_semaphore(%dma_start3A_31 : memref<!tpu.dma_semaphore, #tpu.memory_space<semaphore_mem>>)
    %dma_start3A_35 = arith.constant 6 : i32
    %dma_start3A_36 = tpu.memref_slice %arg11[%dma_start3A_35] : memref<8x!tpu.dma_semaphore, #tpu.memory_space<semaphore_mem>> -> memref<1x!tpu.dma_semaphore, #tpu.memory_space<semaphore_mem>>
    %dma_start3A_37 = tpu.memref_squeeze %dma_start3A_36 : memref<1x!tpu.dma_semaphore, #tpu.memory_space<semaphore_mem>> -> memref<!tpu.dma_semaphore, #tpu.memory_space<semaphore_mem>>
    %dma_start3A_38 = arith.constant 6144 : i32
    %dma_start3A_39 = arith.constant 0 : i32
    %dma_start3A_40 = tpu.memref_slice %arg0[%dma_start3A_38, %dma_start3A_39] : memref<32768x768xf32, #tpu.memory_space<hbm>> -> memref<1024x768xf32, #tpu.memory_space<hbm>>
    tpu.enqueue_dma source(%dma_start3A_40 : memref<1024x768xf32, #tpu.memory_space<hbm>>) target(%arg9 : memref<1024x768xf32, #tpu.memory_space<vmem>>) target_semaphore(%dma_start3A_37 : memref<!tpu.dma_semaphore, #tpu.memory_space<semaphore_mem>>)
    %dma_start3A_41 = arith.constant 7 : i32
    %dma_start3A_42 = tpu.memref_slice %arg11[%dma_start3A_41] : memref<8x!tpu.dma_semaphore, #tpu.memory_space<semaphore_mem>> -> memref<1x!tpu.dma_semaphore, #tpu.memory_space<semaphore_mem>>
    %dma_start3A_43 = tpu.memref_squeeze %dma_start3A_42 : memref<1x!tpu.dma_semaphore, #tpu.memory_space<semaphore_mem>> -> memref<!tpu.dma_semaphore, #tpu.memory_space<semaphore_mem>>
    %dma_start3A_44 = arith.constant 7168 : i32
    %dma_start3A_45 = arith.constant 0 : i32
    %dma_start3A_46 = tpu.memref_slice %arg0[%dma_start3A_44, %dma_start3A_45] : memref<32768x768xf32, #tpu.memory_space<hbm>> -> memref<1024x768xf32, #tpu.memory_space<hbm>>
    tpu.enqueue_dma source(%dma_start3A_46 : memref<1024x768xf32, #tpu.memory_space<hbm>>) target(%arg10 : memref<1024x768xf32, #tpu.memory_space<vmem>>) target_semaphore(%dma_start3A_43 : memref<!tpu.dma_semaphore, #tpu.memory_space<semaphore_mem>>)
    %get3A = arith.constant 0 : index
    %get3A_47 = arith.constant 0 : index
    %get3A_48 = vector.load %arg1[%get3A, %get3A_47] : memref<8x768xf32, #tpu.memory_space<vmem>>, vector<8x768xf32>
    %dma_wait3A = arith.constant 0 : i32
    %dma_wait3A_49 = tpu.memref_slice %arg11[%dma_wait3A] : memref<8x!tpu.dma_semaphore, #tpu.memory_space<semaphore_mem>> -> memref<1x!tpu.dma_semaphore, #tpu.memory_space<semaphore_mem>>
    %dma_wait3A_50 = tpu.memref_squeeze %dma_wait3A_49 : memref<1x!tpu.dma_semaphore, #tpu.memory_space<semaphore_mem>> -> memref<!tpu.dma_semaphore, #tpu.memory_space<semaphore_mem>>
    %dma_wait3A_51 = arith.constant 0 : i32
    %dma_wait3A_52 = arith.constant 0 : i32
    %dma_wait3A_53 = tpu.memref_slice %arg0[%dma_wait3A_51, %dma_wait3A_52] : memref<32768x768xf32, #tpu.memory_space<hbm>> -> memref<1024x768xf32, #tpu.memory_space<hbm>>
    tpu.wait_dma2 semaphore(%dma_wait3A_50 : memref<!tpu.dma_semaphore, #tpu.memory_space<semaphore_mem>>) src(%dma_wait3A_53 : memref<1024x768xf32, #tpu.memory_space<hbm>>) dst(%arg3 : memref<1024x768xf32, #tpu.memory_space<vmem>>)
    %get3A_54 = arith.constant 0 : index
    %get3A_55 = arith.constant 0 : index
    %get3A_56 = vector.load %arg3[%get3A_54, %get3A_55] : memref<1024x768xf32, #tpu.memory_space<vmem>>, vector<1024x768xf32>
    %dot_general3A = arith.constant dense<0.000000e+00> : vector<8x1024xf32>
    %dot_general3A_57 = tpu.matmul %get3A_48, %get3A_56, %dot_general3A {dimension_numbers = #tpu.dot_dimension_numbers<[1], [1], [0], [0], [0, 0, 1, 0], [], []>, transpose_lhs_hint = false} : vector<8x768xf32>, vector<1024x768xf32>, vector<8x1024xf32> -> vector<8x1024xf32>
    %slice3A = vector.extract_strided_slice %dot_general3A_57 {offsets = [0, 0], sizes = [1, 1024], strides = [1, 1]} : vector<8x1024xf32> to vector<1x1024xf32>
    %squeeze3A = vector.shape_cast %slice3A : vector<1x1024xf32> to vector<1024xf32>
    %swap3A = arith.constant 0 : index
    %swap3A_58 = vector.load %arg2[%swap3A] : memref<262144xf32, #tpu.memory_space<vmem>>, vector<1024xf32>
    tpu.vector_store %arg2[%swap3A], %squeeze3A {strides = array<i32>} : memref<262144xf32, #tpu.memory_space<vmem>>, vector<1024xf32>,
    %slice3A_59 = vector.extract_strided_slice %dot_general3A_57 {offsets = [1, 0], sizes = [1, 1024], strides = [1, 1]} : vector<8x1024xf32> to vector<1x1024xf32>
    %squeeze3A_60 = vector.shape_cast %slice3A_59 : vector<1x1024xf32> to vector<1024xf32>
    %swap3A_61 = arith.constant 1024 : index
    %swap3A_62 = vector.load %arg2[%swap3A_61] : memref<262144xf32, #tpu.memory_space<vmem>>, vector<1024xf32>
    tpu.vector_store %arg2[%swap3A_61], %squeeze3A_60 {strides = array<i32>} : memref<262144xf32, #tpu.memory_space<vmem>>, vector<1024xf32>,
    %slice3A_63 = vector.extract_strided_slice %dot_general3A_57 {offsets = [2, 0], sizes = [1, 1024], strides = [1, 1]} : vector<8x1024xf32> to vector<1x1024xf32>
    %squeeze3A_64 = vector.shape_cast %slice3A_63 : vector<1x1024xf32> to vector<1024xf32>
    %swap3A_65 = arith.constant 2048 : index
    %swap3A_66 = vector.load %arg2[%swap3A_65] : memref<262144xf32, #tpu.memory_space<vmem>>, vector<1024xf32>
    tpu.vector_store %arg2[%swap3A_65], %squeeze3A_64 {strides = array<i32>} : memref<262144xf32, #tpu.memory_space<vmem>>, vector<1024xf32>,
    %slice3A_67 = vector.extract_strided_slice %dot_general3A_57 {offsets = [3, 0], sizes = [1, 1024], strides = [1, 1]} : vector<8x1024xf32> to vector<1x1024xf32>
    %squeeze3A_68 = vector.shape_cast %slice3A_67 : vector<1x1024xf32> to vector<1024xf32>
    %swap3A_69 = arith.constant 3072 : index
    %swap3A_70 = vector.load %arg2[%swap3A_69] : memref<262144xf32, #tpu.memory_space<vmem>>, vector<1024xf32>
    tpu.vector_store %arg2[%swap3A_69], %squeeze3A_68 {strides = array<i32>} : memref<262144xf32, #tpu.memory_space<vmem>>, vector<1024xf32>,
    %slice3A_71 = vector.extract_strided_slice %dot_general3A_57 {offsets = [4, 0], sizes = [1, 1024], strides = [1, 1]} : vector<8x1024xf32> to vector<1x1024xf32>
    %squeeze3A_72 = vector.shape_cast %slice3A_71 : vector<1x1024xf32> to vector<1024xf32>
    %swap3A_73 = arith.constant 4096 : index
    %swap3A_74 = vector.load %arg2[%swap3A_73] : memref<262144xf32, #tpu.memory_space<vmem>>, vector<1024xf32>
    tpu.vector_store %arg2[%swap3A_73], %squeeze3A_72 {strides = array<i32>} : memref<262144xf32, #tpu.memory_space<vmem>>, vector<1024xf32>,
    %slice3A_75 = vector.extract_strided_slice %dot_general3A_57 {offsets = [5, 0], sizes = [1, 1024], strides = [1, 1]} : vector<8x1024xf32> to vector<1x1024xf32>
    %squeeze3A_76 = vector.shape_cast %slice3A_75 : vector<1x1024xf32> to vector<1024xf32>
    %swap3A_77 = arith.constant 5120 : index
    %swap3A_78 = vector.load %arg2[%swap3A_77] : memref<262144xf32, #tpu.memory_space<vmem>>, vector<1024xf32>
    tpu.vector_store %arg2[%swap3A_77], %squeeze3A_76 {strides = array<i32>} : memref<262144xf32, #tpu.memory_space<vmem>>, vector<1024xf32>,
    %slice3A_79 = vector.extract_strided_slice %dot_general3A_57 {offsets = [6, 0], sizes = [1, 1024], strides = [1, 1]} : vector<8x1024xf32> to vector<1x1024xf32>
    %squeeze3A_80 = vector.shape_cast %slice3A_79 : vector<1x1024xf32> to vector<1024xf32>
    %swap3A_81 = arith.constant 6144 : index
    %swap3A_82 = vector.load %arg2[%swap3A_81] : memref<262144xf32, #tpu.memory_space<vmem>>, vector<1024xf32>
    tpu.vector_store %arg2[%swap3A_81], %squeeze3A_80 {strides = array<i32>} : memref<262144xf32, #tpu.memory_space<vmem>>, vector<1024xf32>,
    %slice3A_83 = vector.extract_strided_slice %dot_general3A_57 {offsets = [7, 0], sizes = [1, 1024], strides = [1, 1]} : vector<8x1024xf32> to vector<1x1024xf32>
    %squeeze3A_84 = vector.shape_cast %slice3A_83 : vector<1x1024xf32> to vector<1024xf32>
    %swap3A_85 = arith.constant 7168 : index
    %swap3A_86 = vector.load %arg2[%swap3A_85] : memref<262144xf32, #tpu.memory_space<vmem>>, vector<1024xf32>
    tpu.vector_store %arg2[%swap3A_85], %squeeze3A_84 {strides = array<i32>} : memref<262144xf32, #tpu.memory_space<vmem>>, vector<1024xf32>,
    %dma_start3A_87 = arith.constant 0 : i32
    %dma_start3A_88 = tpu.memref_slice %arg11[%dma_start3A_87] : memref<8x!tpu.dma_semaphore, #tpu.memory_space<semaphore_mem>> -> memref<1x!tpu.dma_semaphore, #tpu.memory_space<semaphore_mem>>
    %dma_start3A_89 = tpu.memref_squeeze %dma_start3A_88 : memref<1x!tpu.dma_semaphore, #tpu.memory_space<semaphore_mem>> -> memref<!tpu.dma_semaphore, #tpu.memory_space<semaphore_mem>>
    %dma_start3A_90 = arith.constant 8192 : i32
    %dma_start3A_91 = arith.constant 0 : i32
    %dma_start3A_92 = tpu.memref_slice %arg0[%dma_start3A_90, %dma_start3A_91] : memref<32768x768xf32, #tpu.memory_space<hbm>> -> memref<1024x768xf32, #tpu.memory_space<hbm>>
    tpu.enqueue_dma source(%dma_start3A_92 : memref<1024x768xf32, #tpu.memory_space<hbm>>) target(%arg3 : memref<1024x768xf32, #tpu.memory_space<vmem>>) target_semaphore(%dma_start3A_89 : memref<!tpu.dma_semaphore, #tpu.memory_space<semaphore_mem>>)
    %dma_wait3A_93 = arith.constant 1 : i32
    %dma_wait3A_94 = tpu.memref_slice %arg11[%dma_wait3A_93] : memref<8x!tpu.dma_semaphore, #tpu.memory_space<semaphore_mem>> -> memref<1x!tpu.dma_semaphore, #tpu.memory_space<semaphore_mem>>
    %dma_wait3A_95 = tpu.memref_squeeze %dma_wait3A_94 : memref<1x!tpu.dma_semaphore, #tpu.memory_space<semaphore_mem>> -> memref<!tpu.dma_semaphore, #tpu.memory_space<semaphore_mem>>
    %dma_wait3A_96 = arith.constant 1024 : i32
    %dma_wait3A_97 = arith.constant 0 : i32
    %dma_wait3A_98 = tpu.memref_slice %arg0[%dma_wait3A_96, %dma_wait3A_97] : memref<32768x768xf32, #tpu.memory_space<hbm>> -> memref<1024x768xf32, #tpu.memory_space<hbm>>
    tpu.wait_dma2 semaphore(%dma_wait3A_95 : memref<!tpu.dma_semaphore, #tpu.memory_space<semaphore_mem>>) src(%dma_wait3A_98 : memref<1024x768xf32, #tpu.memory_space<hbm>>) dst(%arg4 : memref<1024x768xf32, #tpu.memory_space<vmem>>)
    %get3A_99 = arith.constant 0 : index
    %get3A_100 = arith.constant 0 : index
    %get3A_101 = vector.load %arg4[%get3A_99, %get3A_100] : memref<1024x768xf32, #tpu.memory_space<vmem>>, vector<1024x768xf32>
    %dot_general3A_102 = arith.constant dense<0.000000e+00> : vector<8x1024xf32>
    %dot_general3A_103 = tpu.matmul %get3A_48, %get3A_101, %dot_general3A_102 {dimension_numbers = #tpu.dot_dimension_numbers<[1], [1], [0], [0], [0, 0, 1, 0], [], []>, transpose_lhs_hint = false} : vector<8x768xf32>, vector<1024x768xf32>, vector<8x1024xf32> -> vector<8x1024xf32>
    %slice3A_104 = vector.extract_strided_slice %dot_general3A_103 {offsets = [0, 0], sizes = [1, 1024], strides = [1, 1]} : vector<8x1024xf32> to vector<1x1024xf32>
    %squeeze3A_105 = vector.shape_cast %slice3A_104 : vector<1x1024xf32> to vector<1024xf32>
    %swap3A_106 = arith.constant 8192 : index
    %swap3A_107 = vector.load %arg2[%swap3A_106] : memref<262144xf32, #tpu.memory_space<vmem>>, vector<1024xf32>
    tpu.vector_store %arg2[%swap3A_106], %squeeze3A_105 {strides = array<i32>} : memref<262144xf32, #tpu.memory_space<vmem>>, vector<1024xf32>,
    %slice3A_108 = vector.extract_strided_slice %dot_general3A_103 {offsets = [1, 0], sizes = [1, 1024], strides = [1, 1]} : vector<8x1024xf32> to vector<1x1024xf32>
    %squeeze3A_109 = vector.shape_cast %slice3A_108 : vector<1x1024xf32> to vector<1024xf32>
    %swap3A_110 = arith.constant 9216 : index
    %swap3A_111 = vector.load %arg2[%swap3A_110] : memref<262144xf32, #tpu.memory_space<vmem>>, vector<1024xf32>
    tpu.vector_store %arg2[%swap3A_110], %squeeze3A_109 {strides = array<i32>} : memref<262144xf32, #tpu.memory_space<vmem>>, vector<1024xf32>,
    %slice3A_112 = vector.extract_strided_slice %dot_general3A_103 {offsets = [2, 0], sizes = [1, 1024], strides = [1, 1]} : vector<8x1024xf32> to vector<1x1024xf32>
    %squeeze3A_113 = vector.shape_cast %slice3A_112 : vector<1x1024xf32> to vector<1024xf32>
    %swap3A_114 = arith.constant 10240 : index
    %swap3A_115 = vector.load %arg2[%swap3A_114] : memref<262144xf32, #tpu.memory_space<vmem>>, vector<1024xf32>
    tpu.vector_store %arg2[%swap3A_114], %squeeze3A_113 {strides = array<i32>} : memref<262144xf32, #tpu.memory_space<vmem>>, vector<1024xf32>,
    %slice3A_116 = vector.extract_strided_slice %dot_general3A_103 {offsets = [3, 0], sizes = [1, 1024], strides = [1, 1]} : vector<8x1024xf32> to vector<1x1024xf32>
    %squeeze3A_117 = vector.shape_cast %slice3A_116 : vector<1x1024xf32> to vector<1024xf32>
    %swap3A_118 = arith.constant 11264 : index
    %swap3A_119 = vector.load %arg2[%swap3A_118] : memref<262144xf32, #tpu.memory_space<vmem>>, vector<1024xf32>
    tpu.vector_store %arg2[%swap3A_118], %squeeze3A_117 {strides = array<i32>} : memref<262144xf32, #tpu.memory_space<vmem>>, vector<1024xf32>,
    %slice3A_120 = vector.extract_strided_slice %dot_general3A_103 {offsets = [4, 0], sizes = [1, 1024], strides = [1, 1]} : vector<8x1024xf32> to vector<1x1024xf32>
    %squeeze3A_121 = vector.shape_cast %slice3A_120 : vector<1x1024xf32> to vector<1024xf32>
    %swap3A_122 = arith.constant 12288 : index
    %swap3A_123 = vector.load %arg2[%swap3A_122] : memref<262144xf32, #tpu.memory_space<vmem>>, vector<1024xf32>
    tpu.vector_store %arg2[%swap3A_122], %squeeze3A_121 {strides = array<i32>} : memref<262144xf32, #tpu.memory_space<vmem>>, vector<1024xf32>,
    %slice3A_124 = vector.extract_strided_slice %dot_general3A_103 {offsets = [5, 0], sizes = [1, 1024], strides = [1, 1]} : vector<8x1024xf32> to vector<1x1024xf32>
    %squeeze3A_125 = vector.shape_cast %slice3A_124 : vector<1x1024xf32> to vector<1024xf32>
    %swap3A_126 = arith.constant 13312 : index
    %swap3A_127 = vector.load %arg2[%swap3A_126] : memref<262144xf32, #tpu.memory_space<vmem>>, vector<1024xf32>
    tpu.vector_store %arg2[%swap3A_126], %squeeze3A_125 {strides = array<i32>} : memref<262144xf32, #tpu.memory_space<vmem>>, vector<1024xf32>,
    %slice3A_128 = vector.extract_strided_slice %dot_general3A_103 {offsets = [6, 0], sizes = [1, 1024], strides = [1, 1]} : vector<8x1024xf32> to vector<1x1024xf32>
    %squeeze3A_129 = vector.shape_cast %slice3A_128 : vector<1x1024xf32> to vector<1024xf32>
    %swap3A_130 = arith.constant 14336 : index
    %swap3A_131 = vector.load %arg2[%swap3A_130] : memref<262144xf32, #tpu.memory_space<vmem>>, vector<1024xf32>
    tpu.vector_store %arg2[%swap3A_130], %squeeze3A_129 {strides = array<i32>} : memref<262144xf32, #tpu.memory_space<vmem>>, vector<1024xf32>,
    %slice3A_132 = vector.extract_strided_slice %dot_general3A_103 {offsets = [7, 0], sizes = [1, 1024], strides = [1, 1]} : vector<8x1024xf32> to vector<1x1024xf32>
    %squeeze3A_133 = vector.shape_cast %slice3A_132 : vector<1x1024xf32> to vector<1024xf32>
    %swap3A_134 = arith.constant 15360 : index
    %swap3A_135 = vector.load %arg2[%swap3A_134] : memref<262144xf32, #tpu.memory_space<vmem>>, vector<1024xf32>
    tpu.vector_store %arg2[%swap3A_134], %squeeze3A_133 {strides = array<i32>} : memref<262144xf32, #tpu.memory_space<vmem>>, vector<1024xf32>,
    %dma_start3A_136 = arith.constant 1 : i32
    %dma_start3A_137 = tpu.memref_slice %arg11[%dma_start3A_136] : memref<8x!tpu.dma_semaphore, #tpu.memory_space<semaphore_mem>> -> memref<1x!tpu.dma_semaphore, #tpu.memory_space<semaphore_mem>>
    %dma_start3A_138 = tpu.memref_squeeze %dma_start3A_137 : memref<1x!tpu.dma_semaphore, #tpu.memory_space<semaphore_mem>> -> memref<!tpu.dma_semaphore, #tpu.memory_space<semaphore_mem>>
    %dma_start3A_139 = arith.constant 9216 : i32
    %dma_start3A_140 = arith.constant 0 : i32
    %dma_start3A_141 = tpu.memref_slice %arg0[%dma_start3A_139, %dma_start3A_140] : memref<32768x768xf32, #tpu.memory_space<hbm>> -> memref<1024x768xf32, #tpu.memory_space<hbm>>
    tpu.enqueue_dma source(%dma_start3A_141 : memref<1024x768xf32, #tpu.memory_space<hbm>>) target(%arg4 : memref<1024x768xf32, #tpu.memory_space<vmem>>) target_semaphore(%dma_start3A_138 : memref<!tpu.dma_semaphore, #tpu.memory_space<semaphore_mem>>)
    %dma_wait3A_142 = arith.constant 2 : i32
    %dma_wait3A_143 = tpu.memref_slice %arg11[%dma_wait3A_142] : memref<8x!tpu.dma_semaphore, #tpu.memory_space<semaphore_mem>> -> memref<1x!tpu.dma_semaphore, #tpu.memory_space<semaphore_mem>>
    %dma_wait3A_144 = tpu.memref_squeeze %dma_wait3A_143 : memref<1x!tpu.dma_semaphore, #tpu.memory_space<semaphore_mem>> -> memref<!tpu.dma_semaphore, #tpu.memory_space<semaphore_mem>>
    %dma_wait3A_145 = arith.constant 2048 : i32
    %dma_wait3A_146 = arith.constant 0 : i32
    %dma_wait3A_147 = tpu.memref_slice %arg0[%dma_wait3A_145, %dma_wait3A_146] : memref<32768x768xf32, #tpu.memory_space<hbm>> -> memref<1024x768xf32, #tpu.memory_space<hbm>>
    tpu.wait_dma2 semaphore(%dma_wait3A_144 : memref<!tpu.dma_semaphore, #tpu.memory_space<semaphore_mem>>) src(%dma_wait3A_147 : memref<1024x768xf32, #tpu.memory_space<hbm>>) dst(%arg5 : memref<1024x768xf32, #tpu.memory_space<vmem>>)
    %get3A_148 = arith.constant 0 : index
    %get3A_149 = arith.constant 0 : index
    %get3A_150 = vector.load %arg5[%get3A_148, %get3A_149] : memref<1024x768xf32, #tpu.memory_space<vmem>>, vector<1024x768xf32>
    %dot_general3A_151 = arith.constant dense<0.000000e+00> : vector<8x1024xf32>
    %dot_general3A_152 = tpu.matmul %get3A_48, %get3A_150, %dot_general3A_151 {dimension_numbers = #tpu.dot_dimension_numbers<[1], [1], [0], [0], [0, 0, 1, 0], [], []>, transpose_lhs_hint = false} : vector<8x768xf32>, vector<1024x768xf32>, vector<8x1024xf32> -> vector<8x1024xf32>
    %slice3A_153 = vector.extract_strided_slice %dot_general3A_152 {offsets = [0, 0], sizes = [1, 1024], strides = [1, 1]} : vector<8x1024xf32> to vector<1x1024xf32>
    %squeeze3A_154 = vector.shape_cast %slice3A_153 : vector<1x1024xf32> to vector<1024xf32>
    %swap3A_155 = arith.constant 16384 : index
    %swap3A_156 = vector.load %arg2[%swap3A_155] : memref<262144xf32, #tpu.memory_space<vmem>>, vector<1024xf32>
    tpu.vector_store %arg2[%swap3A_155], %squeeze3A_154 {strides = array<i32>} : memref<262144xf32, #tpu.memory_space<vmem>>, vector<1024xf32>,
    %slice3A_157 = vector.extract_strided_slice %dot_general3A_152 {offsets = [1, 0], sizes = [1, 1024], strides = [1, 1]} : vector<8x1024xf32> to vector<1x1024xf32>
    %squeeze3A_158 = vector.shape_cast %slice3A_157 : vector<1x1024xf32> to vector<1024xf32>
    %swap3A_159 = arith.constant 17408 : index
    %swap3A_160 = vector.load %arg2[%swap3A_159] : memref<262144xf32, #tpu.memory_space<vmem>>, vector<1024xf32>
    tpu.vector_store %arg2[%swap3A_159], %squeeze3A_158 {strides = array<i32>} : memref<262144xf32, #tpu.memory_space<vmem>>, vector<1024xf32>,
    %slice3A_161 = vector.extract_strided_slice %dot_general3A_152 {offsets = [2, 0], sizes = [1, 1024], strides = [1, 1]} : vector<8x1024xf32> to vector<1x1024xf32>
    %squeeze3A_162 = vector.shape_cast %slice3A_161 : vector<1x1024xf32> to vector<1024xf32>
    %swap3A_163 = arith.constant 18432 : index
    %swap3A_164 = vector.load %arg2[%swap3A_163] : memref<262144xf32, #tpu.memory_space<vmem>>, vector<1024xf32>
    tpu.vector_store %arg2[%swap3A_163], %squeeze3A_162 {strides = array<i32>} : memref<262144xf32, #tpu.memory_space<vmem>>, vector<1024xf32>,
    %slice3A_165 = vector.extract_strided_slice %dot_general3A_152 {offsets = [3, 0], sizes = [1, 1024], strides = [1, 1]} : vector<8x1024xf32> to vector<1x1024xf32>
    %squeeze3A_166 = vector.shape_cast %slice3A_165 : vector<1x1024xf32> to vector<1024xf32>
    %swap3A_167 = arith.constant 19456 : index
    %swap3A_168 = vector.load %arg2[%swap3A_167] : memref<262144xf32, #tpu.memory_space<vmem>>, vector<1024xf32>
    tpu.vector_store %arg2[%swap3A_167], %squeeze3A_166 {strides = array<i32>} : memref<262144xf32, #tpu.memory_space<vmem>>, vector<1024xf32>,
    %slice3A_169 = vector.extract_strided_slice %dot_general3A_152 {offsets = [4, 0], sizes = [1, 1024], strides = [1, 1]} : vector<8x1024xf32> to vector<1x1024xf32>
    %squeeze3A_170 = vector.shape_cast %slice3A_169 : vector<1x1024xf32> to vector<1024xf32>
    %swap3A_171 = arith.constant 20480 : index
    %swap3A_172 = vector.load %arg2[%swap3A_171] : memref<262144xf32, #tpu.memory_space<vmem>>, vector<1024xf32>
    tpu.vector_store %arg2[%swap3A_171], %squeeze3A_170 {strides = array<i32>} : memref<262144xf32, #tpu.memory_space<vmem>>, vector<1024xf32>,
    %slice3A_173 = vector.extract_strided_slice %dot_general3A_152 {offsets = [5, 0], sizes = [1, 1024], strides = [1, 1]} : vector<8x1024xf32> to vector<1x1024xf32>
    %squeeze3A_174 = vector.shape_cast %slice3A_173 : vector<1x1024xf32> to vector<1024xf32>
    %swap3A_175 = arith.constant 21504 : index
    %swap3A_176 = vector.load %arg2[%swap3A_175] : memref<262144xf32, #tpu.memory_space<vmem>>, vector<1024xf32>
    tpu.vector_store %arg2[%swap3A_175], %squeeze3A_174 {strides = array<i32>} : memref<262144xf32, #tpu.memory_space<vmem>>, vector<1024xf32>,
    %slice3A_177 = vector.extract_strided_slice %dot_general3A_152 {offsets = [6, 0], sizes = [1, 1024], strides = [1, 1]} : vector<8x1024xf32> to vector<1x1024xf32>
    %squeeze3A_178 = vector.shape_cast %slice3A_177 : vector<1x1024xf32> to vector<1024xf32>
    %swap3A_179 = arith.constant 22528 : index
    %swap3A_180 = vector.load %arg2[%swap3A_179] : memref<262144xf32, #tpu.memory_space<vmem>>, vector<1024xf32>
    tpu.vector_store %arg2[%swap3A_179], %squeeze3A_178 {strides = array<i32>} : memref<262144xf32, #tpu.memory_space<vmem>>, vector<1024xf32>,
    %slice3A_181 = vector.extract_strided_slice %dot_general3A_152 {offsets = [7, 0], sizes = [1, 1024], strides = [1, 1]} : vector<8x1024xf32> to vector<1x1024xf32>
    %squeeze3A_182 = vector.shape_cast %slice3A_181 : vector<1x1024xf32> to vector<1024xf32>
    %swap3A_183 = arith.constant 23552 : index
    %swap3A_184 = vector.load %arg2[%swap3A_183] : memref<262144xf32, #tpu.memory_space<vmem>>, vector<1024xf32>
    tpu.vector_store %arg2[%swap3A_183], %squeeze3A_182 {strides = array<i32>} : memref<262144xf32, #tpu.memory_space<vmem>>, vector<1024xf32>,
    %dma_start3A_185 = arith.constant 2 : i32
    %dma_start3A_186 = tpu.memref_slice %arg11[%dma_start3A_185] : memref<8x!tpu.dma_semaphore, #tpu.memory_space<semaphore_mem>> -> memref<1x!tpu.dma_semaphore, #tpu.memory_space<semaphore_mem>>
    %dma_start3A_187 = tpu.memref_squeeze %dma_start3A_186 : memref<1x!tpu.dma_semaphore, #tpu.memory_space<semaphore_mem>> -> memref<!tpu.dma_semaphore, #tpu.memory_space<semaphore_mem>>
    %dma_start3A_188 = arith.constant 10240 : i32
    %dma_start3A_189 = arith.constant 0 : i32
    %dma_start3A_190 = tpu.memref_slice %arg0[%dma_start3A_188, %dma_start3A_189] : memref<32768x768xf32, #tpu.memory_space<hbm>> -> memref<1024x768xf32, #tpu.memory_space<hbm>>
    tpu.enqueue_dma source(%dma_start3A_190 : memref<1024x768xf32, #tpu.memory_space<hbm>>) target(%arg5 : memref<1024x768xf32, #tpu.memory_space<vmem>>) target_semaphore(%dma_start3A_187 : memref<!tpu.dma_semaphore, #tpu.memory_space<semaphore_mem>>)
    %dma_wait3A_191 = arith.constant 3 : i32
    %dma_wait3A_192 = tpu.memref_slice %arg11[%dma_wait3A_191] : memref<8x!tpu.dma_semaphore, #tpu.memory_space<semaphore_mem>> -> memref<1x!tpu.dma_semaphore, #tpu.memory_space<semaphore_mem>>
    %dma_wait3A_193 = tpu.memref_squeeze %dma_wait3A_192 : memref<1x!tpu.dma_semaphore, #tpu.memory_space<semaphore_mem>> -> memref<!tpu.dma_semaphore, #tpu.memory_space<semaphore_mem>>
    %dma_wait3A_194 = arith.constant 3072 : i32
    %dma_wait3A_195 = arith.constant 0 : i32
    %dma_wait3A_196 = tpu.memref_slice %arg0[%dma_wait3A_194, %dma_wait3A_195] : memref<32768x768xf32, #tpu.memory_space<hbm>> -> memref<1024x768xf32, #tpu.memory_space<hbm>>
    tpu.wait_dma2 semaphore(%dma_wait3A_193 : memref<!tpu.dma_semaphore, #tpu.memory_space<semaphore_mem>>) src(%dma_wait3A_196 : memref<1024x768xf32, #tpu.memory_space<hbm>>) dst(%arg6 : memref<1024x768xf32, #tpu.memory_space<vmem>>)
    %get3A_197 = arith.constant 0 : index
    %get3A_198 = arith.constant 0 : index
    %get3A_199 = vector.load %arg6[%get3A_197, %get3A_198] : memref<1024x768xf32, #tpu.memory_space<vmem>>, vector<1024x768xf32>
    %dot_general3A_200 = arith.constant dense<0.000000e+00> : vector<8x1024xf32>
    %dot_general3A_201 = tpu.matmul %get3A_48, %get3A_199, %dot_general3A_200 {dimension_numbers = #tpu.dot_dimension_numbers<[1], [1], [0], [0], [0, 0, 1, 0], [], []>, transpose_lhs_hint = false} : vector<8x768xf32>, vector<1024x768xf32>, vector<8x1024xf32> -> vector<8x1024xf32>
    %slice3A_202 = vector.extract_strided_slice %dot_general3A_201 {offsets = [0, 0], sizes = [1, 1024], strides = [1, 1]} : vector<8x1024xf32> to vector<1x1024xf32>
    %squeeze3A_203 = vector.shape_cast %slice3A_202 : vector<1x1024xf32> to vector<1024xf32>
    %swap3A_204 = arith.constant 24576 : index
    %swap3A_205 = vector.load %arg2[%swap3A_204] : memref<262144xf32, #tpu.memory_space<vmem>>, vector<1024xf32>
    tpu.vector_store %arg2[%swap3A_204], %squeeze3A_203 {strides = array<i32>} : memref<262144xf32, #tpu.memory_space<vmem>>, vector<1024xf32>,
    %slice3A_206 = vector.extract_strided_slice %dot_general3A_201 {offsets = [1, 0], sizes = [1, 1024], strides = [1, 1]} : vector<8x1024xf32> to vector<1x1024xf32>
    %squeeze3A_207 = vector.shape_cast %slice3A_206 : vector<1x1024xf32> to vector<1024xf32>
    %swap3A_208 = arith.constant 25600 : index
    %swap3A_209 = vector.load %arg2[%swap3A_208] : memref<262144xf32, #tpu.memory_space<vmem>>, vector<1024xf32>
    tpu.vector_store %arg2[%swap3A_208], %squeeze3A_207 {strides = array<i32>} : memref<262144xf32, #tpu.memory_space<vmem>>, vector<1024xf32>,
    %slice3A_210 = vector.extract_strided_slice %dot_general3A_201 {offsets = [2, 0], sizes = [1, 1024], strides = [1, 1]} : vector<8x1024xf32> to vector<1x1024xf32>
    %squeeze3A_211 = vector.shape_cast %slice3A_210 : vector<1x1024xf32> to vector<1024xf32>
    %swap3A_212 = arith.constant 26624 : index
    %swap3A_213 = vector.load %arg2[%swap3A_212] : memref<262144xf32, #tpu.memory_space<vmem>>, vector<1024xf32>
    tpu.vector_store %arg2[%swap3A_212], %squeeze3A_211 {strides = array<i32>} : memref<262144xf32, #tpu.memory_space<vmem>>, vector<1024xf32>,
    %slice3A_214 = vector.extract_strided_slice %dot_general3A_201 {offsets = [3, 0], sizes = [1, 1024], strides = [1, 1]} : vector<8x1024xf32> to vector<1x1024xf32>
    %squeeze3A_215 = vector.shape_cast %slice3A_214 : vector<1x1024xf32> to vector<1024xf32>
    %swap3A_216 = arith.constant 27648 : index
    %swap3A_217 = vector.load %arg2[%swap3A_216] : memref<262144xf32, #tpu.memory_space<vmem>>, vector<1024xf32>
    tpu.vector_store %arg2[%swap3A_216], %squeeze3A_215 {strides = array<i32>} : memref<262144xf32, #tpu.memory_space<vmem>>, vector<1024xf32>,
    %slice3A_218 = vector.extract_strided_slice %dot_general3A_201 {offsets = [4, 0], sizes = [1, 1024], strides = [1, 1]} : vector<8x1024xf32> to vector<1x1024xf32>
    %squeeze3A_219 = vector.shape_cast %slice3A_218 : vector<1x1024xf32> to vector<1024xf32>
    %swap3A_220 = arith.constant 28672 : index
    %swap3A_221 = vector.load %arg2[%swap3A_220] : memref<262144xf32, #tpu.memory_space<vmem>>, vector<1024xf32>
    tpu.vector_store %arg2[%swap3A_220], %squeeze3A_219 {strides = array<i32>} : memref<262144xf32, #tpu.memory_space<vmem>>, vector<1024xf32>,
    %slice3A_222 = vector.extract_strided_slice %dot_general3A_201 {offsets = [5, 0], sizes = [1, 1024], strides = [1, 1]} : vector<8x1024xf32> to vector<1x1024xf32>
    %squeeze3A_223 = vector.shape_cast %slice3A_222 : vector<1x1024xf32> to vector<1024xf32>
    %swap3A_224 = arith.constant 29696 : index
    %swap3A_225 = vector.load %arg2[%swap3A_224] : memref<262144xf32, #tpu.memory_space<vmem>>, vector<1024xf32>
    tpu.vector_store %arg2[%swap3A_224], %squeeze3A_223 {strides = array<i32>} : memref<262144xf32, #tpu.memory_space<vmem>>, vector<1024xf32>,
    %slice3A_226 = vector.extract_strided_slice %dot_general3A_201 {offsets = [6, 0], sizes = [1, 1024], strides = [1, 1]} : vector<8x1024xf32> to vector<1x1024xf32>
    %squeeze3A_227 = vector.shape_cast %slice3A_226 : vector<1x1024xf32> to vector<1024xf32>
    %swap3A_228 = arith.constant 30720 : index
    %swap3A_229 = vector.load %arg2[%swap3A_228] : memref<262144xf32, #tpu.memory_space<vmem>>, vector<1024xf32>
    tpu.vector_store %arg2[%swap3A_228], %squeeze3A_227 {strides = array<i32>} : memref<262144xf32, #tpu.memory_space<vmem>>, vector<1024xf32>,
    %slice3A_230 = vector.extract_strided_slice %dot_general3A_201 {offsets = [7, 0], sizes = [1, 1024], strides = [1, 1]} : vector<8x1024xf32> to vector<1x1024xf32>
    %squeeze3A_231 = vector.shape_cast %slice3A_230 : vector<1x1024xf32> to vector<1024xf32>
    %swap3A_232 = arith.constant 31744 : index
    %swap3A_233 = vector.load %arg2[%swap3A_232] : memref<262144xf32, #tpu.memory_space<vmem>>, vector<1024xf32>
    tpu.vector_store %arg2[%swap3A_232], %squeeze3A_231 {strides = array<i32>} : memref<262144xf32, #tpu.memory_space<vmem>>, vector<1024xf32>,
    %dma_start3A_234 = arith.constant 3 : i32
    %dma_start3A_235 = tpu.memref_slice %arg11[%dma_start3A_234] : memref<8x!tpu.dma_semaphore, #tpu.memory_space<semaphore_mem>> -> memref<1x!tpu.dma_semaphore, #tpu.memory_space<semaphore_mem>>
    %dma_start3A_236 = tpu.memref_squeeze %dma_start3A_235 : memref<1x!tpu.dma_semaphore, #tpu.memory_space<semaphore_mem>> -> memref<!tpu.dma_semaphore, #tpu.memory_space<semaphore_mem>>
    %dma_start3A_237 = arith.constant 11264 : i32
    %dma_start3A_238 = arith.constant 0 : i32
    %dma_start3A_239 = tpu.memref_slice %arg0[%dma_start3A_237, %dma_start3A_238] : memref<32768x768xf32, #tpu.memory_space<hbm>> -> memref<1024x768xf32, #tpu.memory_space<hbm>>
    tpu.enqueue_dma source(%dma_start3A_239 : memref<1024x768xf32, #tpu.memory_space<hbm>>) target(%arg6 : memref<1024x768xf32, #tpu.memory_space<vmem>>) target_semaphore(%dma_start3A_236 : memref<!tpu.dma_semaphore, #tpu.memory_space<semaphore_mem>>)
    %dma_wait3A_240 = arith.constant 4 : i32
    %dma_wait3A_241 = tpu.memref_slice %arg11[%dma_wait3A_240] : memref<8x!tpu.dma_semaphore, #tpu.memory_space<semaphore_mem>> -> memref<1x!tpu.dma_semaphore, #tpu.memory_space<semaphore_mem>>
    %dma_wait3A_242 = tpu.memref_squeeze %dma_wait3A_241 : memref<1x!tpu.dma_semaphore, #tpu.memory_space<semaphore_mem>> -> memref<!tpu.dma_semaphore, #tpu.memory_space<semaphore_mem>>
    %dma_wait3A_243 = arith.constant 4096 : i32
    %dma_wait3A_244 = arith.constant 0 : i32
    %dma_wait3A_245 = tpu.memref_slice %arg0[%dma_wait3A_243, %dma_wait3A_244] : memref<32768x768xf32, #tpu.memory_space<hbm>> -> memref<1024x768xf32, #tpu.memory_space<hbm>>
    tpu.wait_dma2 semaphore(%dma_wait3A_242 : memref<!tpu.dma_semaphore, #tpu.memory_space<semaphore_mem>>) src(%dma_wait3A_245 : memref<1024x768xf32, #tpu.memory_space<hbm>>) dst(%arg7 : memref<1024x768xf32, #tpu.memory_space<vmem>>)
    %get3A_246 = arith.constant 0 : index
    %get3A_247 = arith.constant 0 : index
    %get3A_248 = vector.load %arg7[%get3A_246, %get3A_247] : memref<1024x768xf32, #tpu.memory_space<vmem>>, vector<1024x768xf32>
    %dot_general3A_249 = arith.constant dense<0.000000e+00> : vector<8x1024xf32>
    %dot_general3A_250 = tpu.matmul %get3A_48, %get3A_248, %dot_general3A_249 {dimension_numbers = #tpu.dot_dimension_numbers<[1], [1], [0], [0], [0, 0, 1, 0], [], []>, transpose_lhs_hint = false} : vector<8x768xf32>, vector<1024x768xf32>, vector<8x1024xf32> -> vector<8x1024xf32>
    %slice3A_251 = vector.extract_strided_slice %dot_general3A_250 {offsets = [0, 0], sizes = [1, 1024], strides = [1, 1]} : vector<8x1024xf32> to vector<1x1024xf32>
    %squeeze3A_252 = vector.shape_cast %slice3A_251 : vector<1x1024xf32> to vector<1024xf32>
    %swap3A_253 = arith.constant 32768 : index
    %swap3A_254 = vector.load %arg2[%swap3A_253] : memref<262144xf32, #tpu.memory_space<vmem>>, vector<1024xf32>
    tpu.vector_store %arg2[%swap3A_253], %squeeze3A_252 {strides = array<i32>} : memref<262144xf32, #tpu.memory_space<vmem>>, vector<1024xf32>,
    %slice3A_255 = vector.extract_strided_slice %dot_general3A_250 {offsets = [1, 0], sizes = [1, 1024], strides = [1, 1]} : vector<8x1024xf32> to vector<1x1024xf32>
    %squeeze3A_256 = vector.shape_cast %slice3A_255 : vector<1x1024xf32> to vector<1024xf32>
    %swap3A_257 = arith.constant 33792 : index
    %swap3A_258 = vector.load %arg2[%swap3A_257] : memref<262144xf32, #tpu.memory_space<vmem>>, vector<1024xf32>
    tpu.vector_store %arg2[%swap3A_257], %squeeze3A_256 {strides = array<i32>} : memref<262144xf32, #tpu.memory_space<vmem>>, vector<1024xf32>,
    %slice3A_259 = vector.extract_strided_slice %dot_general3A_250 {offsets = [2, 0], sizes = [1, 1024], strides = [1, 1]} : vector<8x1024xf32> to vector<1x1024xf32>
    %squeeze3A_260 = vector.shape_cast %slice3A_259 : vector<1x1024xf32> to vector<1024xf32>
    %swap3A_261 = arith.constant 34816 : index
    %swap3A_262 = vector.load %arg2[%swap3A_261] : memref<262144xf32, #tpu.memory_space<vmem>>, vector<1024xf32>
    tpu.vector_store %arg2[%swap3A_261], %squeeze3A_260 {strides = array<i32>} : memref<262144xf32, #tpu.memory_space<vmem>>, vector<1024xf32>,
    %slice3A_263 = vector.extract_strided_slice %dot_general3A_250 {offsets = [3, 0], sizes = [1, 1024], strides = [1, 1]} : vector<8x1024xf32> to vector<1x1024xf32>
    %squeeze3A_264 = vector.shape_cast %slice3A_263 : vector<1x1024xf32> to vector<1024xf32>
    %swap3A_265 = arith.constant 35840 : index
    %swap3A_266 = vector.load %arg2[%swap3A_265] : memref<262144xf32, #tpu.memory_space<vmem>>, vector<1024xf32>
    tpu.vector_store %arg2[%swap3A_265], %squeeze3A_264 {strides = array<i32>} : memref<262144xf32, #tpu.memory_space<vmem>>, vector<1024xf32>,
    %slice3A_267 = vector.extract_strided_slice %dot_general3A_250 {offsets = [4, 0], sizes = [1, 1024], strides = [1, 1]} : vector<8x1024xf32> to vector<1x1024xf32>
    %squeeze3A_268 = vector.shape_cast %slice3A_267 : vector<1x1024xf32> to vector<1024xf32>
    %swap3A_269 = arith.constant 36864 : index
    %swap3A_270 = vector.load %arg2[%swap3A_269] : memref<262144xf32, #tpu.memory_space<vmem>>, vector<1024xf32>
    tpu.vector_store %arg2[%swap3A_269], %squeeze3A_268 {strides = array<i32>} : memref<262144xf32, #tpu.memory_space<vmem>>, vector<1024xf32>,
    %slice3A_271 = vector.extract_strided_slice %dot_general3A_250 {offsets = [5, 0], sizes = [1, 1024], strides = [1, 1]} : vector<8x1024xf32> to vector<1x1024xf32>
    %squeeze3A_272 = vector.shape_cast %slice3A_271 : vector<1x1024xf32> to vector<1024xf32>
    %swap3A_273 = arith.constant 37888 : index
    %swap3A_274 = vector.load %arg2[%swap3A_273] : memref<262144xf32, #tpu.memory_space<vmem>>, vector<1024xf32>
    tpu.vector_store %arg2[%swap3A_273], %squeeze3A_272 {strides = array<i32>} : memref<262144xf32, #tpu.memory_space<vmem>>, vector<1024xf32>,
    %slice3A_275 = vector.extract_strided_slice %dot_general3A_250 {offsets = [6, 0], sizes = [1, 1024], strides = [1, 1]} : vector<8x1024xf32> to vector<1x1024xf32>
    %squeeze3A_276 = vector.shape_cast %slice3A_275 : vector<1x1024xf32> to vector<1024xf32>
    %swap3A_277 = arith.constant 38912 : index
    %swap3A_278 = vector.load %arg2[%swap3A_277] : memref<262144xf32, #tpu.memory_space<vmem>>, vector<1024xf32>
    tpu.vector_store %arg2[%swap3A_277], %squeeze3A_276 {strides = array<i32>} : memref<262144xf32, #tpu.memory_space<vmem>>, vector<1024xf32>,
    %slice3A_279 = vector.extract_strided_slice %dot_general3A_250 {offsets = [7, 0], sizes = [1, 1024], strides = [1, 1]} : vector<8x1024xf32> to vector<1x1024xf32>
    %squeeze3A_280 = vector.shape_cast %slice3A_279 : vector<1x1024xf32> to vector<1024xf32>
    %swap3A_281 = arith.constant 39936 : index
    %swap3A_282 = vector.load %arg2[%swap3A_281] : memref<262144xf32, #tpu.memory_space<vmem>>, vector<1024xf32>
    tpu.vector_store %arg2[%swap3A_281], %squeeze3A_280 {strides = array<i32>} : memref<262144xf32, #tpu.memory_space<vmem>>, vector<1024xf32>,
    %dma_start3A_283 = arith.constant 4 : i32
    %dma_start3A_284 = tpu.memref_slice %arg11[%dma_start3A_283] : memref<8x!tpu.dma_semaphore, #tpu.memory_space<semaphore_mem>> -> memref<1x!tpu.dma_semaphore, #tpu.memory_space<semaphore_mem>>
    %dma_start3A_285 = tpu.memref_squeeze %dma_start3A_284 : memref<1x!tpu.dma_semaphore, #tpu.memory_space<semaphore_mem>> -> memref<!tpu.dma_semaphore, #tpu.memory_space<semaphore_mem>>
    %dma_start3A_286 = arith.constant 12288 : i32
    %dma_start3A_287 = arith.constant 0 : i32
    %dma_start3A_288 = tpu.memref_slice %arg0[%dma_start3A_286, %dma_start3A_287] : memref<32768x768xf32, #tpu.memory_space<hbm>> -> memref<1024x768xf32, #tpu.memory_space<hbm>>
    tpu.enqueue_dma source(%dma_start3A_288 : memref<1024x768xf32, #tpu.memory_space<hbm>>) target(%arg7 : memref<1024x768xf32, #tpu.memory_space<vmem>>) target_semaphore(%dma_start3A_285 : memref<!tpu.dma_semaphore, #tpu.memory_space<semaphore_mem>>)
    %dma_wait3A_289 = arith.constant 5 : i32
    %dma_wait3A_290 = tpu.memref_slice %arg11[%dma_wait3A_289] : memref<8x!tpu.dma_semaphore, #tpu.memory_space<semaphore_mem>> -> memref<1x!tpu.dma_semaphore, #tpu.memory_space<semaphore_mem>>
    %dma_wait3A_291 = tpu.memref_squeeze %dma_wait3A_290 : memref<1x!tpu.dma_semaphore, #tpu.memory_space<semaphore_mem>> -> memref<!tpu.dma_semaphore, #tpu.memory_space<semaphore_mem>>
    %dma_wait3A_292 = arith.constant 5120 : i32
    %dma_wait3A_293 = arith.constant 0 : i32
    %dma_wait3A_294 = tpu.memref_slice %arg0[%dma_wait3A_292, %dma_wait3A_293] : memref<32768x768xf32, #tpu.memory_space<hbm>> -> memref<1024x768xf32, #tpu.memory_space<hbm>>
    tpu.wait_dma2 semaphore(%dma_wait3A_291 : memref<!tpu.dma_semaphore, #tpu.memory_space<semaphore_mem>>) src(%dma_wait3A_294 : memref<1024x768xf32, #tpu.memory_space<hbm>>) dst(%arg8 : memref<1024x768xf32, #tpu.memory_space<vmem>>)
    %get3A_295 = arith.constant 0 : index
    %get3A_296 = arith.constant 0 : index
    %get3A_297 = vector.load %arg8[%get3A_295, %get3A_296] : memref<1024x768xf32, #tpu.memory_space<vmem>>, vector<1024x768xf32>
    %dot_general3A_298 = arith.constant dense<0.000000e+00> : vector<8x1024xf32>
    %dot_general3A_299 = tpu.matmul %get3A_48, %get3A_297, %dot_general3A_298 {dimension_numbers = #tpu.dot_dimension_numbers<[1], [1], [0], [0], [0, 0, 1, 0], [], []>, transpose_lhs_hint = false} : vector<8x768xf32>, vector<1024x768xf32>, vector<8x1024xf32> -> vector<8x1024xf32>
    %slice3A_300 = vector.extract_strided_slice %dot_general3A_299 {offsets = [0, 0], sizes = [1, 1024], strides = [1, 1]} : vector<8x1024xf32> to vector<1x1024xf32>
    %squeeze3A_301 = vector.shape_cast %slice3A_300 : vector<1x1024xf32> to vector<1024xf32>
    %swap3A_302 = arith.constant 40960 : index
    %swap3A_303 = vector.load %arg2[%swap3A_302] : memref<262144xf32, #tpu.memory_space<vmem>>, vector<1024xf32>
    tpu.vector_store %arg2[%swap3A_302], %squeeze3A_301 {strides = array<i32>} : memref<262144xf32, #tpu.memory_space<vmem>>, vector<1024xf32>,
    %slice3A_304 = vector.extract_strided_slice %dot_general3A_299 {offsets = [1, 0], sizes = [1, 1024], strides = [1, 1]} : vector<8x1024xf32> to vector<1x1024xf32>
    %squeeze3A_305 = vector.shape_cast %slice3A_304 : vector<1x1024xf32> to vector<1024xf32>
    %swap3A_306 = arith.constant 41984 : index
    %swap3A_307 = vector.load %arg2[%swap3A_306] : memref<262144xf32, #tpu.memory_space<vmem>>, vector<1024xf32>
    tpu.vector_store %arg2[%swap3A_306], %squeeze3A_305 {strides = array<i32>} : memref<262144xf32, #tpu.memory_space<vmem>>, vector<1024xf32>,
    %slice3A_308 = vector.extract_strided_slice %dot_general3A_299 {offsets = [2, 0], sizes = [1, 1024], strides = [1, 1]} : vector<8x1024xf32> to vector<1x1024xf32>
    %squeeze3A_309 = vector.shape_cast %slice3A_308 : vector<1x1024xf32> to vector<1024xf32>
    %swap3A_310 = arith.constant 43008 : index
    %swap3A_311 = vector.load %arg2[%swap3A_310] : memref<262144xf32, #tpu.memory_space<vmem>>, vector<1024xf32>
    tpu.vector_store %arg2[%swap3A_310], %squeeze3A_309 {strides = array<i32>} : memref<262144xf32, #tpu.memory_space<vmem>>, vector<1024xf32>,
    %slice3A_312 = vector.extract_strided_slice %dot_general3A_299 {offsets = [3, 0], sizes = [1, 1024], strides = [1, 1]} : vector<8x1024xf32> to vector<1x1024xf32>
    %squeeze3A_313 = vector.shape_cast %slice3A_312 : vector<1x1024xf32> to vector<1024xf32>
    %swap3A_314 = arith.constant 44032 : index
    %swap3A_315 = vector.load %arg2[%swap3A_314] : memref<262144xf32, #tpu.memory_space<vmem>>, vector<1024xf32>
    tpu.vector_store %arg2[%swap3A_314], %squeeze3A_313 {strides = array<i32>} : memref<262144xf32, #tpu.memory_space<vmem>>, vector<1024xf32>,
    %slice3A_316 = vector.extract_strided_slice %dot_general3A_299 {offsets = [4, 0], sizes = [1, 1024], strides = [1, 1]} : vector<8x1024xf32> to vector<1x1024xf32>
    %squeeze3A_317 = vector.shape_cast %slice3A_316 : vector<1x1024xf32> to vector<1024xf32>
    %swap3A_318 = arith.constant 45056 : index
    %swap3A_319 = vector.load %arg2[%swap3A_318] : memref<262144xf32, #tpu.memory_space<vmem>>, vector<1024xf32>
    tpu.vector_store %arg2[%swap3A_318], %squeeze3A_317 {strides = array<i32>} : memref<262144xf32, #tpu.memory_space<vmem>>, vector<1024xf32>,
    %slice3A_320 = vector.extract_strided_slice %dot_general3A_299 {offsets = [5, 0], sizes = [1, 1024], strides = [1, 1]} : vector<8x1024xf32> to vector<1x1024xf32>
    %squeeze3A_321 = vector.shape_cast %slice3A_320 : vector<1x1024xf32> to vector<1024xf32>
    %swap3A_322 = arith.constant 46080 : index
    %swap3A_323 = vector.load %arg2[%swap3A_322] : memref<262144xf32, #tpu.memory_space<vmem>>, vector<1024xf32>
    tpu.vector_store %arg2[%swap3A_322], %squeeze3A_321 {strides = array<i32>} : memref<262144xf32, #tpu.memory_space<vmem>>, vector<1024xf32>,
    %slice3A_324 = vector.extract_strided_slice %dot_general3A_299 {offsets = [6, 0], sizes = [1, 1024], strides = [1, 1]} : vector<8x1024xf32> to vector<1x1024xf32>
    %squeeze3A_325 = vector.shape_cast %slice3A_324 : vector<1x1024xf32> to vector<1024xf32>
    %swap3A_326 = arith.constant 47104 : index
    %swap3A_327 = vector.load %arg2[%swap3A_326] : memref<262144xf32, #tpu.memory_space<vmem>>, vector<1024xf32>
    tpu.vector_store %arg2[%swap3A_326], %squeeze3A_325 {strides = array<i32>} : memref<262144xf32, #tpu.memory_space<vmem>>, vector<1024xf32>,
    %slice3A_328 = vector.extract_strided_slice %dot_general3A_299 {offsets = [7, 0], sizes = [1, 1024], strides = [1, 1]} : vector<8x1024xf32> to vector<1x1024xf32>
    %squeeze3A_329 = vector.shape_cast %slice3A_328 : vector<1x1024xf32> to vector<1024xf32>
    %swap3A_330 = arith.constant 48128 : index
    %swap3A_331 = vector.load %arg2[%swap3A_330] : memref<262144xf32, #tpu.memory_space<vmem>>, vector<1024xf32>
    tpu.vector_store %arg2[%swap3A_330], %squeeze3A_329 {strides = array<i32>} : memref<262144xf32, #tpu.memory_space<vmem>>, vector<1024xf32>,
    %dma_start3A_332 = arith.constant 5 : i32
    %dma_start3A_333 = tpu.memref_slice %arg11[%dma_start3A_332] : memref<8x!tpu.dma_semaphore, #tpu.memory_space<semaphore_mem>> -> memref<1x!tpu.dma_semaphore, #tpu.memory_space<semaphore_mem>>
    %dma_start3A_334 = tpu.memref_squeeze %dma_start3A_333 : memref<1x!tpu.dma_semaphore, #tpu.memory_space<semaphore_mem>> -> memref<!tpu.dma_semaphore, #tpu.memory_space<semaphore_mem>>
    %dma_start3A_335 = arith.constant 13312 : i32
    %dma_start3A_336 = arith.constant 0 : i32
    %dma_start3A_337 = tpu.memref_slice %arg0[%dma_start3A_335, %dma_start3A_336] : memref<32768x768xf32, #tpu.memory_space<hbm>> -> memref<1024x768xf32, #tpu.memory_space<hbm>>
    tpu.enqueue_dma source(%dma_start3A_337 : memref<1024x768xf32, #tpu.memory_space<hbm>>) target(%arg8 : memref<1024x768xf32, #tpu.memory_space<vmem>>) target_semaphore(%dma_start3A_334 : memref<!tpu.dma_semaphore, #tpu.memory_space<semaphore_mem>>)
    %dma_wait3A_338 = arith.constant 6 : i32
    %dma_wait3A_339 = tpu.memref_slice %arg11[%dma_wait3A_338] : memref<8x!tpu.dma_semaphore, #tpu.memory_space<semaphore_mem>> -> memref<1x!tpu.dma_semaphore, #tpu.memory_space<semaphore_mem>>
    %dma_wait3A_340 = tpu.memref_squeeze %dma_wait3A_339 : memref<1x!tpu.dma_semaphore, #tpu.memory_space<semaphore_mem>> -> memref<!tpu.dma_semaphore, #tpu.memory_space<semaphore_mem>>
    %dma_wait3A_341 = arith.constant 6144 : i32
    %dma_wait3A_342 = arith.constant 0 : i32
    %dma_wait3A_343 = tpu.memref_slice %arg0[%dma_wait3A_341, %dma_wait3A_342] : memref<32768x768xf32, #tpu.memory_space<hbm>> -> memref<1024x768xf32, #tpu.memory_space<hbm>>
    tpu.wait_dma2 semaphore(%dma_wait3A_340 : memref<!tpu.dma_semaphore, #tpu.memory_space<semaphore_mem>>) src(%dma_wait3A_343 : memref<1024x768xf32, #tpu.memory_space<hbm>>) dst(%arg9 : memref<1024x768xf32, #tpu.memory_space<vmem>>)
    %get3A_344 = arith.constant 0 : index
    %get3A_345 = arith.constant 0 : index
    %get3A_346 = vector.load %arg9[%get3A_344, %get3A_345] : memref<1024x768xf32, #tpu.memory_space<vmem>>, vector<1024x768xf32>
    %dot_general3A_347 = arith.constant dense<0.000000e+00> : vector<8x1024xf32>
    %dot_general3A_348 = tpu.matmul %get3A_48, %get3A_346, %dot_general3A_347 {dimension_numbers = #tpu.dot_dimension_numbers<[1], [1], [0], [0], [0, 0, 1, 0], [], []>, transpose_lhs_hint = false} : vector<8x768xf32>, vector<1024x768xf32>, vector<8x1024xf32> -> vector<8x1024xf32>
    %slice3A_349 = vector.extract_strided_slice %dot_general3A_348 {offsets = [0, 0], sizes = [1, 1024], strides = [1, 1]} : vector<8x1024xf32> to vector<1x1024xf32>
    %squeeze3A_350 = vector.shape_cast %slice3A_349 : vector<1x1024xf32> to vector<1024xf32>
    %swap3A_351 = arith.constant 49152 : index
    %swap3A_352 = vector.load %arg2[%swap3A_351] : memref<262144xf32, #tpu.memory_space<vmem>>, vector<1024xf32>
    tpu.vector_store %arg2[%swap3A_351], %squeeze3A_350 {strides = array<i32>} : memref<262144xf32, #tpu.memory_space<vmem>>, vector<1024xf32>,
    %slice3A_353 = vector.extract_strided_slice %dot_general3A_348 {offsets = [1, 0], sizes = [1, 1024], strides = [1, 1]} : vector<8x1024xf32> to vector<1x1024xf32>
    %squeeze3A_354 = vector.shape_cast %slice3A_353 : vector<1x1024xf32> to vector<1024xf32>
    %swap3A_355 = arith.constant 50176 : index
    %swap3A_356 = vector.load %arg2[%swap3A_355] : memref<262144xf32, #tpu.memory_space<vmem>>, vector<1024xf32>
    tpu.vector_store %arg2[%swap3A_355], %squeeze3A_354 {strides = array<i32>} : memref<262144xf32, #tpu.memory_space<vmem>>, vector<1024xf32>,
    %slice3A_357 = vector.extract_strided_slice %dot_general3A_348 {offsets = [2, 0], sizes = [1, 1024], strides = [1, 1]} : vector<8x1024xf32> to vector<1x1024xf32>
    %squeeze3A_358 = vector.shape_cast %slice3A_357 : vector<1x1024xf32> to vector<1024xf32>
    %swap3A_359 = arith.constant 51200 : index
    %swap3A_360 = vector.load %arg2[%swap3A_359] : memref<262144xf32, #tpu.memory_space<vmem>>, vector<1024xf32>
    tpu.vector_store %arg2[%swap3A_359], %squeeze3A_358 {strides = array<i32>} : memref<262144xf32, #tpu.memory_space<vmem>>, vector<1024xf32>,
    %slice3A_361 = vector.extract_strided_slice %dot_general3A_348 {offsets = [3, 0], sizes = [1, 1024], strides = [1, 1]} : vector<8x1024xf32> to vector<1x1024xf32>
    %squeeze3A_362 = vector.shape_cast %slice3A_361 : vector<1x1024xf32> to vector<1024xf32>
    %swap3A_363 = arith.constant 52224 : index
    %swap3A_364 = vector.load %arg2[%swap3A_363] : memref<262144xf32, #tpu.memory_space<vmem>>, vector<1024xf32>
    tpu.vector_store %arg2[%swap3A_363], %squeeze3A_362 {strides = array<i32>} : memref<262144xf32, #tpu.memory_space<vmem>>, vector<1024xf32>,
    %slice3A_365 = vector.extract_strided_slice %dot_general3A_348 {offsets = [4, 0], sizes = [1, 1024], strides = [1, 1]} : vector<8x1024xf32> to vector<1x1024xf32>
    %squeeze3A_366 = vector.shape_cast %slice3A_365 : vector<1x1024xf32> to vector<1024xf32>
    %swap3A_367 = arith.constant 53248 : index
    %swap3A_368 = vector.load %arg2[%swap3A_367] : memref<262144xf32, #tpu.memory_space<vmem>>, vector<1024xf32>
    tpu.vector_store %arg2[%swap3A_367], %squeeze3A_366 {strides = array<i32>} : memref<262144xf32, #tpu.memory_space<vmem>>, vector<1024xf32>,
    %slice3A_369 = vector.extract_strided_slice %dot_general3A_348 {offsets = [5, 0], sizes = [1, 1024], strides = [1, 1]} : vector<8x1024xf32> to vector<1x1024xf32>
    %squeeze3A_370 = vector.shape_cast %slice3A_369 : vector<1x1024xf32> to vector<1024xf32>
    %swap3A_371 = arith.constant 54272 : index
    %swap3A_372 = vector.load %arg2[%swap3A_371] : memref<262144xf32, #tpu.memory_space<vmem>>, vector<1024xf32>
    tpu.vector_store %arg2[%swap3A_371], %squeeze3A_370 {strides = array<i32>} : memref<262144xf32, #tpu.memory_space<vmem>>, vector<1024xf32>,
    %slice3A_373 = vector.extract_strided_slice %dot_general3A_348 {offsets = [6, 0], sizes = [1, 1024], strides = [1, 1]} : vector<8x1024xf32> to vector<1x1024xf32>
    %squeeze3A_374 = vector.shape_cast %slice3A_373 : vector<1x1024xf32> to vector<1024xf32>
    %swap3A_375 = arith.constant 55296 : index
    %swap3A_376 = vector.load %arg2[%swap3A_375] : memref<262144xf32, #tpu.memory_space<vmem>>, vector<1024xf32>
    tpu.vector_store %arg2[%swap3A_375], %squeeze3A_374 {strides = array<i32>} : memref<262144xf32, #tpu.memory_space<vmem>>, vector<1024xf32>,
    %slice3A_377 = vector.extract_strided_slice %dot_general3A_348 {offsets = [7, 0], sizes = [1, 1024], strides = [1, 1]} : vector<8x1024xf32> to vector<1x1024xf32>
    %squeeze3A_378 = vector.shape_cast %slice3A_377 : vector<1x1024xf32> to vector<1024xf32>
    %swap3A_379 = arith.constant 56320 : index
    %swap3A_380 = vector.load %arg2[%swap3A_379] : memref<262144xf32, #tpu.memory_space<vmem>>, vector<1024xf32>
    tpu.vector_store %arg2[%swap3A_379], %squeeze3A_378 {strides = array<i32>} : memref<262144xf32, #tpu.memory_space<vmem>>, vector<1024xf32>,
    %dma_start3A_381 = arith.constant 6 : i32
    %dma_start3A_382 = tpu.memref_slice %arg11[%dma_start3A_381] : memref<8x!tpu.dma_semaphore, #tpu.memory_space<semaphore_mem>> -> memref<1x!tpu.dma_semaphore, #tpu.memory_space<semaphore_mem>>
    %dma_start3A_383 = tpu.memref_squeeze %dma_start3A_382 : memref<1x!tpu.dma_semaphore, #tpu.memory_space<semaphore_mem>> -> memref<!tpu.dma_semaphore, #tpu.memory_space<semaphore_mem>>
    %dma_start3A_384 = arith.constant 14336 : i32
    %dma_start3A_385 = arith.constant 0 : i32
    %dma_start3A_386 = tpu.memref_slice %arg0[%dma_start3A_384, %dma_start3A_385] : memref<32768x768xf32, #tpu.memory_space<hbm>> -> memref<1024x768xf32, #tpu.memory_space<hbm>>
    tpu.enqueue_dma source(%dma_start3A_386 : memref<1024x768xf32, #tpu.memory_space<hbm>>) target(%arg9 : memref<1024x768xf32, #tpu.memory_space<vmem>>) target_semaphore(%dma_start3A_383 : memref<!tpu.dma_semaphore, #tpu.memory_space<semaphore_mem>>)
    %dma_wait3A_387 = arith.constant 7 : i32
    %dma_wait3A_388 = tpu.memref_slice %arg11[%dma_wait3A_387] : memref<8x!tpu.dma_semaphore, #tpu.memory_space<semaphore_mem>> -> memref<1x!tpu.dma_semaphore, #tpu.memory_space<semaphore_mem>>
    %dma_wait3A_389 = tpu.memref_squeeze %dma_wait3A_388 : memref<1x!tpu.dma_semaphore, #tpu.memory_space<semaphore_mem>> -> memref<!tpu.dma_semaphore, #tpu.memory_space<semaphore_mem>>
    %dma_wait3A_390 = arith.constant 7168 : i32
    %dma_wait3A_391 = arith.constant 0 : i32
    %dma_wait3A_392 = tpu.memref_slice %arg0[%dma_wait3A_390, %dma_wait3A_391] : memref<32768x768xf32, #tpu.memory_space<hbm>> -> memref<1024x768xf32, #tpu.memory_space<hbm>>
    tpu.wait_dma2 semaphore(%dma_wait3A_389 : memref<!tpu.dma_semaphore, #tpu.memory_space<semaphore_mem>>) src(%dma_wait3A_392 : memref<1024x768xf32, #tpu.memory_space<hbm>>) dst(%arg10 : memref<1024x768xf32, #tpu.memory_space<vmem>>)
    %get3A_393 = arith.constant 0 : index
    %get3A_394 = arith.constant 0 : index
    %get3A_395 = vector.load %arg10[%get3A_393, %get3A_394] : memref<1024x768xf32, #tpu.memory_space<vmem>>, vector<1024x768xf32>
    %dot_general3A_396 = arith.constant dense<0.000000e+00> : vector<8x1024xf32>
    %dot_general3A_397 = tpu.matmul %get3A_48, %get3A_395, %dot_general3A_396 {dimension_numbers = #tpu.dot_dimension_numbers<[1], [1], [0], [0], [0, 0, 1, 0], [], []>, transpose_lhs_hint = false} : vector<8x768xf32>, vector<1024x768xf32>, vector<8x1024xf32> -> vector<8x1024xf32>
    %slice3A_398 = vector.extract_strided_slice %dot_general3A_397 {offsets = [0, 0], sizes = [1, 1024], strides = [1, 1]} : vector<8x1024xf32> to vector<1x1024xf32>
    %squeeze3A_399 = vector.shape_cast %slice3A_398 : vector<1x1024xf32> to vector<1024xf32>
    %swap3A_400 = arith.constant 57344 : index
    %swap3A_401 = vector.load %arg2[%swap3A_400] : memref<262144xf32, #tpu.memory_space<vmem>>, vector<1024xf32>
    tpu.vector_store %arg2[%swap3A_400], %squeeze3A_399 {strides = array<i32>} : memref<262144xf32, #tpu.memory_space<vmem>>, vector<1024xf32>,
    %slice3A_402 = vector.extract_strided_slice %dot_general3A_397 {offsets = [1, 0], sizes = [1, 1024], strides = [1, 1]} : vector<8x1024xf32> to vector<1x1024xf32>
    %squeeze3A_403 = vector.shape_cast %slice3A_402 : vector<1x1024xf32> to vector<1024xf32>
    %swap3A_404 = arith.constant 58368 : index
    %swap3A_405 = vector.load %arg2[%swap3A_404] : memref<262144xf32, #tpu.memory_space<vmem>>, vector<1024xf32>
    tpu.vector_store %arg2[%swap3A_404], %squeeze3A_403 {strides = array<i32>} : memref<262144xf32, #tpu.memory_space<vmem>>, vector<1024xf32>,
    %slice3A_406 = vector.extract_strided_slice %dot_general3A_397 {offsets = [2, 0], sizes = [1, 1024], strides = [1, 1]} : vector<8x1024xf32> to vector<1x1024xf32>
    %squeeze3A_407 = vector.shape_cast %slice3A_406 : vector<1x1024xf32> to vector<1024xf32>
    %swap3A_408 = arith.constant 59392 : index
    %swap3A_409 = vector.load %arg2[%swap3A_408] : memref<262144xf32, #tpu.memory_space<vmem>>, vector<1024xf32>
    tpu.vector_store %arg2[%swap3A_408], %squeeze3A_407 {strides = array<i32>} : memref<262144xf32, #tpu.memory_space<vmem>>, vector<1024xf32>,
    %slice3A_410 = vector.extract_strided_slice %dot_general3A_397 {offsets = [3, 0], sizes = [1, 1024], strides = [1, 1]} : vector<8x1024xf32> to vector<1x1024xf32>
    %squeeze3A_411 = vector.shape_cast %slice3A_410 : vector<1x1024xf32> to vector<1024xf32>
    %swap3A_412 = arith.constant 60416 : index
    %swap3A_413 = vector.load %arg2[%swap3A_412] : memref<262144xf32, #tpu.memory_space<vmem>>, vector<1024xf32>
    tpu.vector_store %arg2[%swap3A_412], %squeeze3A_411 {strides = array<i32>} : memref<262144xf32, #tpu.memory_space<vmem>>, vector<1024xf32>,
    %slice3A_414 = vector.extract_strided_slice %dot_general3A_397 {offsets = [4, 0], sizes = [1, 1024], strides = [1, 1]} : vector<8x1024xf32> to vector<1x1024xf32>
    %squeeze3A_415 = vector.shape_cast %slice3A_414 : vector<1x1024xf32> to vector<1024xf32>
    %swap3A_416 = arith.constant 61440 : index
    %swap3A_417 = vector.load %arg2[%swap3A_416] : memref<262144xf32, #tpu.memory_space<vmem>>, vector<1024xf32>
    tpu.vector_store %arg2[%swap3A_416], %squeeze3A_415 {strides = array<i32>} : memref<262144xf32, #tpu.memory_space<vmem>>, vector<1024xf32>,
    %slice3A_418 = vector.extract_strided_slice %dot_general3A_397 {offsets = [5, 0], sizes = [1, 1024], strides = [1, 1]} : vector<8x1024xf32> to vector<1x1024xf32>
    %squeeze3A_419 = vector.shape_cast %slice3A_418 : vector<1x1024xf32> to vector<1024xf32>
    %swap3A_420 = arith.constant 62464 : index
    %swap3A_421 = vector.load %arg2[%swap3A_420] : memref<262144xf32, #tpu.memory_space<vmem>>, vector<1024xf32>
    tpu.vector_store %arg2[%swap3A_420], %squeeze3A_419 {strides = array<i32>} : memref<262144xf32, #tpu.memory_space<vmem>>, vector<1024xf32>,
    %slice3A_422 = vector.extract_strided_slice %dot_general3A_397 {offsets = [6, 0], sizes = [1, 1024], strides = [1, 1]} : vector<8x1024xf32> to vector<1x1024xf32>
    %squeeze3A_423 = vector.shape_cast %slice3A_422 : vector<1x1024xf32> to vector<1024xf32>
    %swap3A_424 = arith.constant 63488 : index
    %swap3A_425 = vector.load %arg2[%swap3A_424] : memref<262144xf32, #tpu.memory_space<vmem>>, vector<1024xf32>
    tpu.vector_store %arg2[%swap3A_424], %squeeze3A_423 {strides = array<i32>} : memref<262144xf32, #tpu.memory_space<vmem>>, vector<1024xf32>,
    %slice3A_426 = vector.extract_strided_slice %dot_general3A_397 {offsets = [7, 0], sizes = [1, 1024], strides = [1, 1]} : vector<8x1024xf32> to vector<1x1024xf32>
    %squeeze3A_427 = vector.shape_cast %slice3A_426 : vector<1x1024xf32> to vector<1024xf32>
    %swap3A_428 = arith.constant 64512 : index
    %swap3A_429 = vector.load %arg2[%swap3A_428] : memref<262144xf32, #tpu.memory_space<vmem>>, vector<1024xf32>
    tpu.vector_store %arg2[%swap3A_428], %squeeze3A_427 {strides = array<i32>} : memref<262144xf32, #tpu.memory_space<vmem>>, vector<1024xf32>,
    %dma_start3A_430 = arith.constant 7 : i32
    %dma_start3A_431 = tpu.memref_slice %arg11[%dma_start3A_430] : memref<8x!tpu.dma_semaphore, #tpu.memory_space<semaphore_mem>> -> memref<1x!tpu.dma_semaphore, #tpu.memory_space<semaphore_mem>>
    %dma_start3A_432 = tpu.memref_squeeze %dma_start3A_431 : memref<1x!tpu.dma_semaphore, #tpu.memory_space<semaphore_mem>> -> memref<!tpu.dma_semaphore, #tpu.memory_space<semaphore_mem>>
    %dma_start3A_433 = arith.constant 15360 : i32
    %dma_start3A_434 = arith.constant 0 : i32
    %dma_start3A_435 = tpu.memref_slice %arg0[%dma_start3A_433, %dma_start3A_434] : memref<32768x768xf32, #tpu.memory_space<hbm>> -> memref<1024x768xf32, #tpu.memory_space<hbm>>
    tpu.enqueue_dma source(%dma_start3A_435 : memref<1024x768xf32, #tpu.memory_space<hbm>>) target(%arg10 : memref<1024x768xf32, #tpu.memory_space<vmem>>) target_semaphore(%dma_start3A_432 : memref<!tpu.dma_semaphore, #tpu.memory_space<semaphore_mem>>)
    %dma_wait3A_436 = arith.constant 0 : i32
    %dma_wait3A_437 = tpu.memref_slice %arg11[%dma_wait3A_436] : memref<8x!tpu.dma_semaphore, #tpu.memory_space<semaphore_mem>> -> memref<1x!tpu.dma_semaphore, #tpu.memory_space<semaphore_mem>>
    %dma_wait3A_438 = tpu.memref_squeeze %dma_wait3A_437 : memref<1x!tpu.dma_semaphore, #tpu.memory_space<semaphore_mem>> -> memref<!tpu.dma_semaphore, #tpu.memory_space<semaphore_mem>>
    %dma_wait3A_439 = arith.constant 8192 : i32
    %dma_wait3A_440 = arith.constant 0 : i32
    %dma_wait3A_441 = tpu.memref_slice %arg0[%dma_wait3A_439, %dma_wait3A_440] : memref<32768x768xf32, #tpu.memory_space<hbm>> -> memref<1024x768xf32, #tpu.memory_space<hbm>>
    tpu.wait_dma2 semaphore(%dma_wait3A_438 : memref<!tpu.dma_semaphore, #tpu.memory_space<semaphore_mem>>) src(%dma_wait3A_441 : memref<1024x768xf32, #tpu.memory_space<hbm>>) dst(%arg3 : memref<1024x768xf32, #tpu.memory_space<vmem>>)
    %get3A_442 = arith.constant 0 : index
    %get3A_443 = arith.constant 0 : index
    %get3A_444 = vector.load %arg3[%get3A_442, %get3A_443] : memref<1024x768xf32, #tpu.memory_space<vmem>>, vector<1024x768xf32>
    %dot_general3A_445 = arith.constant dense<0.000000e+00> : vector<8x1024xf32>
    %dot_general3A_446 = tpu.matmul %get3A_48, %get3A_444, %dot_general3A_445 {dimension_numbers = #tpu.dot_dimension_numbers<[1], [1], [0], [0], [0, 0, 1, 0], [], []>, transpose_lhs_hint = false} : vector<8x768xf32>, vector<1024x768xf32>, vector<8x1024xf32> -> vector<8x1024xf32>
    %slice3A_447 = vector.extract_strided_slice %dot_general3A_446 {offsets = [0, 0], sizes = [1, 1024], strides = [1, 1]} : vector<8x1024xf32> to vector<1x1024xf32>
    %squeeze3A_448 = vector.shape_cast %slice3A_447 : vector<1x1024xf32> to vector<1024xf32>
    %swap3A_449 = arith.constant 65536 : index
    %swap3A_450 = vector.load %arg2[%swap3A_449] : memref<262144xf32, #tpu.memory_space<vmem>>, vector<1024xf32>
    tpu.vector_store %arg2[%swap3A_449], %squeeze3A_448 {strides = array<i32>} : memref<262144xf32, #tpu.memory_space<vmem>>, vector<1024xf32>,
    %slice3A_451 = vector.extract_strided_slice %dot_general3A_446 {offsets = [1, 0], sizes = [1, 1024], strides = [1, 1]} : vector<8x1024xf32> to vector<1x1024xf32>
    %squeeze3A_452 = vector.shape_cast %slice3A_451 : vector<1x1024xf32> to vector<1024xf32>
    %swap3A_453 = arith.constant 66560 : index
    %swap3A_454 = vector.load %arg2[%swap3A_453] : memref<262144xf32, #tpu.memory_space<vmem>>, vector<1024xf32>
    tpu.vector_store %arg2[%swap3A_453], %squeeze3A_452 {strides = array<i32>} : memref<262144xf32, #tpu.memory_space<vmem>>, vector<1024xf32>,
    %slice3A_455 = vector.extract_strided_slice %dot_general3A_446 {offsets = [2, 0], sizes = [1, 1024], strides = [1, 1]} : vector<8x1024xf32> to vector<1x1024xf32>
    %squeeze3A_456 = vector.shape_cast %slice3A_455 : vector<1x1024xf32> to vector<1024xf32>
    %swap3A_457 = arith.constant 67584 : index
    %swap3A_458 = vector.load %arg2[%swap3A_457] : memref<262144xf32, #tpu.memory_space<vmem>>, vector<1024xf32>
    tpu.vector_store %arg2[%swap3A_457], %squeeze3A_456 {strides = array<i32>} : memref<262144xf32, #tpu.memory_space<vmem>>, vector<1024xf32>,
    %slice3A_459 = vector.extract_strided_slice %dot_general3A_446 {offsets = [3, 0], sizes = [1, 1024], strides = [1, 1]} : vector<8x1024xf32> to vector<1x1024xf32>
    %squeeze3A_460 = vector.shape_cast %slice3A_459 : vector<1x1024xf32> to vector<1024xf32>
    %swap3A_461 = arith.constant 68608 : index
    %swap3A_462 = vector.load %arg2[%swap3A_461] : memref<262144xf32, #tpu.memory_space<vmem>>, vector<1024xf32>
    tpu.vector_store %arg2[%swap3A_461], %squeeze3A_460 {strides = array<i32>} : memref<262144xf32, #tpu.memory_space<vmem>>, vector<1024xf32>,
    %slice3A_463 = vector.extract_strided_slice %dot_general3A_446 {offsets = [4, 0], sizes = [1, 1024], strides = [1, 1]} : vector<8x1024xf32> to vector<1x1024xf32>
    %squeeze3A_464 = vector.shape_cast %slice3A_463 : vector<1x1024xf32> to vector<1024xf32>
    %swap3A_465 = arith.constant 69632 : index
    %swap3A_466 = vector.load %arg2[%swap3A_465] : memref<262144xf32, #tpu.memory_space<vmem>>, vector<1024xf32>
    tpu.vector_store %arg2[%swap3A_465], %squeeze3A_464 {strides = array<i32>} : memref<262144xf32, #tpu.memory_space<vmem>>, vector<1024xf32>,
    %slice3A_467 = vector.extract_strided_slice %dot_general3A_446 {offsets = [5, 0], sizes = [1, 1024], strides = [1, 1]} : vector<8x1024xf32> to vector<1x1024xf32>
    %squeeze3A_468 = vector.shape_cast %slice3A_467 : vector<1x1024xf32> to vector<1024xf32>
    %swap3A_469 = arith.constant 70656 : index
    %swap3A_470 = vector.load %arg2[%swap3A_469] : memref<262144xf32, #tpu.memory_space<vmem>>, vector<1024xf32>
    tpu.vector_store %arg2[%swap3A_469], %squeeze3A_468 {strides = array<i32>} : memref<262144xf32, #tpu.memory_space<vmem>>, vector<1024xf32>,
    %slice3A_471 = vector.extract_strided_slice %dot_general3A_446 {offsets = [6, 0], sizes = [1, 1024], strides = [1, 1]} : vector<8x1024xf32> to vector<1x1024xf32>
    %squeeze3A_472 = vector.shape_cast %slice3A_471 : vector<1x1024xf32> to vector<1024xf32>
    %swap3A_473 = arith.constant 71680 : index
    %swap3A_474 = vector.load %arg2[%swap3A_473] : memref<262144xf32, #tpu.memory_space<vmem>>, vector<1024xf32>
    tpu.vector_store %arg2[%swap3A_473], %squeeze3A_472 {strides = array<i32>} : memref<262144xf32, #tpu.memory_space<vmem>>, vector<1024xf32>,
    %slice3A_475 = vector.extract_strided_slice %dot_general3A_446 {offsets = [7, 0], sizes = [1, 1024], strides = [1, 1]} : vector<8x1024xf32> to vector<1x1024xf32>
    %squeeze3A_476 = vector.shape_cast %slice3A_475 : vector<1x1024xf32> to vector<1024xf32>
    %swap3A_477 = arith.constant 72704 : index
    %swap3A_478 = vector.load %arg2[%swap3A_477] : memref<262144xf32, #tpu.memory_space<vmem>>, vector<1024xf32>
    tpu.vector_store %arg2[%swap3A_477], %squeeze3A_476 {strides = array<i32>} : memref<262144xf32, #tpu.memory_space<vmem>>, vector<1024xf32>,
    %dma_start3A_479 = arith.constant 0 : i32
    %dma_start3A_480 = tpu.memref_slice %arg11[%dma_start3A_479] : memref<8x!tpu.dma_semaphore, #tpu.memory_space<semaphore_mem>> -> memref<1x!tpu.dma_semaphore, #tpu.memory_space<semaphore_mem>>
    %dma_start3A_481 = tpu.memref_squeeze %dma_start3A_480 : memref<1x!tpu.dma_semaphore, #tpu.memory_space<semaphore_mem>> -> memref<!tpu.dma_semaphore, #tpu.memory_space<semaphore_mem>>
    %dma_start3A_482 = arith.constant 16384 : i32
    %dma_start3A_483 = arith.constant 0 : i32
    %dma_start3A_484 = tpu.memref_slice %arg0[%dma_start3A_482, %dma_start3A_483] : memref<32768x768xf32, #tpu.memory_space<hbm>> -> memref<1024x768xf32, #tpu.memory_space<hbm>>
    tpu.enqueue_dma source(%dma_start3A_484 : memref<1024x768xf32, #tpu.memory_space<hbm>>) target(%arg3 : memref<1024x768xf32, #tpu.memory_space<vmem>>) target_semaphore(%dma_start3A_481 : memref<!tpu.dma_semaphore, #tpu.memory_space<semaphore_mem>>)
    %dma_wait3A_485 = arith.constant 1 : i32
    %dma_wait3A_486 = tpu.memref_slice %arg11[%dma_wait3A_485] : memref<8x!tpu.dma_semaphore, #tpu.memory_space<semaphore_mem>> -> memref<1x!tpu.dma_semaphore, #tpu.memory_space<semaphore_mem>>
    %dma_wait3A_487 = tpu.memref_squeeze %dma_wait3A_486 : memref<1x!tpu.dma_semaphore, #tpu.memory_space<semaphore_mem>> -> memref<!tpu.dma_semaphore, #tpu.memory_space<semaphore_mem>>
    %dma_wait3A_488 = arith.constant 9216 : i32
    %dma_wait3A_489 = arith.constant 0 : i32
    %dma_wait3A_490 = tpu.memref_slice %arg0[%dma_wait3A_488, %dma_wait3A_489] : memref<32768x768xf32, #tpu.memory_space<hbm>> -> memref<1024x768xf32, #tpu.memory_space<hbm>>
    tpu.wait_dma2 semaphore(%dma_wait3A_487 : memref<!tpu.dma_semaphore, #tpu.memory_space<semaphore_mem>>) src(%dma_wait3A_490 : memref<1024x768xf32, #tpu.memory_space<hbm>>) dst(%arg4 : memref<1024x768xf32, #tpu.memory_space<vmem>>)
    %get3A_491 = arith.constant 0 : index
    %get3A_492 = arith.constant 0 : index
    %get3A_493 = vector.load %arg4[%get3A_491, %get3A_492] : memref<1024x768xf32, #tpu.memory_space<vmem>>, vector<1024x768xf32>
    %dot_general3A_494 = arith.constant dense<0.000000e+00> : vector<8x1024xf32>
    %dot_general3A_495 = tpu.matmul %get3A_48, %get3A_493, %dot_general3A_494 {dimension_numbers = #tpu.dot_dimension_numbers<[1], [1], [0], [0], [0, 0, 1, 0], [], []>, transpose_lhs_hint = false} : vector<8x768xf32>, vector<1024x768xf32>, vector<8x1024xf32> -> vector<8x1024xf32>
    %slice3A_496 = vector.extract_strided_slice %dot_general3A_495 {offsets = [0, 0], sizes = [1, 1024], strides = [1, 1]} : vector<8x1024xf32> to vector<1x1024xf32>
    %squeeze3A_497 = vector.shape_cast %slice3A_496 : vector<1x1024xf32> to vector<1024xf32>
    %swap3A_498 = arith.constant 73728 : index
    %swap3A_499 = vector.load %arg2[%swap3A_498] : memref<262144xf32, #tpu.memory_space<vmem>>, vector<1024xf32>
    tpu.vector_store %arg2[%swap3A_498], %squeeze3A_497 {strides = array<i32>} : memref<262144xf32, #tpu.memory_space<vmem>>, vector<1024xf32>,
    %slice3A_500 = vector.extract_strided_slice %dot_general3A_495 {offsets = [1, 0], sizes = [1, 1024], strides = [1, 1]} : vector<8x1024xf32> to vector<1x1024xf32>
    %squeeze3A_501 = vector.shape_cast %slice3A_500 : vector<1x1024xf32> to vector<1024xf32>
    %swap3A_502 = arith.constant 74752 : index
    %swap3A_503 = vector.load %arg2[%swap3A_502] : memref<262144xf32, #tpu.memory_space<vmem>>, vector<1024xf32>
    tpu.vector_store %arg2[%swap3A_502], %squeeze3A_501 {strides = array<i32>} : memref<262144xf32, #tpu.memory_space<vmem>>, vector<1024xf32>,
    %slice3A_504 = vector.extract_strided_slice %dot_general3A_495 {offsets = [2, 0], sizes = [1, 1024], strides = [1, 1]} : vector<8x1024xf32> to vector<1x1024xf32>
    %squeeze3A_505 = vector.shape_cast %slice3A_504 : vector<1x1024xf32> to vector<1024xf32>
    %swap3A_506 = arith.constant 75776 : index
    %swap3A_507 = vector.load %arg2[%swap3A_506] : memref<262144xf32, #tpu.memory_space<vmem>>, vector<1024xf32>
    tpu.vector_store %arg2[%swap3A_506], %squeeze3A_505 {strides = array<i32>} : memref<262144xf32, #tpu.memory_space<vmem>>, vector<1024xf32>,
    %slice3A_508 = vector.extract_strided_slice %dot_general3A_495 {offsets = [3, 0], sizes = [1, 1024], strides = [1, 1]} : vector<8x1024xf32> to vector<1x1024xf32>
    %squeeze3A_509 = vector.shape_cast %slice3A_508 : vector<1x1024xf32> to vector<1024xf32>
    %swap3A_510 = arith.constant 76800 : index
    %swap3A_511 = vector.load %arg2[%swap3A_510] : memref<262144xf32, #tpu.memory_space<vmem>>, vector<1024xf32>
    tpu.vector_store %arg2[%swap3A_510], %squeeze3A_509 {strides = array<i32>} : memref<262144xf32, #tpu.memory_space<vmem>>, vector<1024xf32>,
    %slice3A_512 = vector.extract_strided_slice %dot_general3A_495 {offsets = [4, 0], sizes = [1, 1024], strides = [1, 1]} : vector<8x1024xf32> to vector<1x1024xf32>
    %squeeze3A_513 = vector.shape_cast %slice3A_512 : vector<1x1024xf32> to vector<1024xf32>
    %swap3A_514 = arith.constant 77824 : index
    %swap3A_515 = vector.load %arg2[%swap3A_514] : memref<262144xf32, #tpu.memory_space<vmem>>, vector<1024xf32>
    tpu.vector_store %arg2[%swap3A_514], %squeeze3A_513 {strides = array<i32>} : memref<262144xf32, #tpu.memory_space<vmem>>, vector<1024xf32>,
    %slice3A_516 = vector.extract_strided_slice %dot_general3A_495 {offsets = [5, 0], sizes = [1, 1024], strides = [1, 1]} : vector<8x1024xf32> to vector<1x1024xf32>
    %squeeze3A_517 = vector.shape_cast %slice3A_516 : vector<1x1024xf32> to vector<1024xf32>
    %swap3A_518 = arith.constant 78848 : index
    %swap3A_519 = vector.load %arg2[%swap3A_518] : memref<262144xf32, #tpu.memory_space<vmem>>, vector<1024xf32>
    tpu.vector_store %arg2[%swap3A_518], %squeeze3A_517 {strides = array<i32>} : memref<262144xf32, #tpu.memory_space<vmem>>, vector<1024xf32>,
    %slice3A_520 = vector.extract_strided_slice %dot_general3A_495 {offsets = [6, 0], sizes = [1, 1024], strides = [1, 1]} : vector<8x1024xf32> to vector<1x1024xf32>
    %squeeze3A_521 = vector.shape_cast %slice3A_520 : vector<1x1024xf32> to vector<1024xf32>
    %swap3A_522 = arith.constant 79872 : index
    %swap3A_523 = vector.load %arg2[%swap3A_522] : memref<262144xf32, #tpu.memory_space<vmem>>, vector<1024xf32>
    tpu.vector_store %arg2[%swap3A_522], %squeeze3A_521 {strides = array<i32>} : memref<262144xf32, #tpu.memory_space<vmem>>, vector<1024xf32>,
    %slice3A_524 = vector.extract_strided_slice %dot_general3A_495 {offsets = [7, 0], sizes = [1, 1024], strides = [1, 1]} : vector<8x1024xf32> to vector<1x1024xf32>
    %squeeze3A_525 = vector.shape_cast %slice3A_524 : vector<1x1024xf32> to vector<1024xf32>
    %swap3A_526 = arith.constant 80896 : index
    %swap3A_527 = vector.load %arg2[%swap3A_526] : memref<262144xf32, #tpu.memory_space<vmem>>, vector<1024xf32>
    tpu.vector_store %arg2[%swap3A_526], %squeeze3A_525 {strides = array<i32>} : memref<262144xf32, #tpu.memory_space<vmem>>, vector<1024xf32>,
    %dma_start3A_528 = arith.constant 1 : i32
    %dma_start3A_529 = tpu.memref_slice %arg11[%dma_start3A_528] : memref<8x!tpu.dma_semaphore, #tpu.memory_space<semaphore_mem>> -> memref<1x!tpu.dma_semaphore, #tpu.memory_space<semaphore_mem>>
    %dma_start3A_530 = tpu.memref_squeeze %dma_start3A_529 : memref<1x!tpu.dma_semaphore, #tpu.memory_space<semaphore_mem>> -> memref<!tpu.dma_semaphore, #tpu.memory_space<semaphore_mem>>
    %dma_start3A_531 = arith.constant 17408 : i32
    %dma_start3A_532 = arith.constant 0 : i32
    %dma_start3A_533 = tpu.memref_slice %arg0[%dma_start3A_531, %dma_start3A_532] : memref<32768x768xf32, #tpu.memory_space<hbm>> -> memref<1024x768xf32, #tpu.memory_space<hbm>>
    tpu.enqueue_dma source(%dma_start3A_533 : memref<1024x768xf32, #tpu.memory_space<hbm>>) target(%arg4 : memref<1024x768xf32, #tpu.memory_space<vmem>>) target_semaphore(%dma_start3A_530 : memref<!tpu.dma_semaphore, #tpu.memory_space<semaphore_mem>>)
    %dma_wait3A_534 = arith.constant 2 : i32
    %dma_wait3A_535 = tpu.memref_slice %arg11[%dma_wait3A_534] : memref<8x!tpu.dma_semaphore, #tpu.memory_space<semaphore_mem>> -> memref<1x!tpu.dma_semaphore, #tpu.memory_space<semaphore_mem>>
    %dma_wait3A_536 = tpu.memref_squeeze %dma_wait3A_535 : memref<1x!tpu.dma_semaphore, #tpu.memory_space<semaphore_mem>> -> memref<!tpu.dma_semaphore, #tpu.memory_space<semaphore_mem>>
    %dma_wait3A_537 = arith.constant 10240 : i32
    %dma_wait3A_538 = arith.constant 0 : i32
    %dma_wait3A_539 = tpu.memref_slice %arg0[%dma_wait3A_537, %dma_wait3A_538] : memref<32768x768xf32, #tpu.memory_space<hbm>> -> memref<1024x768xf32, #tpu.memory_space<hbm>>
    tpu.wait_dma2 semaphore(%dma_wait3A_536 : memref<!tpu.dma_semaphore, #tpu.memory_space<semaphore_mem>>) src(%dma_wait3A_539 : memref<1024x768xf32, #tpu.memory_space<hbm>>) dst(%arg5 : memref<1024x768xf32, #tpu.memory_space<vmem>>)
    %get3A_540 = arith.constant 0 : index
    %get3A_541 = arith.constant 0 : index
    %get3A_542 = vector.load %arg5[%get3A_540, %get3A_541] : memref<1024x768xf32, #tpu.memory_space<vmem>>, vector<1024x768xf32>
    %dot_general3A_543 = arith.constant dense<0.000000e+00> : vector<8x1024xf32>
    %dot_general3A_544 = tpu.matmul %get3A_48, %get3A_542, %dot_general3A_543 {dimension_numbers = #tpu.dot_dimension_numbers<[1], [1], [0], [0], [0, 0, 1, 0], [], []>, transpose_lhs_hint = false} : vector<8x768xf32>, vector<1024x768xf32>, vector<8x1024xf32> -> vector<8x1024xf32>
    %slice3A_545 = vector.extract_strided_slice %dot_general3A_544 {offsets = [0, 0], sizes = [1, 1024], strides = [1, 1]} : vector<8x1024xf32> to vector<1x1024xf32>
    %squeeze3A_546 = vector.shape_cast %slice3A_545 : vector<1x1024xf32> to vector<1024xf32>
    %swap3A_547 = arith.constant 81920 : index
    %swap3A_548 = vector.load %arg2[%swap3A_547] : memref<262144xf32, #tpu.memory_space<vmem>>, vector<1024xf32>
    tpu.vector_store %arg2[%swap3A_547], %squeeze3A_546 {strides = array<i32>} : memref<262144xf32, #tpu.memory_space<vmem>>, vector<1024xf32>,
    %slice3A_549 = vector.extract_strided_slice %dot_general3A_544 {offsets = [1, 0], sizes = [1, 1024], strides = [1, 1]} : vector<8x1024xf32> to vector<1x1024xf32>
    %squeeze3A_550 = vector.shape_cast %slice3A_549 : vector<1x1024xf32> to vector<1024xf32>
    %swap3A_551 = arith.constant 82944 : index
    %swap3A_552 = vector.load %arg2[%swap3A_551] : memref<262144xf32, #tpu.memory_space<vmem>>, vector<1024xf32>
    tpu.vector_store %arg2[%swap3A_551], %squeeze3A_550 {strides = array<i32>} : memref<262144xf32, #tpu.memory_space<vmem>>, vector<1024xf32>,
    %slice3A_553 = vector.extract_strided_slice %dot_general3A_544 {offsets = [2, 0], sizes = [1, 1024], strides = [1, 1]} : vector<8x1024xf32> to vector<1x1024xf32>
    %squeeze3A_554 = vector.shape_cast %slice3A_553 : vector<1x1024xf32> to vector<1024xf32>
    %swap3A_555 = arith.constant 83968 : index
    %swap3A_556 = vector.load %arg2[%swap3A_555] : memref<262144xf32, #tpu.memory_space<vmem>>, vector<1024xf32>
    tpu.vector_store %arg2[%swap3A_555], %squeeze3A_554 {strides = array<i32>} : memref<262144xf32, #tpu.memory_space<vmem>>, vector<1024xf32>,
    %slice3A_557 = vector.extract_strided_slice %dot_general3A_544 {offsets = [3, 0], sizes = [1, 1024], strides = [1, 1]} : vector<8x1024xf32> to vector<1x1024xf32>
    %squeeze3A_558 = vector.shape_cast %slice3A_557 : vector<1x1024xf32> to vector<1024xf32>
    %swap3A_559 = arith.constant 84992 : index
    %swap3A_560 = vector.load %arg2[%swap3A_559] : memref<262144xf32, #tpu.memory_space<vmem>>, vector<1024xf32>
    tpu.vector_store %arg2[%swap3A_559], %squeeze3A_558 {strides = array<i32>} : memref<262144xf32, #tpu.memory_space<vmem>>, vector<1024xf32>,
    %slice3A_561 = vector.extract_strided_slice %dot_general3A_544 {offsets = [4, 0], sizes = [1, 1024], strides = [1, 1]} : vector<8x1024xf32> to vector<1x1024xf32>
    %squeeze3A_562 = vector.shape_cast %slice3A_561 : vector<1x1024xf32> to vector<1024xf32>
    %swap3A_563 = arith.constant 86016 : index
    %swap3A_564 = vector.load %arg2[%swap3A_563] : memref<262144xf32, #tpu.memory_space<vmem>>, vector<1024xf32>
    tpu.vector_store %arg2[%swap3A_563], %squeeze3A_562 {strides = array<i32>} : memref<262144xf32, #tpu.memory_space<vmem>>, vector<1024xf32>,
    %slice3A_565 = vector.extract_strided_slice %dot_general3A_544 {offsets = [5, 0], sizes = [1, 1024], strides = [1, 1]} : vector<8x1024xf32> to vector<1x1024xf32>
    %squeeze3A_566 = vector.shape_cast %slice3A_565 : vector<1x1024xf32> to vector<1024xf32>
    %swap3A_567 = arith.constant 87040 : index
    %swap3A_568 = vector.load %arg2[%swap3A_567] : memref<262144xf32, #tpu.memory_space<vmem>>, vector<1024xf32>
    tpu.vector_store %arg2[%swap3A_567], %squeeze3A_566 {strides = array<i32>} : memref<262144xf32, #tpu.memory_space<vmem>>, vector<1024xf32>,
    %slice3A_569 = vector.extract_strided_slice %dot_general3A_544 {offsets = [6, 0], sizes = [1, 1024], strides = [1, 1]} : vector<8x1024xf32> to vector<1x1024xf32>
    %squeeze3A_570 = vector.shape_cast %slice3A_569 : vector<1x1024xf32> to vector<1024xf32>
    %swap3A_571 = arith.constant 88064 : index
    %swap3A_572 = vector.load %arg2[%swap3A_571] : memref<262144xf32, #tpu.memory_space<vmem>>, vector<1024xf32>
    tpu.vector_store %arg2[%swap3A_571], %squeeze3A_570 {strides = array<i32>} : memref<262144xf32, #tpu.memory_space<vmem>>, vector<1024xf32>,
    %slice3A_573 = vector.extract_strided_slice %dot_general3A_544 {offsets = [7, 0], sizes = [1, 1024], strides = [1, 1]} : vector<8x1024xf32> to vector<1x1024xf32>
    %squeeze3A_574 = vector.shape_cast %slice3A_573 : vector<1x1024xf32> to vector<1024xf32>
    %swap3A_575 = arith.constant 89088 : index
    %swap3A_576 = vector.load %arg2[%swap3A_575] : memref<262144xf32, #tpu.memory_space<vmem>>, vector<1024xf32>
    tpu.vector_store %arg2[%swap3A_575], %squeeze3A_574 {strides = array<i32>} : memref<262144xf32, #tpu.memory_space<vmem>>, vector<1024xf32>,
    %dma_start3A_577 = arith.constant 2 : i32
    %dma_start3A_578 = tpu.memref_slice %arg11[%dma_start3A_577] : memref<8x!tpu.dma_semaphore, #tpu.memory_space<semaphore_mem>> -> memref<1x!tpu.dma_semaphore, #tpu.memory_space<semaphore_mem>>
    %dma_start3A_579 = tpu.memref_squeeze %dma_start3A_578 : memref<1x!tpu.dma_semaphore, #tpu.memory_space<semaphore_mem>> -> memref<!tpu.dma_semaphore, #tpu.memory_space<semaphore_mem>>
    %dma_start3A_580 = arith.constant 18432 : i32
    %dma_start3A_581 = arith.constant 0 : i32
    %dma_start3A_582 = tpu.memref_slice %arg0[%dma_start3A_580, %dma_start3A_581] : memref<32768x768xf32, #tpu.memory_space<hbm>> -> memref<1024x768xf32, #tpu.memory_space<hbm>>
    tpu.enqueue_dma source(%dma_start3A_582 : memref<1024x768xf32, #tpu.memory_space<hbm>>) target(%arg5 : memref<1024x768xf32, #tpu.memory_space<vmem>>) target_semaphore(%dma_start3A_579 : memref<!tpu.dma_semaphore, #tpu.memory_space<semaphore_mem>>)
    %dma_wait3A_583 = arith.constant 3 : i32
    %dma_wait3A_584 = tpu.memref_slice %arg11[%dma_wait3A_583] : memref<8x!tpu.dma_semaphore, #tpu.memory_space<semaphore_mem>> -> memref<1x!tpu.dma_semaphore, #tpu.memory_space<semaphore_mem>>
    %dma_wait3A_585 = tpu.memref_squeeze %dma_wait3A_584 : memref<1x!tpu.dma_semaphore, #tpu.memory_space<semaphore_mem>> -> memref<!tpu.dma_semaphore, #tpu.memory_space<semaphore_mem>>
    %dma_wait3A_586 = arith.constant 11264 : i32
    %dma_wait3A_587 = arith.constant 0 : i32
    %dma_wait3A_588 = tpu.memref_slice %arg0[%dma_wait3A_586, %dma_wait3A_587] : memref<32768x768xf32, #tpu.memory_space<hbm>> -> memref<1024x768xf32, #tpu.memory_space<hbm>>
    tpu.wait_dma2 semaphore(%dma_wait3A_585 : memref<!tpu.dma_semaphore, #tpu.memory_space<semaphore_mem>>) src(%dma_wait3A_588 : memref<1024x768xf32, #tpu.memory_space<hbm>>) dst(%arg6 : memref<1024x768xf32, #tpu.memory_space<vmem>>)
    %get3A_589 = arith.constant 0 : index
    %get3A_590 = arith.constant 0 : index
    %get3A_591 = vector.load %arg6[%get3A_589, %get3A_590] : memref<1024x768xf32, #tpu.memory_space<vmem>>, vector<1024x768xf32>
    %dot_general3A_592 = arith.constant dense<0.000000e+00> : vector<8x1024xf32>
    %dot_general3A_593 = tpu.matmul %get3A_48, %get3A_591, %dot_general3A_592 {dimension_numbers = #tpu.dot_dimension_numbers<[1], [1], [0], [0], [0, 0, 1, 0], [], []>, transpose_lhs_hint = false} : vector<8x768xf32>, vector<1024x768xf32>, vector<8x1024xf32> -> vector<8x1024xf32>
    %slice3A_594 = vector.extract_strided_slice %dot_general3A_593 {offsets = [0, 0], sizes = [1, 1024], strides = [1, 1]} : vector<8x1024xf32> to vector<1x1024xf32>
    %squeeze3A_595 = vector.shape_cast %slice3A_594 : vector<1x1024xf32> to vector<1024xf32>
    %swap3A_596 = arith.constant 90112 : index
    %swap3A_597 = vector.load %arg2[%swap3A_596] : memref<262144xf32, #tpu.memory_space<vmem>>, vector<1024xf32>
    tpu.vector_store %arg2[%swap3A_596], %squeeze3A_595 {strides = array<i32>} : memref<262144xf32, #tpu.memory_space<vmem>>, vector<1024xf32>,
    %slice3A_598 = vector.extract_strided_slice %dot_general3A_593 {offsets = [1, 0], sizes = [1, 1024], strides = [1, 1]} : vector<8x1024xf32> to vector<1x1024xf32>
    %squeeze3A_599 = vector.shape_cast %slice3A_598 : vector<1x1024xf32> to vector<1024xf32>
    %swap3A_600 = arith.constant 91136 : index
    %swap3A_601 = vector.load %arg2[%swap3A_600] : memref<262144xf32, #tpu.memory_space<vmem>>, vector<1024xf32>
    tpu.vector_store %arg2[%swap3A_600], %squeeze3A_599 {strides = array<i32>} : memref<262144xf32, #tpu.memory_space<vmem>>, vector<1024xf32>,
    %slice3A_602 = vector.extract_strided_slice %dot_general3A_593 {offsets = [2, 0], sizes = [1, 1024], strides = [1, 1]} : vector<8x1024xf32> to vector<1x1024xf32>
    %squeeze3A_603 = vector.shape_cast %slice3A_602 : vector<1x1024xf32> to vector<1024xf32>
    %swap3A_604 = arith.constant 92160 : index
    %swap3A_605 = vector.load %arg2[%swap3A_604] : memref<262144xf32, #tpu.memory_space<vmem>>, vector<1024xf32>
    tpu.vector_store %arg2[%swap3A_604], %squeeze3A_603 {strides = array<i32>} : memref<262144xf32, #tpu.memory_space<vmem>>, vector<1024xf32>,
    %slice3A_606 = vector.extract_strided_slice %dot_general3A_593 {offsets = [3, 0], sizes = [1, 1024], strides = [1, 1]} : vector<8x1024xf32> to vector<1x1024xf32>
    %squeeze3A_607 = vector.shape_cast %slice3A_606 : vector<1x1024xf32> to vector<1024xf32>
    %swap3A_608 = arith.constant 93184 : index
    %swap3A_609 = vector.load %arg2[%swap3A_608] : memref<262144xf32, #tpu.memory_space<vmem>>, vector<1024xf32>
    tpu.vector_store %arg2[%swap3A_608], %squeeze3A_607 {strides = array<i32>} : memref<262144xf32, #tpu.memory_space<vmem>>, vector<1024xf32>,
    %slice3A_610 = vector.extract_strided_slice %dot_general3A_593 {offsets = [4, 0], sizes = [1, 1024], strides = [1, 1]} : vector<8x1024xf32> to vector<1x1024xf32>
    %squeeze3A_611 = vector.shape_cast %slice3A_610 : vector<1x1024xf32> to vector<1024xf32>
    %swap3A_612 = arith.constant 94208 : index
    %swap3A_613 = vector.load %arg2[%swap3A_612] : memref<262144xf32, #tpu.memory_space<vmem>>, vector<1024xf32>
    tpu.vector_store %arg2[%swap3A_612], %squeeze3A_611 {strides = array<i32>} : memref<262144xf32, #tpu.memory_space<vmem>>, vector<1024xf32>,
    %slice3A_614 = vector.extract_strided_slice %dot_general3A_593 {offsets = [5, 0], sizes = [1, 1024], strides = [1, 1]} : vector<8x1024xf32> to vector<1x1024xf32>
    %squeeze3A_615 = vector.shape_cast %slice3A_614 : vector<1x1024xf32> to vector<1024xf32>
    %swap3A_616 = arith.constant 95232 : index
    %swap3A_617 = vector.load %arg2[%swap3A_616] : memref<262144xf32, #tpu.memory_space<vmem>>, vector<1024xf32>
    tpu.vector_store %arg2[%swap3A_616], %squeeze3A_615 {strides = array<i32>} : memref<262144xf32, #tpu.memory_space<vmem>>, vector<1024xf32>,
    %slice3A_618 = vector.extract_strided_slice %dot_general3A_593 {offsets = [6, 0], sizes = [1, 1024], strides = [1, 1]} : vector<8x1024xf32> to vector<1x1024xf32>
    %squeeze3A_619 = vector.shape_cast %slice3A_618 : vector<1x1024xf32> to vector<1024xf32>
    %swap3A_620 = arith.constant 96256 : index
    %swap3A_621 = vector.load %arg2[%swap3A_620] : memref<262144xf32, #tpu.memory_space<vmem>>, vector<1024xf32>
    tpu.vector_store %arg2[%swap3A_620], %squeeze3A_619 {strides = array<i32>} : memref<262144xf32, #tpu.memory_space<vmem>>, vector<1024xf32>,
    %slice3A_622 = vector.extract_strided_slice %dot_general3A_593 {offsets = [7, 0], sizes = [1, 1024], strides = [1, 1]} : vector<8x1024xf32> to vector<1x1024xf32>
    %squeeze3A_623 = vector.shape_cast %slice3A_622 : vector<1x1024xf32> to vector<1024xf32>
    %swap3A_624 = arith.constant 97280 : index
    %swap3A_625 = vector.load %arg2[%swap3A_624] : memref<262144xf32, #tpu.memory_space<vmem>>, vector<1024xf32>
    tpu.vector_store %arg2[%swap3A_624], %squeeze3A_623 {strides = array<i32>} : memref<262144xf32, #tpu.memory_space<vmem>>, vector<1024xf32>,
    %dma_start3A_626 = arith.constant 3 : i32
    %dma_start3A_627 = tpu.memref_slice %arg11[%dma_start3A_626] : memref<8x!tpu.dma_semaphore, #tpu.memory_space<semaphore_mem>> -> memref<1x!tpu.dma_semaphore, #tpu.memory_space<semaphore_mem>>
    %dma_start3A_628 = tpu.memref_squeeze %dma_start3A_627 : memref<1x!tpu.dma_semaphore, #tpu.memory_space<semaphore_mem>> -> memref<!tpu.dma_semaphore, #tpu.memory_space<semaphore_mem>>
    %dma_start3A_629 = arith.constant 19456 : i32
    %dma_start3A_630 = arith.constant 0 : i32
    %dma_start3A_631 = tpu.memref_slice %arg0[%dma_start3A_629, %dma_start3A_630] : memref<32768x768xf32, #tpu.memory_space<hbm>> -> memref<1024x768xf32, #tpu.memory_space<hbm>>
    tpu.enqueue_dma source(%dma_start3A_631 : memref<1024x768xf32, #tpu.memory_space<hbm>>) target(%arg6 : memref<1024x768xf32, #tpu.memory_space<vmem>>) target_semaphore(%dma_start3A_628 : memref<!tpu.dma_semaphore, #tpu.memory_space<semaphore_mem>>)
    %dma_wait3A_632 = arith.constant 4 : i32
    %dma_wait3A_633 = tpu.memref_slice %arg11[%dma_wait3A_632] : memref<8x!tpu.dma_semaphore, #tpu.memory_space<semaphore_mem>> -> memref<1x!tpu.dma_semaphore, #tpu.memory_space<semaphore_mem>>
    %dma_wait3A_634 = tpu.memref_squeeze %dma_wait3A_633 : memref<1x!tpu.dma_semaphore, #tpu.memory_space<semaphore_mem>> -> memref<!tpu.dma_semaphore, #tpu.memory_space<semaphore_mem>>
    %dma_wait3A_635 = arith.constant 12288 : i32
    %dma_wait3A_636 = arith.constant 0 : i32
    %dma_wait3A_637 = tpu.memref_slice %arg0[%dma_wait3A_635, %dma_wait3A_636] : memref<32768x768xf32, #tpu.memory_space<hbm>> -> memref<1024x768xf32, #tpu.memory_space<hbm>>
    tpu.wait_dma2 semaphore(%dma_wait3A_634 : memref<!tpu.dma_semaphore, #tpu.memory_space<semaphore_mem>>) src(%dma_wait3A_637 : memref<1024x768xf32, #tpu.memory_space<hbm>>) dst(%arg7 : memref<1024x768xf32, #tpu.memory_space<vmem>>)
    %get3A_638 = arith.constant 0 : index
    %get3A_639 = arith.constant 0 : index
    %get3A_640 = vector.load %arg7[%get3A_638, %get3A_639] : memref<1024x768xf32, #tpu.memory_space<vmem>>, vector<1024x768xf32>
    %dot_general3A_641 = arith.constant dense<0.000000e+00> : vector<8x1024xf32>
    %dot_general3A_642 = tpu.matmul %get3A_48, %get3A_640, %dot_general3A_641 {dimension_numbers = #tpu.dot_dimension_numbers<[1], [1], [0], [0], [0, 0, 1, 0], [], []>, transpose_lhs_hint = false} : vector<8x768xf32>, vector<1024x768xf32>, vector<8x1024xf32> -> vector<8x1024xf32>
    %slice3A_643 = vector.extract_strided_slice %dot_general3A_642 {offsets = [0, 0], sizes = [1, 1024], strides = [1, 1]} : vector<8x1024xf32> to vector<1x1024xf32>
    %squeeze3A_644 = vector.shape_cast %slice3A_643 : vector<1x1024xf32> to vector<1024xf32>
    %swap3A_645 = arith.constant 98304 : index
    %swap3A_646 = vector.load %arg2[%swap3A_645] : memref<262144xf32, #tpu.memory_space<vmem>>, vector<1024xf32>
    tpu.vector_store %arg2[%swap3A_645], %squeeze3A_644 {strides = array<i32>} : memref<262144xf32, #tpu.memory_space<vmem>>, vector<1024xf32>,
    %slice3A_647 = vector.extract_strided_slice %dot_general3A_642 {offsets = [1, 0], sizes = [1, 1024], strides = [1, 1]} : vector<8x1024xf32> to vector<1x1024xf32>
    %squeeze3A_648 = vector.shape_cast %slice3A_647 : vector<1x1024xf32> to vector<1024xf32>
    %swap3A_649 = arith.constant 99328 : index
    %swap3A_650 = vector.load %arg2[%swap3A_649] : memref<262144xf32, #tpu.memory_space<vmem>>, vector<1024xf32>
    tpu.vector_store %arg2[%swap3A_649], %squeeze3A_648 {strides = array<i32>} : memref<262144xf32, #tpu.memory_space<vmem>>, vector<1024xf32>,
    %slice3A_651 = vector.extract_strided_slice %dot_general3A_642 {offsets = [2, 0], sizes = [1, 1024], strides = [1, 1]} : vector<8x1024xf32> to vector<1x1024xf32>
    %squeeze3A_652 = vector.shape_cast %slice3A_651 : vector<1x1024xf32> to vector<1024xf32>
    %swap3A_653 = arith.constant 100352 : index
    %swap3A_654 = vector.load %arg2[%swap3A_653] : memref<262144xf32, #tpu.memory_space<vmem>>, vector<1024xf32>
    tpu.vector_store %arg2[%swap3A_653], %squeeze3A_652 {strides = array<i32>} : memref<262144xf32, #tpu.memory_space<vmem>>, vector<1024xf32>,
    %slice3A_655 = vector.extract_strided_slice %dot_general3A_642 {offsets = [3, 0], sizes = [1, 1024], strides = [1, 1]} : vector<8x1024xf32> to vector<1x1024xf32>
    %squeeze3A_656 = vector.shape_cast %slice3A_655 : vector<1x1024xf32> to vector<1024xf32>
    %swap3A_657 = arith.constant 101376 : index
    %swap3A_658 = vector.load %arg2[%swap3A_657] : memref<262144xf32, #tpu.memory_space<vmem>>, vector<1024xf32>
    tpu.vector_store %arg2[%swap3A_657], %squeeze3A_656 {strides = array<i32>} : memref<262144xf32, #tpu.memory_space<vmem>>, vector<1024xf32>,
    %slice3A_659 = vector.extract_strided_slice %dot_general3A_642 {offsets = [4, 0], sizes = [1, 1024], strides = [1, 1]} : vector<8x1024xf32> to vector<1x1024xf32>
    %squeeze3A_660 = vector.shape_cast %slice3A_659 : vector<1x1024xf32> to vector<1024xf32>
    %swap3A_661 = arith.constant 102400 : index
    %swap3A_662 = vector.load %arg2[%swap3A_661] : memref<262144xf32, #tpu.memory_space<vmem>>, vector<1024xf32>
    tpu.vector_store %arg2[%swap3A_661], %squeeze3A_660 {strides = array<i32>} : memref<262144xf32, #tpu.memory_space<vmem>>, vector<1024xf32>,
    %slice3A_663 = vector.extract_strided_slice %dot_general3A_642 {offsets = [5, 0], sizes = [1, 1024], strides = [1, 1]} : vector<8x1024xf32> to vector<1x1024xf32>
    %squeeze3A_664 = vector.shape_cast %slice3A_663 : vector<1x1024xf32> to vector<1024xf32>
    %swap3A_665 = arith.constant 103424 : index
    %swap3A_666 = vector.load %arg2[%swap3A_665] : memref<262144xf32, #tpu.memory_space<vmem>>, vector<1024xf32>
    tpu.vector_store %arg2[%swap3A_665], %squeeze3A_664 {strides = array<i32>} : memref<262144xf32, #tpu.memory_space<vmem>>, vector<1024xf32>,
    %slice3A_667 = vector.extract_strided_slice %dot_general3A_642 {offsets = [6, 0], sizes = [1, 1024], strides = [1, 1]} : vector<8x1024xf32> to vector<1x1024xf32>
    %squeeze3A_668 = vector.shape_cast %slice3A_667 : vector<1x1024xf32> to vector<1024xf32>
    %swap3A_669 = arith.constant 104448 : index
    %swap3A_670 = vector.load %arg2[%swap3A_669] : memref<262144xf32, #tpu.memory_space<vmem>>, vector<1024xf32>
    tpu.vector_store %arg2[%swap3A_669], %squeeze3A_668 {strides = array<i32>} : memref<262144xf32, #tpu.memory_space<vmem>>, vector<1024xf32>,
    %slice3A_671 = vector.extract_strided_slice %dot_general3A_642 {offsets = [7, 0], sizes = [1, 1024], strides = [1, 1]} : vector<8x1024xf32> to vector<1x1024xf32>
    %squeeze3A_672 = vector.shape_cast %slice3A_671 : vector<1x1024xf32> to vector<1024xf32>
    %swap3A_673 = arith.constant 105472 : index
    %swap3A_674 = vector.load %arg2[%swap3A_673] : memref<262144xf32, #tpu.memory_space<vmem>>, vector<1024xf32>
    tpu.vector_store %arg2[%swap3A_673], %squeeze3A_672 {strides = array<i32>} : memref<262144xf32, #tpu.memory_space<vmem>>, vector<1024xf32>,
    %dma_start3A_675 = arith.constant 4 : i32
    %dma_start3A_676 = tpu.memref_slice %arg11[%dma_start3A_675] : memref<8x!tpu.dma_semaphore, #tpu.memory_space<semaphore_mem>> -> memref<1x!tpu.dma_semaphore, #tpu.memory_space<semaphore_mem>>
    %dma_start3A_677 = tpu.memref_squeeze %dma_start3A_676 : memref<1x!tpu.dma_semaphore, #tpu.memory_space<semaphore_mem>> -> memref<!tpu.dma_semaphore, #tpu.memory_space<semaphore_mem>>
    %dma_start3A_678 = arith.constant 20480 : i32
    %dma_start3A_679 = arith.constant 0 : i32
    %dma_start3A_680 = tpu.memref_slice %arg0[%dma_start3A_678, %dma_start3A_679] : memref<32768x768xf32, #tpu.memory_space<hbm>> -> memref<1024x768xf32, #tpu.memory_space<hbm>>
    tpu.enqueue_dma source(%dma_start3A_680 : memref<1024x768xf32, #tpu.memory_space<hbm>>) target(%arg7 : memref<1024x768xf32, #tpu.memory_space<vmem>>) target_semaphore(%dma_start3A_677 : memref<!tpu.dma_semaphore, #tpu.memory_space<semaphore_mem>>)
    %dma_wait3A_681 = arith.constant 5 : i32
    %dma_wait3A_682 = tpu.memref_slice %arg11[%dma_wait3A_681] : memref<8x!tpu.dma_semaphore, #tpu.memory_space<semaphore_mem>> -> memref<1x!tpu.dma_semaphore, #tpu.memory_space<semaphore_mem>>
    %dma_wait3A_683 = tpu.memref_squeeze %dma_wait3A_682 : memref<1x!tpu.dma_semaphore, #tpu.memory_space<semaphore_mem>> -> memref<!tpu.dma_semaphore, #tpu.memory_space<semaphore_mem>>
    %dma_wait3A_684 = arith.constant 13312 : i32
    %dma_wait3A_685 = arith.constant 0 : i32
    %dma_wait3A_686 = tpu.memref_slice %arg0[%dma_wait3A_684, %dma_wait3A_685] : memref<32768x768xf32, #tpu.memory_space<hbm>> -> memref<1024x768xf32, #tpu.memory_space<hbm>>
    tpu.wait_dma2 semaphore(%dma_wait3A_683 : memref<!tpu.dma_semaphore, #tpu.memory_space<semaphore_mem>>) src(%dma_wait3A_686 : memref<1024x768xf32, #tpu.memory_space<hbm>>) dst(%arg8 : memref<1024x768xf32, #tpu.memory_space<vmem>>)
    %get3A_687 = arith.constant 0 : index
    %get3A_688 = arith.constant 0 : index
    %get3A_689 = vector.load %arg8[%get3A_687, %get3A_688] : memref<1024x768xf32, #tpu.memory_space<vmem>>, vector<1024x768xf32>
    %dot_general3A_690 = arith.constant dense<0.000000e+00> : vector<8x1024xf32>
    %dot_general3A_691 = tpu.matmul %get3A_48, %get3A_689, %dot_general3A_690 {dimension_numbers = #tpu.dot_dimension_numbers<[1], [1], [0], [0], [0, 0, 1, 0], [], []>, transpose_lhs_hint = false} : vector<8x768xf32>, vector<1024x768xf32>, vector<8x1024xf32> -> vector<8x1024xf32>
    %slice3A_692 = vector.extract_strided_slice %dot_general3A_691 {offsets = [0, 0], sizes = [1, 1024], strides = [1, 1]} : vector<8x1024xf32> to vector<1x1024xf32>
    %squeeze3A_693 = vector.shape_cast %slice3A_692 : vector<1x1024xf32> to vector<1024xf32>
    %swap3A_694 = arith.constant 106496 : index
    %swap3A_695 = vector.load %arg2[%swap3A_694] : memref<262144xf32, #tpu.memory_space<vmem>>, vector<1024xf32>
    tpu.vector_store %arg2[%swap3A_694], %squeeze3A_693 {strides = array<i32>} : memref<262144xf32, #tpu.memory_space<vmem>>, vector<1024xf32>,
    %slice3A_696 = vector.extract_strided_slice %dot_general3A_691 {offsets = [1, 0], sizes = [1, 1024], strides = [1, 1]} : vector<8x1024xf32> to vector<1x1024xf32>
    %squeeze3A_697 = vector.shape_cast %slice3A_696 : vector<1x1024xf32> to vector<1024xf32>
    %swap3A_698 = arith.constant 107520 : index
    %swap3A_699 = vector.load %arg2[%swap3A_698] : memref<262144xf32, #tpu.memory_space<vmem>>, vector<1024xf32>
    tpu.vector_store %arg2[%swap3A_698], %squeeze3A_697 {strides = array<i32>} : memref<262144xf32, #tpu.memory_space<vmem>>, vector<1024xf32>,
    %slice3A_700 = vector.extract_strided_slice %dot_general3A_691 {offsets = [2, 0], sizes = [1, 1024], strides = [1, 1]} : vector<8x1024xf32> to vector<1x1024xf32>
    %squeeze3A_701 = vector.shape_cast %slice3A_700 : vector<1x1024xf32> to vector<1024xf32>
    %swap3A_702 = arith.constant 108544 : index
    %swap3A_703 = vector.load %arg2[%swap3A_702] : memref<262144xf32, #tpu.memory_space<vmem>>, vector<1024xf32>
    tpu.vector_store %arg2[%swap3A_702], %squeeze3A_701 {strides = array<i32>} : memref<262144xf32, #tpu.memory_space<vmem>>, vector<1024xf32>,
    %slice3A_704 = vector.extract_strided_slice %dot_general3A_691 {offsets = [3, 0], sizes = [1, 1024], strides = [1, 1]} : vector<8x1024xf32> to vector<1x1024xf32>
    %squeeze3A_705 = vector.shape_cast %slice3A_704 : vector<1x1024xf32> to vector<1024xf32>
    %swap3A_706 = arith.constant 109568 : index
    %swap3A_707 = vector.load %arg2[%swap3A_706] : memref<262144xf32, #tpu.memory_space<vmem>>, vector<1024xf32>
    tpu.vector_store %arg2[%swap3A_706], %squeeze3A_705 {strides = array<i32>} : memref<262144xf32, #tpu.memory_space<vmem>>, vector<1024xf32>,
    %slice3A_708 = vector.extract_strided_slice %dot_general3A_691 {offsets = [4, 0], sizes = [1, 1024], strides = [1, 1]} : vector<8x1024xf32> to vector<1x1024xf32>
    %squeeze3A_709 = vector.shape_cast %slice3A_708 : vector<1x1024xf32> to vector<1024xf32>
    %swap3A_710 = arith.constant 110592 : index
    %swap3A_711 = vector.load %arg2[%swap3A_710] : memref<262144xf32, #tpu.memory_space<vmem>>, vector<1024xf32>
    tpu.vector_store %arg2[%swap3A_710], %squeeze3A_709 {strides = array<i32>} : memref<262144xf32, #tpu.memory_space<vmem>>, vector<1024xf32>,
    %slice3A_712 = vector.extract_strided_slice %dot_general3A_691 {offsets = [5, 0], sizes = [1, 1024], strides = [1, 1]} : vector<8x1024xf32> to vector<1x1024xf32>
    %squeeze3A_713 = vector.shape_cast %slice3A_712 : vector<1x1024xf32> to vector<1024xf32>
    %swap3A_714 = arith.constant 111616 : index
    %swap3A_715 = vector.load %arg2[%swap3A_714] : memref<262144xf32, #tpu.memory_space<vmem>>, vector<1024xf32>
    tpu.vector_store %arg2[%swap3A_714], %squeeze3A_713 {strides = array<i32>} : memref<262144xf32, #tpu.memory_space<vmem>>, vector<1024xf32>,
    %slice3A_716 = vector.extract_strided_slice %dot_general3A_691 {offsets = [6, 0], sizes = [1, 1024], strides = [1, 1]} : vector<8x1024xf32> to vector<1x1024xf32>
    %squeeze3A_717 = vector.shape_cast %slice3A_716 : vector<1x1024xf32> to vector<1024xf32>
    %swap3A_718 = arith.constant 112640 : index
    %swap3A_719 = vector.load %arg2[%swap3A_718] : memref<262144xf32, #tpu.memory_space<vmem>>, vector<1024xf32>
    tpu.vector_store %arg2[%swap3A_718], %squeeze3A_717 {strides = array<i32>} : memref<262144xf32, #tpu.memory_space<vmem>>, vector<1024xf32>,
    %slice3A_720 = vector.extract_strided_slice %dot_general3A_691 {offsets = [7, 0], sizes = [1, 1024], strides = [1, 1]} : vector<8x1024xf32> to vector<1x1024xf32>
    %squeeze3A_721 = vector.shape_cast %slice3A_720 : vector<1x1024xf32> to vector<1024xf32>
    %swap3A_722 = arith.constant 113664 : index
    %swap3A_723 = vector.load %arg2[%swap3A_722] : memref<262144xf32, #tpu.memory_space<vmem>>, vector<1024xf32>
    tpu.vector_store %arg2[%swap3A_722], %squeeze3A_721 {strides = array<i32>} : memref<262144xf32, #tpu.memory_space<vmem>>, vector<1024xf32>,
    %dma_start3A_724 = arith.constant 5 : i32
    %dma_start3A_725 = tpu.memref_slice %arg11[%dma_start3A_724] : memref<8x!tpu.dma_semaphore, #tpu.memory_space<semaphore_mem>> -> memref<1x!tpu.dma_semaphore, #tpu.memory_space<semaphore_mem>>
    %dma_start3A_726 = tpu.memref_squeeze %dma_start3A_725 : memref<1x!tpu.dma_semaphore, #tpu.memory_space<semaphore_mem>> -> memref<!tpu.dma_semaphore, #tpu.memory_space<semaphore_mem>>
    %dma_start3A_727 = arith.constant 21504 : i32
    %dma_start3A_728 = arith.constant 0 : i32
    %dma_start3A_729 = tpu.memref_slice %arg0[%dma_start3A_727, %dma_start3A_728] : memref<32768x768xf32, #tpu.memory_space<hbm>> -> memref<1024x768xf32, #tpu.memory_space<hbm>>
    tpu.enqueue_dma source(%dma_start3A_729 : memref<1024x768xf32, #tpu.memory_space<hbm>>) target(%arg8 : memref<1024x768xf32, #tpu.memory_space<vmem>>) target_semaphore(%dma_start3A_726 : memref<!tpu.dma_semaphore, #tpu.memory_space<semaphore_mem>>)
    %dma_wait3A_730 = arith.constant 6 : i32
    %dma_wait3A_731 = tpu.memref_slice %arg11[%dma_wait3A_730] : memref<8x!tpu.dma_semaphore, #tpu.memory_space<semaphore_mem>> -> memref<1x!tpu.dma_semaphore, #tpu.memory_space<semaphore_mem>>
    %dma_wait3A_732 = tpu.memref_squeeze %dma_wait3A_731 : memref<1x!tpu.dma_semaphore, #tpu.memory_space<semaphore_mem>> -> memref<!tpu.dma_semaphore, #tpu.memory_space<semaphore_mem>>
    %dma_wait3A_733 = arith.constant 14336 : i32
    %dma_wait3A_734 = arith.constant 0 : i32
    %dma_wait3A_735 = tpu.memref_slice %arg0[%dma_wait3A_733, %dma_wait3A_734] : memref<32768x768xf32, #tpu.memory_space<hbm>> -> memref<1024x768xf32, #tpu.memory_space<hbm>>
    tpu.wait_dma2 semaphore(%dma_wait3A_732 : memref<!tpu.dma_semaphore, #tpu.memory_space<semaphore_mem>>) src(%dma_wait3A_735 : memref<1024x768xf32, #tpu.memory_space<hbm>>) dst(%arg9 : memref<1024x768xf32, #tpu.memory_space<vmem>>)
    %get3A_736 = arith.constant 0 : index
    %get3A_737 = arith.constant 0 : index
    %get3A_738 = vector.load %arg9[%get3A_736, %get3A_737] : memref<1024x768xf32, #tpu.memory_space<vmem>>, vector<1024x768xf32>
    %dot_general3A_739 = arith.constant dense<0.000000e+00> : vector<8x1024xf32>
    %dot_general3A_740 = tpu.matmul %get3A_48, %get3A_738, %dot_general3A_739 {dimension_numbers = #tpu.dot_dimension_numbers<[1], [1], [0], [0], [0, 0, 1, 0], [], []>, transpose_lhs_hint = false} : vector<8x768xf32>, vector<1024x768xf32>, vector<8x1024xf32> -> vector<8x1024xf32>
    %slice3A_741 = vector.extract_strided_slice %dot_general3A_740 {offsets = [0, 0], sizes = [1, 1024], strides = [1, 1]} : vector<8x1024xf32> to vector<1x1024xf32>
    %squeeze3A_742 = vector.shape_cast %slice3A_741 : vector<1x1024xf32> to vector<1024xf32>
    %swap3A_743 = arith.constant 114688 : index
    %swap3A_744 = vector.load %arg2[%swap3A_743] : memref<262144xf32, #tpu.memory_space<vmem>>, vector<1024xf32>
    tpu.vector_store %arg2[%swap3A_743], %squeeze3A_742 {strides = array<i32>} : memref<262144xf32, #tpu.memory_space<vmem>>, vector<1024xf32>,
    %slice3A_745 = vector.extract_strided_slice %dot_general3A_740 {offsets = [1, 0], sizes = [1, 1024], strides = [1, 1]} : vector<8x1024xf32> to vector<1x1024xf32>
    %squeeze3A_746 = vector.shape_cast %slice3A_745 : vector<1x1024xf32> to vector<1024xf32>
    %swap3A_747 = arith.constant 115712 : index
    %swap3A_748 = vector.load %arg2[%swap3A_747] : memref<262144xf32, #tpu.memory_space<vmem>>, vector<1024xf32>
    tpu.vector_store %arg2[%swap3A_747], %squeeze3A_746 {strides = array<i32>} : memref<262144xf32, #tpu.memory_space<vmem>>, vector<1024xf32>,
    %slice3A_749 = vector.extract_strided_slice %dot_general3A_740 {offsets = [2, 0], sizes = [1, 1024], strides = [1, 1]} : vector<8x1024xf32> to vector<1x1024xf32>
    %squeeze3A_750 = vector.shape_cast %slice3A_749 : vector<1x1024xf32> to vector<1024xf32>
    %swap3A_751 = arith.constant 116736 : index
    %swap3A_752 = vector.load %arg2[%swap3A_751] : memref<262144xf32, #tpu.memory_space<vmem>>, vector<1024xf32>
    tpu.vector_store %arg2[%swap3A_751], %squeeze3A_750 {strides = array<i32>} : memref<262144xf32, #tpu.memory_space<vmem>>, vector<1024xf32>,
    %slice3A_753 = vector.extract_strided_slice %dot_general3A_740 {offsets = [3, 0], sizes = [1, 1024], strides = [1, 1]} : vector<8x1024xf32> to vector<1x1024xf32>
    %squeeze3A_754 = vector.shape_cast %slice3A_753 : vector<1x1024xf32> to vector<1024xf32>
    %swap3A_755 = arith.constant 117760 : index
    %swap3A_756 = vector.load %arg2[%swap3A_755] : memref<262144xf32, #tpu.memory_space<vmem>>, vector<1024xf32>
    tpu.vector_store %arg2[%swap3A_755], %squeeze3A_754 {strides = array<i32>} : memref<262144xf32, #tpu.memory_space<vmem>>, vector<1024xf32>,
    %slice3A_757 = vector.extract_strided_slice %dot_general3A_740 {offsets = [4, 0], sizes = [1, 1024], strides = [1, 1]} : vector<8x1024xf32> to vector<1x1024xf32>
    %squeeze3A_758 = vector.shape_cast %slice3A_757 : vector<1x1024xf32> to vector<1024xf32>
    %swap3A_759 = arith.constant 118784 : index
    %swap3A_760 = vector.load %arg2[%swap3A_759] : memref<262144xf32, #tpu.memory_space<vmem>>, vector<1024xf32>
    tpu.vector_store %arg2[%swap3A_759], %squeeze3A_758 {strides = array<i32>} : memref<262144xf32, #tpu.memory_space<vmem>>, vector<1024xf32>,
    %slice3A_761 = vector.extract_strided_slice %dot_general3A_740 {offsets = [5, 0], sizes = [1, 1024], strides = [1, 1]} : vector<8x1024xf32> to vector<1x1024xf32>
    %squeeze3A_762 = vector.shape_cast %slice3A_761 : vector<1x1024xf32> to vector<1024xf32>
    %swap3A_763 = arith.constant 119808 : index
    %swap3A_764 = vector.load %arg2[%swap3A_763] : memref<262144xf32, #tpu.memory_space<vmem>>, vector<1024xf32>
    tpu.vector_store %arg2[%swap3A_763], %squeeze3A_762 {strides = array<i32>} : memref<262144xf32, #tpu.memory_space<vmem>>, vector<1024xf32>,
    %slice3A_765 = vector.extract_strided_slice %dot_general3A_740 {offsets = [6, 0], sizes = [1, 1024], strides = [1, 1]} : vector<8x1024xf32> to vector<1x1024xf32>
    %squeeze3A_766 = vector.shape_cast %slice3A_765 : vector<1x1024xf32> to vector<1024xf32>
    %swap3A_767 = arith.constant 120832 : index
    %swap3A_768 = vector.load %arg2[%swap3A_767] : memref<262144xf32, #tpu.memory_space<vmem>>, vector<1024xf32>
    tpu.vector_store %arg2[%swap3A_767], %squeeze3A_766 {strides = array<i32>} : memref<262144xf32, #tpu.memory_space<vmem>>, vector<1024xf32>,
    %slice3A_769 = vector.extract_strided_slice %dot_general3A_740 {offsets = [7, 0], sizes = [1, 1024], strides = [1, 1]} : vector<8x1024xf32> to vector<1x1024xf32>
    %squeeze3A_770 = vector.shape_cast %slice3A_769 : vector<1x1024xf32> to vector<1024xf32>
    %swap3A_771 = arith.constant 121856 : index
    %swap3A_772 = vector.load %arg2[%swap3A_771] : memref<262144xf32, #tpu.memory_space<vmem>>, vector<1024xf32>
    tpu.vector_store %arg2[%swap3A_771], %squeeze3A_770 {strides = array<i32>} : memref<262144xf32, #tpu.memory_space<vmem>>, vector<1024xf32>,
    %dma_start3A_773 = arith.constant 6 : i32
    %dma_start3A_774 = tpu.memref_slice %arg11[%dma_start3A_773] : memref<8x!tpu.dma_semaphore, #tpu.memory_space<semaphore_mem>> -> memref<1x!tpu.dma_semaphore, #tpu.memory_space<semaphore_mem>>
    %dma_start3A_775 = tpu.memref_squeeze %dma_start3A_774 : memref<1x!tpu.dma_semaphore, #tpu.memory_space<semaphore_mem>> -> memref<!tpu.dma_semaphore, #tpu.memory_space<semaphore_mem>>
    %dma_start3A_776 = arith.constant 22528 : i32
    %dma_start3A_777 = arith.constant 0 : i32
    %dma_start3A_778 = tpu.memref_slice %arg0[%dma_start3A_776, %dma_start3A_777] : memref<32768x768xf32, #tpu.memory_space<hbm>> -> memref<1024x768xf32, #tpu.memory_space<hbm>>
    tpu.enqueue_dma source(%dma_start3A_778 : memref<1024x768xf32, #tpu.memory_space<hbm>>) target(%arg9 : memref<1024x768xf32, #tpu.memory_space<vmem>>) target_semaphore(%dma_start3A_775 : memref<!tpu.dma_semaphore, #tpu.memory_space<semaphore_mem>>)
    %dma_wait3A_779 = arith.constant 7 : i32
    %dma_wait3A_780 = tpu.memref_slice %arg11[%dma_wait3A_779] : memref<8x!tpu.dma_semaphore, #tpu.memory_space<semaphore_mem>> -> memref<1x!tpu.dma_semaphore, #tpu.memory_space<semaphore_mem>>
    %dma_wait3A_781 = tpu.memref_squeeze %dma_wait3A_780 : memref<1x!tpu.dma_semaphore, #tpu.memory_space<semaphore_mem>> -> memref<!tpu.dma_semaphore, #tpu.memory_space<semaphore_mem>>
    %dma_wait3A_782 = arith.constant 15360 : i32
    %dma_wait3A_783 = arith.constant 0 : i32
    %dma_wait3A_784 = tpu.memref_slice %arg0[%dma_wait3A_782, %dma_wait3A_783] : memref<32768x768xf32, #tpu.memory_space<hbm>> -> memref<1024x768xf32, #tpu.memory_space<hbm>>
    tpu.wait_dma2 semaphore(%dma_wait3A_781 : memref<!tpu.dma_semaphore, #tpu.memory_space<semaphore_mem>>) src(%dma_wait3A_784 : memref<1024x768xf32, #tpu.memory_space<hbm>>) dst(%arg10 : memref<1024x768xf32, #tpu.memory_space<vmem>>)
    %get3A_785 = arith.constant 0 : index
    %get3A_786 = arith.constant 0 : index
    %get3A_787 = vector.load %arg10[%get3A_785, %get3A_786] : memref<1024x768xf32, #tpu.memory_space<vmem>>, vector<1024x768xf32>
    %dot_general3A_788 = arith.constant dense<0.000000e+00> : vector<8x1024xf32>
    %dot_general3A_789 = tpu.matmul %get3A_48, %get3A_787, %dot_general3A_788 {dimension_numbers = #tpu.dot_dimension_numbers<[1], [1], [0], [0], [0, 0, 1, 0], [], []>, transpose_lhs_hint = false} : vector<8x768xf32>, vector<1024x768xf32>, vector<8x1024xf32> -> vector<8x1024xf32>
    %slice3A_790 = vector.extract_strided_slice %dot_general3A_789 {offsets = [0, 0], sizes = [1, 1024], strides = [1, 1]} : vector<8x1024xf32> to vector<1x1024xf32>
    %squeeze3A_791 = vector.shape_cast %slice3A_790 : vector<1x1024xf32> to vector<1024xf32>
    %swap3A_792 = arith.constant 122880 : index
    %swap3A_793 = vector.load %arg2[%swap3A_792] : memref<262144xf32, #tpu.memory_space<vmem>>, vector<1024xf32>
    tpu.vector_store %arg2[%swap3A_792], %squeeze3A_791 {strides = array<i32>} : memref<262144xf32, #tpu.memory_space<vmem>>, vector<1024xf32>,
    %slice3A_794 = vector.extract_strided_slice %dot_general3A_789 {offsets = [1, 0], sizes = [1, 1024], strides = [1, 1]} : vector<8x1024xf32> to vector<1x1024xf32>
    %squeeze3A_795 = vector.shape_cast %slice3A_794 : vector<1x1024xf32> to vector<1024xf32>
    %swap3A_796 = arith.constant 123904 : index
    %swap3A_797 = vector.load %arg2[%swap3A_796] : memref<262144xf32, #tpu.memory_space<vmem>>, vector<1024xf32>
    tpu.vector_store %arg2[%swap3A_796], %squeeze3A_795 {strides = array<i32>} : memref<262144xf32, #tpu.memory_space<vmem>>, vector<1024xf32>,
    %slice3A_798 = vector.extract_strided_slice %dot_general3A_789 {offsets = [2, 0], sizes = [1, 1024], strides = [1, 1]} : vector<8x1024xf32> to vector<1x1024xf32>
    %squeeze3A_799 = vector.shape_cast %slice3A_798 : vector<1x1024xf32> to vector<1024xf32>
    %swap3A_800 = arith.constant 124928 : index
    %swap3A_801 = vector.load %arg2[%swap3A_800] : memref<262144xf32, #tpu.memory_space<vmem>>, vector<1024xf32>
    tpu.vector_store %arg2[%swap3A_800], %squeeze3A_799 {strides = array<i32>} : memref<262144xf32, #tpu.memory_space<vmem>>, vector<1024xf32>,
    %slice3A_802 = vector.extract_strided_slice %dot_general3A_789 {offsets = [3, 0], sizes = [1, 1024], strides = [1, 1]} : vector<8x1024xf32> to vector<1x1024xf32>
    %squeeze3A_803 = vector.shape_cast %slice3A_802 : vector<1x1024xf32> to vector<1024xf32>
    %swap3A_804 = arith.constant 125952 : index
    %swap3A_805 = vector.load %arg2[%swap3A_804] : memref<262144xf32, #tpu.memory_space<vmem>>, vector<1024xf32>
    tpu.vector_store %arg2[%swap3A_804], %squeeze3A_803 {strides = array<i32>} : memref<262144xf32, #tpu.memory_space<vmem>>, vector<1024xf32>,
    %slice3A_806 = vector.extract_strided_slice %dot_general3A_789 {offsets = [4, 0], sizes = [1, 1024], strides = [1, 1]} : vector<8x1024xf32> to vector<1x1024xf32>
    %squeeze3A_807 = vector.shape_cast %slice3A_806 : vector<1x1024xf32> to vector<1024xf32>
    %swap3A_808 = arith.constant 126976 : index
    %swap3A_809 = vector.load %arg2[%swap3A_808] : memref<262144xf32, #tpu.memory_space<vmem>>, vector<1024xf32>
    tpu.vector_store %arg2[%swap3A_808], %squeeze3A_807 {strides = array<i32>} : memref<262144xf32, #tpu.memory_space<vmem>>, vector<1024xf32>,
    %slice3A_810 = vector.extract_strided_slice %dot_general3A_789 {offsets = [5, 0], sizes = [1, 1024], strides = [1, 1]} : vector<8x1024xf32> to vector<1x1024xf32>
    %squeeze3A_811 = vector.shape_cast %slice3A_810 : vector<1x1024xf32> to vector<1024xf32>
    %swap3A_812 = arith.constant 128000 : index
    %swap3A_813 = vector.load %arg2[%swap3A_812] : memref<262144xf32, #tpu.memory_space<vmem>>, vector<1024xf32>
    tpu.vector_store %arg2[%swap3A_812], %squeeze3A_811 {strides = array<i32>} : memref<262144xf32, #tpu.memory_space<vmem>>, vector<1024xf32>,
    %slice3A_814 = vector.extract_strided_slice %dot_general3A_789 {offsets = [6, 0], sizes = [1, 1024], strides = [1, 1]} : vector<8x1024xf32> to vector<1x1024xf32>
    %squeeze3A_815 = vector.shape_cast %slice3A_814 : vector<1x1024xf32> to vector<1024xf32>
    %swap3A_816 = arith.constant 129024 : index
    %swap3A_817 = vector.load %arg2[%swap3A_816] : memref<262144xf32, #tpu.memory_space<vmem>>, vector<1024xf32>
    tpu.vector_store %arg2[%swap3A_816], %squeeze3A_815 {strides = array<i32>} : memref<262144xf32, #tpu.memory_space<vmem>>, vector<1024xf32>,
    %slice3A_818 = vector.extract_strided_slice %dot_general3A_789 {offsets = [7, 0], sizes = [1, 1024], strides = [1, 1]} : vector<8x1024xf32> to vector<1x1024xf32>
    %squeeze3A_819 = vector.shape_cast %slice3A_818 : vector<1x1024xf32> to vector<1024xf32>
    %swap3A_820 = arith.constant 130048 : index
    %swap3A_821 = vector.load %arg2[%swap3A_820] : memref<262144xf32, #tpu.memory_space<vmem>>, vector<1024xf32>
    tpu.vector_store %arg2[%swap3A_820], %squeeze3A_819 {strides = array<i32>} : memref<262144xf32, #tpu.memory_space<vmem>>, vector<1024xf32>,
    %dma_start3A_822 = arith.constant 7 : i32
    %dma_start3A_823 = tpu.memref_slice %arg11[%dma_start3A_822] : memref<8x!tpu.dma_semaphore, #tpu.memory_space<semaphore_mem>> -> memref<1x!tpu.dma_semaphore, #tpu.memory_space<semaphore_mem>>
    %dma_start3A_824 = tpu.memref_squeeze %dma_start3A_823 : memref<1x!tpu.dma_semaphore, #tpu.memory_space<semaphore_mem>> -> memref<!tpu.dma_semaphore, #tpu.memory_space<semaphore_mem>>
    %dma_start3A_825 = arith.constant 23552 : i32
    %dma_start3A_826 = arith.constant 0 : i32
    %dma_start3A_827 = tpu.memref_slice %arg0[%dma_start3A_825, %dma_start3A_826] : memref<32768x768xf32, #tpu.memory_space<hbm>> -> memref<1024x768xf32, #tpu.memory_space<hbm>>
    tpu.enqueue_dma source(%dma_start3A_827 : memref<1024x768xf32, #tpu.memory_space<hbm>>) target(%arg10 : memref<1024x768xf32, #tpu.memory_space<vmem>>) target_semaphore(%dma_start3A_824 : memref<!tpu.dma_semaphore, #tpu.memory_space<semaphore_mem>>)
    %dma_wait3A_828 = arith.constant 0 : i32
    %dma_wait3A_829 = tpu.memref_slice %arg11[%dma_wait3A_828] : memref<8x!tpu.dma_semaphore, #tpu.memory_space<semaphore_mem>> -> memref<1x!tpu.dma_semaphore, #tpu.memory_space<semaphore_mem>>
    %dma_wait3A_830 = tpu.memref_squeeze %dma_wait3A_829 : memref<1x!tpu.dma_semaphore, #tpu.memory_space<semaphore_mem>> -> memref<!tpu.dma_semaphore, #tpu.memory_space<semaphore_mem>>
    %dma_wait3A_831 = arith.constant 16384 : i32
    %dma_wait3A_832 = arith.constant 0 : i32
    %dma_wait3A_833 = tpu.memref_slice %arg0[%dma_wait3A_831, %dma_wait3A_832] : memref<32768x768xf32, #tpu.memory_space<hbm>> -> memref<1024x768xf32, #tpu.memory_space<hbm>>
    tpu.wait_dma2 semaphore(%dma_wait3A_830 : memref<!tpu.dma_semaphore, #tpu.memory_space<semaphore_mem>>) src(%dma_wait3A_833 : memref<1024x768xf32, #tpu.memory_space<hbm>>) dst(%arg3 : memref<1024x768xf32, #tpu.memory_space<vmem>>)
    %get3A_834 = arith.constant 0 : index
    %get3A_835 = arith.constant 0 : index
    %get3A_836 = vector.load %arg3[%get3A_834, %get3A_835] : memref<1024x768xf32, #tpu.memory_space<vmem>>, vector<1024x768xf32>
    %dot_general3A_837 = arith.constant dense<0.000000e+00> : vector<8x1024xf32>
    %dot_general3A_838 = tpu.matmul %get3A_48, %get3A_836, %dot_general3A_837 {dimension_numbers = #tpu.dot_dimension_numbers<[1], [1], [0], [0], [0, 0, 1, 0], [], []>, transpose_lhs_hint = false} : vector<8x768xf32>, vector<1024x768xf32>, vector<8x1024xf32> -> vector<8x1024xf32>
    %slice3A_839 = vector.extract_strided_slice %dot_general3A_838 {offsets = [0, 0], sizes = [1, 1024], strides = [1, 1]} : vector<8x1024xf32> to vector<1x1024xf32>
    %squeeze3A_840 = vector.shape_cast %slice3A_839 : vector<1x1024xf32> to vector<1024xf32>
    %swap3A_841 = arith.constant 131072 : index
    %swap3A_842 = vector.load %arg2[%swap3A_841] : memref<262144xf32, #tpu.memory_space<vmem>>, vector<1024xf32>
    tpu.vector_store %arg2[%swap3A_841], %squeeze3A_840 {strides = array<i32>} : memref<262144xf32, #tpu.memory_space<vmem>>, vector<1024xf32>,
    %slice3A_843 = vector.extract_strided_slice %dot_general3A_838 {offsets = [1, 0], sizes = [1, 1024], strides = [1, 1]} : vector<8x1024xf32> to vector<1x1024xf32>
    %squeeze3A_844 = vector.shape_cast %slice3A_843 : vector<1x1024xf32> to vector<1024xf32>
    %swap3A_845 = arith.constant 132096 : index
    %swap3A_846 = vector.load %arg2[%swap3A_845] : memref<262144xf32, #tpu.memory_space<vmem>>, vector<1024xf32>
    tpu.vector_store %arg2[%swap3A_845], %squeeze3A_844 {strides = array<i32>} : memref<262144xf32, #tpu.memory_space<vmem>>, vector<1024xf32>,
    %slice3A_847 = vector.extract_strided_slice %dot_general3A_838 {offsets = [2, 0], sizes = [1, 1024], strides = [1, 1]} : vector<8x1024xf32> to vector<1x1024xf32>
    %squeeze3A_848 = vector.shape_cast %slice3A_847 : vector<1x1024xf32> to vector<1024xf32>
    %swap3A_849 = arith.constant 133120 : index
    %swap3A_850 = vector.load %arg2[%swap3A_849] : memref<262144xf32, #tpu.memory_space<vmem>>, vector<1024xf32>
    tpu.vector_store %arg2[%swap3A_849], %squeeze3A_848 {strides = array<i32>} : memref<262144xf32, #tpu.memory_space<vmem>>, vector<1024xf32>,
    %slice3A_851 = vector.extract_strided_slice %dot_general3A_838 {offsets = [3, 0], sizes = [1, 1024], strides = [1, 1]} : vector<8x1024xf32> to vector<1x1024xf32>
    %squeeze3A_852 = vector.shape_cast %slice3A_851 : vector<1x1024xf32> to vector<1024xf32>
    %swap3A_853 = arith.constant 134144 : index
    %swap3A_854 = vector.load %arg2[%swap3A_853] : memref<262144xf32, #tpu.memory_space<vmem>>, vector<1024xf32>
    tpu.vector_store %arg2[%swap3A_853], %squeeze3A_852 {strides = array<i32>} : memref<262144xf32, #tpu.memory_space<vmem>>, vector<1024xf32>,
    %slice3A_855 = vector.extract_strided_slice %dot_general3A_838 {offsets = [4, 0], sizes = [1, 1024], strides = [1, 1]} : vector<8x1024xf32> to vector<1x1024xf32>
    %squeeze3A_856 = vector.shape_cast %slice3A_855 : vector<1x1024xf32> to vector<1024xf32>
    %swap3A_857 = arith.constant 135168 : index
    %swap3A_858 = vector.load %arg2[%swap3A_857] : memref<262144xf32, #tpu.memory_space<vmem>>, vector<1024xf32>
    tpu.vector_store %arg2[%swap3A_857], %squeeze3A_856 {strides = array<i32>} : memref<262144xf32, #tpu.memory_space<vmem>>, vector<1024xf32>,
    %slice3A_859 = vector.extract_strided_slice %dot_general3A_838 {offsets = [5, 0], sizes = [1, 1024], strides = [1, 1]} : vector<8x1024xf32> to vector<1x1024xf32>
    %squeeze3A_860 = vector.shape_cast %slice3A_859 : vector<1x1024xf32> to vector<1024xf32>
    %swap3A_861 = arith.constant 136192 : index
    %swap3A_862 = vector.load %arg2[%swap3A_861] : memref<262144xf32, #tpu.memory_space<vmem>>, vector<1024xf32>
    tpu.vector_store %arg2[%swap3A_861], %squeeze3A_860 {strides = array<i32>} : memref<262144xf32, #tpu.memory_space<vmem>>, vector<1024xf32>,
    %slice3A_863 = vector.extract_strided_slice %dot_general3A_838 {offsets = [6, 0], sizes = [1, 1024], strides = [1, 1]} : vector<8x1024xf32> to vector<1x1024xf32>
    %squeeze3A_864 = vector.shape_cast %slice3A_863 : vector<1x1024xf32> to vector<1024xf32>
    %swap3A_865 = arith.constant 137216 : index
    %swap3A_866 = vector.load %arg2[%swap3A_865] : memref<262144xf32, #tpu.memory_space<vmem>>, vector<1024xf32>
    tpu.vector_store %arg2[%swap3A_865], %squeeze3A_864 {strides = array<i32>} : memref<262144xf32, #tpu.memory_space<vmem>>, vector<1024xf32>,
    %slice3A_867 = vector.extract_strided_slice %dot_general3A_838 {offsets = [7, 0], sizes = [1, 1024], strides = [1, 1]} : vector<8x1024xf32> to vector<1x1024xf32>
    %squeeze3A_868 = vector.shape_cast %slice3A_867 : vector<1x1024xf32> to vector<1024xf32>
    %swap3A_869 = arith.constant 138240 : index
    %swap3A_870 = vector.load %arg2[%swap3A_869] : memref<262144xf32, #tpu.memory_space<vmem>>, vector<1024xf32>
    tpu.vector_store %arg2[%swap3A_869], %squeeze3A_868 {strides = array<i32>} : memref<262144xf32, #tpu.memory_space<vmem>>, vector<1024xf32>,
    %dma_start3A_871 = arith.constant 0 : i32
    %dma_start3A_872 = tpu.memref_slice %arg11[%dma_start3A_871] : memref<8x!tpu.dma_semaphore, #tpu.memory_space<semaphore_mem>> -> memref<1x!tpu.dma_semaphore, #tpu.memory_space<semaphore_mem>>
    %dma_start3A_873 = tpu.memref_squeeze %dma_start3A_872 : memref<1x!tpu.dma_semaphore, #tpu.memory_space<semaphore_mem>> -> memref<!tpu.dma_semaphore, #tpu.memory_space<semaphore_mem>>
    %dma_start3A_874 = arith.constant 24576 : i32
    %dma_start3A_875 = arith.constant 0 : i32
    %dma_start3A_876 = tpu.memref_slice %arg0[%dma_start3A_874, %dma_start3A_875] : memref<32768x768xf32, #tpu.memory_space<hbm>> -> memref<1024x768xf32, #tpu.memory_space<hbm>>
    tpu.enqueue_dma source(%dma_start3A_876 : memref<1024x768xf32, #tpu.memory_space<hbm>>) target(%arg3 : memref<1024x768xf32, #tpu.memory_space<vmem>>) target_semaphore(%dma_start3A_873 : memref<!tpu.dma_semaphore, #tpu.memory_space<semaphore_mem>>)
    %dma_wait3A_877 = arith.constant 1 : i32
    %dma_wait3A_878 = tpu.memref_slice %arg11[%dma_wait3A_877] : memref<8x!tpu.dma_semaphore, #tpu.memory_space<semaphore_mem>> -> memref<1x!tpu.dma_semaphore, #tpu.memory_space<semaphore_mem>>
    %dma_wait3A_879 = tpu.memref_squeeze %dma_wait3A_878 : memref<1x!tpu.dma_semaphore, #tpu.memory_space<semaphore_mem>> -> memref<!tpu.dma_semaphore, #tpu.memory_space<semaphore_mem>>
    %dma_wait3A_880 = arith.constant 17408 : i32
    %dma_wait3A_881 = arith.constant 0 : i32
    %dma_wait3A_882 = tpu.memref_slice %arg0[%dma_wait3A_880, %dma_wait3A_881] : memref<32768x768xf32, #tpu.memory_space<hbm>> -> memref<1024x768xf32, #tpu.memory_space<hbm>>
    tpu.wait_dma2 semaphore(%dma_wait3A_879 : memref<!tpu.dma_semaphore, #tpu.memory_space<semaphore_mem>>) src(%dma_wait3A_882 : memref<1024x768xf32, #tpu.memory_space<hbm>>) dst(%arg4 : memref<1024x768xf32, #tpu.memory_space<vmem>>)
    %get3A_883 = arith.constant 0 : index
    %get3A_884 = arith.constant 0 : index
    %get3A_885 = vector.load %arg4[%get3A_883, %get3A_884] : memref<1024x768xf32, #tpu.memory_space<vmem>>, vector<1024x768xf32>
    %dot_general3A_886 = arith.constant dense<0.000000e+00> : vector<8x1024xf32>
    %dot_general3A_887 = tpu.matmul %get3A_48, %get3A_885, %dot_general3A_886 {dimension_numbers = #tpu.dot_dimension_numbers<[1], [1], [0], [0], [0, 0, 1, 0], [], []>, transpose_lhs_hint = false} : vector<8x768xf32>, vector<1024x768xf32>, vector<8x1024xf32> -> vector<8x1024xf32>
    %slice3A_888 = vector.extract_strided_slice %dot_general3A_887 {offsets = [0, 0], sizes = [1, 1024], strides = [1, 1]} : vector<8x1024xf32> to vector<1x1024xf32>
    %squeeze3A_889 = vector.shape_cast %slice3A_888 : vector<1x1024xf32> to vector<1024xf32>
    %swap3A_890 = arith.constant 139264 : index
    %swap3A_891 = vector.load %arg2[%swap3A_890] : memref<262144xf32, #tpu.memory_space<vmem>>, vector<1024xf32>
    tpu.vector_store %arg2[%swap3A_890], %squeeze3A_889 {strides = array<i32>} : memref<262144xf32, #tpu.memory_space<vmem>>, vector<1024xf32>,
    %slice3A_892 = vector.extract_strided_slice %dot_general3A_887 {offsets = [1, 0], sizes = [1, 1024], strides = [1, 1]} : vector<8x1024xf32> to vector<1x1024xf32>
    %squeeze3A_893 = vector.shape_cast %slice3A_892 : vector<1x1024xf32> to vector<1024xf32>
    %swap3A_894 = arith.constant 140288 : index
    %swap3A_895 = vector.load %arg2[%swap3A_894] : memref<262144xf32, #tpu.memory_space<vmem>>, vector<1024xf32>
    tpu.vector_store %arg2[%swap3A_894], %squeeze3A_893 {strides = array<i32>} : memref<262144xf32, #tpu.memory_space<vmem>>, vector<1024xf32>,
    %slice3A_896 = vector.extract_strided_slice %dot_general3A_887 {offsets = [2, 0], sizes = [1, 1024], strides = [1, 1]} : vector<8x1024xf32> to vector<1x1024xf32>
    %squeeze3A_897 = vector.shape_cast %slice3A_896 : vector<1x1024xf32> to vector<1024xf32>
    %swap3A_898 = arith.constant 141312 : index
    %swap3A_899 = vector.load %arg2[%swap3A_898] : memref<262144xf32, #tpu.memory_space<vmem>>, vector<1024xf32>
    tpu.vector_store %arg2[%swap3A_898], %squeeze3A_897 {strides = array<i32>} : memref<262144xf32, #tpu.memory_space<vmem>>, vector<1024xf32>,
    %slice3A_900 = vector.extract_strided_slice %dot_general3A_887 {offsets = [3, 0], sizes = [1, 1024], strides = [1, 1]} : vector<8x1024xf32> to vector<1x1024xf32>
    %squeeze3A_901 = vector.shape_cast %slice3A_900 : vector<1x1024xf32> to vector<1024xf32>
    %swap3A_902 = arith.constant 142336 : index
    %swap3A_903 = vector.load %arg2[%swap3A_902] : memref<262144xf32, #tpu.memory_space<vmem>>, vector<1024xf32>
    tpu.vector_store %arg2[%swap3A_902], %squeeze3A_901 {strides = array<i32>} : memref<262144xf32, #tpu.memory_space<vmem>>, vector<1024xf32>,
    %slice3A_904 = vector.extract_strided_slice %dot_general3A_887 {offsets = [4, 0], sizes = [1, 1024], strides = [1, 1]} : vector<8x1024xf32> to vector<1x1024xf32>
    %squeeze3A_905 = vector.shape_cast %slice3A_904 : vector<1x1024xf32> to vector<1024xf32>
    %swap3A_906 = arith.constant 143360 : index
    %swap3A_907 = vector.load %arg2[%swap3A_906] : memref<262144xf32, #tpu.memory_space<vmem>>, vector<1024xf32>
    tpu.vector_store %arg2[%swap3A_906], %squeeze3A_905 {strides = array<i32>} : memref<262144xf32, #tpu.memory_space<vmem>>, vector<1024xf32>,
    %slice3A_908 = vector.extract_strided_slice %dot_general3A_887 {offsets = [5, 0], sizes = [1, 1024], strides = [1, 1]} : vector<8x1024xf32> to vector<1x1024xf32>
    %squeeze3A_909 = vector.shape_cast %slice3A_908 : vector<1x1024xf32> to vector<1024xf32>
    %swap3A_910 = arith.constant 144384 : index
    %swap3A_911 = vector.load %arg2[%swap3A_910] : memref<262144xf32, #tpu.memory_space<vmem>>, vector<1024xf32>
    tpu.vector_store %arg2[%swap3A_910], %squeeze3A_909 {strides = array<i32>} : memref<262144xf32, #tpu.memory_space<vmem>>, vector<1024xf32>,
    %slice3A_912 = vector.extract_strided_slice %dot_general3A_887 {offsets = [6, 0], sizes = [1, 1024], strides = [1, 1]} : vector<8x1024xf32> to vector<1x1024xf32>
    %squeeze3A_913 = vector.shape_cast %slice3A_912 : vector<1x1024xf32> to vector<1024xf32>
    %swap3A_914 = arith.constant 145408 : index
    %swap3A_915 = vector.load %arg2[%swap3A_914] : memref<262144xf32, #tpu.memory_space<vmem>>, vector<1024xf32>
    tpu.vector_store %arg2[%swap3A_914], %squeeze3A_913 {strides = array<i32>} : memref<262144xf32, #tpu.memory_space<vmem>>, vector<1024xf32>,
    %slice3A_916 = vector.extract_strided_slice %dot_general3A_887 {offsets = [7, 0], sizes = [1, 1024], strides = [1, 1]} : vector<8x1024xf32> to vector<1x1024xf32>
    %squeeze3A_917 = vector.shape_cast %slice3A_916 : vector<1x1024xf32> to vector<1024xf32>
    %swap3A_918 = arith.constant 146432 : index
    %swap3A_919 = vector.load %arg2[%swap3A_918] : memref<262144xf32, #tpu.memory_space<vmem>>, vector<1024xf32>
    tpu.vector_store %arg2[%swap3A_918], %squeeze3A_917 {strides = array<i32>} : memref<262144xf32, #tpu.memory_space<vmem>>, vector<1024xf32>,
    %dma_start3A_920 = arith.constant 1 : i32
    %dma_start3A_921 = tpu.memref_slice %arg11[%dma_start3A_920] : memref<8x!tpu.dma_semaphore, #tpu.memory_space<semaphore_mem>> -> memref<1x!tpu.dma_semaphore, #tpu.memory_space<semaphore_mem>>
    %dma_start3A_922 = tpu.memref_squeeze %dma_start3A_921 : memref<1x!tpu.dma_semaphore, #tpu.memory_space<semaphore_mem>> -> memref<!tpu.dma_semaphore, #tpu.memory_space<semaphore_mem>>
    %dma_start3A_923 = arith.constant 25600 : i32
    %dma_start3A_924 = arith.constant 0 : i32
    %dma_start3A_925 = tpu.memref_slice %arg0[%dma_start3A_923, %dma_start3A_924] : memref<32768x768xf32, #tpu.memory_space<hbm>> -> memref<1024x768xf32, #tpu.memory_space<hbm>>
    tpu.enqueue_dma source(%dma_start3A_925 : memref<1024x768xf32, #tpu.memory_space<hbm>>) target(%arg4 : memref<1024x768xf32, #tpu.memory_space<vmem>>) target_semaphore(%dma_start3A_922 : memref<!tpu.dma_semaphore, #tpu.memory_space<semaphore_mem>>)
    %dma_wait3A_926 = arith.constant 2 : i32
    %dma_wait3A_927 = tpu.memref_slice %arg11[%dma_wait3A_926] : memref<8x!tpu.dma_semaphore, #tpu.memory_space<semaphore_mem>> -> memref<1x!tpu.dma_semaphore, #tpu.memory_space<semaphore_mem>>
    %dma_wait3A_928 = tpu.memref_squeeze %dma_wait3A_927 : memref<1x!tpu.dma_semaphore, #tpu.memory_space<semaphore_mem>> -> memref<!tpu.dma_semaphore, #tpu.memory_space<semaphore_mem>>
    %dma_wait3A_929 = arith.constant 18432 : i32
    %dma_wait3A_930 = arith.constant 0 : i32
    %dma_wait3A_931 = tpu.memref_slice %arg0[%dma_wait3A_929, %dma_wait3A_930] : memref<32768x768xf32, #tpu.memory_space<hbm>> -> memref<1024x768xf32, #tpu.memory_space<hbm>>
    tpu.wait_dma2 semaphore(%dma_wait3A_928 : memref<!tpu.dma_semaphore, #tpu.memory_space<semaphore_mem>>) src(%dma_wait3A_931 : memref<1024x768xf32, #tpu.memory_space<hbm>>) dst(%arg5 : memref<1024x768xf32, #tpu.memory_space<vmem>>)
    %get3A_932 = arith.constant 0 : index
    %get3A_933 = arith.constant 0 : index
    %get3A_934 = vector.load %arg5[%get3A_932, %get3A_933] : memref<1024x768xf32, #tpu.memory_space<vmem>>, vector<1024x768xf32>
    %dot_general3A_935 = arith.constant dense<0.000000e+00> : vector<8x1024xf32>
    %dot_general3A_936 = tpu.matmul %get3A_48, %get3A_934, %dot_general3A_935 {dimension_numbers = #tpu.dot_dimension_numbers<[1], [1], [0], [0], [0, 0, 1, 0], [], []>, transpose_lhs_hint = false} : vector<8x768xf32>, vector<1024x768xf32>, vector<8x1024xf32> -> vector<8x1024xf32>
    %slice3A_937 = vector.extract_strided_slice %dot_general3A_936 {offsets = [0, 0], sizes = [1, 1024], strides = [1, 1]} : vector<8x1024xf32> to vector<1x1024xf32>
    %squeeze3A_938 = vector.shape_cast %slice3A_937 : vector<1x1024xf32> to vector<1024xf32>
    %swap3A_939 = arith.constant 147456 : index
    %swap3A_940 = vector.load %arg2[%swap3A_939] : memref<262144xf32, #tpu.memory_space<vmem>>, vector<1024xf32>
    tpu.vector_store %arg2[%swap3A_939], %squeeze3A_938 {strides = array<i32>} : memref<262144xf32, #tpu.memory_space<vmem>>, vector<1024xf32>,
    %slice3A_941 = vector.extract_strided_slice %dot_general3A_936 {offsets = [1, 0], sizes = [1, 1024], strides = [1, 1]} : vector<8x1024xf32> to vector<1x1024xf32>
    %squeeze3A_942 = vector.shape_cast %slice3A_941 : vector<1x1024xf32> to vector<1024xf32>
    %swap3A_943 = arith.constant 148480 : index
    %swap3A_944 = vector.load %arg2[%swap3A_943] : memref<262144xf32, #tpu.memory_space<vmem>>, vector<1024xf32>
    tpu.vector_store %arg2[%swap3A_943], %squeeze3A_942 {strides = array<i32>} : memref<262144xf32, #tpu.memory_space<vmem>>, vector<1024xf32>,
    %slice3A_945 = vector.extract_strided_slice %dot_general3A_936 {offsets = [2, 0], sizes = [1, 1024], strides = [1, 1]} : vector<8x1024xf32> to vector<1x1024xf32>
    %squeeze3A_946 = vector.shape_cast %slice3A_945 : vector<1x1024xf32> to vector<1024xf32>
    %swap3A_947 = arith.constant 149504 : index
    %swap3A_948 = vector.load %arg2[%swap3A_947] : memref<262144xf32, #tpu.memory_space<vmem>>, vector<1024xf32>
    tpu.vector_store %arg2[%swap3A_947], %squeeze3A_946 {strides = array<i32>} : memref<262144xf32, #tpu.memory_space<vmem>>, vector<1024xf32>,
    %slice3A_949 = vector.extract_strided_slice %dot_general3A_936 {offsets = [3, 0], sizes = [1, 1024], strides = [1, 1]} : vector<8x1024xf32> to vector<1x1024xf32>
    %squeeze3A_950 = vector.shape_cast %slice3A_949 : vector<1x1024xf32> to vector<1024xf32>
    %swap3A_951 = arith.constant 150528 : index
    %swap3A_952 = vector.load %arg2[%swap3A_951] : memref<262144xf32, #tpu.memory_space<vmem>>, vector<1024xf32>
    tpu.vector_store %arg2[%swap3A_951], %squeeze3A_950 {strides = array<i32>} : memref<262144xf32, #tpu.memory_space<vmem>>, vector<1024xf32>,
    %slice3A_953 = vector.extract_strided_slice %dot_general3A_936 {offsets = [4, 0], sizes = [1, 1024], strides = [1, 1]} : vector<8x1024xf32> to vector<1x1024xf32>
    %squeeze3A_954 = vector.shape_cast %slice3A_953 : vector<1x1024xf32> to vector<1024xf32>
    %swap3A_955 = arith.constant 151552 : index
    %swap3A_956 = vector.load %arg2[%swap3A_955] : memref<262144xf32, #tpu.memory_space<vmem>>, vector<1024xf32>
    tpu.vector_store %arg2[%swap3A_955], %squeeze3A_954 {strides = array<i32>} : memref<262144xf32, #tpu.memory_space<vmem>>, vector<1024xf32>,
    %slice3A_957 = vector.extract_strided_slice %dot_general3A_936 {offsets = [5, 0], sizes = [1, 1024], strides = [1, 1]} : vector<8x1024xf32> to vector<1x1024xf32>
    %squeeze3A_958 = vector.shape_cast %slice3A_957 : vector<1x1024xf32> to vector<1024xf32>
    %swap3A_959 = arith.constant 152576 : index
    %swap3A_960 = vector.load %arg2[%swap3A_959] : memref<262144xf32, #tpu.memory_space<vmem>>, vector<1024xf32>
    tpu.vector_store %arg2[%swap3A_959], %squeeze3A_958 {strides = array<i32>} : memref<262144xf32, #tpu.memory_space<vmem>>, vector<1024xf32>,
    %slice3A_961 = vector.extract_strided_slice %dot_general3A_936 {offsets = [6, 0], sizes = [1, 1024], strides = [1, 1]} : vector<8x1024xf32> to vector<1x1024xf32>
    %squeeze3A_962 = vector.shape_cast %slice3A_961 : vector<1x1024xf32> to vector<1024xf32>
    %swap3A_963 = arith.constant 153600 : index
    %swap3A_964 = vector.load %arg2[%swap3A_963] : memref<262144xf32, #tpu.memory_space<vmem>>, vector<1024xf32>
    tpu.vector_store %arg2[%swap3A_963], %squeeze3A_962 {strides = array<i32>} : memref<262144xf32, #tpu.memory_space<vmem>>, vector<1024xf32>,
    %slice3A_965 = vector.extract_strided_slice %dot_general3A_936 {offsets = [7, 0], sizes = [1, 1024], strides = [1, 1]} : vector<8x1024xf32> to vector<1x1024xf32>
    %squeeze3A_966 = vector.shape_cast %slice3A_965 : vector<1x1024xf32> to vector<1024xf32>
    %swap3A_967 = arith.constant 154624 : index
    %swap3A_968 = vector.load %arg2[%swap3A_967] : memref<262144xf32, #tpu.memory_space<vmem>>, vector<1024xf32>
    tpu.vector_store %arg2[%swap3A_967], %squeeze3A_966 {strides = array<i32>} : memref<262144xf32, #tpu.memory_space<vmem>>, vector<1024xf32>,
    %dma_start3A_969 = arith.constant 2 : i32
    %dma_start3A_970 = tpu.memref_slice %arg11[%dma_start3A_969] : memref<8x!tpu.dma_semaphore, #tpu.memory_space<semaphore_mem>> -> memref<1x!tpu.dma_semaphore, #tpu.memory_space<semaphore_mem>>
    %dma_start3A_971 = tpu.memref_squeeze %dma_start3A_970 : memref<1x!tpu.dma_semaphore, #tpu.memory_space<semaphore_mem>> -> memref<!tpu.dma_semaphore, #tpu.memory_space<semaphore_mem>>
    %dma_start3A_972 = arith.constant 26624 : i32
    %dma_start3A_973 = arith.constant 0 : i32
    %dma_start3A_974 = tpu.memref_slice %arg0[%dma_start3A_972, %dma_start3A_973] : memref<32768x768xf32, #tpu.memory_space<hbm>> -> memref<1024x768xf32, #tpu.memory_space<hbm>>
    tpu.enqueue_dma source(%dma_start3A_974 : memref<1024x768xf32, #tpu.memory_space<hbm>>) target(%arg5 : memref<1024x768xf32, #tpu.memory_space<vmem>>) target_semaphore(%dma_start3A_971 : memref<!tpu.dma_semaphore, #tpu.memory_space<semaphore_mem>>)
    %dma_wait3A_975 = arith.constant 3 : i32
    %dma_wait3A_976 = tpu.memref_slice %arg11[%dma_wait3A_975] : memref<8x!tpu.dma_semaphore, #tpu.memory_space<semaphore_mem>> -> memref<1x!tpu.dma_semaphore, #tpu.memory_space<semaphore_mem>>
    %dma_wait3A_977 = tpu.memref_squeeze %dma_wait3A_976 : memref<1x!tpu.dma_semaphore, #tpu.memory_space<semaphore_mem>> -> memref<!tpu.dma_semaphore, #tpu.memory_space<semaphore_mem>>
    %dma_wait3A_978 = arith.constant 19456 : i32
    %dma_wait3A_979 = arith.constant 0 : i32
    %dma_wait3A_980 = tpu.memref_slice %arg0[%dma_wait3A_978, %dma_wait3A_979] : memref<32768x768xf32, #tpu.memory_space<hbm>> -> memref<1024x768xf32, #tpu.memory_space<hbm>>
    tpu.wait_dma2 semaphore(%dma_wait3A_977 : memref<!tpu.dma_semaphore, #tpu.memory_space<semaphore_mem>>) src(%dma_wait3A_980 : memref<1024x768xf32, #tpu.memory_space<hbm>>) dst(%arg6 : memref<1024x768xf32, #tpu.memory_space<vmem>>)
    %get3A_981 = arith.constant 0 : index
    %get3A_982 = arith.constant 0 : index
    %get3A_983 = vector.load %arg6[%get3A_981, %get3A_982] : memref<1024x768xf32, #tpu.memory_space<vmem>>, vector<1024x768xf32>
    %dot_general3A_984 = arith.constant dense<0.000000e+00> : vector<8x1024xf32>
    %dot_general3A_985 = tpu.matmul %get3A_48, %get3A_983, %dot_general3A_984 {dimension_numbers = #tpu.dot_dimension_numbers<[1], [1], [0], [0], [0, 0, 1, 0], [], []>, transpose_lhs_hint = false} : vector<8x768xf32>, vector<1024x768xf32>, vector<8x1024xf32> -> vector<8x1024xf32>
    %slice3A_986 = vector.extract_strided_slice %dot_general3A_985 {offsets = [0, 0], sizes = [1, 1024], strides = [1, 1]} : vector<8x1024xf32> to vector<1x1024xf32>
    %squeeze3A_987 = vector.shape_cast %slice3A_986 : vector<1x1024xf32> to vector<1024xf32>
    %swap3A_988 = arith.constant 155648 : index
    %swap3A_989 = vector.load %arg2[%swap3A_988] : memref<262144xf32, #tpu.memory_space<vmem>>, vector<1024xf32>
    tpu.vector_store %arg2[%swap3A_988], %squeeze3A_987 {strides = array<i32>} : memref<262144xf32, #tpu.memory_space<vmem>>, vector<1024xf32>,
    %slice3A_990 = vector.extract_strided_slice %dot_general3A_985 {offsets = [1, 0], sizes = [1, 1024], strides = [1, 1]} : vector<8x1024xf32> to vector<1x1024xf32>
    %squeeze3A_991 = vector.shape_cast %slice3A_990 : vector<1x1024xf32> to vector<1024xf32>
    %swap3A_992 = arith.constant 156672 : index
    %swap3A_993 = vector.load %arg2[%swap3A_992] : memref<262144xf32, #tpu.memory_space<vmem>>, vector<1024xf32>
    tpu.vector_store %arg2[%swap3A_992], %squeeze3A_991 {strides = array<i32>} : memref<262144xf32, #tpu.memory_space<vmem>>, vector<1024xf32>,
    %slice3A_994 = vector.extract_strided_slice %dot_general3A_985 {offsets = [2, 0], sizes = [1, 1024], strides = [1, 1]} : vector<8x1024xf32> to vector<1x1024xf32>
    %squeeze3A_995 = vector.shape_cast %slice3A_994 : vector<1x1024xf32> to vector<1024xf32>
    %swap3A_996 = arith.constant 157696 : index
    %swap3A_997 = vector.load %arg2[%swap3A_996] : memref<262144xf32, #tpu.memory_space<vmem>>, vector<1024xf32>
    tpu.vector_store %arg2[%swap3A_996], %squeeze3A_995 {strides = array<i32>} : memref<262144xf32, #tpu.memory_space<vmem>>, vector<1024xf32>,
    %slice3A_998 = vector.extract_strided_slice %dot_general3A_985 {offsets = [3, 0], sizes = [1, 1024], strides = [1, 1]} : vector<8x1024xf32> to vector<1x1024xf32>
    %squeeze3A_999 = vector.shape_cast %slice3A_998 : vector<1x1024xf32> to vector<1024xf32>
    %swap3A_1000 = arith.constant 158720 : index
    %swap3A_1001 = vector.load %arg2[%swap3A_1000] : memref<262144xf32, #tpu.memory_space<vmem>>, vector<1024xf32>
    tpu.vector_store %arg2[%swap3A_1000], %squeeze3A_999 {strides = array<i32>} : memref<262144xf32, #tpu.memory_space<vmem>>, vector<1024xf32>,
    %slice3A_1002 = vector.extract_strided_slice %dot_general3A_985 {offsets = [4, 0], sizes = [1, 1024], strides = [1, 1]} : vector<8x1024xf32> to vector<1x1024xf32>
    %squeeze3A_1003 = vector.shape_cast %slice3A_1002 : vector<1x1024xf32> to vector<1024xf32>
    %swap3A_1004 = arith.constant 159744 : index
    %swap3A_1005 = vector.load %arg2[%swap3A_1004] : memref<262144xf32, #tpu.memory_space<vmem>>, vector<1024xf32>
    tpu.vector_store %arg2[%swap3A_1004], %squeeze3A_1003 {strides = array<i32>} : memref<262144xf32, #tpu.memory_space<vmem>>, vector<1024xf32>,
    %slice3A_1006 = vector.extract_strided_slice %dot_general3A_985 {offsets = [5, 0], sizes = [1, 1024], strides = [1, 1]} : vector<8x1024xf32> to vector<1x1024xf32>
    %squeeze3A_1007 = vector.shape_cast %slice3A_1006 : vector<1x1024xf32> to vector<1024xf32>
    %swap3A_1008 = arith.constant 160768 : index
    %swap3A_1009 = vector.load %arg2[%swap3A_1008] : memref<262144xf32, #tpu.memory_space<vmem>>, vector<1024xf32>
    tpu.vector_store %arg2[%swap3A_1008], %squeeze3A_1007 {strides = array<i32>} : memref<262144xf32, #tpu.memory_space<vmem>>, vector<1024xf32>,
    %slice3A_1010 = vector.extract_strided_slice %dot_general3A_985 {offsets = [6, 0], sizes = [1, 1024], strides = [1, 1]} : vector<8x1024xf32> to vector<1x1024xf32>
    %squeeze3A_1011 = vector.shape_cast %slice3A_1010 : vector<1x1024xf32> to vector<1024xf32>
    %swap3A_1012 = arith.constant 161792 : index
    %swap3A_1013 = vector.load %arg2[%swap3A_1012] : memref<262144xf32, #tpu.memory_space<vmem>>, vector<1024xf32>
    tpu.vector_store %arg2[%swap3A_1012], %squeeze3A_1011 {strides = array<i32>} : memref<262144xf32, #tpu.memory_space<vmem>>, vector<1024xf32>,
    %slice3A_1014 = vector.extract_strided_slice %dot_general3A_985 {offsets = [7, 0], sizes = [1, 1024], strides = [1, 1]} : vector<8x1024xf32> to vector<1x1024xf32>
    %squeeze3A_1015 = vector.shape_cast %slice3A_1014 : vector<1x1024xf32> to vector<1024xf32>
    %swap3A_1016 = arith.constant 162816 : index
    %swap3A_1017 = vector.load %arg2[%swap3A_1016] : memref<262144xf32, #tpu.memory_space<vmem>>, vector<1024xf32>
    tpu.vector_store %arg2[%swap3A_1016], %squeeze3A_1015 {strides = array<i32>} : memref<262144xf32, #tpu.memory_space<vmem>>, vector<1024xf32>,
    %dma_start3A_1018 = arith.constant 3 : i32
    %dma_start3A_1019 = tpu.memref_slice %arg11[%dma_start3A_1018] : memref<8x!tpu.dma_semaphore, #tpu.memory_space<semaphore_mem>> -> memref<1x!tpu.dma_semaphore, #tpu.memory_space<semaphore_mem>>
    %dma_start3A_1020 = tpu.memref_squeeze %dma_start3A_1019 : memref<1x!tpu.dma_semaphore, #tpu.memory_space<semaphore_mem>> -> memref<!tpu.dma_semaphore, #tpu.memory_space<semaphore_mem>>
    %dma_start3A_1021 = arith.constant 27648 : i32
    %dma_start3A_1022 = arith.constant 0 : i32
    %dma_start3A_1023 = tpu.memref_slice %arg0[%dma_start3A_1021, %dma_start3A_1022] : memref<32768x768xf32, #tpu.memory_space<hbm>> -> memref<1024x768xf32, #tpu.memory_space<hbm>>
    tpu.enqueue_dma source(%dma_start3A_1023 : memref<1024x768xf32, #tpu.memory_space<hbm>>) target(%arg6 : memref<1024x768xf32, #tpu.memory_space<vmem>>) target_semaphore(%dma_start3A_1020 : memref<!tpu.dma_semaphore, #tpu.memory_space<semaphore_mem>>)
    %dma_wait3A_1024 = arith.constant 4 : i32
    %dma_wait3A_1025 = tpu.memref_slice %arg11[%dma_wait3A_1024] : memref<8x!tpu.dma_semaphore, #tpu.memory_space<semaphore_mem>> -> memref<1x!tpu.dma_semaphore, #tpu.memory_space<semaphore_mem>>
    %dma_wait3A_1026 = tpu.memref_squeeze %dma_wait3A_1025 : memref<1x!tpu.dma_semaphore, #tpu.memory_space<semaphore_mem>> -> memref<!tpu.dma_semaphore, #tpu.memory_space<semaphore_mem>>
    %dma_wait3A_1027 = arith.constant 20480 : i32
    %dma_wait3A_1028 = arith.constant 0 : i32
    %dma_wait3A_1029 = tpu.memref_slice %arg0[%dma_wait3A_1027, %dma_wait3A_1028] : memref<32768x768xf32, #tpu.memory_space<hbm>> -> memref<1024x768xf32, #tpu.memory_space<hbm>>
    tpu.wait_dma2 semaphore(%dma_wait3A_1026 : memref<!tpu.dma_semaphore, #tpu.memory_space<semaphore_mem>>) src(%dma_wait3A_1029 : memref<1024x768xf32, #tpu.memory_space<hbm>>) dst(%arg7 : memref<1024x768xf32, #tpu.memory_space<vmem>>)
    %get3A_1030 = arith.constant 0 : index
    %get3A_1031 = arith.constant 0 : index
    %get3A_1032 = vector.load %arg7[%get3A_1030, %get3A_1031] : memref<1024x768xf32, #tpu.memory_space<vmem>>, vector<1024x768xf32>
    %dot_general3A_1033 = arith.constant dense<0.000000e+00> : vector<8x1024xf32>
    %dot_general3A_1034 = tpu.matmul %get3A_48, %get3A_1032, %dot_general3A_1033 {dimension_numbers = #tpu.dot_dimension_numbers<[1], [1], [0], [0], [0, 0, 1, 0], [], []>, transpose_lhs_hint = false} : vector<8x768xf32>, vector<1024x768xf32>, vector<8x1024xf32> -> vector<8x1024xf32>
    %slice3A_1035 = vector.extract_strided_slice %dot_general3A_1034 {offsets = [0, 0], sizes = [1, 1024], strides = [1, 1]} : vector<8x1024xf32> to vector<1x1024xf32>
    %squeeze3A_1036 = vector.shape_cast %slice3A_1035 : vector<1x1024xf32> to vector<1024xf32>
    %swap3A_1037 = arith.constant 163840 : index
    %swap3A_1038 = vector.load %arg2[%swap3A_1037] : memref<262144xf32, #tpu.memory_space<vmem>>, vector<1024xf32>
    tpu.vector_store %arg2[%swap3A_1037], %squeeze3A_1036 {strides = array<i32>} : memref<262144xf32, #tpu.memory_space<vmem>>, vector<1024xf32>,
    %slice3A_1039 = vector.extract_strided_slice %dot_general3A_1034 {offsets = [1, 0], sizes = [1, 1024], strides = [1, 1]} : vector<8x1024xf32> to vector<1x1024xf32>
    %squeeze3A_1040 = vector.shape_cast %slice3A_1039 : vector<1x1024xf32> to vector<1024xf32>
    %swap3A_1041 = arith.constant 164864 : index
    %swap3A_1042 = vector.load %arg2[%swap3A_1041] : memref<262144xf32, #tpu.memory_space<vmem>>, vector<1024xf32>
    tpu.vector_store %arg2[%swap3A_1041], %squeeze3A_1040 {strides = array<i32>} : memref<262144xf32, #tpu.memory_space<vmem>>, vector<1024xf32>,
    %slice3A_1043 = vector.extract_strided_slice %dot_general3A_1034 {offsets = [2, 0], sizes = [1, 1024], strides = [1, 1]} : vector<8x1024xf32> to vector<1x1024xf32>
    %squeeze3A_1044 = vector.shape_cast %slice3A_1043 : vector<1x1024xf32> to vector<1024xf32>
    %swap3A_1045 = arith.constant 165888 : index
    %swap3A_1046 = vector.load %arg2[%swap3A_1045] : memref<262144xf32, #tpu.memory_space<vmem>>, vector<1024xf32>
    tpu.vector_store %arg2[%swap3A_1045], %squeeze3A_1044 {strides = array<i32>} : memref<262144xf32, #tpu.memory_space<vmem>>, vector<1024xf32>,
    %slice3A_1047 = vector.extract_strided_slice %dot_general3A_1034 {offsets = [3, 0], sizes = [1, 1024], strides = [1, 1]} : vector<8x1024xf32> to vector<1x1024xf32>
    %squeeze3A_1048 = vector.shape_cast %slice3A_1047 : vector<1x1024xf32> to vector<1024xf32>
    %swap3A_1049 = arith.constant 166912 : index
    %swap3A_1050 = vector.load %arg2[%swap3A_1049] : memref<262144xf32, #tpu.memory_space<vmem>>, vector<1024xf32>
    tpu.vector_store %arg2[%swap3A_1049], %squeeze3A_1048 {strides = array<i32>} : memref<262144xf32, #tpu.memory_space<vmem>>, vector<1024xf32>,
    %slice3A_1051 = vector.extract_strided_slice %dot_general3A_1034 {offsets = [4, 0], sizes = [1, 1024], strides = [1, 1]} : vector<8x1024xf32> to vector<1x1024xf32>
    %squeeze3A_1052 = vector.shape_cast %slice3A_1051 : vector<1x1024xf32> to vector<1024xf32>
    %swap3A_1053 = arith.constant 167936 : index
    %swap3A_1054 = vector.load %arg2[%swap3A_1053] : memref<262144xf32, #tpu.memory_space<vmem>>, vector<1024xf32>
    tpu.vector_store %arg2[%swap3A_1053], %squeeze3A_1052 {strides = array<i32>} : memref<262144xf32, #tpu.memory_space<vmem>>, vector<1024xf32>,
    %slice3A_1055 = vector.extract_strided_slice %dot_general3A_1034 {offsets = [5, 0], sizes = [1, 1024], strides = [1, 1]} : vector<8x1024xf32> to vector<1x1024xf32>
    %squeeze3A_1056 = vector.shape_cast %slice3A_1055 : vector<1x1024xf32> to vector<1024xf32>
    %swap3A_1057 = arith.constant 168960 : index
    %swap3A_1058 = vector.load %arg2[%swap3A_1057] : memref<262144xf32, #tpu.memory_space<vmem>>, vector<1024xf32>
    tpu.vector_store %arg2[%swap3A_1057], %squeeze3A_1056 {strides = array<i32>} : memref<262144xf32, #tpu.memory_space<vmem>>, vector<1024xf32>,
    %slice3A_1059 = vector.extract_strided_slice %dot_general3A_1034 {offsets = [6, 0], sizes = [1, 1024], strides = [1, 1]} : vector<8x1024xf32> to vector<1x1024xf32>
    %squeeze3A_1060 = vector.shape_cast %slice3A_1059 : vector<1x1024xf32> to vector<1024xf32>
    %swap3A_1061 = arith.constant 169984 : index
    %swap3A_1062 = vector.load %arg2[%swap3A_1061] : memref<262144xf32, #tpu.memory_space<vmem>>, vector<1024xf32>
    tpu.vector_store %arg2[%swap3A_1061], %squeeze3A_1060 {strides = array<i32>} : memref<262144xf32, #tpu.memory_space<vmem>>, vector<1024xf32>,
    %slice3A_1063 = vector.extract_strided_slice %dot_general3A_1034 {offsets = [7, 0], sizes = [1, 1024], strides = [1, 1]} : vector<8x1024xf32> to vector<1x1024xf32>
    %squeeze3A_1064 = vector.shape_cast %slice3A_1063 : vector<1x1024xf32> to vector<1024xf32>
    %swap3A_1065 = arith.constant 171008 : index
    %swap3A_1066 = vector.load %arg2[%swap3A_1065] : memref<262144xf32, #tpu.memory_space<vmem>>, vector<1024xf32>
    tpu.vector_store %arg2[%swap3A_1065], %squeeze3A_1064 {strides = array<i32>} : memref<262144xf32, #tpu.memory_space<vmem>>, vector<1024xf32>,
    %dma_start3A_1067 = arith.constant 4 : i32
    %dma_start3A_1068 = tpu.memref_slice %arg11[%dma_start3A_1067] : memref<8x!tpu.dma_semaphore, #tpu.memory_space<semaphore_mem>> -> memref<1x!tpu.dma_semaphore, #tpu.memory_space<semaphore_mem>>
    %dma_start3A_1069 = tpu.memref_squeeze %dma_start3A_1068 : memref<1x!tpu.dma_semaphore, #tpu.memory_space<semaphore_mem>> -> memref<!tpu.dma_semaphore, #tpu.memory_space<semaphore_mem>>
    %dma_start3A_1070 = arith.constant 28672 : i32
    %dma_start3A_1071 = arith.constant 0 : i32
    %dma_start3A_1072 = tpu.memref_slice %arg0[%dma_start3A_1070, %dma_start3A_1071] : memref<32768x768xf32, #tpu.memory_space<hbm>> -> memref<1024x768xf32, #tpu.memory_space<hbm>>
    tpu.enqueue_dma source(%dma_start3A_1072 : memref<1024x768xf32, #tpu.memory_space<hbm>>) target(%arg7 : memref<1024x768xf32, #tpu.memory_space<vmem>>) target_semaphore(%dma_start3A_1069 : memref<!tpu.dma_semaphore, #tpu.memory_space<semaphore_mem>>)
    %dma_wait3A_1073 = arith.constant 5 : i32
    %dma_wait3A_1074 = tpu.memref_slice %arg11[%dma_wait3A_1073] : memref<8x!tpu.dma_semaphore, #tpu.memory_space<semaphore_mem>> -> memref<1x!tpu.dma_semaphore, #tpu.memory_space<semaphore_mem>>
    %dma_wait3A_1075 = tpu.memref_squeeze %dma_wait3A_1074 : memref<1x!tpu.dma_semaphore, #tpu.memory_space<semaphore_mem>> -> memref<!tpu.dma_semaphore, #tpu.memory_space<semaphore_mem>>
    %dma_wait3A_1076 = arith.constant 21504 : i32
    %dma_wait3A_1077 = arith.constant 0 : i32
    %dma_wait3A_1078 = tpu.memref_slice %arg0[%dma_wait3A_1076, %dma_wait3A_1077] : memref<32768x768xf32, #tpu.memory_space<hbm>> -> memref<1024x768xf32, #tpu.memory_space<hbm>>
    tpu.wait_dma2 semaphore(%dma_wait3A_1075 : memref<!tpu.dma_semaphore, #tpu.memory_space<semaphore_mem>>) src(%dma_wait3A_1078 : memref<1024x768xf32, #tpu.memory_space<hbm>>) dst(%arg8 : memref<1024x768xf32, #tpu.memory_space<vmem>>)
    %get3A_1079 = arith.constant 0 : index
    %get3A_1080 = arith.constant 0 : index
    %get3A_1081 = vector.load %arg8[%get3A_1079, %get3A_1080] : memref<1024x768xf32, #tpu.memory_space<vmem>>, vector<1024x768xf32>
    %dot_general3A_1082 = arith.constant dense<0.000000e+00> : vector<8x1024xf32>
    %dot_general3A_1083 = tpu.matmul %get3A_48, %get3A_1081, %dot_general3A_1082 {dimension_numbers = #tpu.dot_dimension_numbers<[1], [1], [0], [0], [0, 0, 1, 0], [], []>, transpose_lhs_hint = false} : vector<8x768xf32>, vector<1024x768xf32>, vector<8x1024xf32> -> vector<8x1024xf32>
    %slice3A_1084 = vector.extract_strided_slice %dot_general3A_1083 {offsets = [0, 0], sizes = [1, 1024], strides = [1, 1]} : vector<8x1024xf32> to vector<1x1024xf32>
    %squeeze3A_1085 = vector.shape_cast %slice3A_1084 : vector<1x1024xf32> to vector<1024xf32>
    %swap3A_1086 = arith.constant 172032 : index
    %swap3A_1087 = vector.load %arg2[%swap3A_1086] : memref<262144xf32, #tpu.memory_space<vmem>>, vector<1024xf32>
    tpu.vector_store %arg2[%swap3A_1086], %squeeze3A_1085 {strides = array<i32>} : memref<262144xf32, #tpu.memory_space<vmem>>, vector<1024xf32>,
    %slice3A_1088 = vector.extract_strided_slice %dot_general3A_1083 {offsets = [1, 0], sizes = [1, 1024], strides = [1, 1]} : vector<8x1024xf32> to vector<1x1024xf32>
    %squeeze3A_1089 = vector.shape_cast %slice3A_1088 : vector<1x1024xf32> to vector<1024xf32>
    %swap3A_1090 = arith.constant 173056 : index
    %swap3A_1091 = vector.load %arg2[%swap3A_1090] : memref<262144xf32, #tpu.memory_space<vmem>>, vector<1024xf32>
    tpu.vector_store %arg2[%swap3A_1090], %squeeze3A_1089 {strides = array<i32>} : memref<262144xf32, #tpu.memory_space<vmem>>, vector<1024xf32>,
    %slice3A_1092 = vector.extract_strided_slice %dot_general3A_1083 {offsets = [2, 0], sizes = [1, 1024], strides = [1, 1]} : vector<8x1024xf32> to vector<1x1024xf32>
    %squeeze3A_1093 = vector.shape_cast %slice3A_1092 : vector<1x1024xf32> to vector<1024xf32>
    %swap3A_1094 = arith.constant 174080 : index
    %swap3A_1095 = vector.load %arg2[%swap3A_1094] : memref<262144xf32, #tpu.memory_space<vmem>>, vector<1024xf32>
    tpu.vector_store %arg2[%swap3A_1094], %squeeze3A_1093 {strides = array<i32>} : memref<262144xf32, #tpu.memory_space<vmem>>, vector<1024xf32>,
    %slice3A_1096 = vector.extract_strided_slice %dot_general3A_1083 {offsets = [3, 0], sizes = [1, 1024], strides = [1, 1]} : vector<8x1024xf32> to vector<1x1024xf32>
    %squeeze3A_1097 = vector.shape_cast %slice3A_1096 : vector<1x1024xf32> to vector<1024xf32>
    %swap3A_1098 = arith.constant 175104 : index
    %swap3A_1099 = vector.load %arg2[%swap3A_1098] : memref<262144xf32, #tpu.memory_space<vmem>>, vector<1024xf32>
    tpu.vector_store %arg2[%swap3A_1098], %squeeze3A_1097 {strides = array<i32>} : memref<262144xf32, #tpu.memory_space<vmem>>, vector<1024xf32>,
    %slice3A_1100 = vector.extract_strided_slice %dot_general3A_1083 {offsets = [4, 0], sizes = [1, 1024], strides = [1, 1]} : vector<8x1024xf32> to vector<1x1024xf32>
    %squeeze3A_1101 = vector.shape_cast %slice3A_1100 : vector<1x1024xf32> to vector<1024xf32>
    %swap3A_1102 = arith.constant 176128 : index
    %swap3A_1103 = vector.load %arg2[%swap3A_1102] : memref<262144xf32, #tpu.memory_space<vmem>>, vector<1024xf32>
    tpu.vector_store %arg2[%swap3A_1102], %squeeze3A_1101 {strides = array<i32>} : memref<262144xf32, #tpu.memory_space<vmem>>, vector<1024xf32>,
    %slice3A_1104 = vector.extract_strided_slice %dot_general3A_1083 {offsets = [5, 0], sizes = [1, 1024], strides = [1, 1]} : vector<8x1024xf32> to vector<1x1024xf32>
    %squeeze3A_1105 = vector.shape_cast %slice3A_1104 : vector<1x1024xf32> to vector<1024xf32>
    %swap3A_1106 = arith.constant 177152 : index
    %swap3A_1107 = vector.load %arg2[%swap3A_1106] : memref<262144xf32, #tpu.memory_space<vmem>>, vector<1024xf32>
    tpu.vector_store %arg2[%swap3A_1106], %squeeze3A_1105 {strides = array<i32>} : memref<262144xf32, #tpu.memory_space<vmem>>, vector<1024xf32>,
    %slice3A_1108 = vector.extract_strided_slice %dot_general3A_1083 {offsets = [6, 0], sizes = [1, 1024], strides = [1, 1]} : vector<8x1024xf32> to vector<1x1024xf32>
    %squeeze3A_1109 = vector.shape_cast %slice3A_1108 : vector<1x1024xf32> to vector<1024xf32>
    %swap3A_1110 = arith.constant 178176 : index
    %swap3A_1111 = vector.load %arg2[%swap3A_1110] : memref<262144xf32, #tpu.memory_space<vmem>>, vector<1024xf32>
    tpu.vector_store %arg2[%swap3A_1110], %squeeze3A_1109 {strides = array<i32>} : memref<262144xf32, #tpu.memory_space<vmem>>, vector<1024xf32>,
    %slice3A_1112 = vector.extract_strided_slice %dot_general3A_1083 {offsets = [7, 0], sizes = [1, 1024], strides = [1, 1]} : vector<8x1024xf32> to vector<1x1024xf32>
    %squeeze3A_1113 = vector.shape_cast %slice3A_1112 : vector<1x1024xf32> to vector<1024xf32>
    %swap3A_1114 = arith.constant 179200 : index
    %swap3A_1115 = vector.load %arg2[%swap3A_1114] : memref<262144xf32, #tpu.memory_space<vmem>>, vector<1024xf32>
    tpu.vector_store %arg2[%swap3A_1114], %squeeze3A_1113 {strides = array<i32>} : memref<262144xf32, #tpu.memory_space<vmem>>, vector<1024xf32>,
    %dma_start3A_1116 = arith.constant 5 : i32
    %dma_start3A_1117 = tpu.memref_slice %arg11[%dma_start3A_1116] : memref<8x!tpu.dma_semaphore, #tpu.memory_space<semaphore_mem>> -> memref<1x!tpu.dma_semaphore, #tpu.memory_space<semaphore_mem>>
    %dma_start3A_1118 = tpu.memref_squeeze %dma_start3A_1117 : memref<1x!tpu.dma_semaphore, #tpu.memory_space<semaphore_mem>> -> memref<!tpu.dma_semaphore, #tpu.memory_space<semaphore_mem>>
    %dma_start3A_1119 = arith.constant 29696 : i32
    %dma_start3A_1120 = arith.constant 0 : i32
    %dma_start3A_1121 = tpu.memref_slice %arg0[%dma_start3A_1119, %dma_start3A_1120] : memref<32768x768xf32, #tpu.memory_space<hbm>> -> memref<1024x768xf32, #tpu.memory_space<hbm>>
    tpu.enqueue_dma source(%dma_start3A_1121 : memref<1024x768xf32, #tpu.memory_space<hbm>>) target(%arg8 : memref<1024x768xf32, #tpu.memory_space<vmem>>) target_semaphore(%dma_start3A_1118 : memref<!tpu.dma_semaphore, #tpu.memory_space<semaphore_mem>>)
    %dma_wait3A_1122 = arith.constant 6 : i32
    %dma_wait3A_1123 = tpu.memref_slice %arg11[%dma_wait3A_1122] : memref<8x!tpu.dma_semaphore, #tpu.memory_space<semaphore_mem>> -> memref<1x!tpu.dma_semaphore, #tpu.memory_space<semaphore_mem>>
    %dma_wait3A_1124 = tpu.memref_squeeze %dma_wait3A_1123 : memref<1x!tpu.dma_semaphore, #tpu.memory_space<semaphore_mem>> -> memref<!tpu.dma_semaphore, #tpu.memory_space<semaphore_mem>>
    %dma_wait3A_1125 = arith.constant 22528 : i32
    %dma_wait3A_1126 = arith.constant 0 : i32
    %dma_wait3A_1127 = tpu.memref_slice %arg0[%dma_wait3A_1125, %dma_wait3A_1126] : memref<32768x768xf32, #tpu.memory_space<hbm>> -> memref<1024x768xf32, #tpu.memory_space<hbm>>
    tpu.wait_dma2 semaphore(%dma_wait3A_1124 : memref<!tpu.dma_semaphore, #tpu.memory_space<semaphore_mem>>) src(%dma_wait3A_1127 : memref<1024x768xf32, #tpu.memory_space<hbm>>) dst(%arg9 : memref<1024x768xf32, #tpu.memory_space<vmem>>)
    %get3A_1128 = arith.constant 0 : index
    %get3A_1129 = arith.constant 0 : index
    %get3A_1130 = vector.load %arg9[%get3A_1128, %get3A_1129] : memref<1024x768xf32, #tpu.memory_space<vmem>>, vector<1024x768xf32>
    %dot_general3A_1131 = arith.constant dense<0.000000e+00> : vector<8x1024xf32>
    %dot_general3A_1132 = tpu.matmul %get3A_48, %get3A_1130, %dot_general3A_1131 {dimension_numbers = #tpu.dot_dimension_numbers<[1], [1], [0], [0], [0, 0, 1, 0], [], []>, transpose_lhs_hint = false} : vector<8x768xf32>, vector<1024x768xf32>, vector<8x1024xf32> -> vector<8x1024xf32>
    %slice3A_1133 = vector.extract_strided_slice %dot_general3A_1132 {offsets = [0, 0], sizes = [1, 1024], strides = [1, 1]} : vector<8x1024xf32> to vector<1x1024xf32>
    %squeeze3A_1134 = vector.shape_cast %slice3A_1133 : vector<1x1024xf32> to vector<1024xf32>
    %swap3A_1135 = arith.constant 180224 : index
    %swap3A_1136 = vector.load %arg2[%swap3A_1135] : memref<262144xf32, #tpu.memory_space<vmem>>, vector<1024xf32>
    tpu.vector_store %arg2[%swap3A_1135], %squeeze3A_1134 {strides = array<i32>} : memref<262144xf32, #tpu.memory_space<vmem>>, vector<1024xf32>,
    %slice3A_1137 = vector.extract_strided_slice %dot_general3A_1132 {offsets = [1, 0], sizes = [1, 1024], strides = [1, 1]} : vector<8x1024xf32> to vector<1x1024xf32>
    %squeeze3A_1138 = vector.shape_cast %slice3A_1137 : vector<1x1024xf32> to vector<1024xf32>
    %swap3A_1139 = arith.constant 181248 : index
    %swap3A_1140 = vector.load %arg2[%swap3A_1139] : memref<262144xf32, #tpu.memory_space<vmem>>, vector<1024xf32>
    tpu.vector_store %arg2[%swap3A_1139], %squeeze3A_1138 {strides = array<i32>} : memref<262144xf32, #tpu.memory_space<vmem>>, vector<1024xf32>,
    %slice3A_1141 = vector.extract_strided_slice %dot_general3A_1132 {offsets = [2, 0], sizes = [1, 1024], strides = [1, 1]} : vector<8x1024xf32> to vector<1x1024xf32>
    %squeeze3A_1142 = vector.shape_cast %slice3A_1141 : vector<1x1024xf32> to vector<1024xf32>
    %swap3A_1143 = arith.constant 182272 : index
    %swap3A_1144 = vector.load %arg2[%swap3A_1143] : memref<262144xf32, #tpu.memory_space<vmem>>, vector<1024xf32>
    tpu.vector_store %arg2[%swap3A_1143], %squeeze3A_1142 {strides = array<i32>} : memref<262144xf32, #tpu.memory_space<vmem>>, vector<1024xf32>,
    %slice3A_1145 = vector.extract_strided_slice %dot_general3A_1132 {offsets = [3, 0], sizes = [1, 1024], strides = [1, 1]} : vector<8x1024xf32> to vector<1x1024xf32>
    %squeeze3A_1146 = vector.shape_cast %slice3A_1145 : vector<1x1024xf32> to vector<1024xf32>
    %swap3A_1147 = arith.constant 183296 : index
    %swap3A_1148 = vector.load %arg2[%swap3A_1147] : memref<262144xf32, #tpu.memory_space<vmem>>, vector<1024xf32>
    tpu.vector_store %arg2[%swap3A_1147], %squeeze3A_1146 {strides = array<i32>} : memref<262144xf32, #tpu.memory_space<vmem>>, vector<1024xf32>,
    %slice3A_1149 = vector.extract_strided_slice %dot_general3A_1132 {offsets = [4, 0], sizes = [1, 1024], strides = [1, 1]} : vector<8x1024xf32> to vector<1x1024xf32>
    %squeeze3A_1150 = vector.shape_cast %slice3A_1149 : vector<1x1024xf32> to vector<1024xf32>
    %swap3A_1151 = arith.constant 184320 : index
    %swap3A_1152 = vector.load %arg2[%swap3A_1151] : memref<262144xf32, #tpu.memory_space<vmem>>, vector<1024xf32>
    tpu.vector_store %arg2[%swap3A_1151], %squeeze3A_1150 {strides = array<i32>} : memref<262144xf32, #tpu.memory_space<vmem>>, vector<1024xf32>,
    %slice3A_1153 = vector.extract_strided_slice %dot_general3A_1132 {offsets = [5, 0], sizes = [1, 1024], strides = [1, 1]} : vector<8x1024xf32> to vector<1x1024xf32>
    %squeeze3A_1154 = vector.shape_cast %slice3A_1153 : vector<1x1024xf32> to vector<1024xf32>
    %swap3A_1155 = arith.constant 185344 : index
    %swap3A_1156 = vector.load %arg2[%swap3A_1155] : memref<262144xf32, #tpu.memory_space<vmem>>, vector<1024xf32>
    tpu.vector_store %arg2[%swap3A_1155], %squeeze3A_1154 {strides = array<i32>} : memref<262144xf32, #tpu.memory_space<vmem>>, vector<1024xf32>,
    %slice3A_1157 = vector.extract_strided_slice %dot_general3A_1132 {offsets = [6, 0], sizes = [1, 1024], strides = [1, 1]} : vector<8x1024xf32> to vector<1x1024xf32>
    %squeeze3A_1158 = vector.shape_cast %slice3A_1157 : vector<1x1024xf32> to vector<1024xf32>
    %swap3A_1159 = arith.constant 186368 : index
    %swap3A_1160 = vector.load %arg2[%swap3A_1159] : memref<262144xf32, #tpu.memory_space<vmem>>, vector<1024xf32>
    tpu.vector_store %arg2[%swap3A_1159], %squeeze3A_1158 {strides = array<i32>} : memref<262144xf32, #tpu.memory_space<vmem>>, vector<1024xf32>,
    %slice3A_1161 = vector.extract_strided_slice %dot_general3A_1132 {offsets = [7, 0], sizes = [1, 1024], strides = [1, 1]} : vector<8x1024xf32> to vector<1x1024xf32>
    %squeeze3A_1162 = vector.shape_cast %slice3A_1161 : vector<1x1024xf32> to vector<1024xf32>
    %swap3A_1163 = arith.constant 187392 : index
    %swap3A_1164 = vector.load %arg2[%swap3A_1163] : memref<262144xf32, #tpu.memory_space<vmem>>, vector<1024xf32>
    tpu.vector_store %arg2[%swap3A_1163], %squeeze3A_1162 {strides = array<i32>} : memref<262144xf32, #tpu.memory_space<vmem>>, vector<1024xf32>,
    %dma_start3A_1165 = arith.constant 6 : i32
    %dma_start3A_1166 = tpu.memref_slice %arg11[%dma_start3A_1165] : memref<8x!tpu.dma_semaphore, #tpu.memory_space<semaphore_mem>> -> memref<1x!tpu.dma_semaphore, #tpu.memory_space<semaphore_mem>>
    %dma_start3A_1167 = tpu.memref_squeeze %dma_start3A_1166 : memref<1x!tpu.dma_semaphore, #tpu.memory_space<semaphore_mem>> -> memref<!tpu.dma_semaphore, #tpu.memory_space<semaphore_mem>>
    %dma_start3A_1168 = arith.constant 30720 : i32
    %dma_start3A_1169 = arith.constant 0 : i32
    %dma_start3A_1170 = tpu.memref_slice %arg0[%dma_start3A_1168, %dma_start3A_1169] : memref<32768x768xf32, #tpu.memory_space<hbm>> -> memref<1024x768xf32, #tpu.memory_space<hbm>>
    tpu.enqueue_dma source(%dma_start3A_1170 : memref<1024x768xf32, #tpu.memory_space<hbm>>) target(%arg9 : memref<1024x768xf32, #tpu.memory_space<vmem>>) target_semaphore(%dma_start3A_1167 : memref<!tpu.dma_semaphore, #tpu.memory_space<semaphore_mem>>)
    %dma_wait3A_1171 = arith.constant 7 : i32
    %dma_wait3A_1172 = tpu.memref_slice %arg11[%dma_wait3A_1171] : memref<8x!tpu.dma_semaphore, #tpu.memory_space<semaphore_mem>> -> memref<1x!tpu.dma_semaphore, #tpu.memory_space<semaphore_mem>>
    %dma_wait3A_1173 = tpu.memref_squeeze %dma_wait3A_1172 : memref<1x!tpu.dma_semaphore, #tpu.memory_space<semaphore_mem>> -> memref<!tpu.dma_semaphore, #tpu.memory_space<semaphore_mem>>
    %dma_wait3A_1174 = arith.constant 23552 : i32
    %dma_wait3A_1175 = arith.constant 0 : i32
    %dma_wait3A_1176 = tpu.memref_slice %arg0[%dma_wait3A_1174, %dma_wait3A_1175] : memref<32768x768xf32, #tpu.memory_space<hbm>> -> memref<1024x768xf32, #tpu.memory_space<hbm>>
    tpu.wait_dma2 semaphore(%dma_wait3A_1173 : memref<!tpu.dma_semaphore, #tpu.memory_space<semaphore_mem>>) src(%dma_wait3A_1176 : memref<1024x768xf32, #tpu.memory_space<hbm>>) dst(%arg10 : memref<1024x768xf32, #tpu.memory_space<vmem>>)
    %get3A_1177 = arith.constant 0 : index
    %get3A_1178 = arith.constant 0 : index
    %get3A_1179 = vector.load %arg10[%get3A_1177, %get3A_1178] : memref<1024x768xf32, #tpu.memory_space<vmem>>, vector<1024x768xf32>
    %dot_general3A_1180 = arith.constant dense<0.000000e+00> : vector<8x1024xf32>
    %dot_general3A_1181 = tpu.matmul %get3A_48, %get3A_1179, %dot_general3A_1180 {dimension_numbers = #tpu.dot_dimension_numbers<[1], [1], [0], [0], [0, 0, 1, 0], [], []>, transpose_lhs_hint = false} : vector<8x768xf32>, vector<1024x768xf32>, vector<8x1024xf32> -> vector<8x1024xf32>
    %slice3A_1182 = vector.extract_strided_slice %dot_general3A_1181 {offsets = [0, 0], sizes = [1, 1024], strides = [1, 1]} : vector<8x1024xf32> to vector<1x1024xf32>
    %squeeze3A_1183 = vector.shape_cast %slice3A_1182 : vector<1x1024xf32> to vector<1024xf32>
    %swap3A_1184 = arith.constant 188416 : index
    %swap3A_1185 = vector.load %arg2[%swap3A_1184] : memref<262144xf32, #tpu.memory_space<vmem>>, vector<1024xf32>
    tpu.vector_store %arg2[%swap3A_1184], %squeeze3A_1183 {strides = array<i32>} : memref<262144xf32, #tpu.memory_space<vmem>>, vector<1024xf32>,
    %slice3A_1186 = vector.extract_strided_slice %dot_general3A_1181 {offsets = [1, 0], sizes = [1, 1024], strides = [1, 1]} : vector<8x1024xf32> to vector<1x1024xf32>
    %squeeze3A_1187 = vector.shape_cast %slice3A_1186 : vector<1x1024xf32> to vector<1024xf32>
    %swap3A_1188 = arith.constant 189440 : index
    %swap3A_1189 = vector.load %arg2[%swap3A_1188] : memref<262144xf32, #tpu.memory_space<vmem>>, vector<1024xf32>
    tpu.vector_store %arg2[%swap3A_1188], %squeeze3A_1187 {strides = array<i32>} : memref<262144xf32, #tpu.memory_space<vmem>>, vector<1024xf32>,
    %slice3A_1190 = vector.extract_strided_slice %dot_general3A_1181 {offsets = [2, 0], sizes = [1, 1024], strides = [1, 1]} : vector<8x1024xf32> to vector<1x1024xf32>
    %squeeze3A_1191 = vector.shape_cast %slice3A_1190 : vector<1x1024xf32> to vector<1024xf32>
    %swap3A_1192 = arith.constant 190464 : index
    %swap3A_1193 = vector.load %arg2[%swap3A_1192] : memref<262144xf32, #tpu.memory_space<vmem>>, vector<1024xf32>
    tpu.vector_store %arg2[%swap3A_1192], %squeeze3A_1191 {strides = array<i32>} : memref<262144xf32, #tpu.memory_space<vmem>>, vector<1024xf32>,
    %slice3A_1194 = vector.extract_strided_slice %dot_general3A_1181 {offsets = [3, 0], sizes = [1, 1024], strides = [1, 1]} : vector<8x1024xf32> to vector<1x1024xf32>
    %squeeze3A_1195 = vector.shape_cast %slice3A_1194 : vector<1x1024xf32> to vector<1024xf32>
    %swap3A_1196 = arith.constant 191488 : index
    %swap3A_1197 = vector.load %arg2[%swap3A_1196] : memref<262144xf32, #tpu.memory_space<vmem>>, vector<1024xf32>
    tpu.vector_store %arg2[%swap3A_1196], %squeeze3A_1195 {strides = array<i32>} : memref<262144xf32, #tpu.memory_space<vmem>>, vector<1024xf32>,
    %slice3A_1198 = vector.extract_strided_slice %dot_general3A_1181 {offsets = [4, 0], sizes = [1, 1024], strides = [1, 1]} : vector<8x1024xf32> to vector<1x1024xf32>
    %squeeze3A_1199 = vector.shape_cast %slice3A_1198 : vector<1x1024xf32> to vector<1024xf32>
    %swap3A_1200 = arith.constant 192512 : index
    %swap3A_1201 = vector.load %arg2[%swap3A_1200] : memref<262144xf32, #tpu.memory_space<vmem>>, vector<1024xf32>
    tpu.vector_store %arg2[%swap3A_1200], %squeeze3A_1199 {strides = array<i32>} : memref<262144xf32, #tpu.memory_space<vmem>>, vector<1024xf32>,
    %slice3A_1202 = vector.extract_strided_slice %dot_general3A_1181 {offsets = [5, 0], sizes = [1, 1024], strides = [1, 1]} : vector<8x1024xf32> to vector<1x1024xf32>
    %squeeze3A_1203 = vector.shape_cast %slice3A_1202 : vector<1x1024xf32> to vector<1024xf32>
    %swap3A_1204 = arith.constant 193536 : index
    %swap3A_1205 = vector.load %arg2[%swap3A_1204] : memref<262144xf32, #tpu.memory_space<vmem>>, vector<1024xf32>
    tpu.vector_store %arg2[%swap3A_1204], %squeeze3A_1203 {strides = array<i32>} : memref<262144xf32, #tpu.memory_space<vmem>>, vector<1024xf32>,
    %slice3A_1206 = vector.extract_strided_slice %dot_general3A_1181 {offsets = [6, 0], sizes = [1, 1024], strides = [1, 1]} : vector<8x1024xf32> to vector<1x1024xf32>
    %squeeze3A_1207 = vector.shape_cast %slice3A_1206 : vector<1x1024xf32> to vector<1024xf32>
    %swap3A_1208 = arith.constant 194560 : index
    %swap3A_1209 = vector.load %arg2[%swap3A_1208] : memref<262144xf32, #tpu.memory_space<vmem>>, vector<1024xf32>
    tpu.vector_store %arg2[%swap3A_1208], %squeeze3A_1207 {strides = array<i32>} : memref<262144xf32, #tpu.memory_space<vmem>>, vector<1024xf32>,
    %slice3A_1210 = vector.extract_strided_slice %dot_general3A_1181 {offsets = [7, 0], sizes = [1, 1024], strides = [1, 1]} : vector<8x1024xf32> to vector<1x1024xf32>
    %squeeze3A_1211 = vector.shape_cast %slice3A_1210 : vector<1x1024xf32> to vector<1024xf32>
    %swap3A_1212 = arith.constant 195584 : index
    %swap3A_1213 = vector.load %arg2[%swap3A_1212] : memref<262144xf32, #tpu.memory_space<vmem>>, vector<1024xf32>
    tpu.vector_store %arg2[%swap3A_1212], %squeeze3A_1211 {strides = array<i32>} : memref<262144xf32, #tpu.memory_space<vmem>>, vector<1024xf32>,
    %dma_start3A_1214 = arith.constant 7 : i32
    %dma_start3A_1215 = tpu.memref_slice %arg11[%dma_start3A_1214] : memref<8x!tpu.dma_semaphore, #tpu.memory_space<semaphore_mem>> -> memref<1x!tpu.dma_semaphore, #tpu.memory_space<semaphore_mem>>
    %dma_start3A_1216 = tpu.memref_squeeze %dma_start3A_1215 : memref<1x!tpu.dma_semaphore, #tpu.memory_space<semaphore_mem>> -> memref<!tpu.dma_semaphore, #tpu.memory_space<semaphore_mem>>
    %dma_start3A_1217 = arith.constant 31744 : i32
    %dma_start3A_1218 = arith.constant 0 : i32
    %dma_start3A_1219 = tpu.memref_slice %arg0[%dma_start3A_1217, %dma_start3A_1218] : memref<32768x768xf32, #tpu.memory_space<hbm>> -> memref<1024x768xf32, #tpu.memory_space<hbm>>
    tpu.enqueue_dma source(%dma_start3A_1219 : memref<1024x768xf32, #tpu.memory_space<hbm>>) target(%arg10 : memref<1024x768xf32, #tpu.memory_space<vmem>>) target_semaphore(%dma_start3A_1216 : memref<!tpu.dma_semaphore, #tpu.memory_space<semaphore_mem>>)
    %dma_wait3A_1220 = arith.constant 0 : i32
    %dma_wait3A_1221 = tpu.memref_slice %arg11[%dma_wait3A_1220] : memref<8x!tpu.dma_semaphore, #tpu.memory_space<semaphore_mem>> -> memref<1x!tpu.dma_semaphore, #tpu.memory_space<semaphore_mem>>
    %dma_wait3A_1222 = tpu.memref_squeeze %dma_wait3A_1221 : memref<1x!tpu.dma_semaphore, #tpu.memory_space<semaphore_mem>> -> memref<!tpu.dma_semaphore, #tpu.memory_space<semaphore_mem>>
    %dma_wait3A_1223 = arith.constant 24576 : i32
    %dma_wait3A_1224 = arith.constant 0 : i32
    %dma_wait3A_1225 = tpu.memref_slice %arg0[%dma_wait3A_1223, %dma_wait3A_1224] : memref<32768x768xf32, #tpu.memory_space<hbm>> -> memref<1024x768xf32, #tpu.memory_space<hbm>>
    tpu.wait_dma2 semaphore(%dma_wait3A_1222 : memref<!tpu.dma_semaphore, #tpu.memory_space<semaphore_mem>>) src(%dma_wait3A_1225 : memref<1024x768xf32, #tpu.memory_space<hbm>>) dst(%arg3 : memref<1024x768xf32, #tpu.memory_space<vmem>>)
    %get3A_1226 = arith.constant 0 : index
    %get3A_1227 = arith.constant 0 : index
    %get3A_1228 = vector.load %arg3[%get3A_1226, %get3A_1227] : memref<1024x768xf32, #tpu.memory_space<vmem>>, vector<1024x768xf32>
    %dot_general3A_1229 = arith.constant dense<0.000000e+00> : vector<8x1024xf32>
    %dot_general3A_1230 = tpu.matmul %get3A_48, %get3A_1228, %dot_general3A_1229 {dimension_numbers = #tpu.dot_dimension_numbers<[1], [1], [0], [0], [0, 0, 1, 0], [], []>, transpose_lhs_hint = false} : vector<8x768xf32>, vector<1024x768xf32>, vector<8x1024xf32> -> vector<8x1024xf32>
    %slice3A_1231 = vector.extract_strided_slice %dot_general3A_1230 {offsets = [0, 0], sizes = [1, 1024], strides = [1, 1]} : vector<8x1024xf32> to vector<1x1024xf32>
    %squeeze3A_1232 = vector.shape_cast %slice3A_1231 : vector<1x1024xf32> to vector<1024xf32>
    %swap3A_1233 = arith.constant 196608 : index
    %swap3A_1234 = vector.load %arg2[%swap3A_1233] : memref<262144xf32, #tpu.memory_space<vmem>>, vector<1024xf32>
    tpu.vector_store %arg2[%swap3A_1233], %squeeze3A_1232 {strides = array<i32>} : memref<262144xf32, #tpu.memory_space<vmem>>, vector<1024xf32>,
    %slice3A_1235 = vector.extract_strided_slice %dot_general3A_1230 {offsets = [1, 0], sizes = [1, 1024], strides = [1, 1]} : vector<8x1024xf32> to vector<1x1024xf32>
    %squeeze3A_1236 = vector.shape_cast %slice3A_1235 : vector<1x1024xf32> to vector<1024xf32>
    %swap3A_1237 = arith.constant 197632 : index
    %swap3A_1238 = vector.load %arg2[%swap3A_1237] : memref<262144xf32, #tpu.memory_space<vmem>>, vector<1024xf32>
    tpu.vector_store %arg2[%swap3A_1237], %squeeze3A_1236 {strides = array<i32>} : memref<262144xf32, #tpu.memory_space<vmem>>, vector<1024xf32>,
    %slice3A_1239 = vector.extract_strided_slice %dot_general3A_1230 {offsets = [2, 0], sizes = [1, 1024], strides = [1, 1]} : vector<8x1024xf32> to vector<1x1024xf32>
    %squeeze3A_1240 = vector.shape_cast %slice3A_1239 : vector<1x1024xf32> to vector<1024xf32>
    %swap3A_1241 = arith.constant 198656 : index
    %swap3A_1242 = vector.load %arg2[%swap3A_1241] : memref<262144xf32, #tpu.memory_space<vmem>>, vector<1024xf32>
    tpu.vector_store %arg2[%swap3A_1241], %squeeze3A_1240 {strides = array<i32>} : memref<262144xf32, #tpu.memory_space<vmem>>, vector<1024xf32>,
    %slice3A_1243 = vector.extract_strided_slice %dot_general3A_1230 {offsets = [3, 0], sizes = [1, 1024], strides = [1, 1]} : vector<8x1024xf32> to vector<1x1024xf32>
    %squeeze3A_1244 = vector.shape_cast %slice3A_1243 : vector<1x1024xf32> to vector<1024xf32>
    %swap3A_1245 = arith.constant 199680 : index
    %swap3A_1246 = vector.load %arg2[%swap3A_1245] : memref<262144xf32, #tpu.memory_space<vmem>>, vector<1024xf32>
    tpu.vector_store %arg2[%swap3A_1245], %squeeze3A_1244 {strides = array<i32>} : memref<262144xf32, #tpu.memory_space<vmem>>, vector<1024xf32>,
    %slice3A_1247 = vector.extract_strided_slice %dot_general3A_1230 {offsets = [4, 0], sizes = [1, 1024], strides = [1, 1]} : vector<8x1024xf32> to vector<1x1024xf32>
    %squeeze3A_1248 = vector.shape_cast %slice3A_1247 : vector<1x1024xf32> to vector<1024xf32>
    %swap3A_1249 = arith.constant 200704 : index
    %swap3A_1250 = vector.load %arg2[%swap3A_1249] : memref<262144xf32, #tpu.memory_space<vmem>>, vector<1024xf32>
    tpu.vector_store %arg2[%swap3A_1249], %squeeze3A_1248 {strides = array<i32>} : memref<262144xf32, #tpu.memory_space<vmem>>, vector<1024xf32>,
    %slice3A_1251 = vector.extract_strided_slice %dot_general3A_1230 {offsets = [5, 0], sizes = [1, 1024], strides = [1, 1]} : vector<8x1024xf32> to vector<1x1024xf32>
    %squeeze3A_1252 = vector.shape_cast %slice3A_1251 : vector<1x1024xf32> to vector<1024xf32>
    %swap3A_1253 = arith.constant 201728 : index
    %swap3A_1254 = vector.load %arg2[%swap3A_1253] : memref<262144xf32, #tpu.memory_space<vmem>>, vector<1024xf32>
    tpu.vector_store %arg2[%swap3A_1253], %squeeze3A_1252 {strides = array<i32>} : memref<262144xf32, #tpu.memory_space<vmem>>, vector<1024xf32>,
    %slice3A_1255 = vector.extract_strided_slice %dot_general3A_1230 {offsets = [6, 0], sizes = [1, 1024], strides = [1, 1]} : vector<8x1024xf32> to vector<1x1024xf32>
    %squeeze3A_1256 = vector.shape_cast %slice3A_1255 : vector<1x1024xf32> to vector<1024xf32>
    %swap3A_1257 = arith.constant 202752 : index
    %swap3A_1258 = vector.load %arg2[%swap3A_1257] : memref<262144xf32, #tpu.memory_space<vmem>>, vector<1024xf32>
    tpu.vector_store %arg2[%swap3A_1257], %squeeze3A_1256 {strides = array<i32>} : memref<262144xf32, #tpu.memory_space<vmem>>, vector<1024xf32>,
    %slice3A_1259 = vector.extract_strided_slice %dot_general3A_1230 {offsets = [7, 0], sizes = [1, 1024], strides = [1, 1]} : vector<8x1024xf32> to vector<1x1024xf32>
    %squeeze3A_1260 = vector.shape_cast %slice3A_1259 : vector<1x1024xf32> to vector<1024xf32>
    %swap3A_1261 = arith.constant 203776 : index
    %swap3A_1262 = vector.load %arg2[%swap3A_1261] : memref<262144xf32, #tpu.memory_space<vmem>>, vector<1024xf32>
    tpu.vector_store %arg2[%swap3A_1261], %squeeze3A_1260 {strides = array<i32>} : memref<262144xf32, #tpu.memory_space<vmem>>, vector<1024xf32>,
    %dma_wait3A_1263 = arith.constant 1 : i32
    %dma_wait3A_1264 = tpu.memref_slice %arg11[%dma_wait3A_1263] : memref<8x!tpu.dma_semaphore, #tpu.memory_space<semaphore_mem>> -> memref<1x!tpu.dma_semaphore, #tpu.memory_space<semaphore_mem>>
    %dma_wait3A_1265 = tpu.memref_squeeze %dma_wait3A_1264 : memref<1x!tpu.dma_semaphore, #tpu.memory_space<semaphore_mem>> -> memref<!tpu.dma_semaphore, #tpu.memory_space<semaphore_mem>>
    %dma_wait3A_1266 = arith.constant 25600 : i32
    %dma_wait3A_1267 = arith.constant 0 : i32
    %dma_wait3A_1268 = tpu.memref_slice %arg0[%dma_wait3A_1266, %dma_wait3A_1267] : memref<32768x768xf32, #tpu.memory_space<hbm>> -> memref<1024x768xf32, #tpu.memory_space<hbm>>
    tpu.wait_dma2 semaphore(%dma_wait3A_1265 : memref<!tpu.dma_semaphore, #tpu.memory_space<semaphore_mem>>) src(%dma_wait3A_1268 : memref<1024x768xf32, #tpu.memory_space<hbm>>) dst(%arg4 : memref<1024x768xf32, #tpu.memory_space<vmem>>)
    %get3A_1269 = arith.constant 0 : index
    %get3A_1270 = arith.constant 0 : index
    %get3A_1271 = vector.load %arg4[%get3A_1269, %get3A_1270] : memref<1024x768xf32, #tpu.memory_space<vmem>>, vector<1024x768xf32>
    %dot_general3A_1272 = arith.constant dense<0.000000e+00> : vector<8x1024xf32>
    %dot_general3A_1273 = tpu.matmul %get3A_48, %get3A_1271, %dot_general3A_1272 {dimension_numbers = #tpu.dot_dimension_numbers<[1], [1], [0], [0], [0, 0, 1, 0], [], []>, transpose_lhs_hint = false} : vector<8x768xf32>, vector<1024x768xf32>, vector<8x1024xf32> -> vector<8x1024xf32>
    %slice3A_1274 = vector.extract_strided_slice %dot_general3A_1273 {offsets = [0, 0], sizes = [1, 1024], strides = [1, 1]} : vector<8x1024xf32> to vector<1x1024xf32>
    %squeeze3A_1275 = vector.shape_cast %slice3A_1274 : vector<1x1024xf32> to vector<1024xf32>
    %swap3A_1276 = arith.constant 204800 : index
    %swap3A_1277 = vector.load %arg2[%swap3A_1276] : memref<262144xf32, #tpu.memory_space<vmem>>, vector<1024xf32>
    tpu.vector_store %arg2[%swap3A_1276], %squeeze3A_1275 {strides = array<i32>} : memref<262144xf32, #tpu.memory_space<vmem>>, vector<1024xf32>,
    %slice3A_1278 = vector.extract_strided_slice %dot_general3A_1273 {offsets = [1, 0], sizes = [1, 1024], strides = [1, 1]} : vector<8x1024xf32> to vector<1x1024xf32>
    %squeeze3A_1279 = vector.shape_cast %slice3A_1278 : vector<1x1024xf32> to vector<1024xf32>
    %swap3A_1280 = arith.constant 205824 : index
    %swap3A_1281 = vector.load %arg2[%swap3A_1280] : memref<262144xf32, #tpu.memory_space<vmem>>, vector<1024xf32>
    tpu.vector_store %arg2[%swap3A_1280], %squeeze3A_1279 {strides = array<i32>} : memref<262144xf32, #tpu.memory_space<vmem>>, vector<1024xf32>,
    %slice3A_1282 = vector.extract_strided_slice %dot_general3A_1273 {offsets = [2, 0], sizes = [1, 1024], strides = [1, 1]} : vector<8x1024xf32> to vector<1x1024xf32>
    %squeeze3A_1283 = vector.shape_cast %slice3A_1282 : vector<1x1024xf32> to vector<1024xf32>
    %swap3A_1284 = arith.constant 206848 : index
    %swap3A_1285 = vector.load %arg2[%swap3A_1284] : memref<262144xf32, #tpu.memory_space<vmem>>, vector<1024xf32>
    tpu.vector_store %arg2[%swap3A_1284], %squeeze3A_1283 {strides = array<i32>} : memref<262144xf32, #tpu.memory_space<vmem>>, vector<1024xf32>,
    %slice3A_1286 = vector.extract_strided_slice %dot_general3A_1273 {offsets = [3, 0], sizes = [1, 1024], strides = [1, 1]} : vector<8x1024xf32> to vector<1x1024xf32>
    %squeeze3A_1287 = vector.shape_cast %slice3A_1286 : vector<1x1024xf32> to vector<1024xf32>
    %swap3A_1288 = arith.constant 207872 : index
    %swap3A_1289 = vector.load %arg2[%swap3A_1288] : memref<262144xf32, #tpu.memory_space<vmem>>, vector<1024xf32>
    tpu.vector_store %arg2[%swap3A_1288], %squeeze3A_1287 {strides = array<i32>} : memref<262144xf32, #tpu.memory_space<vmem>>, vector<1024xf32>,
    %slice3A_1290 = vector.extract_strided_slice %dot_general3A_1273 {offsets = [4, 0], sizes = [1, 1024], strides = [1, 1]} : vector<8x1024xf32> to vector<1x1024xf32>
    %squeeze3A_1291 = vector.shape_cast %slice3A_1290 : vector<1x1024xf32> to vector<1024xf32>
    %swap3A_1292 = arith.constant 208896 : index
    %swap3A_1293 = vector.load %arg2[%swap3A_1292] : memref<262144xf32, #tpu.memory_space<vmem>>, vector<1024xf32>
    tpu.vector_store %arg2[%swap3A_1292], %squeeze3A_1291 {strides = array<i32>} : memref<262144xf32, #tpu.memory_space<vmem>>, vector<1024xf32>,
    %slice3A_1294 = vector.extract_strided_slice %dot_general3A_1273 {offsets = [5, 0], sizes = [1, 1024], strides = [1, 1]} : vector<8x1024xf32> to vector<1x1024xf32>
    %squeeze3A_1295 = vector.shape_cast %slice3A_1294 : vector<1x1024xf32> to vector<1024xf32>
    %swap3A_1296 = arith.constant 209920 : index
    %swap3A_1297 = vector.load %arg2[%swap3A_1296] : memref<262144xf32, #tpu.memory_space<vmem>>, vector<1024xf32>
    tpu.vector_store %arg2[%swap3A_1296], %squeeze3A_1295 {strides = array<i32>} : memref<262144xf32, #tpu.memory_space<vmem>>, vector<1024xf32>,
    %slice3A_1298 = vector.extract_strided_slice %dot_general3A_1273 {offsets = [6, 0], sizes = [1, 1024], strides = [1, 1]} : vector<8x1024xf32> to vector<1x1024xf32>
    %squeeze3A_1299 = vector.shape_cast %slice3A_1298 : vector<1x1024xf32> to vector<1024xf32>
    %swap3A_1300 = arith.constant 210944 : index
    %swap3A_1301 = vector.load %arg2[%swap3A_1300] : memref<262144xf32, #tpu.memory_space<vmem>>, vector<1024xf32>
    tpu.vector_store %arg2[%swap3A_1300], %squeeze3A_1299 {strides = array<i32>} : memref<262144xf32, #tpu.memory_space<vmem>>, vector<1024xf32>,
    %slice3A_1302 = vector.extract_strided_slice %dot_general3A_1273 {offsets = [7, 0], sizes = [1, 1024], strides = [1, 1]} : vector<8x1024xf32> to vector<1x1024xf32>
    %squeeze3A_1303 = vector.shape_cast %slice3A_1302 : vector<1x1024xf32> to vector<1024xf32>
    %swap3A_1304 = arith.constant 211968 : index
    %swap3A_1305 = vector.load %arg2[%swap3A_1304] : memref<262144xf32, #tpu.memory_space<vmem>>, vector<1024xf32>
    tpu.vector_store %arg2[%swap3A_1304], %squeeze3A_1303 {strides = array<i32>} : memref<262144xf32, #tpu.memory_space<vmem>>, vector<1024xf32>,
    %dma_wait3A_1306 = arith.constant 2 : i32
    %dma_wait3A_1307 = tpu.memref_slice %arg11[%dma_wait3A_1306] : memref<8x!tpu.dma_semaphore, #tpu.memory_space<semaphore_mem>> -> memref<1x!tpu.dma_semaphore, #tpu.memory_space<semaphore_mem>>
    %dma_wait3A_1308 = tpu.memref_squeeze %dma_wait3A_1307 : memref<1x!tpu.dma_semaphore, #tpu.memory_space<semaphore_mem>> -> memref<!tpu.dma_semaphore, #tpu.memory_space<semaphore_mem>>
    %dma_wait3A_1309 = arith.constant 26624 : i32
    %dma_wait3A_1310 = arith.constant 0 : i32
    %dma_wait3A_1311 = tpu.memref_slice %arg0[%dma_wait3A_1309, %dma_wait3A_1310] : memref<32768x768xf32, #tpu.memory_space<hbm>> -> memref<1024x768xf32, #tpu.memory_space<hbm>>
    tpu.wait_dma2 semaphore(%dma_wait3A_1308 : memref<!tpu.dma_semaphore, #tpu.memory_space<semaphore_mem>>) src(%dma_wait3A_1311 : memref<1024x768xf32, #tpu.memory_space<hbm>>) dst(%arg5 : memref<1024x768xf32, #tpu.memory_space<vmem>>)
    %get3A_1312 = arith.constant 0 : index
    %get3A_1313 = arith.constant 0 : index
    %get3A_1314 = vector.load %arg5[%get3A_1312, %get3A_1313] : memref<1024x768xf32, #tpu.memory_space<vmem>>, vector<1024x768xf32>
    %dot_general3A_1315 = arith.constant dense<0.000000e+00> : vector<8x1024xf32>
    %dot_general3A_1316 = tpu.matmul %get3A_48, %get3A_1314, %dot_general3A_1315 {dimension_numbers = #tpu.dot_dimension_numbers<[1], [1], [0], [0], [0, 0, 1, 0], [], []>, transpose_lhs_hint = false} : vector<8x768xf32>, vector<1024x768xf32>, vector<8x1024xf32> -> vector<8x1024xf32>
    %slice3A_1317 = vector.extract_strided_slice %dot_general3A_1316 {offsets = [0, 0], sizes = [1, 1024], strides = [1, 1]} : vector<8x1024xf32> to vector<1x1024xf32>
    %squeeze3A_1318 = vector.shape_cast %slice3A_1317 : vector<1x1024xf32> to vector<1024xf32>
    %swap3A_1319 = arith.constant 212992 : index
    %swap3A_1320 = vector.load %arg2[%swap3A_1319] : memref<262144xf32, #tpu.memory_space<vmem>>, vector<1024xf32>
    tpu.vector_store %arg2[%swap3A_1319], %squeeze3A_1318 {strides = array<i32>} : memref<262144xf32, #tpu.memory_space<vmem>>, vector<1024xf32>,
    %slice3A_1321 = vector.extract_strided_slice %dot_general3A_1316 {offsets = [1, 0], sizes = [1, 1024], strides = [1, 1]} : vector<8x1024xf32> to vector<1x1024xf32>
    %squeeze3A_1322 = vector.shape_cast %slice3A_1321 : vector<1x1024xf32> to vector<1024xf32>
    %swap3A_1323 = arith.constant 214016 : index
    %swap3A_1324 = vector.load %arg2[%swap3A_1323] : memref<262144xf32, #tpu.memory_space<vmem>>, vector<1024xf32>
    tpu.vector_store %arg2[%swap3A_1323], %squeeze3A_1322 {strides = array<i32>} : memref<262144xf32, #tpu.memory_space<vmem>>, vector<1024xf32>,
    %slice3A_1325 = vector.extract_strided_slice %dot_general3A_1316 {offsets = [2, 0], sizes = [1, 1024], strides = [1, 1]} : vector<8x1024xf32> to vector<1x1024xf32>
    %squeeze3A_1326 = vector.shape_cast %slice3A_1325 : vector<1x1024xf32> to vector<1024xf32>
    %swap3A_1327 = arith.constant 215040 : index
    %swap3A_1328 = vector.load %arg2[%swap3A_1327] : memref<262144xf32, #tpu.memory_space<vmem>>, vector<1024xf32>
    tpu.vector_store %arg2[%swap3A_1327], %squeeze3A_1326 {strides = array<i32>} : memref<262144xf32, #tpu.memory_space<vmem>>, vector<1024xf32>,
    %slice3A_1329 = vector.extract_strided_slice %dot_general3A_1316 {offsets = [3, 0], sizes = [1, 1024], strides = [1, 1]} : vector<8x1024xf32> to vector<1x1024xf32>
    %squeeze3A_1330 = vector.shape_cast %slice3A_1329 : vector<1x1024xf32> to vector<1024xf32>
    %swap3A_1331 = arith.constant 216064 : index
    %swap3A_1332 = vector.load %arg2[%swap3A_1331] : memref<262144xf32, #tpu.memory_space<vmem>>, vector<1024xf32>
    tpu.vector_store %arg2[%swap3A_1331], %squeeze3A_1330 {strides = array<i32>} : memref<262144xf32, #tpu.memory_space<vmem>>, vector<1024xf32>,
    %slice3A_1333 = vector.extract_strided_slice %dot_general3A_1316 {offsets = [4, 0], sizes = [1, 1024], strides = [1, 1]} : vector<8x1024xf32> to vector<1x1024xf32>
    %squeeze3A_1334 = vector.shape_cast %slice3A_1333 : vector<1x1024xf32> to vector<1024xf32>
    %swap3A_1335 = arith.constant 217088 : index
    %swap3A_1336 = vector.load %arg2[%swap3A_1335] : memref<262144xf32, #tpu.memory_space<vmem>>, vector<1024xf32>
    tpu.vector_store %arg2[%swap3A_1335], %squeeze3A_1334 {strides = array<i32>} : memref<262144xf32, #tpu.memory_space<vmem>>, vector<1024xf32>,
    %slice3A_1337 = vector.extract_strided_slice %dot_general3A_1316 {offsets = [5, 0], sizes = [1, 1024], strides = [1, 1]} : vector<8x1024xf32> to vector<1x1024xf32>
    %squeeze3A_1338 = vector.shape_cast %slice3A_1337 : vector<1x1024xf32> to vector<1024xf32>
    %swap3A_1339 = arith.constant 218112 : index
    %swap3A_1340 = vector.load %arg2[%swap3A_1339] : memref<262144xf32, #tpu.memory_space<vmem>>, vector<1024xf32>
    tpu.vector_store %arg2[%swap3A_1339], %squeeze3A_1338 {strides = array<i32>} : memref<262144xf32, #tpu.memory_space<vmem>>, vector<1024xf32>,
    %slice3A_1341 = vector.extract_strided_slice %dot_general3A_1316 {offsets = [6, 0], sizes = [1, 1024], strides = [1, 1]} : vector<8x1024xf32> to vector<1x1024xf32>
    %squeeze3A_1342 = vector.shape_cast %slice3A_1341 : vector<1x1024xf32> to vector<1024xf32>
    %swap3A_1343 = arith.constant 219136 : index
    %swap3A_1344 = vector.load %arg2[%swap3A_1343] : memref<262144xf32, #tpu.memory_space<vmem>>, vector<1024xf32>
    tpu.vector_store %arg2[%swap3A_1343], %squeeze3A_1342 {strides = array<i32>} : memref<262144xf32, #tpu.memory_space<vmem>>, vector<1024xf32>,
    %slice3A_1345 = vector.extract_strided_slice %dot_general3A_1316 {offsets = [7, 0], sizes = [1, 1024], strides = [1, 1]} : vector<8x1024xf32> to vector<1x1024xf32>
    %squeeze3A_1346 = vector.shape_cast %slice3A_1345 : vector<1x1024xf32> to vector<1024xf32>
    %swap3A_1347 = arith.constant 220160 : index
    %swap3A_1348 = vector.load %arg2[%swap3A_1347] : memref<262144xf32, #tpu.memory_space<vmem>>, vector<1024xf32>
    tpu.vector_store %arg2[%swap3A_1347], %squeeze3A_1346 {strides = array<i32>} : memref<262144xf32, #tpu.memory_space<vmem>>, vector<1024xf32>,
    %dma_wait3A_1349 = arith.constant 3 : i32
    %dma_wait3A_1350 = tpu.memref_slice %arg11[%dma_wait3A_1349] : memref<8x!tpu.dma_semaphore, #tpu.memory_space<semaphore_mem>> -> memref<1x!tpu.dma_semaphore, #tpu.memory_space<semaphore_mem>>
    %dma_wait3A_1351 = tpu.memref_squeeze %dma_wait3A_1350 : memref<1x!tpu.dma_semaphore, #tpu.memory_space<semaphore_mem>> -> memref<!tpu.dma_semaphore, #tpu.memory_space<semaphore_mem>>
    %dma_wait3A_1352 = arith.constant 27648 : i32
    %dma_wait3A_1353 = arith.constant 0 : i32
    %dma_wait3A_1354 = tpu.memref_slice %arg0[%dma_wait3A_1352, %dma_wait3A_1353] : memref<32768x768xf32, #tpu.memory_space<hbm>> -> memref<1024x768xf32, #tpu.memory_space<hbm>>
    tpu.wait_dma2 semaphore(%dma_wait3A_1351 : memref<!tpu.dma_semaphore, #tpu.memory_space<semaphore_mem>>) src(%dma_wait3A_1354 : memref<1024x768xf32, #tpu.memory_space<hbm>>) dst(%arg6 : memref<1024x768xf32, #tpu.memory_space<vmem>>)
    %get3A_1355 = arith.constant 0 : index
    %get3A_1356 = arith.constant 0 : index
    %get3A_1357 = vector.load %arg6[%get3A_1355, %get3A_1356] : memref<1024x768xf32, #tpu.memory_space<vmem>>, vector<1024x768xf32>
    %dot_general3A_1358 = arith.constant dense<0.000000e+00> : vector<8x1024xf32>
    %dot_general3A_1359 = tpu.matmul %get3A_48, %get3A_1357, %dot_general3A_1358 {dimension_numbers = #tpu.dot_dimension_numbers<[1], [1], [0], [0], [0, 0, 1, 0], [], []>, transpose_lhs_hint = false} : vector<8x768xf32>, vector<1024x768xf32>, vector<8x1024xf32> -> vector<8x1024xf32>
    %slice3A_1360 = vector.extract_strided_slice %dot_general3A_1359 {offsets = [0, 0], sizes = [1, 1024], strides = [1, 1]} : vector<8x1024xf32> to vector<1x1024xf32>
    %squeeze3A_1361 = vector.shape_cast %slice3A_1360 : vector<1x1024xf32> to vector<1024xf32>
    %swap3A_1362 = arith.constant 221184 : index
    %swap3A_1363 = vector.load %arg2[%swap3A_1362] : memref<262144xf32, #tpu.memory_space<vmem>>, vector<1024xf32>
    tpu.vector_store %arg2[%swap3A_1362], %squeeze3A_1361 {strides = array<i32>} : memref<262144xf32, #tpu.memory_space<vmem>>, vector<1024xf32>,
    %slice3A_1364 = vector.extract_strided_slice %dot_general3A_1359 {offsets = [1, 0], sizes = [1, 1024], strides = [1, 1]} : vector<8x1024xf32> to vector<1x1024xf32>
    %squeeze3A_1365 = vector.shape_cast %slice3A_1364 : vector<1x1024xf32> to vector<1024xf32>
    %swap3A_1366 = arith.constant 222208 : index
    %swap3A_1367 = vector.load %arg2[%swap3A_1366] : memref<262144xf32, #tpu.memory_space<vmem>>, vector<1024xf32>
    tpu.vector_store %arg2[%swap3A_1366], %squeeze3A_1365 {strides = array<i32>} : memref<262144xf32, #tpu.memory_space<vmem>>, vector<1024xf32>,
    %slice3A_1368 = vector.extract_strided_slice %dot_general3A_1359 {offsets = [2, 0], sizes = [1, 1024], strides = [1, 1]} : vector<8x1024xf32> to vector<1x1024xf32>
    %squeeze3A_1369 = vector.shape_cast %slice3A_1368 : vector<1x1024xf32> to vector<1024xf32>
    %swap3A_1370 = arith.constant 223232 : index
    %swap3A_1371 = vector.load %arg2[%swap3A_1370] : memref<262144xf32, #tpu.memory_space<vmem>>, vector<1024xf32>
    tpu.vector_store %arg2[%swap3A_1370], %squeeze3A_1369 {strides = array<i32>} : memref<262144xf32, #tpu.memory_space<vmem>>, vector<1024xf32>,
    %slice3A_1372 = vector.extract_strided_slice %dot_general3A_1359 {offsets = [3, 0], sizes = [1, 1024], strides = [1, 1]} : vector<8x1024xf32> to vector<1x1024xf32>
    %squeeze3A_1373 = vector.shape_cast %slice3A_1372 : vector<1x1024xf32> to vector<1024xf32>
    %swap3A_1374 = arith.constant 224256 : index
    %swap3A_1375 = vector.load %arg2[%swap3A_1374] : memref<262144xf32, #tpu.memory_space<vmem>>, vector<1024xf32>
    tpu.vector_store %arg2[%swap3A_1374], %squeeze3A_1373 {strides = array<i32>} : memref<262144xf32, #tpu.memory_space<vmem>>, vector<1024xf32>,
    %slice3A_1376 = vector.extract_strided_slice %dot_general3A_1359 {offsets = [4, 0], sizes = [1, 1024], strides = [1, 1]} : vector<8x1024xf32> to vector<1x1024xf32>
    %squeeze3A_1377 = vector.shape_cast %slice3A_1376 : vector<1x1024xf32> to vector<1024xf32>
    %swap3A_1378 = arith.constant 225280 : index
    %swap3A_1379 = vector.load %arg2[%swap3A_1378] : memref<262144xf32, #tpu.memory_space<vmem>>, vector<1024xf32>
    tpu.vector_store %arg2[%swap3A_1378], %squeeze3A_1377 {strides = array<i32>} : memref<262144xf32, #tpu.memory_space<vmem>>, vector<1024xf32>,
    %slice3A_1380 = vector.extract_strided_slice %dot_general3A_1359 {offsets = [5, 0], sizes = [1, 1024], strides = [1, 1]} : vector<8x1024xf32> to vector<1x1024xf32>
    %squeeze3A_1381 = vector.shape_cast %slice3A_1380 : vector<1x1024xf32> to vector<1024xf32>
    %swap3A_1382 = arith.constant 226304 : index
    %swap3A_1383 = vector.load %arg2[%swap3A_1382] : memref<262144xf32, #tpu.memory_space<vmem>>, vector<1024xf32>
    tpu.vector_store %arg2[%swap3A_1382], %squeeze3A_1381 {strides = array<i32>} : memref<262144xf32, #tpu.memory_space<vmem>>, vector<1024xf32>,
    %slice3A_1384 = vector.extract_strided_slice %dot_general3A_1359 {offsets = [6, 0], sizes = [1, 1024], strides = [1, 1]} : vector<8x1024xf32> to vector<1x1024xf32>
    %squeeze3A_1385 = vector.shape_cast %slice3A_1384 : vector<1x1024xf32> to vector<1024xf32>
    %swap3A_1386 = arith.constant 227328 : index
    %swap3A_1387 = vector.load %arg2[%swap3A_1386] : memref<262144xf32, #tpu.memory_space<vmem>>, vector<1024xf32>
    tpu.vector_store %arg2[%swap3A_1386], %squeeze3A_1385 {strides = array<i32>} : memref<262144xf32, #tpu.memory_space<vmem>>, vector<1024xf32>,
    %slice3A_1388 = vector.extract_strided_slice %dot_general3A_1359 {offsets = [7, 0], sizes = [1, 1024], strides = [1, 1]} : vector<8x1024xf32> to vector<1x1024xf32>
    %squeeze3A_1389 = vector.shape_cast %slice3A_1388 : vector<1x1024xf32> to vector<1024xf32>
    %swap3A_1390 = arith.constant 228352 : index
    %swap3A_1391 = vector.load %arg2[%swap3A_1390] : memref<262144xf32, #tpu.memory_space<vmem>>, vector<1024xf32>
    tpu.vector_store %arg2[%swap3A_1390], %squeeze3A_1389 {strides = array<i32>} : memref<262144xf32, #tpu.memory_space<vmem>>, vector<1024xf32>,
    %dma_wait3A_1392 = arith.constant 4 : i32
    %dma_wait3A_1393 = tpu.memref_slice %arg11[%dma_wait3A_1392] : memref<8x!tpu.dma_semaphore, #tpu.memory_space<semaphore_mem>> -> memref<1x!tpu.dma_semaphore, #tpu.memory_space<semaphore_mem>>
    %dma_wait3A_1394 = tpu.memref_squeeze %dma_wait3A_1393 : memref<1x!tpu.dma_semaphore, #tpu.memory_space<semaphore_mem>> -> memref<!tpu.dma_semaphore, #tpu.memory_space<semaphore_mem>>
    %dma_wait3A_1395 = arith.constant 28672 : i32
    %dma_wait3A_1396 = arith.constant 0 : i32
    %dma_wait3A_1397 = tpu.memref_slice %arg0[%dma_wait3A_1395, %dma_wait3A_1396] : memref<32768x768xf32, #tpu.memory_space<hbm>> -> memref<1024x768xf32, #tpu.memory_space<hbm>>
    tpu.wait_dma2 semaphore(%dma_wait3A_1394 : memref<!tpu.dma_semaphore, #tpu.memory_space<semaphore_mem>>) src(%dma_wait3A_1397 : memref<1024x768xf32, #tpu.memory_space<hbm>>) dst(%arg7 : memref<1024x768xf32, #tpu.memory_space<vmem>>)
    %get3A_1398 = arith.constant 0 : index
    %get3A_1399 = arith.constant 0 : index
    %get3A_1400 = vector.load %arg7[%get3A_1398, %get3A_1399] : memref<1024x768xf32, #tpu.memory_space<vmem>>, vector<1024x768xf32>
    %dot_general3A_1401 = arith.constant dense<0.000000e+00> : vector<8x1024xf32>
    %dot_general3A_1402 = tpu.matmul %get3A_48, %get3A_1400, %dot_general3A_1401 {dimension_numbers = #tpu.dot_dimension_numbers<[1], [1], [0], [0], [0, 0, 1, 0], [], []>, transpose_lhs_hint = false} : vector<8x768xf32>, vector<1024x768xf32>, vector<8x1024xf32> -> vector<8x1024xf32>
    %slice3A_1403 = vector.extract_strided_slice %dot_general3A_1402 {offsets = [0, 0], sizes = [1, 1024], strides = [1, 1]} : vector<8x1024xf32> to vector<1x1024xf32>
    %squeeze3A_1404 = vector.shape_cast %slice3A_1403 : vector<1x1024xf32> to vector<1024xf32>
    %swap3A_1405 = arith.constant 229376 : index
    %swap3A_1406 = vector.load %arg2[%swap3A_1405] : memref<262144xf32, #tpu.memory_space<vmem>>, vector<1024xf32>
    tpu.vector_store %arg2[%swap3A_1405], %squeeze3A_1404 {strides = array<i32>} : memref<262144xf32, #tpu.memory_space<vmem>>, vector<1024xf32>,
    %slice3A_1407 = vector.extract_strided_slice %dot_general3A_1402 {offsets = [1, 0], sizes = [1, 1024], strides = [1, 1]} : vector<8x1024xf32> to vector<1x1024xf32>
    %squeeze3A_1408 = vector.shape_cast %slice3A_1407 : vector<1x1024xf32> to vector<1024xf32>
    %swap3A_1409 = arith.constant 230400 : index
    %swap3A_1410 = vector.load %arg2[%swap3A_1409] : memref<262144xf32, #tpu.memory_space<vmem>>, vector<1024xf32>
    tpu.vector_store %arg2[%swap3A_1409], %squeeze3A_1408 {strides = array<i32>} : memref<262144xf32, #tpu.memory_space<vmem>>, vector<1024xf32>,
    %slice3A_1411 = vector.extract_strided_slice %dot_general3A_1402 {offsets = [2, 0], sizes = [1, 1024], strides = [1, 1]} : vector<8x1024xf32> to vector<1x1024xf32>
    %squeeze3A_1412 = vector.shape_cast %slice3A_1411 : vector<1x1024xf32> to vector<1024xf32>
    %swap3A_1413 = arith.constant 231424 : index
    %swap3A_1414 = vector.load %arg2[%swap3A_1413] : memref<262144xf32, #tpu.memory_space<vmem>>, vector<1024xf32>
    tpu.vector_store %arg2[%swap3A_1413], %squeeze3A_1412 {strides = array<i32>} : memref<262144xf32, #tpu.memory_space<vmem>>, vector<1024xf32>,
    %slice3A_1415 = vector.extract_strided_slice %dot_general3A_1402 {offsets = [3, 0], sizes = [1, 1024], strides = [1, 1]} : vector<8x1024xf32> to vector<1x1024xf32>
    %squeeze3A_1416 = vector.shape_cast %slice3A_1415 : vector<1x1024xf32> to vector<1024xf32>
    %swap3A_1417 = arith.constant 232448 : index
    %swap3A_1418 = vector.load %arg2[%swap3A_1417] : memref<262144xf32, #tpu.memory_space<vmem>>, vector<1024xf32>
    tpu.vector_store %arg2[%swap3A_1417], %squeeze3A_1416 {strides = array<i32>} : memref<262144xf32, #tpu.memory_space<vmem>>, vector<1024xf32>,
    %slice3A_1419 = vector.extract_strided_slice %dot_general3A_1402 {offsets = [4, 0], sizes = [1, 1024], strides = [1, 1]} : vector<8x1024xf32> to vector<1x1024xf32>
    %squeeze3A_1420 = vector.shape_cast %slice3A_1419 : vector<1x1024xf32> to vector<1024xf32>
    %swap3A_1421 = arith.constant 233472 : index
    %swap3A_1422 = vector.load %arg2[%swap3A_1421] : memref<262144xf32, #tpu.memory_space<vmem>>, vector<1024xf32>
    tpu.vector_store %arg2[%swap3A_1421], %squeeze3A_1420 {strides = array<i32>} : memref<262144xf32, #tpu.memory_space<vmem>>, vector<1024xf32>,
    %slice3A_1423 = vector.extract_strided_slice %dot_general3A_1402 {offsets = [5, 0], sizes = [1, 1024], strides = [1, 1]} : vector<8x1024xf32> to vector<1x1024xf32>
    %squeeze3A_1424 = vector.shape_cast %slice3A_1423 : vector<1x1024xf32> to vector<1024xf32>
    %swap3A_1425 = arith.constant 234496 : index
    %swap3A_1426 = vector.load %arg2[%swap3A_1425] : memref<262144xf32, #tpu.memory_space<vmem>>, vector<1024xf32>
    tpu.vector_store %arg2[%swap3A_1425], %squeeze3A_1424 {strides = array<i32>} : memref<262144xf32, #tpu.memory_space<vmem>>, vector<1024xf32>,
    %slice3A_1427 = vector.extract_strided_slice %dot_general3A_1402 {offsets = [6, 0], sizes = [1, 1024], strides = [1, 1]} : vector<8x1024xf32> to vector<1x1024xf32>
    %squeeze3A_1428 = vector.shape_cast %slice3A_1427 : vector<1x1024xf32> to vector<1024xf32>
    %swap3A_1429 = arith.constant 235520 : index
    %swap3A_1430 = vector.load %arg2[%swap3A_1429] : memref<262144xf32, #tpu.memory_space<vmem>>, vector<1024xf32>
    tpu.vector_store %arg2[%swap3A_1429], %squeeze3A_1428 {strides = array<i32>} : memref<262144xf32, #tpu.memory_space<vmem>>, vector<1024xf32>,
    %slice3A_1431 = vector.extract_strided_slice %dot_general3A_1402 {offsets = [7, 0], sizes = [1, 1024], strides = [1, 1]} : vector<8x1024xf32> to vector<1x1024xf32>
    %squeeze3A_1432 = vector.shape_cast %slice3A_1431 : vector<1x1024xf32> to vector<1024xf32>
    %swap3A_1433 = arith.constant 236544 : index
    %swap3A_1434 = vector.load %arg2[%swap3A_1433] : memref<262144xf32, #tpu.memory_space<vmem>>, vector<1024xf32>
    tpu.vector_store %arg2[%swap3A_1433], %squeeze3A_1432 {strides = array<i32>} : memref<262144xf32, #tpu.memory_space<vmem>>, vector<1024xf32>,
    %dma_wait3A_1435 = arith.constant 5 : i32
    %dma_wait3A_1436 = tpu.memref_slice %arg11[%dma_wait3A_1435] : memref<8x!tpu.dma_semaphore, #tpu.memory_space<semaphore_mem>> -> memref<1x!tpu.dma_semaphore, #tpu.memory_space<semaphore_mem>>
    %dma_wait3A_1437 = tpu.memref_squeeze %dma_wait3A_1436 : memref<1x!tpu.dma_semaphore, #tpu.memory_space<semaphore_mem>> -> memref<!tpu.dma_semaphore, #tpu.memory_space<semaphore_mem>>
    %dma_wait3A_1438 = arith.constant 29696 : i32
    %dma_wait3A_1439 = arith.constant 0 : i32
    %dma_wait3A_1440 = tpu.memref_slice %arg0[%dma_wait3A_1438, %dma_wait3A_1439] : memref<32768x768xf32, #tpu.memory_space<hbm>> -> memref<1024x768xf32, #tpu.memory_space<hbm>>
    tpu.wait_dma2 semaphore(%dma_wait3A_1437 : memref<!tpu.dma_semaphore, #tpu.memory_space<semaphore_mem>>) src(%dma_wait3A_1440 : memref<1024x768xf32, #tpu.memory_space<hbm>>) dst(%arg8 : memref<1024x768xf32, #tpu.memory_space<vmem>>)
    %get3A_1441 = arith.constant 0 : index
    %get3A_1442 = arith.constant 0 : index
    %get3A_1443 = vector.load %arg8[%get3A_1441, %get3A_1442] : memref<1024x768xf32, #tpu.memory_space<vmem>>, vector<1024x768xf32>
    %dot_general3A_1444 = arith.constant dense<0.000000e+00> : vector<8x1024xf32>
    %dot_general3A_1445 = tpu.matmul %get3A_48, %get3A_1443, %dot_general3A_1444 {dimension_numbers = #tpu.dot_dimension_numbers<[1], [1], [0], [0], [0, 0, 1, 0], [], []>, transpose_lhs_hint = false} : vector<8x768xf32>, vector<1024x768xf32>, vector<8x1024xf32> -> vector<8x1024xf32>
    %slice3A_1446 = vector.extract_strided_slice %dot_general3A_1445 {offsets = [0, 0], sizes = [1, 1024], strides = [1, 1]} : vector<8x1024xf32> to vector<1x1024xf32>
    %squeeze3A_1447 = vector.shape_cast %slice3A_1446 : vector<1x1024xf32> to vector<1024xf32>
    %swap3A_1448 = arith.constant 237568 : index
    %swap3A_1449 = vector.load %arg2[%swap3A_1448] : memref<262144xf32, #tpu.memory_space<vmem>>, vector<1024xf32>
    tpu.vector_store %arg2[%swap3A_1448], %squeeze3A_1447 {strides = array<i32>} : memref<262144xf32, #tpu.memory_space<vmem>>, vector<1024xf32>,
    %slice3A_1450 = vector.extract_strided_slice %dot_general3A_1445 {offsets = [1, 0], sizes = [1, 1024], strides = [1, 1]} : vector<8x1024xf32> to vector<1x1024xf32>
    %squeeze3A_1451 = vector.shape_cast %slice3A_1450 : vector<1x1024xf32> to vector<1024xf32>
    %swap3A_1452 = arith.constant 238592 : index
    %swap3A_1453 = vector.load %arg2[%swap3A_1452] : memref<262144xf32, #tpu.memory_space<vmem>>, vector<1024xf32>
    tpu.vector_store %arg2[%swap3A_1452], %squeeze3A_1451 {strides = array<i32>} : memref<262144xf32, #tpu.memory_space<vmem>>, vector<1024xf32>,
    %slice3A_1454 = vector.extract_strided_slice %dot_general3A_1445 {offsets = [2, 0], sizes = [1, 1024], strides = [1, 1]} : vector<8x1024xf32> to vector<1x1024xf32>
    %squeeze3A_1455 = vector.shape_cast %slice3A_1454 : vector<1x1024xf32> to vector<1024xf32>
    %swap3A_1456 = arith.constant 239616 : index
    %swap3A_1457 = vector.load %arg2[%swap3A_1456] : memref<262144xf32, #tpu.memory_space<vmem>>, vector<1024xf32>
    tpu.vector_store %arg2[%swap3A_1456], %squeeze3A_1455 {strides = array<i32>} : memref<262144xf32, #tpu.memory_space<vmem>>, vector<1024xf32>,
    %slice3A_1458 = vector.extract_strided_slice %dot_general3A_1445 {offsets = [3, 0], sizes = [1, 1024], strides = [1, 1]} : vector<8x1024xf32> to vector<1x1024xf32>
    %squeeze3A_1459 = vector.shape_cast %slice3A_1458 : vector<1x1024xf32> to vector<1024xf32>
    %swap3A_1460 = arith.constant 240640 : index
    %swap3A_1461 = vector.load %arg2[%swap3A_1460] : memref<262144xf32, #tpu.memory_space<vmem>>, vector<1024xf32>
    tpu.vector_store %arg2[%swap3A_1460], %squeeze3A_1459 {strides = array<i32>} : memref<262144xf32, #tpu.memory_space<vmem>>, vector<1024xf32>,
    %slice3A_1462 = vector.extract_strided_slice %dot_general3A_1445 {offsets = [4, 0], sizes = [1, 1024], strides = [1, 1]} : vector<8x1024xf32> to vector<1x1024xf32>
    %squeeze3A_1463 = vector.shape_cast %slice3A_1462 : vector<1x1024xf32> to vector<1024xf32>
    %swap3A_1464 = arith.constant 241664 : index
    %swap3A_1465 = vector.load %arg2[%swap3A_1464] : memref<262144xf32, #tpu.memory_space<vmem>>, vector<1024xf32>
    tpu.vector_store %arg2[%swap3A_1464], %squeeze3A_1463 {strides = array<i32>} : memref<262144xf32, #tpu.memory_space<vmem>>, vector<1024xf32>,
    %slice3A_1466 = vector.extract_strided_slice %dot_general3A_1445 {offsets = [5, 0], sizes = [1, 1024], strides = [1, 1]} : vector<8x1024xf32> to vector<1x1024xf32>
    %squeeze3A_1467 = vector.shape_cast %slice3A_1466 : vector<1x1024xf32> to vector<1024xf32>
    %swap3A_1468 = arith.constant 242688 : index
    %swap3A_1469 = vector.load %arg2[%swap3A_1468] : memref<262144xf32, #tpu.memory_space<vmem>>, vector<1024xf32>
    tpu.vector_store %arg2[%swap3A_1468], %squeeze3A_1467 {strides = array<i32>} : memref<262144xf32, #tpu.memory_space<vmem>>, vector<1024xf32>,
    %slice3A_1470 = vector.extract_strided_slice %dot_general3A_1445 {offsets = [6, 0], sizes = [1, 1024], strides = [1, 1]} : vector<8x1024xf32> to vector<1x1024xf32>
    %squeeze3A_1471 = vector.shape_cast %slice3A_1470 : vector<1x1024xf32> to vector<1024xf32>
    %swap3A_1472 = arith.constant 243712 : index
    %swap3A_1473 = vector.load %arg2[%swap3A_1472] : memref<262144xf32, #tpu.memory_space<vmem>>, vector<1024xf32>
    tpu.vector_store %arg2[%swap3A_1472], %squeeze3A_1471 {strides = array<i32>} : memref<262144xf32, #tpu.memory_space<vmem>>, vector<1024xf32>,
    %slice3A_1474 = vector.extract_strided_slice %dot_general3A_1445 {offsets = [7, 0], sizes = [1, 1024], strides = [1, 1]} : vector<8x1024xf32> to vector<1x1024xf32>
    %squeeze3A_1475 = vector.shape_cast %slice3A_1474 : vector<1x1024xf32> to vector<1024xf32>
    %swap3A_1476 = arith.constant 244736 : index
    %swap3A_1477 = vector.load %arg2[%swap3A_1476] : memref<262144xf32, #tpu.memory_space<vmem>>, vector<1024xf32>
    tpu.vector_store %arg2[%swap3A_1476], %squeeze3A_1475 {strides = array<i32>} : memref<262144xf32, #tpu.memory_space<vmem>>, vector<1024xf32>,
    %dma_wait3A_1478 = arith.constant 6 : i32
    %dma_wait3A_1479 = tpu.memref_slice %arg11[%dma_wait3A_1478] : memref<8x!tpu.dma_semaphore, #tpu.memory_space<semaphore_mem>> -> memref<1x!tpu.dma_semaphore, #tpu.memory_space<semaphore_mem>>
    %dma_wait3A_1480 = tpu.memref_squeeze %dma_wait3A_1479 : memref<1x!tpu.dma_semaphore, #tpu.memory_space<semaphore_mem>> -> memref<!tpu.dma_semaphore, #tpu.memory_space<semaphore_mem>>
    %dma_wait3A_1481 = arith.constant 30720 : i32
    %dma_wait3A_1482 = arith.constant 0 : i32
    %dma_wait3A_1483 = tpu.memref_slice %arg0[%dma_wait3A_1481, %dma_wait3A_1482] : memref<32768x768xf32, #tpu.memory_space<hbm>> -> memref<1024x768xf32, #tpu.memory_space<hbm>>
    tpu.wait_dma2 semaphore(%dma_wait3A_1480 : memref<!tpu.dma_semaphore, #tpu.memory_space<semaphore_mem>>) src(%dma_wait3A_1483 : memref<1024x768xf32, #tpu.memory_space<hbm>>) dst(%arg9 : memref<1024x768xf32, #tpu.memory_space<vmem>>)
    %get3A_1484 = arith.constant 0 : index
    %get3A_1485 = arith.constant 0 : index
    %get3A_1486 = vector.load %arg9[%get3A_1484, %get3A_1485] : memref<1024x768xf32, #tpu.memory_space<vmem>>, vector<1024x768xf32>
    %dot_general3A_1487 = arith.constant dense<0.000000e+00> : vector<8x1024xf32>
    %dot_general3A_1488 = tpu.matmul %get3A_48, %get3A_1486, %dot_general3A_1487 {dimension_numbers = #tpu.dot_dimension_numbers<[1], [1], [0], [0], [0, 0, 1, 0], [], []>, transpose_lhs_hint = false} : vector<8x768xf32>, vector<1024x768xf32>, vector<8x1024xf32> -> vector<8x1024xf32>
    %slice3A_1489 = vector.extract_strided_slice %dot_general3A_1488 {offsets = [0, 0], sizes = [1, 1024], strides = [1, 1]} : vector<8x1024xf32> to vector<1x1024xf32>
    %squeeze3A_1490 = vector.shape_cast %slice3A_1489 : vector<1x1024xf32> to vector<1024xf32>
    %swap3A_1491 = arith.constant 245760 : index
    %swap3A_1492 = vector.load %arg2[%swap3A_1491] : memref<262144xf32, #tpu.memory_space<vmem>>, vector<1024xf32>
    tpu.vector_store %arg2[%swap3A_1491], %squeeze3A_1490 {strides = array<i32>} : memref<262144xf32, #tpu.memory_space<vmem>>, vector<1024xf32>,
    %slice3A_1493 = vector.extract_strided_slice %dot_general3A_1488 {offsets = [1, 0], sizes = [1, 1024], strides = [1, 1]} : vector<8x1024xf32> to vector<1x1024xf32>
    %squeeze3A_1494 = vector.shape_cast %slice3A_1493 : vector<1x1024xf32> to vector<1024xf32>
    %swap3A_1495 = arith.constant 246784 : index
    %swap3A_1496 = vector.load %arg2[%swap3A_1495] : memref<262144xf32, #tpu.memory_space<vmem>>, vector<1024xf32>
    tpu.vector_store %arg2[%swap3A_1495], %squeeze3A_1494 {strides = array<i32>} : memref<262144xf32, #tpu.memory_space<vmem>>, vector<1024xf32>,
    %slice3A_1497 = vector.extract_strided_slice %dot_general3A_1488 {offsets = [2, 0], sizes = [1, 1024], strides = [1, 1]} : vector<8x1024xf32> to vector<1x1024xf32>
    %squeeze3A_1498 = vector.shape_cast %slice3A_1497 : vector<1x1024xf32> to vector<1024xf32>
    %swap3A_1499 = arith.constant 247808 : index
    %swap3A_1500 = vector.load %arg2[%swap3A_1499] : memref<262144xf32, #tpu.memory_space<vmem>>, vector<1024xf32>
    tpu.vector_store %arg2[%swap3A_1499], %squeeze3A_1498 {strides = array<i32>} : memref<262144xf32, #tpu.memory_space<vmem>>, vector<1024xf32>,
    %slice3A_1501 = vector.extract_strided_slice %dot_general3A_1488 {offsets = [3, 0], sizes = [1, 1024], strides = [1, 1]} : vector<8x1024xf32> to vector<1x1024xf32>
    %squeeze3A_1502 = vector.shape_cast %slice3A_1501 : vector<1x1024xf32> to vector<1024xf32>
    %swap3A_1503 = arith.constant 248832 : index
    %swap3A_1504 = vector.load %arg2[%swap3A_1503] : memref<262144xf32, #tpu.memory_space<vmem>>, vector<1024xf32>
    tpu.vector_store %arg2[%swap3A_1503], %squeeze3A_1502 {strides = array<i32>} : memref<262144xf32, #tpu.memory_space<vmem>>, vector<1024xf32>,
    %slice3A_1505 = vector.extract_strided_slice %dot_general3A_1488 {offsets = [4, 0], sizes = [1, 1024], strides = [1, 1]} : vector<8x1024xf32> to vector<1x1024xf32>
    %squeeze3A_1506 = vector.shape_cast %slice3A_1505 : vector<1x1024xf32> to vector<1024xf32>
    %swap3A_1507 = arith.constant 249856 : index
    %swap3A_1508 = vector.load %arg2[%swap3A_1507] : memref<262144xf32, #tpu.memory_space<vmem>>, vector<1024xf32>
    tpu.vector_store %arg2[%swap3A_1507], %squeeze3A_1506 {strides = array<i32>} : memref<262144xf32, #tpu.memory_space<vmem>>, vector<1024xf32>,
    %slice3A_1509 = vector.extract_strided_slice %dot_general3A_1488 {offsets = [5, 0], sizes = [1, 1024], strides = [1, 1]} : vector<8x1024xf32> to vector<1x1024xf32>
    %squeeze3A_1510 = vector.shape_cast %slice3A_1509 : vector<1x1024xf32> to vector<1024xf32>
    %swap3A_1511 = arith.constant 250880 : index
    %swap3A_1512 = vector.load %arg2[%swap3A_1511] : memref<262144xf32, #tpu.memory_space<vmem>>, vector<1024xf32>
    tpu.vector_store %arg2[%swap3A_1511], %squeeze3A_1510 {strides = array<i32>} : memref<262144xf32, #tpu.memory_space<vmem>>, vector<1024xf32>,
    %slice3A_1513 = vector.extract_strided_slice %dot_general3A_1488 {offsets = [6, 0], sizes = [1, 1024], strides = [1, 1]} : vector<8x1024xf32> to vector<1x1024xf32>
    %squeeze3A_1514 = vector.shape_cast %slice3A_1513 : vector<1x1024xf32> to vector<1024xf32>
    %swap3A_1515 = arith.constant 251904 : index
    %swap3A_1516 = vector.load %arg2[%swap3A_1515] : memref<262144xf32, #tpu.memory_space<vmem>>, vector<1024xf32>
    tpu.vector_store %arg2[%swap3A_1515], %squeeze3A_1514 {strides = array<i32>} : memref<262144xf32, #tpu.memory_space<vmem>>, vector<1024xf32>,
    %slice3A_1517 = vector.extract_strided_slice %dot_general3A_1488 {offsets = [7, 0], sizes = [1, 1024], strides = [1, 1]} : vector<8x1024xf32> to vector<1x1024xf32>
    %squeeze3A_1518 = vector.shape_cast %slice3A_1517 : vector<1x1024xf32> to vector<1024xf32>
    %swap3A_1519 = arith.constant 252928 : index
    %swap3A_1520 = vector.load %arg2[%swap3A_1519] : memref<262144xf32, #tpu.memory_space<vmem>>, vector<1024xf32>
    tpu.vector_store %arg2[%swap3A_1519], %squeeze3A_1518 {strides = array<i32>} : memref<262144xf32, #tpu.memory_space<vmem>>, vector<1024xf32>,
    %dma_wait3A_1521 = arith.constant 7 : i32
    %dma_wait3A_1522 = tpu.memref_slice %arg11[%dma_wait3A_1521] : memref<8x!tpu.dma_semaphore, #tpu.memory_space<semaphore_mem>> -> memref<1x!tpu.dma_semaphore, #tpu.memory_space<semaphore_mem>>
    %dma_wait3A_1523 = tpu.memref_squeeze %dma_wait3A_1522 : memref<1x!tpu.dma_semaphore, #tpu.memory_space<semaphore_mem>> -> memref<!tpu.dma_semaphore, #tpu.memory_space<semaphore_mem>>
    %dma_wait3A_1524 = arith.constant 31744 : i32
    %dma_wait3A_1525 = arith.constant 0 : i32
    %dma_wait3A_1526 = tpu.memref_slice %arg0[%dma_wait3A_1524, %dma_wait3A_1525] : memref<32768x768xf32, #tpu.memory_space<hbm>> -> memref<1024x768xf32, #tpu.memory_space<hbm>>
    tpu.wait_dma2 semaphore(%dma_wait3A_1523 : memref<!tpu.dma_semaphore, #tpu.memory_space<semaphore_mem>>) src(%dma_wait3A_1526 : memref<1024x768xf32, #tpu.memory_space<hbm>>) dst(%arg10 : memref<1024x768xf32, #tpu.memory_space<vmem>>)
    %get3A_1527 = arith.constant 0 : index
    %get3A_1528 = arith.constant 0 : index
    %get3A_1529 = vector.load %arg10[%get3A_1527, %get3A_1528] : memref<1024x768xf32, #tpu.memory_space<vmem>>, vector<1024x768xf32>
    %dot_general3A_1530 = arith.constant dense<0.000000e+00> : vector<8x1024xf32>
    %dot_general3A_1531 = tpu.matmul %get3A_48, %get3A_1529, %dot_general3A_1530 {dimension_numbers = #tpu.dot_dimension_numbers<[1], [1], [0], [0], [0, 0, 1, 0], [], []>, transpose_lhs_hint = false} : vector<8x768xf32>, vector<1024x768xf32>, vector<8x1024xf32> -> vector<8x1024xf32>
    %slice3A_1532 = vector.extract_strided_slice %dot_general3A_1531 {offsets = [0, 0], sizes = [1, 1024], strides = [1, 1]} : vector<8x1024xf32> to vector<1x1024xf32>
    %squeeze3A_1533 = vector.shape_cast %slice3A_1532 : vector<1x1024xf32> to vector<1024xf32>
    %swap3A_1534 = arith.constant 253952 : index
    %swap3A_1535 = vector.load %arg2[%swap3A_1534] : memref<262144xf32, #tpu.memory_space<vmem>>, vector<1024xf32>
    tpu.vector_store %arg2[%swap3A_1534], %squeeze3A_1533 {strides = array<i32>} : memref<262144xf32, #tpu.memory_space<vmem>>, vector<1024xf32>,
    %slice3A_1536 = vector.extract_strided_slice %dot_general3A_1531 {offsets = [1, 0], sizes = [1, 1024], strides = [1, 1]} : vector<8x1024xf32> to vector<1x1024xf32>
    %squeeze3A_1537 = vector.shape_cast %slice3A_1536 : vector<1x1024xf32> to vector<1024xf32>
    %swap3A_1538 = arith.constant 254976 : index
    %swap3A_1539 = vector.load %arg2[%swap3A_1538] : memref<262144xf32, #tpu.memory_space<vmem>>, vector<1024xf32>
    tpu.vector_store %arg2[%swap3A_1538], %squeeze3A_1537 {strides = array<i32>} : memref<262144xf32, #tpu.memory_space<vmem>>, vector<1024xf32>,
    %slice3A_1540 = vector.extract_strided_slice %dot_general3A_1531 {offsets = [2, 0], sizes = [1, 1024], strides = [1, 1]} : vector<8x1024xf32> to vector<1x1024xf32>
    %squeeze3A_1541 = vector.shape_cast %slice3A_1540 : vector<1x1024xf32> to vector<1024xf32>
    %swap3A_1542 = arith.constant 256000 : index
    %swap3A_1543 = vector.load %arg2[%swap3A_1542] : memref<262144xf32, #tpu.memory_space<vmem>>, vector<1024xf32>
    tpu.vector_store %arg2[%swap3A_1542], %squeeze3A_1541 {strides = array<i32>} : memref<262144xf32, #tpu.memory_space<vmem>>, vector<1024xf32>,
    %slice3A_1544 = vector.extract_strided_slice %dot_general3A_1531 {offsets = [3, 0], sizes = [1, 1024], strides = [1, 1]} : vector<8x1024xf32> to vector<1x1024xf32>
    %squeeze3A_1545 = vector.shape_cast %slice3A_1544 : vector<1x1024xf32> to vector<1024xf32>
    %swap3A_1546 = arith.constant 257024 : index
    %swap3A_1547 = vector.load %arg2[%swap3A_1546] : memref<262144xf32, #tpu.memory_space<vmem>>, vector<1024xf32>
    tpu.vector_store %arg2[%swap3A_1546], %squeeze3A_1545 {strides = array<i32>} : memref<262144xf32, #tpu.memory_space<vmem>>, vector<1024xf32>,
    %slice3A_1548 = vector.extract_strided_slice %dot_general3A_1531 {offsets = [4, 0], sizes = [1, 1024], strides = [1, 1]} : vector<8x1024xf32> to vector<1x1024xf32>
    %squeeze3A_1549 = vector.shape_cast %slice3A_1548 : vector<1x1024xf32> to vector<1024xf32>
    %swap3A_1550 = arith.constant 258048 : index
    %swap3A_1551 = vector.load %arg2[%swap3A_1550] : memref<262144xf32, #tpu.memory_space<vmem>>, vector<1024xf32>
    tpu.vector_store %arg2[%swap3A_1550], %squeeze3A_1549 {strides = array<i32>} : memref<262144xf32, #tpu.memory_space<vmem>>, vector<1024xf32>,
    %slice3A_1552 = vector.extract_strided_slice %dot_general3A_1531 {offsets = [5, 0], sizes = [1, 1024], strides = [1, 1]} : vector<8x1024xf32> to vector<1x1024xf32>
    %squeeze3A_1553 = vector.shape_cast %slice3A_1552 : vector<1x1024xf32> to vector<1024xf32>
    %swap3A_1554 = arith.constant 259072 : index
    %swap3A_1555 = vector.load %arg2[%swap3A_1554] : memref<262144xf32, #tpu.memory_space<vmem>>, vector<1024xf32>
    tpu.vector_store %arg2[%swap3A_1554], %squeeze3A_1553 {strides = array<i32>} : memref<262144xf32, #tpu.memory_space<vmem>>, vector<1024xf32>,
    %slice3A_1556 = vector.extract_strided_slice %dot_general3A_1531 {offsets = [6, 0], sizes = [1, 1024], strides = [1, 1]} : vector<8x1024xf32> to vector<1x1024xf32>
    %squeeze3A_1557 = vector.shape_cast %slice3A_1556 : vector<1x1024xf32> to vector<1024xf32>
    %swap3A_1558 = arith.constant 260096 : index
    %swap3A_1559 = vector.load %arg2[%swap3A_1558] : memref<262144xf32, #tpu.memory_space<vmem>>, vector<1024xf32>
    tpu.vector_store %arg2[%swap3A_1558], %squeeze3A_1557 {strides = array<i32>} : memref<262144xf32, #tpu.memory_space<vmem>>, vector<1024xf32>,
    %slice3A_1560 = vector.extract_strided_slice %dot_general3A_1531 {offsets = [7, 0], sizes = [1, 1024], strides = [1, 1]} : vector<8x1024xf32> to vector<1x1024xf32>
    %squeeze3A_1561 = vector.shape_cast %slice3A_1560 : vector<1x1024xf32> to vector<1024xf32>
    %swap3A_1562 = arith.constant 261120 : index
    %swap3A_1563 = vector.load %arg2[%swap3A_1562] : memref<262144xf32, #tpu.memory_space<vmem>>, vector<1024xf32>
    tpu.vector_store %arg2[%swap3A_1562], %squeeze3A_1561 {strides = array<i32>} : memref<262144xf32, #tpu.memory_space<vmem>>, vector<1024xf32>,
    return
  }
}

</mosaic_0001>

<sc_bundles>
// kernel: kernel.4.cloned.1.call-start
scs
__scs_entry_jumppad:
0x0: {  	(pc) =	sbr.rel $0x88, $3  }
0x1: {  	(tag) =	ssettag $0x0;
	lr =	simm.s32 $0x1  }
0x2: {  	[smem:$0x3F9F] =	sst lr;
	_ =	strace $0xD0000000  }
0x3: {  	_ = 	snop  }
0x4: {  	_ = 	snop  }
0x5: {  	_ = 	snop  }
0x6: {  	_ = 	snop  }
0x7: {  	_ = 	snop  }
__scs_overlays_trampoline_lowered:
0x8: {  	[smem:$0x3FAE] =	sst s0  }
0x9: {  	[smem:$0x3FAF] =	sst s1  }
0xa: {  	[smem:$0x3FB0] =	sst s2  }
0xb: {  	[smem:$0x3FB1] =	sst s3  }
0xc: {  	[smem:$0x3FB2] =	sst s4  }
0xd: {  	[smem:$0x3FB3] =	sst s5  }
0xe: {  	[smem:$0x3FB4] =	sst s6  }
0xf: {  	[smem:$0x3FB5] =	sst s7  }
0x10: {  	[smem:$0x3FB6] =	sst s8  }
0x11: {  	[smem:$0x3FB7] =	sst s9;
	s0 =	simm.s32 @!p0 $0x0  }
0x12: {  	s1 =	sld [smem:$0x3F9D];
	s0 =	simm.s32 @p0 $0x1  }
0x13: {  	[smem:$0x3FB8] =	sst s0;
	s0 =	simm.s32 @!p1 $0x0  }
0x14: {  	s2 =	sld [smem:$0x3F9C];
	s0 =	simm.s32 @p1 $0x1  }
0x15: {  	[smem:$0x3FB9] =	sst s0;
	s0 =	simm.s32 @!p2 $0x0  }
0x16: {  	s3 =	sld [smem:$0x3FDB];
	s0 =	simm.s32 @p2 $0x1  }
0x17: {  	s4 =	simm.s32 $0x1BF5;
	[smem:$0x3FBB] =	sst s0  }
0x18: {  	s0 =	sld [smem:$0x3F9E];
	_ =	swait.ge [sflag:s4], $0x0  }
0x19: {  	s7 =	sld [smem:$0x3F9F]  }
0x1a: {  	s8 =	sadd.s32 $0xFFFFE003, lr  }
0x1b: {  	s9 =	sadd.s32 $0xFFFFFEF7, lr;
	s5 =	simm.s32 $0xFFFFFFFF;
	p2 =	slt.u32 s8, $0xFFFFF086  }
0x1c: {  	p1 =	slt.u32 s9, $0xF7A;
	s5 =	simm.s32 @!p2 $0x0  }
0x1d: {  	s5 =	simm.s32 @p1 $0x1;
	p0 =	seq.s32 s7, s2  }
0x1e: {  	s7 =	smul.u32 @!p0 $0xF7A, s2;
	p2 =	seq.s32 @!p0 s5, $0x0  }
0x1f: {  	s9 =	smul.u32 $0xF7A, s1;
	s8 =	simm.s32 @!p0 $0x1BF5;
	p2 =	por !p2, p0  }
0x20: {  	[sflag:s8] =	ssyncset.s32 @!p0 $0xFFFFF086;
	s6 =	sadd.s32 @!p0 s3, s7;
	s7 =	simm.s32 @!p0 $0x108  }
0x21: {  	s3 =	sadd.s32 s3, s9;
	s6 =	sadd.s32 @!p0 $0x88, s6;
	s7 =	simm.s32 @p2 $0x1082  }
0x22: {  	[simem:s7], [sflag:s8] =	dma.local @!p0 [hbm:s6], $0xF7A  }
0x23: {  	s9 =	sor.u32 $0xD0000000, s2;
	s6 =	simm.s32 $0x108;
	_ =	swait.ge @!p0 [sflag:s8], $0x0  }
0x24: {  	s3 =	sadd.s32 $0x88, s3;
	s6 =	simm.s32 @!p1 $0x1082;
	[sflag:s4] =	ssyncset.s32 $0xFFFFF086  }
0x25: {  	[simem:s6], [sflag:s4] =	dma.local [hbm:s3], $0xF7A  }
0x26: {  	[smem:$0x3F9F] =	sst s1;
	(tag) =	ssettag s2;
	_ =	strace s9  }
0x27: {  	s1 =	sld [smem:$0x3FAF]  }
0x28: {  	s2 =	sld [smem:$0x3FB0]  }
0x29: {  	s4 =	sld [smem:$0x3FB2]  }
0x2a: {  	p0 =	seq.s32 s5, $0x0;
	s5 =	sld [smem:$0x3FB3]  }
0x2b: {  	s6 =	sld [smem:$0x3FB4]  }
0x2c: {  	s7 =	sld [smem:$0x3FB5]  }
0x2d: {  	s3 =	simm.s32 $0x108;
	s8 =	sld [smem:$0x3FB6]  }
0x2e: {  	s3 =	simm.s32 @!p0 $0x1082;
	s9 =	sld [smem:$0x3FB7]  }
0x2f: {  	lr =	sadd.s32 s0, s3;
	s0 =	sld [smem:$0x3FAE]  }
0x30: {  	s3 =	sld [smem:$0x3FB1]  }
0x31: {  	[smem:$0x3FBA] =	sst s10  }
0x32: {  	s10 =	sld [smem:$0x3FB8];
	_ =	sdelay $0x3  }
0x33: {  	p0 =	seq.s32 s10, $0x1;
	s10 =	sld [smem:$0x3FBA];
	_ =	sdelay $0x3  }
0x34: {  	[smem:$0x3FBA] =	sst s10  }
0x35: {  	s10 =	sld [smem:$0x3FB9];
	_ =	sdelay $0x3  }
0x36: {  	p1 =	seq.s32 s10, $0x1;
	s10 =	sld [smem:$0x3FBA];
	_ =	sdelay $0x3  }
0x37: {  	[smem:$0x3FBA] =	sst s10  }
0x38: {  	s10 =	sld [smem:$0x3FBB]  }
0x39: {  	_ = 	snop;
	(pc) =	sbr.ind lr, $3  }
0x3a: {  	_ = 	snop  }
0x3b: {  	_ = 	snop  }
0x3c: {  	p2 =	seq.s32 s10, $0x1;
	s10 =	sld [smem:$0x3FBA]  }
0x3d: {  	_ =	shalt  }
0x3e: {  	_ =	shalt  }
0x3f: {  	_ =	shalt  }
0x40: {  	_ =	shalt  }
0x41: {  	_ =	shalt  }
0x42: {  	_ =	shalt  }
0x43: {  	_ =	shalt  }
0x44: {  	_ =	shalt  }
0x45: {  	_ =	shalt  }
0x46: {  	_ =	shalt  }
0x47: {  	_ =	shalt  }
0x48: {  	_ =	shalt  }
0x49: {  	_ =	shalt  }
0x4a: {  	_ =	shalt  }
0x4b: {  	_ =	shalt  }
0x4c: {  	_ =	shalt  }
0x4d: {  	_ =	shalt  }
0x4e: {  	_ =	shalt  }
0x4f: {  	_ =	shalt  }
0x50: {  	_ =	shalt  }
0x51: {  	_ =	shalt  }
0x52: {  	_ =	shalt  }
0x53: {  	_ =	shalt  }
0x54: {  	_ =	shalt  }
0x55: {  	_ =	shalt  }
0x56: {  	_ =	shalt  }
0x57: {  	_ =	shalt  }
0x58: {  	_ =	shalt  }
0x59: {  	_ =	shalt  }
0x5a: {  	_ =	shalt  }
0x5b: {  	_ =	shalt  }
0x5c: {  	_ =	shalt  }
0x5d: {  	_ =	shalt  }
0x5e: {  	_ =	shalt  }
0x5f: {  	_ =	shalt  }
0x60: {  	_ =	shalt  }
0x61: {  	_ =	shalt  }
0x62: {  	_ =	shalt  }
0x63: {  	_ =	shalt  }
0x64: {  	_ =	shalt  }
0x65: {  	_ =	shalt  }
0x66: {  	_ =	shalt  }
0x67: {  	_ =	shalt  }
0x68: {  	_ =	shalt  }
0x69: {  	_ =	shalt  }
0x6a: {  	_ =	shalt  }
0x6b: {  	_ =	shalt  }
0x6c: {  	_ =	shalt  }
0x6d: {  	_ =	shalt  }
0x6e: {  	_ =	shalt  }
0x6f: {  	_ =	shalt  }
0x70: {  	_ =	shalt  }
0x71: {  	_ =	shalt  }
0x72: {  	_ =	shalt  }
0x73: {  	_ =	shalt  }
0x74: {  	_ =	shalt  }
0x75: {  	_ =	shalt  }
0x76: {  	_ =	shalt  }
0x77: {  	_ =	shalt  }
0x78: {  	_ =	shalt  }
0x79: {  	_ =	shalt  }
0x7a: {  	_ =	shalt  }
0x7b: {  	_ =	shalt  }
0x7c: {  	_ =	shalt  }
0x7d: {  	_ =	shalt  }
0x7e: {  	_ =	shalt  }
0x7f: {  	_ =	shalt  }
0x80: {  	_ =	shalt  }
0x81: {  	_ =	shalt  }
0x82: {  	_ =	shalt  }
0x83: {  	_ =	shalt  }
0x84: {  	_ =	shalt  }
0x85: {  	_ =	shalt  }
0x86: {  	_ =	shalt  }
0x87: {  	_ =	shalt  }
.Lfunc_end0:
.L_simem_size_0:
called_computation_lowered:
.L_overlay_start_0:
0x88: {  	s2 =	sld [smem:$0x3FD9]  }
0x89: {  	s3 =	sld [smem:$0x3FFE];
	_ =	sdelay $0x1  }
0x8a: {  	s1 =	srdreg.scid  }
0x8b: {  	s0 =	sand.u32 $0x1, s1  }
0x8c: {  	s14 =	sshll.u32 s0, $0xA;
	s2 =	sadd.s32 s3, s2  }
0x8d: {  	s2 =	sadd.s32 s2, s14  }
0x8e: {  	[smem:$0x3FC6] =	sst s2  }
0x8f: {  	_ = 	snop  }
0x90: {  	s2 =	sld [smem:$0x3FD0];
	_ =	sdelay $0x2  }
0x91: {  	s15 =	simm.s32 $0xA;
	s4 =	simm.s32 $0x10  }
0x92: {  	[smem:s4], [sflag:s15] =	dma.local [hbm:s2], $0x1  }
0x93: {  	_ =	swait.eq [sflag:s15], $0x1  }
0x94: {  	s16 =	sld [smem:$0x10];
	[sflag:s15] =	ssyncset.done $0x0  }
0x95: {  	s17 =	sld [smem:$0x11];
	[sflag:s15] =	ssyncadd.s32 $0xFFFFFFFF  }
0x96: {  	s18 =	sld [smem:$0x12];
	(tm) =	ssettm $0x1  }
0x97: {  	s5 =	sld [smem:$0x3FFB];
	_ =	sdelay $0x3  }
0x98: {  	_ =	strace s5  }
0x99: {  	s5 =	sld [smem:$0x3FFC];
	_ =	sdelay $0x3  }
0x9a: {  	_ =	strace s5  }
0x9b: {  	s5 =	sld [smem:$0x3FFD];
	_ =	sdelay $0x3  }
0x9c: {  	_ =	strace s5  }
0x9d: {  	_ =	strace $0x8FFFFFFF  }
0x9e: {  	s19 =	sld [smem:$0x3FDB];
	_ =	sdelay $0x1  }
0x9f: {  	s6 =	simm.s32 $_scs_section_size  }
0xa0: {  	s7 =	simm.s32 $_size__tile_overlayer_lowered;
	s8 =	simm.s32 $_tile_overlayer_lowered  }
0xa1: {  	s22 =	simm.s32 $0x1BFF;
	s21 =	sshll.u32 s8, $0x1;
	s5 =	sadd.s32 s6, s19  }
0xa2: {  	s9 =	simm.s32 $0x0;
	s20 =	sshll.u32 s7, $0x1;
	s7 =	sadd.s32 s21, s5  }
0xa3: {  	[timem:s9], [sflag:s22] =	dma.local [hbm:s7], s20  }
0xa4: {  	_ =	swait.ge [sflag:s22], s20  }
0xa5: {  	s6 =	ssub.s32 $0x0, s20;
	[sflag:s22] =	ssyncset.done $0x0  }
0xa6: {  	[sflag:s22] =	ssyncadd.s32 s6;
	_ =	sdelay $0x1  }
0xa7: {  	s23 =	simm.s32 $0x1B8B  }
0xa8: {  	_ =	swait.ge [sflag:s23], $0x1  }
0xa9: {  	[sflag:s23] =	ssyncset.done $0x0  }
0xaa: {  	s25 =	simm.s32 $0x1B8E;
	s24 =	sld [smem:$0x3FFE];
	[sflag:s23] =	ssyncadd.s32 $0xFFFFFFFF  }
0xab: {  	s26 =	simm.s32 $execute0_lowered;
	[smem:$0x3FD2] =	sst s25  }
0xac: {  	s7 =	sshll.u32 s26, $0x1;
	_ =	strace $0x80000046;
	[dreg:$0x1] =	wrdreg $0xFFFFFFFF  }
0xad: {  	s28 =	simm.s32 $_size_execute0_lowered;
	s5 =	sadd.s32 s5, s7;
	[dreg:$0x0] =	wrdreg $0x0  }
0xae: {  	s7 =	sshll.u32 s28, $0x1;
	[dreg:$0x2] =	wrdreg s5  }
0xaf: {  	[dreg:$0x3] =	wrdreg s7  }
0xb0: {  	[dreg:$0x4] =	wrdreg $0xC0  }
0xb1: {  	_ =	task [dreg:s9], $0x5FFFF  }
0xb2: {  	[dreg:$0x1] =	wrdreg $0xFFFFFFFF  }
0xb3: {  	[dreg:$0x0] =	wrdreg $0x60  }
0xb4: {  	[dreg:$0x2] =	wrdreg s24  }
0xb5: {  	[dreg:$0x3] =	wrdreg s16  }
0xb6: {  	[dreg:$0x4] =	wrdreg s17  }
0xb7: {  	[dreg:$0x5] =	wrdreg s18  }
0xb8: {  	[dreg:$0x6] =	wrdreg $0x9  }
0xb9: {  	_ =	task.clear_ibuf [dreg:s9], $0x7FFFF;
	_ =	strace $0x90000046  }
0xba: {  	s29 =	simm.s32 $0x9;
	_ =	strace $0x80000048  }
0xbb: {  	_ =	swait.ge [sflag:s29], $0x1  }
0xbc: {  	[sflag:s29] =	ssyncadd.s32 $0xFFFFFFFF  }
0xbd: {  	_ =	strace $0x90000048  }
0xbe: {  	_ =	sfence  }
0xbf: {  	s30 =	sld [smem:$0x0];
	_ =	sdelay $0x2  }
0xc0: {  	s31 =	sshll.u32 s1, $0xD;
	s1 =	sshrl.u32 s1, $0x2  }
0xc1: {  	s3 =	sand.u32 $0x4000, s31;
	s1 =	sadd.s32 s1, s30  }
0xc2: {  	s0 =	sor.u32 s3, s0;
	s1 =	sshll.u32 s1, $0x11  }
0xc3: {  	s0 =	sor.u32 s1, s0  }
0xc4: {  	s0 =	sadd.s32 $0x8F2B, s0  }
0xc5: {  	[sflag:s0] =	ssyncadd.remote.s32 $0x1  }
0xc6: {  	_ =	sfence.sel $0xFFFF  }
0xc7: {  	[dreg:$0x0] =	wrdreg $0xFFFFFFFF;
	(pc) =	sbr.abs _section_cstart, $3  }
0xc8: {  	[dreg:$0x1] =	wrdreg $0xFFFFFFFF  }
0xc9: {  	_ =	task.clear_ibuf [dreg:s9], $0x2FFFF;
	_ =	strace $0x9FFFFFFF  }
0xca: {  	(tm) =	ssettm $0x7FFFFFFF  }
0xcb: {  	_ =	shalt  }
tec
execute0_lowered:
.L_overlay_start_1:
0x0: {  	(tag) =	ssettag $0x1  }
0x1: {  	s3 =	rddreg [dreg:$0x0]  }
0x2: {  	s4 =	rddreg [dreg:$0x1]  }
0x3: {  	s6 =	rddreg [dreg:$0x2]  }
0x4: {  	s5 =	rddreg [dreg:$0x3]  }
0x5: {  	s0 =	rddreg [dreg:$0x4]  }
0x6: {  	s7 =	srdreg.scid;
	s1 =	stileid.u32  }
0x7: {  	s2 =	simm.s32 $0x0;
	s11 =	simm.s32 $0x2800;
	s12 =	simm.s32 $0x3000  }
0x8: {  	s13 =	simm.s32 $0x5000;
	s7 =	sand.u32 $0x1, s7;
	s8 =	sshll.u32 s1, $0x1  }
0x9: {  	s14 =	simm.s32 $0x0;
	[smem:$0x7FF] =	sst s2;
	s8 =	sor.u32 s7, s8  }
0xa: {  	s7 =	ssub.s32 $0x2, s7;
	_ =	strace $0x80000047;
	s9 =	sshll.u32 s8, $0xA  }
0xb: {  	s10 =	sshrl.u32 s7, $0x1;
	s31 =	sshll.u32 s8, $0x8;
	s3 =	sadd.s32 s9, s3  }
0xc: {  	s10 =	ssub.s32 s7, s10;
	s4 =	sadd.s32 s4, s31;
	s5 =	sadd.s32 s5, s9  }
0xd: {  	s6 =	sadd.s32 s6, s31;
	s9 =	simm.s32 $0x1;
	s3 =	sadd.s32 $0xC00, s3  }
0xe: {  	v0 =	vimm.s32 $0x0;
	v1 =	vimm.f32 $1.000000000e+00;
	v2 =	vimm.f32 $0.0e+00;
	s7 =	sadd.s32 $0x8000, s5;
	s8 =	smax.u32 s10, $0x1;
	s10 =	simm.s32 $0x2000  }
.LBB2_1:
0xf: {  	[tilespmem:s2], [sflag:$0x1] =	stream.linear.gather [hbm4b:s3+s2], $0x2000, $0x38;
	[tilespmem:$0x7000] =	vst v63  }
0x10: {  	_ =	swait.ge [sflag:s9], $0x2000  }
0x11: {  	[sflag:s9] =	ssyncset.done $0x0  }
0x12: {  	s15 =	simm.s32 $0x1000;
	[sflag:s9] =	ssyncadd.s32 $0xFFFFE000  }
0x13: {  	v3 =	vld [tilespmem:s15+$0xFFFFF400]  }
0x14: {  	v4 =	vld [tilespmem:s15+$0xFFFFF000];
	_ =	sdelay $0x1  }
0x15: {  	v5 =	vld [tilespmem:s15+$0xFFFFF800];
	_ =	sdelay $0x1  }
0x16: {  	v6 =	vld [tilespmem:s15+$0xFFFFFC00]  }
0x17: {  	vm0 =	vgt.f32 v3, v4  }
0x18: {  	v7 =	vld [tilespmem:s15+$0x0];
	v8 =	vsel vm0, v3, v4  }
0x19: {  	vm1 =	vgt.f32 v5, v8  }
0x1a: {  	v10 =	vld [tilespmem:s15+$0x400];
	v8 =	vsel vm1, v5, v8  }
0x1b: {  	vm2 =	vgt.f32 v6, v8  }
0x1c: {  	v11 =	vld [tilespmem:s15+$0x800];
	v8 =	vsel vm2, v6, v8  }
0x1d: {  	v12 =	vld [tilespmem:s15+$0xC00];
	vm3 =	vgt.f32 v7, v8  }
0x1e: {  	v13 =	vld [tilespmem:s15+$0xFFFFF410];
	v8 =	vsel vm3, v7, v8  }
0x1f: {  	v14 =	vld [tilespmem:s15+$0xFFFFF010];
	v9 =	vsel vm0, $0x1, v0;
	vm4 =	vgt.f32 v10, v8  }
0x20: {  	v9 =	vsel vm1, $0x2, v9;
	v8 =	vsel vm4, v10, v8  }
0x21: {  	v15 =	vld [tilespmem:s15+$0xFFFFF810];
	v9 =	vsel vm2, $0x3, v9;
	vm0 =	vgt.f32 v11, v8  }
0x22: {  	v9 =	vsel vm3, $0x4, v9;
	v16 =	vsel vm0, v11, v8  }
0x23: {  	v17 =	vld [tilespmem:s15+$0xFFFFFC10];
	v8 =	vsel vm4, $0x5, v9;
	vm1 =	vgt.f32 v12, v16  }
0x24: {  	vm2 =	vgt.f32 v13, v14;
	v8 =	vsel vm0, $0x6, v8;
	vm3 =	vmneg vm1  }
0x25: {  	v18 =	vld [tilespmem:s15+$0x10];
	v9 =	vsel vm2, v13, v14;
	v8 =	vnsel vm3, $0x7, v8  }
0x26: {  	vm4 =	vgt.f32 v4, $-3.000000010e+38;
	vm1 =	vgt.f32 v15, v9;
	vm5 =	vne.s32 v8, $0x0  }
0x27: {  	v19 =	vld [tilespmem:s15+$0x410];
	v9 =	vsel vm1, v15, v9;
	vm4 =	vmand vm4, vm5  }
0x28: {  	vm5 =	vgt.f32 v17, v9;
	v4 =	vnsel vm4, $0xFF61B1E6, v4  }
0x29: {  	v20 =	vld [tilespmem:s15+$0x810];
	v9 =	vsel vm5, v17, v9;
	vm4 =	vne.s32 v8, $0x1;
	vm7 =	vgt.f32 v3, v4  }
0x2a: {  	v21 =	vsel vm2, $0x1, v0;
	vm8 =	vgt.f32 v18, v9;
	vm2 =	vmand vm4, vm7  }
0x2b: {  	v22 =	vld [tilespmem:s15+$0xC10];
	v21 =	vsel vm1, $0x2, v21;
	v9 =	vsel vm8, v18, v9;
	v3 =	vsel vm2, v3, v4  }
0x2c: {  	vm1 =	vne.s32 v8, $0x2;
	vm7 =	vgt.f32 v19, v9;
	vm4 =	vgt.f32 v5, v3  }
0x2d: {  	vm6 =	vne.s32 v8, $0x3;
	v4 =	vsel vm7, v19, v9;
	vm4 =	vmand vm1, vm4  }
0x2e: {  	v9 =	vsel vm5, $0x3, v21;
	vm1 =	vgt.f32 v20, v4;
	v3 =	vsel vm4, v5, v3  }
0x2f: {  	v9 =	vsel vm8, $0x4, v9;
	v4 =	vsel vm1, v20, v4;
	vm5 =	vgt.f32 v6, v3  }
0x30: {  	v5 =	vsel vm7, $0x5, v9;
	vm8 =	vgt.f32 v22, v4;
	vm7 =	vmand vm6, vm5  }
0x31: {  	v5 =	vsel vm1, $0x6, v5;
	vm15 =	vmneg vm8;
	v3 =	vsel vm7, v6, v3  }
0x32: {  	vm6 =	vne.s32 v8, $0x4;
	v9 =	vnsel vm15, $0x7, v5;
	vm8 =	vgt.f32 v7, v3  }
0x33: {  	vm5 =	vgt.f32 v14, $-3.000000010e+38;
	vm9 =	vne.s32 v9, $0x0;
	vm8 =	vmand vm6, vm8  }
0x34: {  	vm0 =	vmand vm0, vm3;
	vm5 =	vmand vm5, vm9;
	v3 =	vsel vm8, v7, v3  }
0x35: {  	vm6 =	vne.s32 v8, $0x5;
	v5 =	vnsel vm5, $0xFF61B1E6, v14;
	vm5 =	vgt.f32 v10, v3  }
0x36: {  	vm11 =	vne.s32 v9, $0x1;
	vm10 =	vgt.f32 v13, v5;
	vm9 =	vmand vm6, vm5  }
0x37: {  	v6 =	vsel vm3, v16, v12;
	vm5 =	vmand vm11, vm10;
	v3 =	vsel vm9, v10, v3  }
0x38: {  	v4 =	vsel vm15, v4, v22;
	v5 =	vsel vm5, v13, v5;
	vm6 =	vgt.f32 v11, v3  }
0x39: {  	vm11 =	vne.s32 v9, $0x2;
	vm10 =	vgt.f32 v15, v5;
	vm12 =	vmneg vm6  }
0x3a: {  	v7 =	vsel vm2, $0x1, v0;
	vm6 =	vmand vm11, vm10;
	vm10 =	vmor vm0, vm12  }
0x3b: {  	v7 =	vsel vm4, $0x2, v7;
	v5 =	vsel vm6, v15, v5;
	v3 =	vsel vm10, v3, v11  }
0x3c: {  	vm12 =	vne.s32 v9, $0x3;
	vm11 =	vgt.f32 v17, v5;
	vm13 =	vgt.f32 v12, v3  }
0x3d: {  	v7 =	vsel vm7, $0x3, v7;
	vm2 =	vmand vm12, vm11;
	vm12 =	vmand vm3, vm13  }
0x3e: {  	vm7 =	vne.s32 v9, $0x5;
	v5 =	vsel vm2, v17, v5;
	v3 =	vsel vm12, v12, v3  }
0x3f: {  	vm11 =	vne.s32 v9, $0x4;
	vm4 =	vgt.f32 v18, v5;
	v3 =	vsub.f32 v3, v6  }
0x40: {  	vm4 =	vmand vm11, vm4;
	vm11 =	vmand vm1, vm15;
	v6 =	vimm.s32 $0x0  }
0x41: {  	vm13 =	veq.s32 v8, $0x2;
	v6 =	vsel vm11, $0xFFFFFFFF, v6;
	v5 =	vsel vm4, v18, v5  }
0x42: {  	[tilespmem:$0x1FF80] =	vst v6;
	v6 =	vsel vm8, $0x4, v7;
	v3 =	vmul.f32 $1.442695020e+00, v3;
	vm1 =	vgt.f32 v19, v5  }
0x43: {  	v18 =	vsel vm0, $0x3F800000, v2;
	v6 =	vsel vm9, $0x5, v6;
	vm9 =	vmand vm7, vm1  }
0x44: {  	s29 =	simm.s32 $0x1020;
	vm1 =	vmor vm12, vm10;
	(erf) = vpow2.f32 v3;
	v5 =	vsel vm9, v19, v5  }
0x45: {  	vm0 =	veq.s32 v8, $0x0;
	v7 =	vld [tilespmem:s29+$0xFFFFF400];
	v14 =	vsel vm1, $0x0, v1;
	vm1 =	vgt.f32 v20, v5  }
0x46: {  	v23 =	vsel vm0, $0x3F800000, v2;
	v3 =	vnsel vm10, $0x6, v6;
	v19 =	vld [tilespmem:s29+$0xFFFFF000];
	vm1 =	vmneg vm1  }
0x47: {  	v6 =	vsel vm5, $0x1, v0;
	v15 =	vsel vm12, $0x7, v3;
	vm7 =	vmor vm11, vm1  }
0x48: {  	v26 =	vld [tilespmem:s29+$0xFFFFF800];
	v3 =	vsel vm12, $0x3F800000, v2;
	v6 =	vsel vm6, $0x2, v6;
	v5 =	vsel vm7, v5, v20  }
0x49: {  	vm8 =	veq.s32 v15, $0x0;
	v6 =	vsel vm2, $0x3, v6;
	vm2 =	vgt.f32 v22, v5  }
0x4a: {  	v28 =	vld [tilespmem:s29+$0xFFFFFC00];
	vm5 =	veq.s32 v15, $0x2;
	vm6 =	veq.s32 v15, $0x4;
	vm14 =	vmand vm15, vm2  }
0x4b: {  	v6 =	vsel vm4, $0x4, v6;
	vm2 =	vgt.f32 v7, v19;
	v5 =	vsel vm14, v22, v5  }
0x4c: {  	v29 =	vld [tilespmem:s29+$0x0];
	v6 =	vsel vm9, $0x5, v6;
	v4 =	vsub.f32 v5, v4;
	v5 =	vsel vm2, v7, v19  }
0x4d: {  	v11 =	vsel vm5, $0x3F800000, v2;
	v6 =	vnsel vm7, $0x6, v6;
	v10 =	vpop (erf);
	vm5 =	vgt.f32 v26, v5  }
0x4e: {  	v30 =	vld [tilespmem:s29+$0x400];
	v16 =	vsel vm14, $0x7, v6;
	v6 =	vadd.f32 $1.000000000e+00, v10;
	v12 =	vsel vm5, v26, v5  }
0x4f: {  	vm1 =	veq.s32 v15, $0x1;
	vm4 =	veq.s32 v15, $0x3;
	vm10 =	vgt.f32 v28, v12  }
0x50: {  	v31 =	vld [tilespmem:s29+$0x800];
	v4 =	vmul.f32 $1.442695020e+00, v4;
	(erf) = vrcp.f32 v6;
	v6 =	vsel vm10, v28, v12  }
0x51: {  	v13 =	vsel vm8, $0x3F800000, v2;
	v12 =	vsel vm4, $0x3F800000, v2;
	vm4 =	vgt.f32 v29, v6  }
0x52: {  	v21 =	vld [tilespmem:s29+$0xC00];
	v17 =	vsel vm6, $0x3F800000, v2;
	(erf) = vpow2.f32 v4;
	v4 =	vsel vm4, v29, v6  }
0x53: {  	v32 =	vld [tilespmem:s29+$0xFFFFF410];
	v25 =	vsel vm1, $0x3F800000, v2;
	v6 =	vsel vm2, $0x1, v0;
	vm1 =	vgt.f32 v30, v4  }
0x54: {  	v33 =	vld [tilespmem:s29+$0xFFFFF010];
	vm8 =	veq.s32 v8, $0x1;
	v6 =	vsel vm5, $0x2, v6;
	v4 =	vsel vm1, v30, v4  }
0x55: {  	v50 =	vsel vm8, $0x3F800000, v2;
	v6 =	vsel vm10, $0x3, v6;
	vm6 =	vgt.f32 v31, v4  }
0x56: {  	v34 =	vld [tilespmem:s29+$0xFFFFF810];
	vm8 =	veq.s32 v8, $0x5;
	v6 =	vsel vm4, $0x4, v6;
	v24 =	vsel vm6, v31, v4  }
0x57: {  	v51 =	vsel vm8, $0x3F800000, v2;
	v4 =	vsel vm1, $0x5, v6;
	vm1 =	vgt.f32 v21, v24  }
0x58: {  	v35 =	vld [tilespmem:s29+$0xFFFFFC10];
	vm2 =	veq.s32 v8, $0x3;
	v4 =	vsel vm6, $0x6, v4;
	vm0 =	vmneg vm1  }
0x59: {  	v36 =	vsel vm2, $0x3F800000, v2;
	vm1 =	vgt.f32 v32, v33;
	v6 =	vnsel vm0, $0x7, v4  }
0x5a: {  	v37 =	vld [tilespmem:s29+$0x10];
	vm2 =	vgt.f32 v19, $-3.000000010e+38;
	v4 =	vsel vm1, v32, v33;
	vm4 =	vne.s32 v6, $0x0  }
0x5b: {  	vm9 =	veq.s32 v16, $0x0;
	vm2 =	vmand vm2, vm4;
	vm4 =	vgt.f32 v34, v4  }
0x5c: {  	v22 =	vld [tilespmem:s29+$0x410];
	v5 =	vsel vm9, $0x3F800000, v2;
	vm5 =	veq.s32 v8, $0x4;
	v4 =	vsel vm4, v34, v4  }
0x5d: {  	v27 =	vsel vm5, $0x3F800000, v2;
	v19 =	vnsel vm2, $0xFF61B1E6, v19;
	vm5 =	vgt.f32 v35, v4  }
0x5e: {  	v20 =	vld [tilespmem:s29+$0x810];
	vm2 =	vne.s32 v6, $0x1;
	vm9 =	vgt.f32 v7, v19;
	v4 =	vsel vm5, v35, v4  }
0x5f: {  	v38 =	vsel vm1, $0x1, v0;
	vm9 =	vmand vm2, vm9;
	vm1 =	vgt.f32 v37, v4  }
0x60: {  	vm10 =	vne.s32 v6, $0x3;
	v7 =	vsel vm9, v7, v19;
	v19 =	vld [tilespmem:s29+$0xC10];
	v4 =	vsel vm1, v37, v4  }
0x61: {  	vm2 =	vne.s32 v6, $0x2;
	vm11 =	vgt.f32 v26, v7;
	vm12 =	vgt.f32 v22, v4  }
0x62: {  	v38 =	vsel vm4, $0x2, v38;
	vm4 =	vmand vm2, vm11;
	v4 =	vsel vm12, v22, v4  }
0x63: {  	v38 =	vsel vm5, $0x3, v38;
	v7 =	vsel vm4, v26, v7;
	vm11 =	vgt.f32 v20, v4  }
0x64: {  	v46 =	vsel vm1, $0x4, v38;
	vm1 =	vgt.f32 v28, v7;
	v47 =	vsel vm11, v20, v4  }
0x65: {  	v38 =	vsel vm12, $0x5, v46;
	vm2 =	vmand vm10, vm1;
	vm1 =	vgt.f32 v19, v47  }
0x66: {  	v4 =	vsel vm11, $0x6, v38;
	v7 =	vsel vm2, v28, v7;
	vm1 =	vmneg vm1  }
0x67: {  	vm5 =	vne.s32 v6, $0x4;
	vm10 =	vgt.f32 v29, v7;
	v4 =	vnsel vm1, $0x7, v4  }
0x68: {  	vm10 =	vmand vm5, vm10;
	vm5 =	vgt.f32 v33, $-3.000000010e+38;
	vm12 =	vne.s32 v4, $0x0  }
0x69: {  	vm6 =	vmand vm6, vm0;
	v7 =	vsel vm10, v29, v7;
	vm5 =	vmand vm5, vm12  }
0x6a: {  	vm12 =	vne.s32 v6, $0x5;
	v33 =	vnsel vm5, $0xFF61B1E6, v33;
	vm5 =	vgt.f32 v30, v7  }
0x6b: {  	v39 =	vpop (erf);
	vm5 =	vmand vm12, vm5;
	vm8 =	vgt.f32 v32, v33;
	vm12 =	vne.s32 v4, $0x1  }
0x6c: {  	s30 =	simm.s32 $0x0;
	v54 =	vmul.f32 v39, v10;
	v52 =	vsel vm9, $0x1, v0;
	vm8 =	vmand vm12, vm8  }
0x6d: {  	s18 =	simm.s32 $0x0;
	s16 =	sand.u32 $0x60, s30;
	v7 =	vsel vm5, v30, v7;
	v30 =	vsel vm4, $0x2, v52;
	v32 =	vsel vm8, v32, v33  }
0x6e: {  	s19 =	sor.u32 s16, s18;
	vm12 =	vne.s32 v4, $0x2;
	vm4 =	vgt.f32 v31, v7;
	vm9 =	vgt.f32 v34, v32  }
0x6f: {  	[tilespmem:s19+$0x2800] =	vst v8;
	v8 =	vsel vm2, $0x3, v30;
	vm4 =	vmneg vm4;
	vm9 =	vmand vm12, vm9  }
0x70: {  	vm12 =	vmor vm6, vm4;
	vm4 =	veq.s32 v9, $0x0;
	v32 =	vsel vm9, v34, v32  }
0x71: {  	v10 =	vsel vm4, $0x3F800000, v2;
	vm4 =	vne.s32 v4, $0x3;
	vm2 =	vgt.f32 v35, v32  }
0x72: {  	v53 =	vsel vm13, $0x3F800000, v2;
	vm13 =	vmand vm4, vm2;
	vm2 =	veq.s32 v9, $0x3  }
0x73: {  	v57 =	vimm.s32 $0x0;
	[tilespmem:s19+$0x2000] =	vst v39;
	v56 =	vsel vm2, $0x3F800000, v2;
	vm2 =	veq.s32 v16, $0x4  }
0x74: {  	[tilespmem:s19+$0x2080] =	vst v54;
	v32 =	vsel vm13, v35, v32;
	v35 =	vsel vm2, $0xFFFFFFFF, v57  }
0x75: {  	s17 =	simm.s32 $0x0;
	[tilespmem:$0x1FFA0] =	vst v35  }
0x76: {  	s16 =	sor.u32 s16, s17;
	[tilespmem:s19+$0x2880] =	vst v15  }
0x77: {  	[tilespmem:s16+$0x3100] =	vst v53  }
0x78: {  	[tilespmem:s16+$0x5000] =	vst v13  }
0x79: {  	[tilespmem:s16+$0x5080] =	vst v25  }
0x7a: {  	[tilespmem:s16+$0x5100] =	vst v11  }
0x7b: {  	[tilespmem:s16+$0x3180] =	vst v36  }
0x7c: {  	[tilespmem:s16+$0x5180] =	vst v12  }
0x7d: {  	[tilespmem:s16+$0x3280] =	vst v51  }
0x7e: {  	v48 =	vpop (erf);
	[tilespmem:s16+$0x3080] =	vst v50  }
0x7f: {  	v49 =	vadd.f32 $1.000000000e+00, v48;
	v29 =	vld [tilespmem:$0x1FF80]  }
0x80: {  	v31 =	vsel vm12, v7, v31;
	v7 =	vsel vm3, $0x0, v1;
	vm3 =	veq.s32 v9, $0x2  }
0x81: {  	(erf) = vrcp.f32 v49;
	v55 =	vsel vm3, $0x3F800000, v2;
	vm3 =	veq.s32 v9, $0x4  }
0x82: {  	v61 =	vsel vm8, $0x1, v0;
	v58 =	vsel vm3, $0x3F800000, v2;
	vm3 =	vgt.f32 v21, v31  }
0x83: {  	vm8 =	veq.s32 v16, $0x1;
	v62 =	vsel vm9, $0x2, v61;
	vm3 =	vmand vm0, vm3  }
0x84: {  	v59 =	vsel vm3, v21, v31;
	v21 =	vsel vm0, v24, v21;
	vm9 =	vnez.u8 v29  }
0x85: {  	vm8 =	vmmov vm8;
	v21 =	vsub.f32 v59, v21;
	vm9 =	vmmov vm9  }
0x86: {  	[tilespmem:s16+$0x3200] =	vst v27;
	v63 =	vsel vm9, $0x3F800000, v2;
	vm9 =	veq.s32 v15, $0x5;
	v15 =	vimm.s32 $0x0  }
0x87: {  	vm7 =	vmor vm14, vm7;
	v8 =	vsel vm10, $0x4, v8;
	[tilespmem:s16+$0x3000] =	vst v23;
	v15 =	vsel vm8, $0xFFFFFFFF, v15  }
0x88: {  	vm8 =	veq.s32 v9, $0x1;
	[tilespmem:$0x1FFC0] =	vst v15;
	v15 =	vmul.f32 $1.442695020e+00, v21;
	v21 =	vimm.s32 $0x0  }
0x89: {  	v8 =	vsel vm5, $0x5, v8;
	vm2 =	vne.s32 v4, $0x4;
	[tilespmem:s16+$0x5200] =	vst v17;
	v21 =	vsel vm8, $0xFFFFFFFF, v21  }
0x8a: {  	vm4 =	vgt.f32 v37, v32;
	[tilespmem:$0x1FFE0] =	vst v21;
	v21 =	vsel vm7, $0x0, v1;
	vm7 =	veq.s32 v9, $0x5  }
0x8b: {  	[tilespmem:s16+$0x3300] =	vst v18;
	vm8 =	vmmov vm7;
	vm7 =	vmmov vm15;
	v18 =	vimm.s32 $0x0  }
0x8c: {  	s31 =	simm.s32 $0x10;
	vm5 =	vmor vm3, vm12;
	vm2 =	vmand vm2, vm4;
	v18 =	vsel vm7, $0xFFFFFFFF, v18  }
0x8d: {  	s20 =	sand.u32 $0x70, s31;
	vm4 =	vne.s32 v4, $0x5;
	v60 =	vsel vm2, v37, v32;
	v13 =	vnsel vm12, $0x6, v8;
	[tilespmem:$0x1FF90] =	vst v18  }
0x8e: {  	s18 =	sor.u32 s18, s20;
	v11 =	vsel vm3, $0x3F800000, v2;
	v13 =	vsel vm3, $0x7, v13;
	vm3 =	vgt.f32 v22, v60;
	[tilespmem:s16+$0x5300] =	vst v14  }
0x8f: {  	vm3 =	vmand vm4, vm3;
	v17 =	vsel vm13, $0x3, v62;
	(erf) = vpow2.f32 v15;
	v14 =	vpop (erf);
	[tilespmem:s18+$0x2800] =	vst v9  }
0x90: {  	v15 =	vsel vm3, v22, v60;
	v9 =	vsel vm2, $0x4, v17;
	[tilespmem:s18+$0x2880] =	vst v16;
	v17 =	vmul.f32 v14, v48  }
0x91: {  	vm2 =	vgt.f32 v20, v15;
	[tilespmem:s18+$0x2000] =	vst v14  }
0x92: {  	s26 =	sor.u32 s17, s20;
	vm15 =	vmand vm11, vm1;
	vm2 =	vmneg vm2;
	[tilespmem:s18+$0x2080] =	vst v17  }
0x93: {  	vm2 =	vmor vm15, vm2;
	[tilespmem:s26+$0x5300] =	vst v21  }
0x94: {  	v14 =	vsel vm2, v15, v20;
	[tilespmem:s26+$0x3300] =	vst v63  }
0x95: {  	vm12 =	veq.s32 v16, $0x5;
	v9 =	vsel vm3, $0x5, v9;
	vm3 =	vgt.f32 v19, v14;
	v17 =	vld [tilespmem:$0x1FFA0]  }
0x96: {  	vm10 =	vmmov vm14;
	v15 =	vsel vm12, $0x3F800000, v2;
	vm14 =	vmand vm1, vm3  }
0x97: {  	v9 =	vnsel vm2, $0x6, v9;
	[tilespmem:s26+$0x5280] =	vst v15;
	v15 =	vimm.s32 $0x0;
	vm2 =	vmor vm14, vm2  }
0x98: {  	vm4 =	veq.s32 v13, $0x2;
	v15 =	vsel vm2, $0xFFFFFFFF, v15  }
0x99: {  	v12 =	vsel vm4, $0x3F800000, v2;
	vm4 =	veq.s32 v16, $0x3;
	[tilespmem:$0x1FFB0] =	vst v15  }
0x9a: {  	v18 =	vsel vm4, $0x3F800000, v2;
	[tilespmem:s26+$0x3200] =	vst v58;
	vm4 =	vnez.u8 v17  }
0x9b: {  	[tilespmem:s26+$0x5180] =	vst v18;
	v17 =	vsel vm4, $0x3F800000, v2  }
0x9c: {  	[tilespmem:s26+$0x5200] =	vst v17  }
0x9d: {  	v18 =	vld [tilespmem:$0x1FFC0];
	_ =	sdelay $0x2  }
0x9e: {  	v8 =	vsel vm5, $0x0, v1;
	vm5 =	veq.s32 v16, $0x2;
	v9 =	vsel vm14, $0x7, v9  }
0x9f: {  	v16 =	vsel vm1, v47, v19;
	v14 =	vsel vm14, v19, v14;
	vm2 =	veq.s32 v9, $0x0  }
0xa0: {  	v15 =	vsub.f32 v14, v16;
	v14 =	vsel vm2, $0x3F800000, v2;
	vm2 =	vnez.u8 v18  }
0xa1: {  	v19 =	vimm.s32 $0x0;
	v18 =	vsel vm2, $0x3F800000, v2;
	vm2 =	veq.s32 v9, $0x5  }
0xa2: {  	v19 =	vsel vm2, $0xFFFFFFFF, v19  }
0xa3: {  	vm5 =	vmmov vm5;
	[tilespmem:$0x1FFD0] =	vst v19  }
0xa4: {  	v16 =	vsel vm5, $0x3F800000, v2;
	[tilespmem:s26+$0x3180] =	vst v56  }
0xa5: {  	[tilespmem:s26+$0x5100] =	vst v16  }
0xa6: {  	v16 =	vld [tilespmem:$0x1FFE0];
	_ =	sdelay $0x1  }
0xa7: {  	v20 =	vpop (erf)  }
0xa8: {  	v17 =	vadd.f32 $1.000000000e+00, v20;
	_ =	sdelay $0x1  }
0xa9: {  	vm9 =	vmmov vm9;
	(erf) = vrcp.f32 v17;
	vm3 =	vnez.u8 v16  }
0xaa: {  	v17 =	vimm.s32 $0x0;
	v16 =	vsel vm3, $0x3F800000, v2;
	vm3 =	veq.s32 v9, $0x3  }
0xab: {  	vm13 =	veq.s32 v13, $0x1;
	vm11 =	veq.s32 v13, $0x0;
	v17 =	vsel vm3, $0xFFFFFFFF, v17  }
0xac: {  	s21 =	simm.s32 $0x2;
	s20 =	sor.u32 s31, s17;
	vm12 =	veq.s32 v13, $0x5;
	vm4 =	veq.s32 v13, $0x3;
	v19 =	vmul.f32 $1.442695020e+00, v15;
	[tilespmem:$0x1FFF0] =	vst v17  }
0xad: {  	s15 =	simm.s32 $0x0;
	s19 =	sor.u32 s30, s17;
	s17 =	simm.s32 $0x30;
	vm7 =	veq.s32 v9, $0x4;
	vm2 =	veq.s32 v9, $0x2;
	v15 =	vsel vm4, $0x3F800000, v2;
	[tilespmem:s26+$0x3100] =	vst v55  }
0xae: {  	s22 =	simm.s32 $0x1040;
	s25 =	sor.u32 s17, s15;
	s18 =	simm.s32 $0x0;
	vm4 =	veq.s32 v13, $0x4;
	(erf) = vpow2.f32 v19;
	vm3 =	veq.s32 v9, $0x1;
	[tilespmem:s26+$0x5080] =	vst v18  }
.LBB2_2:
0xaf: {  	v18 =	vsel vm4, $0x3F800000, v2;
	[tilespmem:s26+$0x3080] =	vst v16;
	vm4 =	vmmov vm15;
	v16 =	vimm.s32 $0x0  }
0xb0: {  	v16 =	vsel vm4, $0xFFFFFFFF, v16  }
0xb1: {  	vm4 =	vmmov vm2;
	[tilespmem:$0x1FF30] =	vst v16;
	v16 =	vimm.s32 $0x0  }
0xb2: {  	v17 =	vimm.s32 $0x0;
	v16 =	vsel vm4, $0xFFFFFFFF, v16  }
0xb3: {  	v19 =	vimm.s32 $0x0;
	vm2 =	vmmov vm3;
	[tilespmem:$0x1FF50] =	vst v16;
	v16 =	vimm.s32 $0x0  }
0xb4: {  	s23 =	sadd.s32 $0xFFFFFFF0, s17;
	[tilespmem:s26+$0x3000] =	vst v10;
	v17 =	vsel vm7, $0xFFFFFFFF, v17;
	v16 =	vsel vm2, $0xFFFFFFFF, v16;
	vm2 =	veq.s32 v4, $0x1  }
0xb5: {  	v24 =	vld [tilespmem:s22+$0xFFFFF000];
	s28 =	sand.u32 $0x60, s23;
	[tilespmem:$0x1FF40] =	vst v17;
	v19 =	vsel vm2, $0xFFFFFFFF, v19  }
0xb6: {  	v17 =	vld [tilespmem:s22+$0xFFFFF400];
	s31 =	sor.u32 s28, s18;
	[tilespmem:$0x1FF70] =	vst v19  }
0xb7: {  	v26 =	vsel vm11, $0x3F800000, v2;
	vm11 =	veq.s32 v4, $0x3;
	v19 =	vld [tilespmem:s22+$0xFFFFF800];
	[tilespmem:s31+$0x2880] =	vst v13;
	v13 =	vsel vm8, $0x3F800000, v2  }
0xb8: {  	v25 =	vsel vm6, $0x3F800000, v2;
	vm5 =	veq.s32 v6, $0x0;
	v10 =	vsel vm10, $0x3F800000, v2;
	[tilespmem:s26+$0x3280] =	vst v13;
	v13 =	vld [tilespmem:$0x1FF90]  }
0xb9: {  	[tilespmem:s26+$0x5000] =	vst v5;
	vm6 =	veq.s32 v6, $0x2;
	vm10 =	veq.s32 v6, $0x3;
	v21 =	vsel vm9, $0x3F800000, v2  }
0xba: {  	vm9 =	vmmov vm12;
	vm3 =	veq.s32 v4, $0x0;
	v27 =	vsel vm5, $0x3F800000, v2;
	[tilespmem:$0x1FF60] =	vst v16  }
0xbb: {  	v5 =	vmovc v14;
	v28 =	vsel vm10, $0x3F800000, v2;
	vm7 =	veq.s32 v6, $0x4;
	v50 =	vsel vm6, $0x3F800000, v2;
	[tilespmem:s31+$0x2800] =	vst v6;
	s26 =	sor.u32 $0x380, s20  }
0xbc: {  	vm10 =	vmmov vm14;
	v30 =	vsel vm7, $0x3F800000, v2;
	vm4 =	veq.s32 v4, $0x5;
	v23 =	vpop (erf);
	v22 =	vld [tilespmem:s22+$0xFFFFFC00];
	[tilespmem:s26+$0x5000] =	vst v10  }
0xbd: {  	v16 =	vsel vm13, $0x3F800000, v2;
	vm2 =	veq.s32 v4, $0x2;
	v14 =	vpop (erf);
	vm5 =	vnez.u8 v13;
	v13 =	vld [tilespmem:s22+$0x0];
	[tilespmem:s31+$0x2000] =	vst v23  }
0xbe: {  	v32 =	vadd.f32 $1.000000000e+00, v14;
	v31 =	vsel vm5, $0x0, v1;
	vm5 =	vgt.f32 v17, v24;
	[tilespmem:s16+$0x5280] =	vst v21  }
0xbf: {  	vm13 =	veq.s32 v6, $0x1;
	v20 =	vmul.f32 v23, v20;
	[tilespmem:s26+$0x3000] =	vst v31;
	v29 =	vsel vm5, v17, v24;
	v23 =	vld [tilespmem:s22+$0x400]  }
0xc0: {  	(erf) = vrcp.f32 v32;
	v49 =	vsel vm5, $0x1, v0;
	vm5 =	vgt.f32 v19, v29;
	v51 =	vld [tilespmem:s22+$0xFFFFF410]  }
0xc1: {  	v33 =	vsel vm13, $0x3F800000, v2;
	vm8 =	vmmov vm4;
	[tilespmem:s31+$0x2080] =	vst v20;
	s31 =	sor.u32 $0x380, s19;
	v52 =	vld [tilespmem:s22+$0xFFFFF010];
	v29 =	vsel vm5, v19, v29  }
0xc2: {  	v21 =	vld [tilespmem:s22+$0x800];
	[tilespmem:s31+$0x5000] =	vst v3;
	v31 =	vsel vm5, $0x2, v49;
	vm5 =	veq.s32 v6, $0x5;
	vm7 =	vgt.f32 v22, v29  }
0xc3: {  	vm4 =	vmmov vm1;
	s16 =	sor.u32 s28, s15;
	v3 =	vmovc v11;
	v11 =	vld [tilespmem:s22+$0xC00];
	[tilespmem:s31+$0x3000] =	vst v7;
	v20 =	vsel vm5, $0x3F800000, v2;
	v6 =	vsel vm7, v22, v29  }
0xc4: {  	[tilespmem:s16+$0x5180] =	vst v15;
	v15 =	vsel vm2, $0x3F800000, v2;
	v10 =	vsel vm7, $0x3, v31;
	vm5 =	vgt.f32 v13, v6  }
0xc5: {  	[tilespmem:s16+$0x5080] =	vst v16;
	v16 =	vsel vm11, $0x3F800000, v2;
	v6 =	vsel vm5, v13, v6;
	v7 =	vsel vm5, $0x4, v10  }
0xc6: {  	v53 =	vld [tilespmem:s22+$0xFFFFF810];
	v10 =	vimm.s32 $0x0;
	vm5 =	vgt.f32 v51, v52;
	vm1 =	vgt.f32 v23, v6  }
0xc7: {  	[tilespmem:s16+$0x5100] =	vst v12;
	vm2 =	vgt.f32 v52, $-3.000000010e+38;
	v10 =	vsel vm4, $0xFFFFFFFF, v10;
	v6 =	vsel vm1, v23, v6  }
0xc8: {  	vm4 =	veq.s32 v4, $0x4;
	[tilespmem:$0x1FF90] =	vst v10;
	v10 =	vsel vm1, $0x5, v7;
	vm1 =	vgt.f32 v21, v6  }
0xc9: {  	v54 =	vld [tilespmem:s22+$0xFFFFFC10];
	[tilespmem:s16+$0x3280] =	vst v20;
	v20 =	vpop (erf);
	v56 =	vsel vm5, v51, v52;
	v58 =	vsel vm5, $0x1, v0;
	v12 =	vsel vm1, v21, v6  }
0xca: {  	v14 =	vmul.f32 v20, v14;
	v7 =	vsel vm0, $0x0, v1;
	vm0 =	vgt.f32 v11, v12  }
0xcb: {  	v55 =	vld [tilespmem:s22+$0x10];
	[tilespmem:s16+$0x3080] =	vst v33;
	vm11 =	vgt.f32 v53, v56;
	v6 =	vsel vm1, $0x6, v10;
	vm0 =	vmneg vm0  }
0xcc: {  	[tilespmem:s16+$0x5200] =	vst v18;
	v18 =	vsel vm4, $0x3F800000, v2;
	v33 =	vsel vm11, v53, v56;
	v6 =	vnsel vm0, $0x7, v6  }
0xcd: {  	v10 =	vsel vm3, $0x3F800000, v2;
	vm3 =	vgt.f32 v24, $-3.000000010e+38;
	vm6 =	vne.s32 v6, $0x0  }
0xce: {  	v57 =	vld [tilespmem:s22+$0x410];
	v60 =	vsel vm11, $0x2, v58;
	vm5 =	vgt.f32 v54, v33;
	vm6 =	vmand vm3, vm6  }
0xcf: {  	[tilespmem:s16+$0x3300] =	vst v25;
	v61 =	vsel vm5, v54, v33;
	v25 =	vsel vm5, $0x3, v60;
	v34 =	vnsel vm6, $0xFF61B1E6, v24  }
0xd0: {  	v59 =	vld [tilespmem:s22+$0x810];
	vm11 =	vgt.f32 v55, v61;
	vm12 =	vne.s32 v6, $0x1;
	vm4 =	vgt.f32 v17, v34  }
0xd1: {  	[tilespmem:s16+$0x3200] =	vst v30;
	v12 =	vsel vm0, v12, v11;
	v30 =	vsel vm11, v55, v61;
	vm4 =	vmand vm12, vm4  }
0xd2: {  	[tilespmem:s16+$0x5300] =	vst v8;
	v25 =	vsel vm11, $0x4, v25;
	vm13 =	vne.s32 v6, $0x5;
	v8 =	vsel vm4, v17, v34;
	v17 =	vld [tilespmem:s22+$0xC10]  }
0xd3: {  	vm6 =	vne.s32 v6, $0x2;
	vm12 =	vgt.f32 v57, v30;
	vm5 =	vgt.f32 v19, v8  }
0xd4: {  	vm3 =	vne.s32 v6, $0x3;
	v30 =	vsel vm12, v57, v30;
	vm11 =	vmand vm6, vm5  }
0xd5: {  	v62 =	vsel vm4, $0x1, v0;
	vm4 =	vgt.f32 v59, v30;
	v8 =	vsel vm11, v19, v8  }
0xd6: {  	v25 =	vsel vm12, $0x5, v25;
	v19 =	vsel vm4, v59, v30;
	vm5 =	vgt.f32 v22, v8  }
0xd7: {  	vm6 =	vmand vm1, vm0;
	vm3 =	vmand vm3, vm5;
	vm1 =	vgt.f32 v17, v19  }
0xd8: {  	v25 =	vsel vm4, $0x6, v25;
	v8 =	vsel vm3, v22, v8;
	vm1 =	vmneg vm1  }
0xd9: {  	vm5 =	vne.s32 v6, $0x4;
	vm12 =	vgt.f32 v13, v8;
	v22 =	vnsel vm1, $0x7, v25  }
0xda: {  	v63 =	vsel vm11, $0x2, v62;
	vm5 =	vmand vm5, vm12;
	vm12 =	vne.s32 v22, $0x0  }
0xdb: {  	vm15 =	vmand vm4, vm1;
	v8 =	vsel vm5, v13, v8;
	vm2 =	vmand vm2, vm12  }
0xdc: {  	vm4 =	vne.s32 v22, $0x4;
	vm12 =	vgt.f32 v23, v8;
	v13 =	vnsel vm2, $0xFF61B1E6, v52  }
0xdd: {  	vm12 =	vmand vm13, vm12;
	vm2 =	vgt.f32 v51, v13;
	vm13 =	vne.s32 v22, $0x1  }
0xde: {  	v8 =	vsel vm12, v23, v8;
	vm2 =	vmand vm13, vm2;
	v23 =	vsel vm3, $0x3, v63  }
0xdf: {  	s21 =	sadd.s32 $0x2, s21;
	vm13 =	vne.s32 v22, $0x2;
	vm3 =	vgt.f32 v21, v8;
	v13 =	vsel vm2, v51, v13  }
0xe0: {  	s30 =	sshrl.u32 s21, $0x3;
	s29 =	sor.u32 s23, s15;
	v23 =	vsel vm5, $0x4, v23;
	vm3 =	vmneg vm3;
	vm11 =	vgt.f32 v53, v13  }
0xe1: {  	s24 =	sshll.u32 s30, $0x8;
	s23 =	sshll.u32 s30, $0xA;
	s30 =	sand.u32 $0x70, s17;
	v23 =	vsel vm12, $0x5, v23;
	vm5 =	vmor vm6, vm3;
	vm3 =	vmand vm13, vm11  }
0xe2: {  	s31 =	sor.u32 s18, s30;
	vm13 =	vne.s32 v22, $0x3;
	v8 =	vsel vm5, v8, v21;
	v13 =	vsel vm3, v53, v13  }
0xe3: {  	[tilespmem:s31+$0x2000] =	vst v20;
	v20 =	vld [tilespmem:$0x1FF30];
	v21 =	vnsel vm5, $0x6, v23;
	vm11 =	vgt.f32 v11, v8;
	vm12 =	vgt.f32 v54, v13  }
0xe4: {  	[tilespmem:s31+$0x2080] =	vst v14;
	v14 =	vld [tilespmem:$0x1FFB0];
	vm11 =	vmand vm0, vm11;
	vm14 =	vmand vm13, vm12;
	vm12 =	vne.s32 v22, $0x5  }
0xe5: {  	v8 =	vsel vm11, v11, v8;
	vm5 =	vmor vm11, vm5;
	v23 =	vsel vm14, v54, v13  }
0xe6: {  	v12 =	vsub.f32 v8, v12;
	v8 =	vsel vm5, $0x0, v1;
	vm5 =	vgt.f32 v55, v23  }
0xe7: {  	[tilespmem:s31+$0x2800] =	vst v4;
	v4 =	vmovc v22;
	v22 =	vsel vm2, $0x1, v0;
	v13 =	vsel vm11, $0x7, v21;
	vm4 =	vmand vm4, vm5  }
0xe8: {  	[tilespmem:s31+$0x2880] =	vst v9;
	v9 =	vsel vm3, $0x2, v22;
	vm3 =	vnez.u8 v20;
	v21 =	vsel vm4, v55, v23  }
0xe9: {  	v22 =	vld [tilespmem:$0x1FFF0];
	v20 =	vsel vm3, $0x3F800000, v2;
	vm3 =	vnez.u8 v14;
	vm5 =	vgt.f32 v57, v21  }
0xea: {  	s26 =	sor.u32 s15, s30;
	v14 =	vsel vm3, $0x0, v1;
	vm5 =	vmand vm12, vm5  }
0xeb: {  	[tilespmem:s26+$0x5300] =	vst v14;
	v14 =	vld [tilespmem:$0x1FFD0];
	v21 =	vsel vm5, v57, v21  }
0xec: {  	[tilespmem:s26+$0x3200] =	vst v18;
	v18 =	vimm.s32 $0x0;
	vm2 =	vgt.f32 v59, v21  }
0xed: {  	v19 =	vsel vm1, v19, v17;
	v9 =	vsel vm14, $0x3, v9;
	[tilespmem:s26+$0x3300] =	vst v20;
	v20 =	vld [tilespmem:$0x1FF40];
	vm2 =	vmneg vm2  }
0xee: {  	v12 =	vmul.f32 $1.442695020e+00, v12;
	vm3 =	vnez.u8 v22;
	vm2 =	vmor vm15, vm2  }
0xef: {  	v9 =	vsel vm4, $0x4, v9;
	v22 =	vsel vm3, $0x3F800000, v2;
	v21 =	vsel vm2, v21, v59  }
0xf0: {  	v9 =	vsel vm5, $0x5, v9;
	vm4 =	vnez.u8 v14;
	vm3 =	vgt.f32 v17, v21  }
0xf1: {  	v14 =	vsel vm4, $0x3F800000, v2;
	v9 =	vnsel vm2, $0x6, v9;
	vm14 =	vmand vm1, vm3  }
0xf2: {  	[tilespmem:s26+$0x5280] =	vst v14;
	vm3 =	vnez.u8 v20;
	v14 =	vsel vm14, v17, v21;
	v9 =	vsel vm14, $0x7, v9  }
0xf3: {  	v23 =	vsel vm3, $0x3F800000, v2;
	v14 =	vsub.f32 v14, v19;
	vm3 =	veq.s32 v9, $0x3  }
0xf4: {  	v18 =	vsel vm3, $0xFFFFFFFF, v18  }
0xf5: {  	(erf) = vpow2.f32 v12;
	[tilespmem:$0x1FFF0] =	vst v18;
	v18 =	vmul.f32 $1.442695020e+00, v14;
	v14 =	vld [tilespmem:$0x1FF50];
	_ =	sdelay $0x1  }
0xf6: {  	[tilespmem:s26+$0x3180] =	vst v16;
	v16 =	vld [tilespmem:$0x1FF60]  }
0xf7: {  	[tilespmem:s16+$0x3100] =	vst v50  }
0xf8: {  	[tilespmem:s16+$0x5000] =	vst v26;
	v11 =	vsel vm11, $0x3F800000, v2;
	vm11 =	veq.s32 v13, $0x0  }
0xf9: {  	[tilespmem:s16+$0x3180] =	vst v28;
	vm13 =	veq.s32 v13, $0x1;
	vm2 =	vmor vm14, vm2;
	vm4 =	vnez.u8 v14  }
0xfa: {  	[tilespmem:s16+$0x3000] =	vst v27;
	v17 =	vimm.s32 $0x0;
	vm5 =	veq.s32 v9, $0x0;
	v14 =	vsel vm4, $0x3F800000, v2  }
0xfb: {  	v17 =	vsel vm2, $0xFFFFFFFF, v17;
	[tilespmem:s26+$0x5100] =	vst v14;
	v14 =	vsel vm5, $0x3F800000, v2;
	vm5 =	vnez.u8 v16;
	v16 =	vld [tilespmem:$0x1FF70]  }
0xfc: {  	p0 =	slt.u32 s21, $0x3E;
	vm7 =	veq.s32 v13, $0x2;
	vm2 =	veq.s32 v9, $0x5;
	[tilespmem:$0x1FFB0] =	vst v17;
	v17 =	vimm.s32 $0x0  }
.Ltmp0:
0xfd: {  	[tilespmem:s26+$0x3100] =	vst v15;
	v12 =	vsel vm7, $0x3F800000, v2;
	vm12 =	veq.s32 v13, $0x3;
	v20 =	vpop (erf);
	v17 =	vsel vm2, $0xFFFFFFFF, v17;
	(pc) =	sbr.rel @p0 .LBB2_2-.Ltmp0, $4  }
0xfe: {  	v15 =	vsel vm12, $0x3F800000, v2;
	vm12 =	veq.s32 v13, $0x5;
	[tilespmem:$0x1FFD0] =	vst v17;
	v17 =	vadd.f32 $1.000000000e+00, v20  }
0xff: {  	s17 =	sadd.s32 $0x20, s17;
	[tilespmem:s26+$0x5180] =	vst v22;
	vm7 =	veq.s32 v9, $0x4;
	vm3 =	veq.s32 v9, $0x1;
	vm2 =	veq.s32 v9, $0x2  }
0x100: {  	s20 =	smov.u32 s25;
	s19 =	smov.u32 s29;
	s15 =	smov.u32 s23;
	[tilespmem:s26+$0x5200] =	vst v23;
	(erf) = vrcp.f32 v17;
	v17 =	vsel vm5, $0x3F800000, v2;
	vm5 =	vnez.u8 v16  }
0x101: {  	s25 =	sor.u32 s17, s15;
	s18 =	smov.u32 s24;
	s22 =	sadd.s32 $0x20, s22;
	(erf) = vpow2.f32 v18;
	vm4 =	veq.s32 v13, $0x4;
	[tilespmem:s26+$0x5080] =	vst v17;
	v16 =	vsel vm5, $0x3F800000, v2  }
0x102: {  	s21 =	sadd.s32 $0xFFFFFFF0, s17;
	[tilespmem:s26+$0x3080] =	vst v16  }
0x103: {  	[tilespmem:s26+$0x5000] =	vst v5;
	s22 =	sand.u32 $0x60, s21  }
0x104: {  	[tilespmem:s26+$0x3000] =	vst v10;
	s23 =	sor.u32 s22, s18  }
0x105: {  	[tilespmem:s23+$0x2880] =	vst v13  }
0x106: {  	v46 =	vsel vm8, $0x3F800000, v2;
	[tilespmem:s23+$0x2800] =	vst v6  }
0x107: {  	v48 =	vsel vm9, $0x3F800000, v2;
	s28 =	sand.u32 $0x70, s17;
	v10 =	vld [tilespmem:$0x1FF90];
	[tilespmem:s26+$0x3280] =	vst v46  }
0x108: {  	s29 =	sor.u32 s18, s28;
	[tilespmem:s16+$0x5280] =	vst v48  }
0x109: {  	[tilespmem:s29+$0x2800] =	vst v4  }
0x10a: {  	s20 =	sor.u32 $0x380, s20;
	v50 =	vsel vm10, $0x3F800000, v2;
	[tilespmem:s29+$0x2880] =	vst v9  }
0x10b: {  	s19 =	sor.u32 $0x380, s19;
	[tilespmem:s20+$0x5000] =	vst v50  }
0x10c: {  	[tilespmem:s19+$0x5000] =	vst v3;
	v47 =	vpop (erf)  }
0x10d: {  	[tilespmem:s19+$0x3000] =	vst v7;
	v49 =	vmul.f32 v47, v20  }
0x10e: {  	[tilespmem:s23+$0x2000] =	vst v47;
	vm5 =	vnez.u8 v10  }
0x10f: {  	vm10 =	veq.s32 v6, $0x2;
	v10 =	vsel vm5, $0x0, v1;
	[tilespmem:s23+$0x2080] =	vst v49  }
0x110: {  	s26 =	sor.u32 s22, s15;
	v3 =	vsel vm10, $0x3F800000, v2;
	[tilespmem:s20+$0x3000] =	vst v10  }
0x111: {  	v51 =	vsel vm11, $0x3F800000, v2;
	v52 =	vpop (erf);
	[tilespmem:s26+$0x3100] =	vst v3  }
0x112: {  	v53 =	vadd.f32 $1.000000000e+00, v52;
	[tilespmem:s26+$0x5000] =	vst v51  }
0x113: {  	vm10 =	veq.s32 v6, $0x1;
	[tilespmem:s26+$0x5100] =	vst v12  }
0x114: {  	v54 =	vsel vm10, $0x3F800000, v2;
	(erf) = vrcp.f32 v53;
	[tilespmem:s26+$0x5180] =	vst v15  }
0x115: {  	v56 =	vsel vm6, $0x3F800000, v2;
	[tilespmem:s26+$0x3080] =	vst v54  }
0x116: {  	vm8 =	veq.s32 v6, $0x3;
	v3 =	vsel vm13, $0x3F800000, v2;
	[tilespmem:s26+$0x3300] =	vst v56  }
0x117: {  	vm9 =	veq.s32 v6, $0x5;
	[tilespmem:s26+$0x5080] =	vst v3;
	v3 =	vsel vm8, $0x3F800000, v2  }
0x118: {  	vm11 =	veq.s32 v6, $0x4;
	[tilespmem:s26+$0x3180] =	vst v3;
	v3 =	vsel vm9, $0x3F800000, v2  }
0x119: {  	[tilespmem:s26+$0x3280] =	vst v3;
	v3 =	vsel vm11, $0x3F800000, v2  }
0x11a: {  	vm13 =	veq.s32 v6, $0x0;
	[tilespmem:s26+$0x3200] =	vst v3;
	v3 =	vsel vm4, $0x3F800000, v2  }
0x11b: {  	[tilespmem:s26+$0x5300] =	vst v8;
	v55 =	vsel vm13, $0x3F800000, v2  }
0x11c: {  	[tilespmem:s26+$0x3000] =	vst v55  }
0x11d: {  	[tilespmem:s26+$0x5200] =	vst v3;
	v3 =	vpop (erf)  }
0x11e: {  	[tilespmem:s29+$0x2000] =	vst v3  }
0x11f: {  	v57 =	vmul.f32 v3, v52;
	v3 =	vld [tilespmem:$0x1FFB0];
	_ =	sdelay $0x4  }
0x120: {  	vm8 =	vnez.u8 v3  }
0x121: {  	s17 =	sor.u32 s15, s28;
	[tilespmem:s29+$0x2080] =	vst v57;
	v3 =	vsel vm8, $0x0, v1  }
0x122: {  	[tilespmem:s17+$0x5300] =	vst v3  }
0x123: {  	v3 =	vld [tilespmem:$0x1FFD0];
	_ =	sdelay $0x2  }
0x124: {  	vm9 =	vmmov vm15  }
0x125: {  	v58 =	vsel vm9, $0x3F800000, v2  }
0x126: {  	v59 =	vsel vm7, $0x3F800000, v2;
	[tilespmem:s17+$0x3300] =	vst v58;
	vm10 =	vnez.u8 v3  }
0x127: {  	vm11 =	veq.s32 v4, $0x4;
	[tilespmem:s17+$0x5200] =	vst v59;
	v3 =	vsel vm10, $0x3F800000, v2  }
0x128: {  	vm2 =	vmmov vm2;
	[tilespmem:s17+$0x5280] =	vst v3;
	v3 =	vsel vm11, $0x3F800000, v2  }
0x129: {  	vm3 =	vmmov vm3;
	v60 =	vsel vm2, $0x3F800000, v2;
	v5 =	vld [tilespmem:$0x1FFF0];
	[tilespmem:s17+$0x3200] =	vst v3  }
0x12a: {  	v61 =	vsel vm3, $0x3F800000, v2;
	[tilespmem:s17+$0x5100] =	vst v60  }
0x12b: {  	vm15 =	veq.s32 v4, $0x3;
	vm10 =	veq.s32 v4, $0x5;
	[tilespmem:s17+$0x5080] =	vst v61  }
0x12c: {  	vm11 =	vmmov vm10;
	v3 =	vsel vm15, $0x3F800000, v2;
	[tilespmem:s17+$0x5000] =	vst v14  }
0x12d: {  	vm7 =	veq.s32 v4, $0x2;
	v62 =	vsel vm11, $0x3F800000, v2;
	[tilespmem:s17+$0x3180] =	vst v3  }
0x12e: {  	vm8 =	veq.s32 v4, $0x1;
	v3 =	vsel vm7, $0x3F800000, v2;
	[tilespmem:s17+$0x3280] =	vst v62  }
0x12f: {  	vm9 =	veq.s32 v4, $0x0;
	[tilespmem:s17+$0x3100] =	vst v3;
	v3 =	vsel vm8, $0x3F800000, v2  }
0x130: {  	[tilespmem:s17+$0x3080] =	vst v3;
	v3 =	vsel vm9, $0x3F800000, v2;
	vm13 =	vnez.u8 v5  }
0x131: {  	vm1 =	vmmov vm1;
	[tilespmem:s17+$0x3000] =	vst v3;
	v5 =	vsel vm13, $0x3F800000, v2  }
0x132: {  	s30 =	sor.u32 $0x380, s25;
	v3 =	vsel vm1, $0x0, v1;
	vm13 =	vmmov vm12;
	[tilespmem:s17+$0x5180] =	vst v5  }
0x133: {  	vm15 =	vmmov vm14;
	v63 =	vsel vm13, $0x3F800000, v2;
	[tilespmem:s30+$0x3000] =	vst v3  }
0x134: {  	s31 =	sor.u32 s21, s15;
	v3 =	vsel vm15, $0x3F800000, v2;
	[tilespmem:s26+$0x5280] =	vst v63  }
0x135: {  	s15 =	sor.u32 $0x380, s31;
	[tilespmem:s30+$0x5000] =	vst v3  }
0x136: {  	v3 =	vsel vm0, $0x0, v1;
	[tilespmem:s15+$0x5000] =	vst v11  }
0x137: {  	[tilespmem:s15+$0x3000] =	vst v3  }
0x138: {  	[hbm4b:s4+s2] =	stream.linear.scatter [tilespmem:s10], [sflag:$0x1], $0x800, $0x38;
	[tilespmem:$0x7000] =	vst v63  }
0x139: {  	_ = 	snop  }
0x13a: {  	[hbm4b:s6+s2] =	stream.linear.scatter [tilespmem:s11], [sflag:$0x1], $0x800, $0x38;
	[tilespmem:$0x7000] =	vst v63  }
0x13b: {  	_ = 	snop  }
0x13c: {  	[hbm4b:s5+s2] =	stream.linear.scatter [tilespmem:s12], [sflag:$0x1], $0x2000, $0x38;
	[tilespmem:$0x7000] =	vst v63  }
0x13d: {  	_ = 	snop  }
0x13e: {  	[hbm4b:s7+s2] =	stream.linear.scatter [tilespmem:s13], [sflag:$0x1], $0x2000, $0x38;
	[tilespmem:$0x7000] =	vst v63  }
0x13f: {  	_ =	swait.ge [sflag:s9], $0x800  }
0x140: {  	[sflag:s9] =	ssyncset.done $0x0  }
0x141: {  	[sflag:s9] =	ssyncadd.s32 $0xFFFFF800  }
0x142: {  	_ =	swait.ge [sflag:s9], $0x800  }
0x143: {  	[sflag:s9] =	ssyncset.done $0x0  }
0x144: {  	s14 =	sadd.s32 $0x1, s14;
	[sflag:s9] =	ssyncadd.s32 $0xFFFFF800  }
0x145: {  	p0 =	sne.s32 s14, s8;
	_ =	swait.ge [sflag:s9], $0x2000  }
.Ltmp1:
0x146: {  	[sflag:s9] =	ssyncset.done $0x0;
	(pc) =	sbr.rel @p0 .LBB2_1-.Ltmp1, $4  }
0x147: {  	[sflag:s9] =	ssyncadd.s32 $0xFFFFE000  }
0x148: {  	_ =	swait.ge [sflag:s9], $0x2000  }
0x149: {  	[sflag:s9] =	ssyncset.done $0x0  }
0x14a: {  	[sflag:s9] =	ssyncadd.s32 $0xFFFFE000  }
0x14b: {  	_ =	sfence.sel $0x180000  }
0x14c: {  	[bflag:$0x0] =	sbarrier.arrive $0xFFFF  }
0x14d: {  	p0 =	sne.s32 s1, $0x0;
	_ =	strace $0x90000047  }
0x14e: {  	s0 =	sadd.s32 @!p0 $0x100000, s0;
	[bflag:$0x2] =	sbarrier.arrive $0xFFFF  }
0x14f: {  	[sflag:s0] =	ssyncadd.tile.s32 @!p0 $0x1;
	_ =	shalt  }
.Lfunc_end2:
_tile_overlayer_lowered:
.L_overlay_start_2:
0x150: {  	(tag) =	ssettag $0x2  }
0x151: {  	s0 =	rddreg [dreg:$0x0];
	s2 =	stileid.u32  }
0x152: {  	s1 =	rddreg [dreg:$0x1];
	p0 =	sne.s32 s2, $0x0  }
0x153: {  	s3 =	rddreg [dreg:$0x2];
	[bflag:$0x3] =	sbarrier.arrive $0xFFFF;
	s2 =	simm.s32 @!p0 $0x1C02  }
0x154: {  	[timem:s3], [sflag:s2] =	dma.local @!p0 [hbm:s0], s1  }
0x155: {  	s0 =	simm.s32 @!p0 $0x2  }
0x156: {  	_ =	swait.ge @!p0 [sflag:s0], s1  }
0x157: {  	s1 =	ssub.s32 @!p0 $0x0, s1;
	[sflag:s0] =	ssyncset.done @!p0 $0x0  }
0x158: {  	[sflag:s0] =	ssyncadd.s32 @!p0 s1  }
0x159: {  	[bflag:$0x3] =	sbarrier.arrive $0xFFFF  }
0x15a: {  	_ =	shalt  }

</sc_bundles>
